<compile_context>
chip_gen: v7x
topology: tpu7x:2x2x1
jax: 0.10.2.dev20260603
libtpu: 0.0.44.dev20260713+nightly
codegen_flags: <defaults>
</compile_context>

<pallas_src>
import jax
import jax.numpy as jnp
from jax import lax
from jax.experimental import pallas as pl
from jax.experimental.pallas import tpu as pltpu
from jax.experimental.pallas import tpu_sc as plsc

VOCAB = 1000000
BATCH = 16384
HIST = 50
EMBED_DIM = 64
NUM_CLASSES = 2

NC = 2
NS = 16
NW = NC * NS
LANES = 16

SAMPLES_PER_W = BATCH // NW
IDX_PER_W = SAMPLES_PER_W * HIST
CHUNK_SAMPLES = 8
NCHUNKS = SAMPLES_PER_W // CHUNK_SAMPLES
CHUNK_VREGS = CHUNK_SAMPLES * HIST // LANES

WORDS_PER_TILE = (VOCAB // NS) & ~7
TAIL_WORDS = VOCAB - NS * WORDS_PER_TILE

MM_BLK = 10000


def _mm_body(t_ref, w_ref, o_ref):
    c = lax.dot_general(w_ref[...], t_ref[...], (((0,), (1,)), ((), ())),
                        preferred_element_type=jnp.float32)
    u = lax.bitcast_convert_type(c.astype(jnp.bfloat16), jnp.uint16)
    u = u.astype(jnp.uint32)
    o_ref[0] = u[0:1, :] | (u[1:2, :] << 16)


def _project_table(glove_weight, fc_w):
    return pl.pallas_call(
        _mm_body,
        grid=(VOCAB // MM_BLK,),
        in_specs=[
            pl.BlockSpec((MM_BLK, EMBED_DIM), lambda i: (i, 0)),
            pl.BlockSpec((EMBED_DIM, NUM_CLASSES), lambda i: (0, 0)),
        ],
        out_specs=pl.BlockSpec((1, 1, MM_BLK), lambda i: (i, 0, 0)),
        out_shape=jax.ShapeDtypeStruct((VOCAB // MM_BLK, 1, MM_BLK),
                                       jnp.uint32),
    )(glove_weight, fc_w)


def _sc_body(mini_hbm, idx_hbm, bias_hbm, out_hbm,
             idx_v, rows_v, bias_v, out_v, spm, sem):
    cid = lax.axis_index("c")
    sid = lax.axis_index("s")
    wid = sid * NC + cid

    h1 = pltpu.async_copy(idx_hbm.at[pl.ds(wid * IDX_PER_W, IDX_PER_W)],
                          idx_v, sem)
    h2 = pltpu.async_copy(bias_hbm, bias_v, sem)
    h3 = pltpu.async_copy(
        mini_hbm.at[pl.ds(sid * WORDS_PER_TILE, WORDS_PER_TILE)],
        spm.at[pl.ds(sid * WORDS_PER_TILE, WORDS_PER_TILE)], sem)

    @pl.when(sid == 0)
    def _stage_tail():
        pltpu.sync_copy(mini_hbm.at[pl.ds(NS * WORDS_PER_TILE, TAIL_WORDS)],
                        spm.at[pl.ds(NS * WORDS_PER_TILE, TAIL_WORDS)])

    h1.wait()
    h2.wait()
    h3.wait()
    plsc.subcore_barrier()

    gw = IDX_PER_W // 4
    ghs = [pltpu.async_copy(spm.at[idx_v.at[pl.ds(g * gw, gw)]],
                            rows_v.at[pl.ds(g * gw, gw)], sem)
           for g in range(4)]

    bias = bias_v[pl.ds(0, LANES)]
    li = lax.iota(jnp.int32, LANES)
    even = (li & 1) == 0
    inv_hist = jnp.float32(1.0 / HIST)

    gdn = lax.GatherDimensionNumbers(
        offset_dims=(), collapsed_slice_dims=(0,), start_index_map=(0,))

    def lane_take(v, r):
        return lax.gather(v, r[:, None], dimension_numbers=gdn,
                          slice_sizes=(1,),
                          mode=lax.GatherScatterMode.PROMISE_IN_BOUNDS)

    rot1 = (li + 1) & (LANES - 1)
    shl1 = (li - 1) & (LANES - 1)
    rots = [(li + k) & (LANES - 1) for k in (2, 4, 8)]

    def reduce_two(a0, a1):
        a0 = a0 + lane_take(a0, rot1)
        a1 = a1 + lane_take(a1, rot1)
        m = jnp.where(even, a0, lane_take(a1, shl1))
        for r in rots:
            m = m + lane_take(m, r)
        return m

    def chunk_body(c, carry):
        base = c * (CHUNK_SAMPLES * HIST)
        us = [plsc.unpack(plsc.bitcast(rows_v[pl.ds(base + LANES * k, LANES)],
                                       jnp.bfloat16),
                          format=plsc.PackFormat.INTERLEAVED)
              for k in range(CHUNK_VREGS)]
        ov = bias
        for s in range(CHUNK_SAMPLES):
            j0, o = (50 * s) // LANES, (50 * s) % LANES
            acc0, acc1 = us[j0 + 1][0] + us[j0 + 2][0], \
                us[j0 + 1][1] + us[j0 + 2][1]
            if o == 0:
                acc0, acc1 = acc0 + us[j0][0], acc1 + us[j0][1]
            else:
                acc0 = acc0 + jnp.where(li >= o, us[j0][0], 0.0)
                acc1 = acc1 + jnp.where(li >= o, us[j0][1], 0.0)
            if o == 14:
                acc0, acc1 = acc0 + us[j0 + 3][0], acc1 + us[j0 + 3][1]
            else:
                acc0 = acc0 + jnp.where(li < o + 2, us[j0 + 3][0], 0.0)
                acc1 = acc1 + jnp.where(li < o + 2, us[j0 + 3][1], 0.0)
            m = reduce_two(acc0, acc1) * inv_hist
            ov = ov + jnp.where((li >> 1) == s, m, 0.0)
        out_v[pl.ds(c * LANES, LANES)] = ov
        return carry

    for g in range(4):
        ghs[g].wait()
        lax.fori_loop(g * (NCHUNKS // 4), (g + 1) * (NCHUNKS // 4),
                      chunk_body, 0)

    pltpu.sync_copy(
        out_v, out_hbm.at[pl.ds(wid * SAMPLES_PER_W * NUM_CLASSES,
                                SAMPLES_PER_W * NUM_CLASSES)])


@jax.jit
def kernel(x, glove_weight, fc_w, fc_b):
    mini = _project_table(glove_weight, fc_w.astype(jnp.float32))
    mini_words = lax.bitcast_convert_type(mini.reshape(-1), jnp.float32)

    idx = x.reshape(-1).astype(jnp.int32)
    bias_tile = jnp.tile(fc_b.astype(jnp.float32), LANES // NUM_CLASSES)

    mesh = plsc.VectorSubcoreMesh(core_axis_name="c", subcore_axis_name="s")
    run = pl.kernel(
        _sc_body,
        out_type=jax.ShapeDtypeStruct((BATCH * NUM_CLASSES,), jnp.float32),
        mesh=mesh,
        scratch_types=[
            pltpu.VMEM((IDX_PER_W,), jnp.int32),
            pltpu.VMEM((IDX_PER_W,), jnp.float32),
            pltpu.VMEM((LANES,), jnp.float32),
            pltpu.VMEM((SAMPLES_PER_W * NUM_CLASSES,), jnp.float32),
            pltpu.VMEM_SHARED((VOCAB,), jnp.float32),
            pltpu.SemaphoreType.DMA,
        ],
        compiler_params=pltpu.CompilerParams(use_tc_tiling_on_sc=False, needs_layout_passes=False),
    )
    out_flat = run(mini_words, idx, bias_tile)
    return out_flat.reshape(BATCH, NUM_CLASSES)

# --- scband reference (transcript-rebuilt; emitter-appended) ---
"""Pipeline reference for scband-reseaux-ex-0-21466246545886 (READ-ONLY COPY).

The authoritative reference and input builder live on the scoring server;
editing this copy changes nothing except your own understanding.
"""

import jax, jax.numpy as jnp
import numpy as np

VOCAB = 1000000
EMBED_DIM = 64
BATCH = 16384
HIST = 50

def setup_inputs(seed: int = 0) -> dict:
    key = jax.random.key(seed)
    k1, k2, k3, k4 = jax.random.split(key, 4)
    x = jax.random.randint(k1, (BATCH, HIST), 0, VOCAB, dtype=jnp.int64 if jax.config.jax_enable_x64 else jnp.int32)
    glove_weight = jax.random.normal(k2, (VOCAB, EMBED_DIM), dtype=jnp.float32) * 0.1
    fc_w = jax.random.normal(k3, (EMBED_DIM, 2), dtype=jnp.float32) * (1.0 / np.sqrt(EMBED_DIM))
    fc_b = jax.random.normal(k4, (2,), dtype=jnp.float32) * 0.01
    return {"x": x, "glove_weight": glove_weight, "fc_w": fc_w, "fc_b": fc_b}

def reference(x, glove_weight, fc_w, fc_b):
    # embedding lookup: [B, L] -> [B, L, D]
    emb = jnp.take(glove_weight, x, axis=0)
    # mean over sequence dim
    pooled = jnp.mean(emb, axis=1)
    # linear layer to 2 classes
    out = pooled @ fc_w + fc_b
    return out

if __name__ == "__main__":
    import jax
    _d = setup_inputs()
    print(jax.jit(kernel)(*tuple(_d.values())))

</pallas_src>

<mosaic_0001>
#map = affine_map<(d0, d1) -> (0)>
module attributes {stable_mosaic.version = 14 : i64} {
  func.func @_sc_body(%arg0: i32, %arg1: i32, %arg2: memref<1000000xf32, #tpu.memory_space<hbm>>, %arg3: memref<819200xi32, #tpu.memory_space<hbm>>, %arg4: memref<16xf32, #tpu.memory_space<hbm>>, %arg5: memref<32768xf32, #tpu.memory_space<hbm>>, %arg6: memref<25600xi32, #tpu.memory_space<vmem>>, %arg7: memref<25600xf32, #tpu.memory_space<vmem>>, %arg8: memref<16xf32, #tpu.memory_space<vmem>>, %arg9: memref<1024xf32, #tpu.memory_space<vmem>>, %arg10: memref<1000000xf32, #tpu.memory_space<vmem_shared>>, %arg11: memref<!tpu.dma_semaphore, #tpu.memory_space<semaphore_mem>>) attributes {dimension_semantics = [#tpu.dimension_semantics<core_parallel>, #tpu.dimension_semantics<subcore_parallel>], iteration_bounds = array<i64: 2, 16>, scalar_prefetch = 0 : i64, scratch_operands = 6 : i64, tpu.core_type = #tpu.core_type<sc_vector_subcore>, window_params = [{transform_indices = #map}, {transform_indices = #map}, {transform_indices = #map}, {transform_indices = #map}]} {
    %mul3A = arith.constant 2 : i32
    %mul3A_0 = arith.muli %arg1, %mul3A : i32
    %add3A = arith.addi %mul3A_0, %arg0 : i32
    %mul3A_1 = arith.constant 25600 : i32
    %mul3A_2 = arith.muli %add3A, %mul3A_1 : i32
    %dma_start3A = tpu.memref_slice %arg3[%mul3A_2] : memref<819200xi32, #tpu.memory_space<hbm>> -> memref<25600xi32, #tpu.memory_space<hbm>>
    %dma_start3A_3 = tpu.memref_slice %arg3[%mul3A_2] : memref<819200xi32, #tpu.memory_space<hbm>> -> memref<25600xi32, #tpu.memory_space<hbm>>
    tpu.enqueue_dma source(%dma_start3A_3 : memref<25600xi32, #tpu.memory_space<hbm>>) target(%arg6 : memref<25600xi32, #tpu.memory_space<vmem>>) target_semaphore(%arg11 : memref<!tpu.dma_semaphore, #tpu.memory_space<semaphore_mem>>)
    tpu.enqueue_dma source(%arg4 : memref<16xf32, #tpu.memory_space<hbm>>) target(%arg8 : memref<16xf32, #tpu.memory_space<vmem>>) target_semaphore(%arg11 : memref<!tpu.dma_semaphore, #tpu.memory_space<semaphore_mem>>)
    %mul3A_4 = arith.constant 62496 : i32
    %mul3A_5 = arith.muli %arg1, %mul3A_4 : i32
    %mul3A_6 = arith.constant 62496 : i32
    %mul3A_7 = arith.muli %arg1, %mul3A_6 : i32
    %dma_start3A_8 = tpu.memref_slice %arg10[%mul3A_7] : memref<1000000xf32, #tpu.memory_space<vmem_shared>> -> memref<62496xf32, #tpu.memory_space<vmem_shared>>
    %dma_start3A_9 = tpu.memref_slice %arg2[%mul3A_5] : memref<1000000xf32, #tpu.memory_space<hbm>> -> memref<62496xf32, #tpu.memory_space<hbm>>
    tpu.enqueue_dma source(%dma_start3A_9 : memref<62496xf32, #tpu.memory_space<hbm>>) target(%dma_start3A_8 : memref<62496xf32, #tpu.memory_space<vmem_shared>>) target_semaphore(%arg11 : memref<!tpu.dma_semaphore, #tpu.memory_space<semaphore_mem>>)
    %eq3A = arith.constant 0 : i32
    %eq3A_10 = arith.cmpi eq, %arg1, %eq3A : i32
    %convert_element_type3A = arith.extui %eq3A_10 : i1 to i32
    %cond3A = arith.constant 0 : i32
    %cond3A_11 = arith.cmpi ne, %convert_element_type3A, %cond3A : i32
    scf.if %cond3A_11 {
      "tpu.region"() ({
        %run_scoped3A = tpu.sem_alloc : memref<!tpu.dma_semaphore, #tpu.memory_space<semaphore_mem>>
        %dma_start3A_129 = arith.constant 999936 : i32
        %dma_start3A_130 = tpu.memref_slice %arg10[%dma_start3A_129] : memref<1000000xf32, #tpu.memory_space<vmem_shared>> -> memref<64xf32, #tpu.memory_space<vmem_shared>>
        %dma_start3A_131 = arith.constant 999936 : i32
        %dma_start3A_132 = tpu.memref_slice %arg2[%dma_start3A_131] : memref<1000000xf32, #tpu.memory_space<hbm>> -> memref<64xf32, #tpu.memory_space<hbm>>
        tpu.enqueue_dma source(%dma_start3A_132 : memref<64xf32, #tpu.memory_space<hbm>>) target(%dma_start3A_130 : memref<64xf32, #tpu.memory_space<vmem_shared>>) target_semaphore(%run_scoped3A : memref<!tpu.dma_semaphore, #tpu.memory_space<semaphore_mem>>)
        %dma_wait3A_133 = arith.constant 999936 : i32
        %dma_wait3A_134 = tpu.memref_slice %arg10[%dma_wait3A_133] : memref<1000000xf32, #tpu.memory_space<vmem_shared>> -> memref<64xf32, #tpu.memory_space<vmem_shared>>
        %dma_wait3A_135 = arith.constant 999936 : i32
        %dma_wait3A_136 = tpu.memref_slice %arg2[%dma_wait3A_135] : memref<1000000xf32, #tpu.memory_space<hbm>> -> memref<64xf32, #tpu.memory_space<hbm>>
        tpu.wait_dma2 semaphore(%run_scoped3A : memref<!tpu.dma_semaphore, #tpu.memory_space<semaphore_mem>>) src(%dma_wait3A_136 : memref<64xf32, #tpu.memory_space<hbm>>) dst(%dma_wait3A_134 : memref<64xf32, #tpu.memory_space<vmem_shared>>)
        tpu.yield
      }) : () -> ()
    } else {
    }
    %dma_wait3A = tpu.memref_slice %arg3[%mul3A_2] : memref<819200xi32, #tpu.memory_space<hbm>> -> memref<25600xi32, #tpu.memory_space<hbm>>
    %dma_wait3A_12 = tpu.memref_slice %arg3[%mul3A_2] : memref<819200xi32, #tpu.memory_space<hbm>> -> memref<25600xi32, #tpu.memory_space<hbm>>
    tpu.wait_dma2 semaphore(%arg11 : memref<!tpu.dma_semaphore, #tpu.memory_space<semaphore_mem>>) src(%dma_wait3A_12 : memref<25600xi32, #tpu.memory_space<hbm>>) dst(%arg6 : memref<25600xi32, #tpu.memory_space<vmem>>)
    tpu.wait_dma2 semaphore(%arg11 : memref<!tpu.dma_semaphore, #tpu.memory_space<semaphore_mem>>) src(%arg4 : memref<16xf32, #tpu.memory_space<hbm>>) dst(%arg8 : memref<16xf32, #tpu.memory_space<vmem>>)
    %dma_wait3A_13 = tpu.memref_slice %arg10[%mul3A_7] : memref<1000000xf32, #tpu.memory_space<vmem_shared>> -> memref<62496xf32, #tpu.memory_space<vmem_shared>>
    %dma_wait3A_14 = tpu.memref_slice %arg2[%mul3A_5] : memref<1000000xf32, #tpu.memory_space<hbm>> -> memref<62496xf32, #tpu.memory_space<hbm>>
    tpu.wait_dma2 semaphore(%arg11 : memref<!tpu.dma_semaphore, #tpu.memory_space<semaphore_mem>>) src(%dma_wait3A_14 : memref<62496xf32, #tpu.memory_space<hbm>>) dst(%dma_wait3A_13 : memref<62496xf32, #tpu.memory_space<vmem_shared>>)
    %barrier3A = arith.constant 0 : index
    tpu.barrier barrier_id(%barrier3A)
    %dma_start3A_15 = arith.constant 0 : i32
    %dma_start3A_16 = tpu.memref_slice %arg7[%dma_start3A_15] : memref<25600xf32, #tpu.memory_space<vmem>> -> memref<6400xf32, #tpu.memory_space<vmem>>
    %dma_start3A_17 = arith.constant 0 : i32
    %dma_start3A_18 = tpu.memref_slice %arg6[%dma_start3A_17] : memref<25600xi32, #tpu.memory_space<vmem>> -> memref<6400xi32, #tpu.memory_space<vmem>>
    %dma_start3A_19 = arith.constant 0 : i32
    %dma_start3A_20 = tpu.memref_slice %arg10[%dma_start3A_19] : memref<1000000xf32, #tpu.memory_space<vmem_shared>> -> memref<1000000xf32, #tpu.memory_space<vmem_shared>>
    tpu.enqueue_indirect_dma source(%dma_start3A_20 : memref<1000000xf32, #tpu.memory_space<vmem_shared>>) target(%dma_start3A_16 : memref<6400xf32, #tpu.memory_space<vmem>>) offsets(%dma_start3A_18 : memref<6400xi32, #tpu.memory_space<vmem>>) semaphore(%arg11 : memref<!tpu.dma_semaphore, #tpu.memory_space<semaphore_mem>>)
    %dma_start3A_21 = arith.constant 6400 : i32
    %dma_start3A_22 = tpu.memref_slice %arg7[%dma_start3A_21] : memref<25600xf32, #tpu.memory_space<vmem>> -> memref<6400xf32, #tpu.memory_space<vmem>>
    %dma_start3A_23 = arith.constant 6400 : i32
    %dma_start3A_24 = tpu.memref_slice %arg6[%dma_start3A_23] : memref<25600xi32, #tpu.memory_space<vmem>> -> memref<6400xi32, #tpu.memory_space<vmem>>
    %dma_start3A_25 = arith.constant 0 : i32
    %dma_start3A_26 = tpu.memref_slice %arg10[%dma_start3A_25] : memref<1000000xf32, #tpu.memory_space<vmem_shared>> -> memref<1000000xf32, #tpu.memory_space<vmem_shared>>
    tpu.enqueue_indirect_dma source(%dma_start3A_26 : memref<1000000xf32, #tpu.memory_space<vmem_shared>>) target(%dma_start3A_22 : memref<6400xf32, #tpu.memory_space<vmem>>) offsets(%dma_start3A_24 : memref<6400xi32, #tpu.memory_space<vmem>>) semaphore(%arg11 : memref<!tpu.dma_semaphore, #tpu.memory_space<semaphore_mem>>)
    %dma_start3A_27 = arith.constant 12800 : i32
    %dma_start3A_28 = tpu.memref_slice %arg7[%dma_start3A_27] : memref<25600xf32, #tpu.memory_space<vmem>> -> memref<6400xf32, #tpu.memory_space<vmem>>
    %dma_start3A_29 = arith.constant 12800 : i32
    %dma_start3A_30 = tpu.memref_slice %arg6[%dma_start3A_29] : memref<25600xi32, #tpu.memory_space<vmem>> -> memref<6400xi32, #tpu.memory_space<vmem>>
    %dma_start3A_31 = arith.constant 0 : i32
    %dma_start3A_32 = tpu.memref_slice %arg10[%dma_start3A_31] : memref<1000000xf32, #tpu.memory_space<vmem_shared>> -> memref<1000000xf32, #tpu.memory_space<vmem_shared>>
    tpu.enqueue_indirect_dma source(%dma_start3A_32 : memref<1000000xf32, #tpu.memory_space<vmem_shared>>) target(%dma_start3A_28 : memref<6400xf32, #tpu.memory_space<vmem>>) offsets(%dma_start3A_30 : memref<6400xi32, #tpu.memory_space<vmem>>) semaphore(%arg11 : memref<!tpu.dma_semaphore, #tpu.memory_space<semaphore_mem>>)
    %dma_start3A_33 = arith.constant 19200 : i32
    %dma_start3A_34 = tpu.memref_slice %arg7[%dma_start3A_33] : memref<25600xf32, #tpu.memory_space<vmem>> -> memref<6400xf32, #tpu.memory_space<vmem>>
    %dma_start3A_35 = arith.constant 19200 : i32
    %dma_start3A_36 = tpu.memref_slice %arg6[%dma_start3A_35] : memref<25600xi32, #tpu.memory_space<vmem>> -> memref<6400xi32, #tpu.memory_space<vmem>>
    %dma_start3A_37 = arith.constant 0 : i32
    %dma_start3A_38 = tpu.memref_slice %arg10[%dma_start3A_37] : memref<1000000xf32, #tpu.memory_space<vmem_shared>> -> memref<1000000xf32, #tpu.memory_space<vmem_shared>>
    tpu.enqueue_indirect_dma source(%dma_start3A_38 : memref<1000000xf32, #tpu.memory_space<vmem_shared>>) target(%dma_start3A_34 : memref<6400xf32, #tpu.memory_space<vmem>>) offsets(%dma_start3A_36 : memref<6400xi32, #tpu.memory_space<vmem>>) semaphore(%arg11 : memref<!tpu.dma_semaphore, #tpu.memory_space<semaphore_mem>>)
    %get3A = arith.constant 0 : index
    %get3A_39 = tpu.vector_load %arg8[%get3A] {strides = array<i32>} : memref<16xf32, #tpu.memory_space<vmem>>, vector<16xf32>,
    %iota3A = tpu.iota {dimensions = array<i32: 0>} : vector<16xi32>
    %and3A = arith.constant 1 : i32
    %and3A_40 = vector.broadcast %and3A : i32 to vector<16xi32>
    %and3A_41 = arith.andi %iota3A, %and3A_40 : vector<16xi32>
    %eq3A_42 = arith.constant 0 : i32
    %eq3A_43 = vector.broadcast %eq3A_42 : i32 to vector<16xi32>
    %eq3A_44 = arith.cmpi eq, %and3A_41, %eq3A_43 : vector<16xi32>
    %add3A_45 = arith.constant 1 : i32
    %add3A_46 = vector.broadcast %add3A_45 : i32 to vector<16xi32>
    %add3A_47 = arith.addi %iota3A, %add3A_46 : vector<16xi32>
    %and3A_48 = arith.constant 15 : i32
    %and3A_49 = vector.broadcast %and3A_48 : i32 to vector<16xi32>
    %and3A_50 = arith.andi %add3A_47, %and3A_49 : vector<16xi32>
    %sub3A = arith.constant 1 : i32
    %sub3A_51 = vector.broadcast %sub3A : i32 to vector<16xi32>
    %sub3A_52 = arith.subi %iota3A, %sub3A_51 : vector<16xi32>
    %and3A_53 = arith.constant 15 : i32
    %and3A_54 = vector.broadcast %and3A_53 : i32 to vector<16xi32>
    %and3A_55 = arith.andi %sub3A_52, %and3A_54 : vector<16xi32>
    %add3A_56 = arith.constant 2 : i32
    %add3A_57 = vector.broadcast %add3A_56 : i32 to vector<16xi32>
    %add3A_58 = arith.addi %iota3A, %add3A_57 : vector<16xi32>
    %and3A_59 = arith.constant 15 : i32
    %and3A_60 = vector.broadcast %and3A_59 : i32 to vector<16xi32>
    %and3A_61 = arith.andi %add3A_58, %and3A_60 : vector<16xi32>
    %add3A_62 = arith.constant 4 : i32
    %add3A_63 = vector.broadcast %add3A_62 : i32 to vector<16xi32>
    %add3A_64 = arith.addi %iota3A, %add3A_63 : vector<16xi32>
    %and3A_65 = arith.constant 15 : i32
    %and3A_66 = vector.broadcast %and3A_65 : i32 to vector<16xi32>
    %and3A_67 = arith.andi %add3A_64, %and3A_66 : vector<16xi32>
    %add3A_68 = arith.constant 8 : i32
    %add3A_69 = vector.broadcast %add3A_68 : i32 to vector<16xi32>
    %add3A_70 = arith.addi %iota3A, %add3A_69 : vector<16xi32>
    %and3A_71 = arith.constant 15 : i32
    %and3A_72 = vector.broadcast %and3A_71 : i32 to vector<16xi32>
    %and3A_73 = arith.andi %add3A_70, %and3A_72 : vector<16xi32>
    %dma_wait3A_74 = arith.constant 0 : i32
    %dma_wait3A_75 = tpu.memref_slice %arg7[%dma_wait3A_74] : memref<25600xf32, #tpu.memory_space<vmem>> -> memref<6400xf32, #tpu.memory_space<vmem>>
    %dma_wait3A_76 = arith.constant 0 : i32
    %dma_wait3A_77 = tpu.memref_slice %arg6[%dma_wait3A_76] : memref<25600xi32, #tpu.memory_space<vmem>> -> memref<6400xi32, #tpu.memory_space<vmem>>
    %dma_wait3A_78 = arith.constant 0 : i32
    %dma_wait3A_79 = tpu.memref_slice %arg10[%dma_wait3A_78] : memref<1000000xf32, #tpu.memory_space<vmem_shared>> -> memref<1000000xf32, #tpu.memory_space<vmem_shared>>
    tpu.wait_indirect_dma semaphore(%arg11 : memref<!tpu.dma_semaphore, #tpu.memory_space<semaphore_mem>>) src(%dma_wait3A_79 : memref<1000000xf32, #tpu.memory_space<vmem_shared>>) dst(%dma_wait3A_75 : memref<6400xf32, #tpu.memory_space<vmem>>)
    %scan3A = arith.constant 0 : i32
    %scan3A_80 = arith.constant 2.000000e-02 : f32
    %scan3A_81 = arith.constant 0 : i32
    %scan3A_82 = arith.constant 16 : i32
    %scan3A_83 = arith.addi %scan3A_81, %scan3A_82 : i32
    %scan3A_84 = arith.constant 1 : i32
    scf.for %scan3A_129 = %scan3A_81 to %scan3A_83 step %scan3A_84  : i32 {
      %mul3A_130 = arith.constant 400 : i32
      %mul3A_131 = arith.muli %scan3A_129, %mul3A_130 : i32
      %add3A_132 = arith.constant 0 : i32
      %add3A_133 = arith.addi %mul3A_131, %add3A_132 : i32
      %get3A_134 = arith.index_cast %add3A_133 : i32 to index
      %get3A_135 = tpu.vector_load %arg7[%get3A_134] {strides = array<i32>} : memref<25600xf32, #tpu.memory_space<vmem>>, vector<16xf32>,
      %bitcast3A = vector.bitcast %get3A_135 : vector<16xf32> to vector<32xbf16>
      %unpack3A = tpu.unpack_subelements %bitcast3A, 0 {pack_format = #tpu.pack_format<interleaved>} : vector<32xbf16> -> vector<16xf32>
      %unpack3A_136 = tpu.unpack_subelements %bitcast3A, 1 {pack_format = #tpu.pack_format<interleaved>} : vector<32xbf16> -> vector<16xf32>
      %add3A_137 = arith.constant 16 : i32
      %add3A_138 = arith.addi %mul3A_131, %add3A_137 : i32
      %get3A_139 = arith.index_cast %add3A_138 : i32 to index
      %get3A_140 = tpu.vector_load %arg7[%get3A_139] {strides = array<i32>} : memref<25600xf32, #tpu.memory_space<vmem>>, vector<16xf32>,
      %bitcast3A_141 = vector.bitcast %get3A_140 : vector<16xf32> to vector<32xbf16>
      %unpack3A_142 = tpu.unpack_subelements %bitcast3A_141, 0 {pack_format = #tpu.pack_format<interleaved>} : vector<32xbf16> -> vector<16xf32>
      %unpack3A_143 = tpu.unpack_subelements %bitcast3A_141, 1 {pack_format = #tpu.pack_format<interleaved>} : vector<32xbf16> -> vector<16xf32>
      %add3A_144 = arith.constant 32 : i32
      %add3A_145 = arith.addi %mul3A_131, %add3A_144 : i32
      %get3A_146 = arith.index_cast %add3A_145 : i32 to index
      %get3A_147 = tpu.vector_load %arg7[%get3A_146] {strides = array<i32>} : memref<25600xf32, #tpu.memory_space<vmem>>, vector<16xf32>,
      %bitcast3A_148 = vector.bitcast %get3A_147 : vector<16xf32> to vector<32xbf16>
      %unpack3A_149 = tpu.unpack_subelements %bitcast3A_148, 0 {pack_format = #tpu.pack_format<interleaved>} : vector<32xbf16> -> vector<16xf32>
      %unpack3A_150 = tpu.unpack_subelements %bitcast3A_148, 1 {pack_format = #tpu.pack_format<interleaved>} : vector<32xbf16> -> vector<16xf32>
      %add3A_151 = arith.constant 48 : i32
      %add3A_152 = arith.addi %mul3A_131, %add3A_151 : i32
      %get3A_153 = arith.index_cast %add3A_152 : i32 to index
      %get3A_154 = tpu.vector_load %arg7[%get3A_153] {strides = array<i32>} : memref<25600xf32, #tpu.memory_space<vmem>>, vector<16xf32>,
      %bitcast3A_155 = vector.bitcast %get3A_154 : vector<16xf32> to vector<32xbf16>
      %unpack3A_156 = tpu.unpack_subelements %bitcast3A_155, 0 {pack_format = #tpu.pack_format<interleaved>} : vector<32xbf16> -> vector<16xf32>
      %unpack3A_157 = tpu.unpack_subelements %bitcast3A_155, 1 {pack_format = #tpu.pack_format<interleaved>} : vector<32xbf16> -> vector<16xf32>
      %add3A_158 = arith.constant 64 : i32
      %add3A_159 = arith.addi %mul3A_131, %add3A_158 : i32
      %get3A_160 = arith.index_cast %add3A_159 : i32 to index
      %get3A_161 = tpu.vector_load %arg7[%get3A_160] {strides = array<i32>} : memref<25600xf32, #tpu.memory_space<vmem>>, vector<16xf32>,
      %bitcast3A_162 = vector.bitcast %get3A_161 : vector<16xf32> to vector<32xbf16>
      %unpack3A_163 = tpu.unpack_subelements %bitcast3A_162, 0 {pack_format = #tpu.pack_format<interleaved>} : vector<32xbf16> -> vector<16xf32>
      %unpack3A_164 = tpu.unpack_subelements %bitcast3A_162, 1 {pack_format = #tpu.pack_format<interleaved>} : vector<32xbf16> -> vector<16xf32>
      %add3A_165 = arith.constant 80 : i32
      %add3A_166 = arith.addi %mul3A_131, %add3A_165 : i32
      %get3A_167 = arith.index_cast %add3A_166 : i32 to index
      %get3A_168 = tpu.vector_load %arg7[%get3A_167] {strides = array<i32>} : memref<25600xf32, #tpu.memory_space<vmem>>, vector<16xf32>,
      %bitcast3A_169 = vector.bitcast %get3A_168 : vector<16xf32> to vector<32xbf16>
      %unpack3A_170 = tpu.unpack_subelements %bitcast3A_169, 0 {pack_format = #tpu.pack_format<interleaved>} : vector<32xbf16> -> vector<16xf32>
      %unpack3A_171 = tpu.unpack_subelements %bitcast3A_169, 1 {pack_format = #tpu.pack_format<interleaved>} : vector<32xbf16> -> vector<16xf32>
      %add3A_172 = arith.constant 96 : i32
      %add3A_173 = arith.addi %mul3A_131, %add3A_172 : i32
      %get3A_174 = arith.index_cast %add3A_173 : i32 to index
      %get3A_175 = tpu.vector_load %arg7[%get3A_174] {strides = array<i32>} : memref<25600xf32, #tpu.memory_space<vmem>>, vector<16xf32>,
      %bitcast3A_176 = vector.bitcast %get3A_175 : vector<16xf32> to vector<32xbf16>
      %unpack3A_177 = tpu.unpack_subelements %bitcast3A_176, 0 {pack_format = #tpu.pack_format<interleaved>} : vector<32xbf16> -> vector<16xf32>
      %unpack3A_178 = tpu.unpack_subelements %bitcast3A_176, 1 {pack_format = #tpu.pack_format<interleaved>} : vector<32xbf16> -> vector<16xf32>
      %add3A_179 = arith.constant 112 : i32
      %add3A_180 = arith.addi %mul3A_131, %add3A_179 : i32
      %get3A_181 = arith.index_cast %add3A_180 : i32 to index
      %get3A_182 = tpu.vector_load %arg7[%get3A_181] {strides = array<i32>} : memref<25600xf32, #tpu.memory_space<vmem>>, vector<16xf32>,
      %bitcast3A_183 = vector.bitcast %get3A_182 : vector<16xf32> to vector<32xbf16>
      %unpack3A_184 = tpu.unpack_subelements %bitcast3A_183, 0 {pack_format = #tpu.pack_format<interleaved>} : vector<32xbf16> -> vector<16xf32>
      %unpack3A_185 = tpu.unpack_subelements %bitcast3A_183, 1 {pack_format = #tpu.pack_format<interleaved>} : vector<32xbf16> -> vector<16xf32>
      %add3A_186 = arith.constant 128 : i32
      %add3A_187 = arith.addi %mul3A_131, %add3A_186 : i32
      %get3A_188 = arith.index_cast %add3A_187 : i32 to index
      %get3A_189 = tpu.vector_load %arg7[%get3A_188] {strides = array<i32>} : memref<25600xf32, #tpu.memory_space<vmem>>, vector<16xf32>,
      %bitcast3A_190 = vector.bitcast %get3A_189 : vector<16xf32> to vector<32xbf16>
      %unpack3A_191 = tpu.unpack_subelements %bitcast3A_190, 0 {pack_format = #tpu.pack_format<interleaved>} : vector<32xbf16> -> vector<16xf32>
      %unpack3A_192 = tpu.unpack_subelements %bitcast3A_190, 1 {pack_format = #tpu.pack_format<interleaved>} : vector<32xbf16> -> vector<16xf32>
      %add3A_193 = arith.constant 144 : i32
      %add3A_194 = arith.addi %mul3A_131, %add3A_193 : i32
      %get3A_195 = arith.index_cast %add3A_194 : i32 to index
      %get3A_196 = tpu.vector_load %arg7[%get3A_195] {strides = array<i32>} : memref<25600xf32, #tpu.memory_space<vmem>>, vector<16xf32>,
      %bitcast3A_197 = vector.bitcast %get3A_196 : vector<16xf32> to vector<32xbf16>
      %unpack3A_198 = tpu.unpack_subelements %bitcast3A_197, 0 {pack_format = #tpu.pack_format<interleaved>} : vector<32xbf16> -> vector<16xf32>
      %unpack3A_199 = tpu.unpack_subelements %bitcast3A_197, 1 {pack_format = #tpu.pack_format<interleaved>} : vector<32xbf16> -> vector<16xf32>
      %add3A_200 = arith.constant 160 : i32
      %add3A_201 = arith.addi %mul3A_131, %add3A_200 : i32
      %get3A_202 = arith.index_cast %add3A_201 : i32 to index
      %get3A_203 = tpu.vector_load %arg7[%get3A_202] {strides = array<i32>} : memref<25600xf32, #tpu.memory_space<vmem>>, vector<16xf32>,
      %bitcast3A_204 = vector.bitcast %get3A_203 : vector<16xf32> to vector<32xbf16>
      %unpack3A_205 = tpu.unpack_subelements %bitcast3A_204, 0 {pack_format = #tpu.pack_format<interleaved>} : vector<32xbf16> -> vector<16xf32>
      %unpack3A_206 = tpu.unpack_subelements %bitcast3A_204, 1 {pack_format = #tpu.pack_format<interleaved>} : vector<32xbf16> -> vector<16xf32>
      %add3A_207 = arith.constant 176 : i32
      %add3A_208 = arith.addi %mul3A_131, %add3A_207 : i32
      %get3A_209 = arith.index_cast %add3A_208 : i32 to index
      %get3A_210 = tpu.vector_load %arg7[%get3A_209] {strides = array<i32>} : memref<25600xf32, #tpu.memory_space<vmem>>, vector<16xf32>,
      %bitcast3A_211 = vector.bitcast %get3A_210 : vector<16xf32> to vector<32xbf16>
      %unpack3A_212 = tpu.unpack_subelements %bitcast3A_211, 0 {pack_format = #tpu.pack_format<interleaved>} : vector<32xbf16> -> vector<16xf32>
      %unpack3A_213 = tpu.unpack_subelements %bitcast3A_211, 1 {pack_format = #tpu.pack_format<interleaved>} : vector<32xbf16> -> vector<16xf32>
      %add3A_214 = arith.constant 192 : i32
      %add3A_215 = arith.addi %mul3A_131, %add3A_214 : i32
      %get3A_216 = arith.index_cast %add3A_215 : i32 to index
      %get3A_217 = tpu.vector_load %arg7[%get3A_216] {strides = array<i32>} : memref<25600xf32, #tpu.memory_space<vmem>>, vector<16xf32>,
      %bitcast3A_218 = vector.bitcast %get3A_217 : vector<16xf32> to vector<32xbf16>
      %unpack3A_219 = tpu.unpack_subelements %bitcast3A_218, 0 {pack_format = #tpu.pack_format<interleaved>} : vector<32xbf16> -> vector<16xf32>
      %unpack3A_220 = tpu.unpack_subelements %bitcast3A_218, 1 {pack_format = #tpu.pack_format<interleaved>} : vector<32xbf16> -> vector<16xf32>
      %add3A_221 = arith.constant 208 : i32
      %add3A_222 = arith.addi %mul3A_131, %add3A_221 : i32
      %get3A_223 = arith.index_cast %add3A_222 : i32 to index
      %get3A_224 = tpu.vector_load %arg7[%get3A_223] {strides = array<i32>} : memref<25600xf32, #tpu.memory_space<vmem>>, vector<16xf32>,
      %bitcast3A_225 = vector.bitcast %get3A_224 : vector<16xf32> to vector<32xbf16>
      %unpack3A_226 = tpu.unpack_subelements %bitcast3A_225, 0 {pack_format = #tpu.pack_format<interleaved>} : vector<32xbf16> -> vector<16xf32>
      %unpack3A_227 = tpu.unpack_subelements %bitcast3A_225, 1 {pack_format = #tpu.pack_format<interleaved>} : vector<32xbf16> -> vector<16xf32>
      %add3A_228 = arith.constant 224 : i32
      %add3A_229 = arith.addi %mul3A_131, %add3A_228 : i32
      %get3A_230 = arith.index_cast %add3A_229 : i32 to index
      %get3A_231 = tpu.vector_load %arg7[%get3A_230] {strides = array<i32>} : memref<25600xf32, #tpu.memory_space<vmem>>, vector<16xf32>,
      %bitcast3A_232 = vector.bitcast %get3A_231 : vector<16xf32> to vector<32xbf16>
      %unpack3A_233 = tpu.unpack_subelements %bitcast3A_232, 0 {pack_format = #tpu.pack_format<interleaved>} : vector<32xbf16> -> vector<16xf32>
      %unpack3A_234 = tpu.unpack_subelements %bitcast3A_232, 1 {pack_format = #tpu.pack_format<interleaved>} : vector<32xbf16> -> vector<16xf32>
      %add3A_235 = arith.constant 240 : i32
      %add3A_236 = arith.addi %mul3A_131, %add3A_235 : i32
      %get3A_237 = arith.index_cast %add3A_236 : i32 to index
      %get3A_238 = tpu.vector_load %arg7[%get3A_237] {strides = array<i32>} : memref<25600xf32, #tpu.memory_space<vmem>>, vector<16xf32>,
      %bitcast3A_239 = vector.bitcast %get3A_238 : vector<16xf32> to vector<32xbf16>
      %unpack3A_240 = tpu.unpack_subelements %bitcast3A_239, 0 {pack_format = #tpu.pack_format<interleaved>} : vector<32xbf16> -> vector<16xf32>
      %unpack3A_241 = tpu.unpack_subelements %bitcast3A_239, 1 {pack_format = #tpu.pack_format<interleaved>} : vector<32xbf16> -> vector<16xf32>
      %add3A_242 = arith.constant 256 : i32
      %add3A_243 = arith.addi %mul3A_131, %add3A_242 : i32
      %get3A_244 = arith.index_cast %add3A_243 : i32 to index
      %get3A_245 = tpu.vector_load %arg7[%get3A_244] {strides = array<i32>} : memref<25600xf32, #tpu.memory_space<vmem>>, vector<16xf32>,
      %bitcast3A_246 = vector.bitcast %get3A_245 : vector<16xf32> to vector<32xbf16>
      %unpack3A_247 = tpu.unpack_subelements %bitcast3A_246, 0 {pack_format = #tpu.pack_format<interleaved>} : vector<32xbf16> -> vector<16xf32>
      %unpack3A_248 = tpu.unpack_subelements %bitcast3A_246, 1 {pack_format = #tpu.pack_format<interleaved>} : vector<32xbf16> -> vector<16xf32>
      %add3A_249 = arith.constant 272 : i32
      %add3A_250 = arith.addi %mul3A_131, %add3A_249 : i32
      %get3A_251 = arith.index_cast %add3A_250 : i32 to index
      %get3A_252 = tpu.vector_load %arg7[%get3A_251] {strides = array<i32>} : memref<25600xf32, #tpu.memory_space<vmem>>, vector<16xf32>,
      %bitcast3A_253 = vector.bitcast %get3A_252 : vector<16xf32> to vector<32xbf16>
      %unpack3A_254 = tpu.unpack_subelements %bitcast3A_253, 0 {pack_format = #tpu.pack_format<interleaved>} : vector<32xbf16> -> vector<16xf32>
      %unpack3A_255 = tpu.unpack_subelements %bitcast3A_253, 1 {pack_format = #tpu.pack_format<interleaved>} : vector<32xbf16> -> vector<16xf32>
      %add3A_256 = arith.constant 288 : i32
      %add3A_257 = arith.addi %mul3A_131, %add3A_256 : i32
      %get3A_258 = arith.index_cast %add3A_257 : i32 to index
      %get3A_259 = tpu.vector_load %arg7[%get3A_258] {strides = array<i32>} : memref<25600xf32, #tpu.memory_space<vmem>>, vector<16xf32>,
      %bitcast3A_260 = vector.bitcast %get3A_259 : vector<16xf32> to vector<32xbf16>
      %unpack3A_261 = tpu.unpack_subelements %bitcast3A_260, 0 {pack_format = #tpu.pack_format<interleaved>} : vector<32xbf16> -> vector<16xf32>
      %unpack3A_262 = tpu.unpack_subelements %bitcast3A_260, 1 {pack_format = #tpu.pack_format<interleaved>} : vector<32xbf16> -> vector<16xf32>
      %add3A_263 = arith.constant 304 : i32
      %add3A_264 = arith.addi %mul3A_131, %add3A_263 : i32
      %get3A_265 = arith.index_cast %add3A_264 : i32 to index
      %get3A_266 = tpu.vector_load %arg7[%get3A_265] {strides = array<i32>} : memref<25600xf32, #tpu.memory_space<vmem>>, vector<16xf32>,
      %bitcast3A_267 = vector.bitcast %get3A_266 : vector<16xf32> to vector<32xbf16>
      %unpack3A_268 = tpu.unpack_subelements %bitcast3A_267, 0 {pack_format = #tpu.pack_format<interleaved>} : vector<32xbf16> -> vector<16xf32>
      %unpack3A_269 = tpu.unpack_subelements %bitcast3A_267, 1 {pack_format = #tpu.pack_format<interleaved>} : vector<32xbf16> -> vector<16xf32>
      %add3A_270 = arith.constant 320 : i32
      %add3A_271 = arith.addi %mul3A_131, %add3A_270 : i32
      %get3A_272 = arith.index_cast %add3A_271 : i32 to index
      %get3A_273 = tpu.vector_load %arg7[%get3A_272] {strides = array<i32>} : memref<25600xf32, #tpu.memory_space<vmem>>, vector<16xf32>,
      %bitcast3A_274 = vector.bitcast %get3A_273 : vector<16xf32> to vector<32xbf16>
      %unpack3A_275 = tpu.unpack_subelements %bitcast3A_274, 0 {pack_format = #tpu.pack_format<interleaved>} : vector<32xbf16> -> vector<16xf32>
      %unpack3A_276 = tpu.unpack_subelements %bitcast3A_274, 1 {pack_format = #tpu.pack_format<interleaved>} : vector<32xbf16> -> vector<16xf32>
      %add3A_277 = arith.constant 336 : i32
      %add3A_278 = arith.addi %mul3A_131, %add3A_277 : i32
      %get3A_279 = arith.index_cast %add3A_278 : i32 to index
      %get3A_280 = tpu.vector_load %arg7[%get3A_279] {strides = array<i32>} : memref<25600xf32, #tpu.memory_space<vmem>>, vector<16xf32>,
      %bitcast3A_281 = vector.bitcast %get3A_280 : vector<16xf32> to vector<32xbf16>
      %unpack3A_282 = tpu.unpack_subelements %bitcast3A_281, 0 {pack_format = #tpu.pack_format<interleaved>} : vector<32xbf16> -> vector<16xf32>
      %unpack3A_283 = tpu.unpack_subelements %bitcast3A_281, 1 {pack_format = #tpu.pack_format<interleaved>} : vector<32xbf16> -> vector<16xf32>
      %add3A_284 = arith.constant 352 : i32
      %add3A_285 = arith.addi %mul3A_131, %add3A_284 : i32
      %get3A_286 = arith.index_cast %add3A_285 : i32 to index
      %get3A_287 = tpu.vector_load %arg7[%get3A_286] {strides = array<i32>} : memref<25600xf32, #tpu.memory_space<vmem>>, vector<16xf32>,
      %bitcast3A_288 = vector.bitcast %get3A_287 : vector<16xf32> to vector<32xbf16>
      %unpack3A_289 = tpu.unpack_subelements %bitcast3A_288, 0 {pack_format = #tpu.pack_format<interleaved>} : vector<32xbf16> -> vector<16xf32>
      %unpack3A_290 = tpu.unpack_subelements %bitcast3A_288, 1 {pack_format = #tpu.pack_format<interleaved>} : vector<32xbf16> -> vector<16xf32>
      %add3A_291 = arith.constant 368 : i32
      %add3A_292 = arith.addi %mul3A_131, %add3A_291 : i32
      %get3A_293 = arith.index_cast %add3A_292 : i32 to index
      %get3A_294 = tpu.vector_load %arg7[%get3A_293] {strides = array<i32>} : memref<25600xf32, #tpu.memory_space<vmem>>, vector<16xf32>,
      %bitcast3A_295 = vector.bitcast %get3A_294 : vector<16xf32> to vector<32xbf16>
      %unpack3A_296 = tpu.unpack_subelements %bitcast3A_295, 0 {pack_format = #tpu.pack_format<interleaved>} : vector<32xbf16> -> vector<16xf32>
      %unpack3A_297 = tpu.unpack_subelements %bitcast3A_295, 1 {pack_format = #tpu.pack_format<interleaved>} : vector<32xbf16> -> vector<16xf32>
      %add3A_298 = arith.constant 384 : i32
      %add3A_299 = arith.addi %mul3A_131, %add3A_298 : i32
      %get3A_300 = arith.index_cast %add3A_299 : i32 to index
      %get3A_301 = tpu.vector_load %arg7[%get3A_300] {strides = array<i32>} : memref<25600xf32, #tpu.memory_space<vmem>>, vector<16xf32>,
      %bitcast3A_302 = vector.bitcast %get3A_301 : vector<16xf32> to vector<32xbf16>
      %unpack3A_303 = tpu.unpack_subelements %bitcast3A_302, 0 {pack_format = #tpu.pack_format<interleaved>} : vector<32xbf16> -> vector<16xf32>
      %unpack3A_304 = tpu.unpack_subelements %bitcast3A_302, 1 {pack_format = #tpu.pack_format<interleaved>} : vector<32xbf16> -> vector<16xf32>
      %add3A_305 = arith.addf %unpack3A_142, %unpack3A_149 : vector<16xf32>
      %add3A_306 = arith.addf %unpack3A_143, %unpack3A_150 : vector<16xf32>
      %add3A_307 = arith.addf %add3A_305, %unpack3A : vector<16xf32>
      %add3A_308 = arith.addf %add3A_306, %unpack3A_136 : vector<16xf32>
      %lt3A = arith.constant 2 : i32
      %lt3A_309 = vector.broadcast %lt3A : i32 to vector<16xi32>
      %lt3A_310 = arith.cmpi slt, %iota3A, %lt3A_309 : vector<16xi32>
      %jit3A = arith.constant 0.000000e+00 : f32
      %broadcast_in_dim3A = vector.broadcast %jit3A : f32 to vector<16xf32>
      %select_n3A = arith.select %lt3A_310, %unpack3A_156, %broadcast_in_dim3A : vector<16xi1>, vector<16xf32>
      %add3A_311 = arith.addf %add3A_307, %select_n3A : vector<16xf32>
      %lt3A_312 = arith.constant 2 : i32
      %lt3A_313 = vector.broadcast %lt3A_312 : i32 to vector<16xi32>
      %lt3A_314 = arith.cmpi slt, %iota3A, %lt3A_313 : vector<16xi32>
      %jit3A_315 = arith.constant 0.000000e+00 : f32
      %broadcast_in_dim3A_316 = vector.broadcast %jit3A_315 : f32 to vector<16xf32>
      %select_n3A_317 = arith.select %lt3A_314, %unpack3A_157, %broadcast_in_dim3A_316 : vector<16xi1>, vector<16xf32>
      %add3A_318 = arith.addf %add3A_308, %select_n3A_317 : vector<16xf32>
      %broadcast_in_dim3A_319 = vector.shape_cast %and3A_50 : vector<16xi32> to vector<16x1xi32>
      %gather3A = vector.shape_cast %broadcast_in_dim3A_319 : vector<16x1xi32> to vector<16xi32>
      %gather3A_320 = tpu.dynamic_gather %add3A_311[%gather3A] in [0] : vector<16xf32>, vector<16xi32> -> vector<16xf32>
      %add3A_321 = arith.addf %add3A_311, %gather3A_320 : vector<16xf32>
      %broadcast_in_dim3A_322 = vector.shape_cast %and3A_50 : vector<16xi32> to vector<16x1xi32>
      %gather3A_323 = vector.shape_cast %broadcast_in_dim3A_322 : vector<16x1xi32> to vector<16xi32>
      %gather3A_324 = tpu.dynamic_gather %add3A_318[%gather3A_323] in [0] : vector<16xf32>, vector<16xi32> -> vector<16xf32>
      %add3A_325 = arith.addf %add3A_318, %gather3A_324 : vector<16xf32>
      %broadcast_in_dim3A_326 = vector.shape_cast %and3A_55 : vector<16xi32> to vector<16x1xi32>
      %gather3A_327 = vector.shape_cast %broadcast_in_dim3A_326 : vector<16x1xi32> to vector<16xi32>
      %gather3A_328 = tpu.dynamic_gather %add3A_325[%gather3A_327] in [0] : vector<16xf32>, vector<16xi32> -> vector<16xf32>
      %select_n3A_329 = arith.select %eq3A_44, %add3A_321, %gather3A_328 : vector<16xi1>, vector<16xf32>
      %broadcast_in_dim3A_330 = vector.shape_cast %and3A_61 : vector<16xi32> to vector<16x1xi32>
      %gather3A_331 = vector.shape_cast %broadcast_in_dim3A_330 : vector<16x1xi32> to vector<16xi32>
      %gather3A_332 = tpu.dynamic_gather %select_n3A_329[%gather3A_331] in [0] : vector<16xf32>, vector<16xi32> -> vector<16xf32>
      %add3A_333 = arith.addf %select_n3A_329, %gather3A_332 : vector<16xf32>
      %broadcast_in_dim3A_334 = vector.shape_cast %and3A_67 : vector<16xi32> to vector<16x1xi32>
      %gather3A_335 = vector.shape_cast %broadcast_in_dim3A_334 : vector<16x1xi32> to vector<16xi32>
      %gather3A_336 = tpu.dynamic_gather %add3A_333[%gather3A_335] in [0] : vector<16xf32>, vector<16xi32> -> vector<16xf32>
      %add3A_337 = arith.addf %add3A_333, %gather3A_336 : vector<16xf32>
      %broadcast_in_dim3A_338 = vector.shape_cast %and3A_73 : vector<16xi32> to vector<16x1xi32>
      %gather3A_339 = vector.shape_cast %broadcast_in_dim3A_338 : vector<16x1xi32> to vector<16xi32>
      %gather3A_340 = tpu.dynamic_gather %add3A_337[%gather3A_339] in [0] : vector<16xf32>, vector<16xi32> -> vector<16xf32>
      %add3A_341 = arith.addf %add3A_337, %gather3A_340 : vector<16xf32>
      %mul3A_342 = vector.broadcast %scan3A_80 : f32 to vector<16xf32>
      %mul3A_343 = arith.mulf %add3A_341, %mul3A_342 : vector<16xf32>
      %shift_right_arithmetic3A = arith.constant 1 : i32
      %shift_right_arithmetic3A_344 = vector.broadcast %shift_right_arithmetic3A : i32 to vector<16xi32>
      %shift_right_arithmetic3A_345 = arith.shrsi %iota3A, %shift_right_arithmetic3A_344 : vector<16xi32>
      %eq3A_346 = arith.constant 0 : i32
      %eq3A_347 = vector.broadcast %eq3A_346 : i32 to vector<16xi32>
      %eq3A_348 = arith.cmpi eq, %shift_right_arithmetic3A_345, %eq3A_347 : vector<16xi32>
      %jit3A_349 = arith.constant 0.000000e+00 : f32
      %broadcast_in_dim3A_350 = vector.broadcast %jit3A_349 : f32 to vector<16xf32>
      %select_n3A_351 = arith.select %eq3A_348, %mul3A_343, %broadcast_in_dim3A_350 : vector<16xi1>, vector<16xf32>
      %add3A_352 = arith.addf %get3A_39, %select_n3A_351 : vector<16xf32>
      %add3A_353 = arith.addf %unpack3A_163, %unpack3A_170 : vector<16xf32>
      %add3A_354 = arith.addf %unpack3A_164, %unpack3A_171 : vector<16xf32>
      %ge3A = arith.constant 2 : i32
      %ge3A_355 = vector.broadcast %ge3A : i32 to vector<16xi32>
      %ge3A_356 = arith.cmpi sge, %iota3A, %ge3A_355 : vector<16xi32>
      %jit3A_357 = arith.constant 0.000000e+00 : f32
      %broadcast_in_dim3A_358 = vector.broadcast %jit3A_357 : f32 to vector<16xf32>
      %select_n3A_359 = arith.select %ge3A_356, %unpack3A_156, %broadcast_in_dim3A_358 : vector<16xi1>, vector<16xf32>
      %add3A_360 = arith.addf %add3A_353, %select_n3A_359 : vector<16xf32>
      %ge3A_361 = arith.constant 2 : i32
      %ge3A_362 = vector.broadcast %ge3A_361 : i32 to vector<16xi32>
      %ge3A_363 = arith.cmpi sge, %iota3A, %ge3A_362 : vector<16xi32>
      %jit3A_364 = arith.constant 0.000000e+00 : f32
      %broadcast_in_dim3A_365 = vector.broadcast %jit3A_364 : f32 to vector<16xf32>
      %select_n3A_366 = arith.select %ge3A_363, %unpack3A_157, %broadcast_in_dim3A_365 : vector<16xi1>, vector<16xf32>
      %add3A_367 = arith.addf %add3A_354, %select_n3A_366 : vector<16xf32>
      %lt3A_368 = arith.constant 4 : i32
      %lt3A_369 = vector.broadcast %lt3A_368 : i32 to vector<16xi32>
      %lt3A_370 = arith.cmpi slt, %iota3A, %lt3A_369 : vector<16xi32>
      %jit3A_371 = arith.constant 0.000000e+00 : f32
      %broadcast_in_dim3A_372 = vector.broadcast %jit3A_371 : f32 to vector<16xf32>
      %select_n3A_373 = arith.select %lt3A_370, %unpack3A_177, %broadcast_in_dim3A_372 : vector<16xi1>, vector<16xf32>
      %add3A_374 = arith.addf %add3A_360, %select_n3A_373 : vector<16xf32>
      %lt3A_375 = arith.constant 4 : i32
      %lt3A_376 = vector.broadcast %lt3A_375 : i32 to vector<16xi32>
      %lt3A_377 = arith.cmpi slt, %iota3A, %lt3A_376 : vector<16xi32>
      %jit3A_378 = arith.constant 0.000000e+00 : f32
      %broadcast_in_dim3A_379 = vector.broadcast %jit3A_378 : f32 to vector<16xf32>
      %select_n3A_380 = arith.select %lt3A_377, %unpack3A_178, %broadcast_in_dim3A_379 : vector<16xi1>, vector<16xf32>
      %add3A_381 = arith.addf %add3A_367, %select_n3A_380 : vector<16xf32>
      %broadcast_in_dim3A_382 = vector.shape_cast %and3A_50 : vector<16xi32> to vector<16x1xi32>
      %gather3A_383 = vector.shape_cast %broadcast_in_dim3A_382 : vector<16x1xi32> to vector<16xi32>
      %gather3A_384 = tpu.dynamic_gather %add3A_374[%gather3A_383] in [0] : vector<16xf32>, vector<16xi32> -> vector<16xf32>
      %add3A_385 = arith.addf %add3A_374, %gather3A_384 : vector<16xf32>
      %broadcast_in_dim3A_386 = vector.shape_cast %and3A_50 : vector<16xi32> to vector<16x1xi32>
      %gather3A_387 = vector.shape_cast %broadcast_in_dim3A_386 : vector<16x1xi32> to vector<16xi32>
      %gather3A_388 = tpu.dynamic_gather %add3A_381[%gather3A_387] in [0] : vector<16xf32>, vector<16xi32> -> vector<16xf32>
      %add3A_389 = arith.addf %add3A_381, %gather3A_388 : vector<16xf32>
      %broadcast_in_dim3A_390 = vector.shape_cast %and3A_55 : vector<16xi32> to vector<16x1xi32>
      %gather3A_391 = vector.shape_cast %broadcast_in_dim3A_390 : vector<16x1xi32> to vector<16xi32>
      %gather3A_392 = tpu.dynamic_gather %add3A_389[%gather3A_391] in [0] : vector<16xf32>, vector<16xi32> -> vector<16xf32>
      %select_n3A_393 = arith.select %eq3A_44, %add3A_385, %gather3A_392 : vector<16xi1>, vector<16xf32>
      %broadcast_in_dim3A_394 = vector.shape_cast %and3A_61 : vector<16xi32> to vector<16x1xi32>
      %gather3A_395 = vector.shape_cast %broadcast_in_dim3A_394 : vector<16x1xi32> to vector<16xi32>
      %gather3A_396 = tpu.dynamic_gather %select_n3A_393[%gather3A_395] in [0] : vector<16xf32>, vector<16xi32> -> vector<16xf32>
      %add3A_397 = arith.addf %select_n3A_393, %gather3A_396 : vector<16xf32>
      %broadcast_in_dim3A_398 = vector.shape_cast %and3A_67 : vector<16xi32> to vector<16x1xi32>
      %gather3A_399 = vector.shape_cast %broadcast_in_dim3A_398 : vector<16x1xi32> to vector<16xi32>
      %gather3A_400 = tpu.dynamic_gather %add3A_397[%gather3A_399] in [0] : vector<16xf32>, vector<16xi32> -> vector<16xf32>
      %add3A_401 = arith.addf %add3A_397, %gather3A_400 : vector<16xf32>
      %broadcast_in_dim3A_402 = vector.shape_cast %and3A_73 : vector<16xi32> to vector<16x1xi32>
      %gather3A_403 = vector.shape_cast %broadcast_in_dim3A_402 : vector<16x1xi32> to vector<16xi32>
      %gather3A_404 = tpu.dynamic_gather %add3A_401[%gather3A_403] in [0] : vector<16xf32>, vector<16xi32> -> vector<16xf32>
      %add3A_405 = arith.addf %add3A_401, %gather3A_404 : vector<16xf32>
      %mul3A_406 = vector.broadcast %scan3A_80 : f32 to vector<16xf32>
      %mul3A_407 = arith.mulf %add3A_405, %mul3A_406 : vector<16xf32>
      %shift_right_arithmetic3A_408 = arith.constant 1 : i32
      %shift_right_arithmetic3A_409 = vector.broadcast %shift_right_arithmetic3A_408 : i32 to vector<16xi32>
      %shift_right_arithmetic3A_410 = arith.shrsi %iota3A, %shift_right_arithmetic3A_409 : vector<16xi32>
      %eq3A_411 = arith.constant 1 : i32
      %eq3A_412 = vector.broadcast %eq3A_411 : i32 to vector<16xi32>
      %eq3A_413 = arith.cmpi eq, %shift_right_arithmetic3A_410, %eq3A_412 : vector<16xi32>
      %jit3A_414 = arith.constant 0.000000e+00 : f32
      %broadcast_in_dim3A_415 = vector.broadcast %jit3A_414 : f32 to vector<16xf32>
      %select_n3A_416 = arith.select %eq3A_413, %mul3A_407, %broadcast_in_dim3A_415 : vector<16xi1>, vector<16xf32>
      %add3A_417 = arith.addf %add3A_352, %select_n3A_416 : vector<16xf32>
      %add3A_418 = arith.addf %unpack3A_184, %unpack3A_191 : vector<16xf32>
      %add3A_419 = arith.addf %unpack3A_185, %unpack3A_192 : vector<16xf32>
      %ge3A_420 = arith.constant 4 : i32
      %ge3A_421 = vector.broadcast %ge3A_420 : i32 to vector<16xi32>
      %ge3A_422 = arith.cmpi sge, %iota3A, %ge3A_421 : vector<16xi32>
      %jit3A_423 = arith.constant 0.000000e+00 : f32
      %broadcast_in_dim3A_424 = vector.broadcast %jit3A_423 : f32 to vector<16xf32>
      %select_n3A_425 = arith.select %ge3A_422, %unpack3A_177, %broadcast_in_dim3A_424 : vector<16xi1>, vector<16xf32>
      %add3A_426 = arith.addf %add3A_418, %select_n3A_425 : vector<16xf32>
      %ge3A_427 = arith.constant 4 : i32
      %ge3A_428 = vector.broadcast %ge3A_427 : i32 to vector<16xi32>
      %ge3A_429 = arith.cmpi sge, %iota3A, %ge3A_428 : vector<16xi32>
      %jit3A_430 = arith.constant 0.000000e+00 : f32
      %broadcast_in_dim3A_431 = vector.broadcast %jit3A_430 : f32 to vector<16xf32>
      %select_n3A_432 = arith.select %ge3A_429, %unpack3A_178, %broadcast_in_dim3A_431 : vector<16xi1>, vector<16xf32>
      %add3A_433 = arith.addf %add3A_419, %select_n3A_432 : vector<16xf32>
      %lt3A_434 = arith.constant 6 : i32
      %lt3A_435 = vector.broadcast %lt3A_434 : i32 to vector<16xi32>
      %lt3A_436 = arith.cmpi slt, %iota3A, %lt3A_435 : vector<16xi32>
      %jit3A_437 = arith.constant 0.000000e+00 : f32
      %broadcast_in_dim3A_438 = vector.broadcast %jit3A_437 : f32 to vector<16xf32>
      %select_n3A_439 = arith.select %lt3A_436, %unpack3A_198, %broadcast_in_dim3A_438 : vector<16xi1>, vector<16xf32>
      %add3A_440 = arith.addf %add3A_426, %select_n3A_439 : vector<16xf32>
      %lt3A_441 = arith.constant 6 : i32
      %lt3A_442 = vector.broadcast %lt3A_441 : i32 to vector<16xi32>
      %lt3A_443 = arith.cmpi slt, %iota3A, %lt3A_442 : vector<16xi32>
      %jit3A_444 = arith.constant 0.000000e+00 : f32
      %broadcast_in_dim3A_445 = vector.broadcast %jit3A_444 : f32 to vector<16xf32>
      %select_n3A_446 = arith.select %lt3A_443, %unpack3A_199, %broadcast_in_dim3A_445 : vector<16xi1>, vector<16xf32>
      %add3A_447 = arith.addf %add3A_433, %select_n3A_446 : vector<16xf32>
      %broadcast_in_dim3A_448 = vector.shape_cast %and3A_50 : vector<16xi32> to vector<16x1xi32>
      %gather3A_449 = vector.shape_cast %broadcast_in_dim3A_448 : vector<16x1xi32> to vector<16xi32>
      %gather3A_450 = tpu.dynamic_gather %add3A_440[%gather3A_449] in [0] : vector<16xf32>, vector<16xi32> -> vector<16xf32>
      %add3A_451 = arith.addf %add3A_440, %gather3A_450 : vector<16xf32>
      %broadcast_in_dim3A_452 = vector.shape_cast %and3A_50 : vector<16xi32> to vector<16x1xi32>
      %gather3A_453 = vector.shape_cast %broadcast_in_dim3A_452 : vector<16x1xi32> to vector<16xi32>
      %gather3A_454 = tpu.dynamic_gather %add3A_447[%gather3A_453] in [0] : vector<16xf32>, vector<16xi32> -> vector<16xf32>
      %add3A_455 = arith.addf %add3A_447, %gather3A_454 : vector<16xf32>
      %broadcast_in_dim3A_456 = vector.shape_cast %and3A_55 : vector<16xi32> to vector<16x1xi32>
      %gather3A_457 = vector.shape_cast %broadcast_in_dim3A_456 : vector<16x1xi32> to vector<16xi32>
      %gather3A_458 = tpu.dynamic_gather %add3A_455[%gather3A_457] in [0] : vector<16xf32>, vector<16xi32> -> vector<16xf32>
      %select_n3A_459 = arith.select %eq3A_44, %add3A_451, %gather3A_458 : vector<16xi1>, vector<16xf32>
      %broadcast_in_dim3A_460 = vector.shape_cast %and3A_61 : vector<16xi32> to vector<16x1xi32>
      %gather3A_461 = vector.shape_cast %broadcast_in_dim3A_460 : vector<16x1xi32> to vector<16xi32>
      %gather3A_462 = tpu.dynamic_gather %select_n3A_459[%gather3A_461] in [0] : vector<16xf32>, vector<16xi32> -> vector<16xf32>
      %add3A_463 = arith.addf %select_n3A_459, %gather3A_462 : vector<16xf32>
      %broadcast_in_dim3A_464 = vector.shape_cast %and3A_67 : vector<16xi32> to vector<16x1xi32>
      %gather3A_465 = vector.shape_cast %broadcast_in_dim3A_464 : vector<16x1xi32> to vector<16xi32>
      %gather3A_466 = tpu.dynamic_gather %add3A_463[%gather3A_465] in [0] : vector<16xf32>, vector<16xi32> -> vector<16xf32>
      %add3A_467 = arith.addf %add3A_463, %gather3A_466 : vector<16xf32>
      %broadcast_in_dim3A_468 = vector.shape_cast %and3A_73 : vector<16xi32> to vector<16x1xi32>
      %gather3A_469 = vector.shape_cast %broadcast_in_dim3A_468 : vector<16x1xi32> to vector<16xi32>
      %gather3A_470 = tpu.dynamic_gather %add3A_467[%gather3A_469] in [0] : vector<16xf32>, vector<16xi32> -> vector<16xf32>
      %add3A_471 = arith.addf %add3A_467, %gather3A_470 : vector<16xf32>
      %mul3A_472 = vector.broadcast %scan3A_80 : f32 to vector<16xf32>
      %mul3A_473 = arith.mulf %add3A_471, %mul3A_472 : vector<16xf32>
      %shift_right_arithmetic3A_474 = arith.constant 1 : i32
      %shift_right_arithmetic3A_475 = vector.broadcast %shift_right_arithmetic3A_474 : i32 to vector<16xi32>
      %shift_right_arithmetic3A_476 = arith.shrsi %iota3A, %shift_right_arithmetic3A_475 : vector<16xi32>
      %eq3A_477 = arith.constant 2 : i32
      %eq3A_478 = vector.broadcast %eq3A_477 : i32 to vector<16xi32>
      %eq3A_479 = arith.cmpi eq, %shift_right_arithmetic3A_476, %eq3A_478 : vector<16xi32>
      %jit3A_480 = arith.constant 0.000000e+00 : f32
      %broadcast_in_dim3A_481 = vector.broadcast %jit3A_480 : f32 to vector<16xf32>
      %select_n3A_482 = arith.select %eq3A_479, %mul3A_473, %broadcast_in_dim3A_481 : vector<16xi1>, vector<16xf32>
      %add3A_483 = arith.addf %add3A_417, %select_n3A_482 : vector<16xf32>
      %add3A_484 = arith.addf %unpack3A_205, %unpack3A_212 : vector<16xf32>
      %add3A_485 = arith.addf %unpack3A_206, %unpack3A_213 : vector<16xf32>
      %ge3A_486 = arith.constant 6 : i32
      %ge3A_487 = vector.broadcast %ge3A_486 : i32 to vector<16xi32>
      %ge3A_488 = arith.cmpi sge, %iota3A, %ge3A_487 : vector<16xi32>
      %jit3A_489 = arith.constant 0.000000e+00 : f32
      %broadcast_in_dim3A_490 = vector.broadcast %jit3A_489 : f32 to vector<16xf32>
      %select_n3A_491 = arith.select %ge3A_488, %unpack3A_198, %broadcast_in_dim3A_490 : vector<16xi1>, vector<16xf32>
      %add3A_492 = arith.addf %add3A_484, %select_n3A_491 : vector<16xf32>
      %ge3A_493 = arith.constant 6 : i32
      %ge3A_494 = vector.broadcast %ge3A_493 : i32 to vector<16xi32>
      %ge3A_495 = arith.cmpi sge, %iota3A, %ge3A_494 : vector<16xi32>
      %jit3A_496 = arith.constant 0.000000e+00 : f32
      %broadcast_in_dim3A_497 = vector.broadcast %jit3A_496 : f32 to vector<16xf32>
      %select_n3A_498 = arith.select %ge3A_495, %unpack3A_199, %broadcast_in_dim3A_497 : vector<16xi1>, vector<16xf32>
      %add3A_499 = arith.addf %add3A_485, %select_n3A_498 : vector<16xf32>
      %lt3A_500 = arith.constant 8 : i32
      %lt3A_501 = vector.broadcast %lt3A_500 : i32 to vector<16xi32>
      %lt3A_502 = arith.cmpi slt, %iota3A, %lt3A_501 : vector<16xi32>
      %jit3A_503 = arith.constant 0.000000e+00 : f32
      %broadcast_in_dim3A_504 = vector.broadcast %jit3A_503 : f32 to vector<16xf32>
      %select_n3A_505 = arith.select %lt3A_502, %unpack3A_219, %broadcast_in_dim3A_504 : vector<16xi1>, vector<16xf32>
      %add3A_506 = arith.addf %add3A_492, %select_n3A_505 : vector<16xf32>
      %lt3A_507 = arith.constant 8 : i32
      %lt3A_508 = vector.broadcast %lt3A_507 : i32 to vector<16xi32>
      %lt3A_509 = arith.cmpi slt, %iota3A, %lt3A_508 : vector<16xi32>
      %jit3A_510 = arith.constant 0.000000e+00 : f32
      %broadcast_in_dim3A_511 = vector.broadcast %jit3A_510 : f32 to vector<16xf32>
      %select_n3A_512 = arith.select %lt3A_509, %unpack3A_220, %broadcast_in_dim3A_511 : vector<16xi1>, vector<16xf32>
      %add3A_513 = arith.addf %add3A_499, %select_n3A_512 : vector<16xf32>
      %broadcast_in_dim3A_514 = vector.shape_cast %and3A_50 : vector<16xi32> to vector<16x1xi32>
      %gather3A_515 = vector.shape_cast %broadcast_in_dim3A_514 : vector<16x1xi32> to vector<16xi32>
      %gather3A_516 = tpu.dynamic_gather %add3A_506[%gather3A_515] in [0] : vector<16xf32>, vector<16xi32> -> vector<16xf32>
      %add3A_517 = arith.addf %add3A_506, %gather3A_516 : vector<16xf32>
      %broadcast_in_dim3A_518 = vector.shape_cast %and3A_50 : vector<16xi32> to vector<16x1xi32>
      %gather3A_519 = vector.shape_cast %broadcast_in_dim3A_518 : vector<16x1xi32> to vector<16xi32>
      %gather3A_520 = tpu.dynamic_gather %add3A_513[%gather3A_519] in [0] : vector<16xf32>, vector<16xi32> -> vector<16xf32>
      %add3A_521 = arith.addf %add3A_513, %gather3A_520 : vector<16xf32>
      %broadcast_in_dim3A_522 = vector.shape_cast %and3A_55 : vector<16xi32> to vector<16x1xi32>
      %gather3A_523 = vector.shape_cast %broadcast_in_dim3A_522 : vector<16x1xi32> to vector<16xi32>
      %gather3A_524 = tpu.dynamic_gather %add3A_521[%gather3A_523] in [0] : vector<16xf32>, vector<16xi32> -> vector<16xf32>
      %select_n3A_525 = arith.select %eq3A_44, %add3A_517, %gather3A_524 : vector<16xi1>, vector<16xf32>
      %broadcast_in_dim3A_526 = vector.shape_cast %and3A_61 : vector<16xi32> to vector<16x1xi32>
      %gather3A_527 = vector.shape_cast %broadcast_in_dim3A_526 : vector<16x1xi32> to vector<16xi32>
      %gather3A_528 = tpu.dynamic_gather %select_n3A_525[%gather3A_527] in [0] : vector<16xf32>, vector<16xi32> -> vector<16xf32>
      %add3A_529 = arith.addf %select_n3A_525, %gather3A_528 : vector<16xf32>
      %broadcast_in_dim3A_530 = vector.shape_cast %and3A_67 : vector<16xi32> to vector<16x1xi32>
      %gather3A_531 = vector.shape_cast %broadcast_in_dim3A_530 : vector<16x1xi32> to vector<16xi32>
      %gather3A_532 = tpu.dynamic_gather %add3A_529[%gather3A_531] in [0] : vector<16xf32>, vector<16xi32> -> vector<16xf32>
      %add3A_533 = arith.addf %add3A_529, %gather3A_532 : vector<16xf32>
      %broadcast_in_dim3A_534 = vector.shape_cast %and3A_73 : vector<16xi32> to vector<16x1xi32>
      %gather3A_535 = vector.shape_cast %broadcast_in_dim3A_534 : vector<16x1xi32> to vector<16xi32>
      %gather3A_536 = tpu.dynamic_gather %add3A_533[%gather3A_535] in [0] : vector<16xf32>, vector<16xi32> -> vector<16xf32>
      %add3A_537 = arith.addf %add3A_533, %gather3A_536 : vector<16xf32>
      %mul3A_538 = vector.broadcast %scan3A_80 : f32 to vector<16xf32>
      %mul3A_539 = arith.mulf %add3A_537, %mul3A_538 : vector<16xf32>
      %shift_right_arithmetic3A_540 = arith.constant 1 : i32
      %shift_right_arithmetic3A_541 = vector.broadcast %shift_right_arithmetic3A_540 : i32 to vector<16xi32>
      %shift_right_arithmetic3A_542 = arith.shrsi %iota3A, %shift_right_arithmetic3A_541 : vector<16xi32>
      %eq3A_543 = arith.constant 3 : i32
      %eq3A_544 = vector.broadcast %eq3A_543 : i32 to vector<16xi32>
      %eq3A_545 = arith.cmpi eq, %shift_right_arithmetic3A_542, %eq3A_544 : vector<16xi32>
      %jit3A_546 = arith.constant 0.000000e+00 : f32
      %broadcast_in_dim3A_547 = vector.broadcast %jit3A_546 : f32 to vector<16xf32>
      %select_n3A_548 = arith.select %eq3A_545, %mul3A_539, %broadcast_in_dim3A_547 : vector<16xi1>, vector<16xf32>
      %add3A_549 = arith.addf %add3A_483, %select_n3A_548 : vector<16xf32>
      %add3A_550 = arith.addf %unpack3A_226, %unpack3A_233 : vector<16xf32>
      %add3A_551 = arith.addf %unpack3A_227, %unpack3A_234 : vector<16xf32>
      %ge3A_552 = arith.constant 8 : i32
      %ge3A_553 = vector.broadcast %ge3A_552 : i32 to vector<16xi32>
      %ge3A_554 = arith.cmpi sge, %iota3A, %ge3A_553 : vector<16xi32>
      %jit3A_555 = arith.constant 0.000000e+00 : f32
      %broadcast_in_dim3A_556 = vector.broadcast %jit3A_555 : f32 to vector<16xf32>
      %select_n3A_557 = arith.select %ge3A_554, %unpack3A_219, %broadcast_in_dim3A_556 : vector<16xi1>, vector<16xf32>
      %add3A_558 = arith.addf %add3A_550, %select_n3A_557 : vector<16xf32>
      %ge3A_559 = arith.constant 8 : i32
      %ge3A_560 = vector.broadcast %ge3A_559 : i32 to vector<16xi32>
      %ge3A_561 = arith.cmpi sge, %iota3A, %ge3A_560 : vector<16xi32>
      %jit3A_562 = arith.constant 0.000000e+00 : f32
      %broadcast_in_dim3A_563 = vector.broadcast %jit3A_562 : f32 to vector<16xf32>
      %select_n3A_564 = arith.select %ge3A_561, %unpack3A_220, %broadcast_in_dim3A_563 : vector<16xi1>, vector<16xf32>
      %add3A_565 = arith.addf %add3A_551, %select_n3A_564 : vector<16xf32>
      %lt3A_566 = arith.constant 10 : i32
      %lt3A_567 = vector.broadcast %lt3A_566 : i32 to vector<16xi32>
      %lt3A_568 = arith.cmpi slt, %iota3A, %lt3A_567 : vector<16xi32>
      %jit3A_569 = arith.constant 0.000000e+00 : f32
      %broadcast_in_dim3A_570 = vector.broadcast %jit3A_569 : f32 to vector<16xf32>
      %select_n3A_571 = arith.select %lt3A_568, %unpack3A_240, %broadcast_in_dim3A_570 : vector<16xi1>, vector<16xf32>
      %add3A_572 = arith.addf %add3A_558, %select_n3A_571 : vector<16xf32>
      %lt3A_573 = arith.constant 10 : i32
      %lt3A_574 = vector.broadcast %lt3A_573 : i32 to vector<16xi32>
      %lt3A_575 = arith.cmpi slt, %iota3A, %lt3A_574 : vector<16xi32>
      %jit3A_576 = arith.constant 0.000000e+00 : f32
      %broadcast_in_dim3A_577 = vector.broadcast %jit3A_576 : f32 to vector<16xf32>
      %select_n3A_578 = arith.select %lt3A_575, %unpack3A_241, %broadcast_in_dim3A_577 : vector<16xi1>, vector<16xf32>
      %add3A_579 = arith.addf %add3A_565, %select_n3A_578 : vector<16xf32>
      %broadcast_in_dim3A_580 = vector.shape_cast %and3A_50 : vector<16xi32> to vector<16x1xi32>
      %gather3A_581 = vector.shape_cast %broadcast_in_dim3A_580 : vector<16x1xi32> to vector<16xi32>
      %gather3A_582 = tpu.dynamic_gather %add3A_572[%gather3A_581] in [0] : vector<16xf32>, vector<16xi32> -> vector<16xf32>
      %add3A_583 = arith.addf %add3A_572, %gather3A_582 : vector<16xf32>
      %broadcast_in_dim3A_584 = vector.shape_cast %and3A_50 : vector<16xi32> to vector<16x1xi32>
      %gather3A_585 = vector.shape_cast %broadcast_in_dim3A_584 : vector<16x1xi32> to vector<16xi32>
      %gather3A_586 = tpu.dynamic_gather %add3A_579[%gather3A_585] in [0] : vector<16xf32>, vector<16xi32> -> vector<16xf32>
      %add3A_587 = arith.addf %add3A_579, %gather3A_586 : vector<16xf32>
      %broadcast_in_dim3A_588 = vector.shape_cast %and3A_55 : vector<16xi32> to vector<16x1xi32>
      %gather3A_589 = vector.shape_cast %broadcast_in_dim3A_588 : vector<16x1xi32> to vector<16xi32>
      %gather3A_590 = tpu.dynamic_gather %add3A_587[%gather3A_589] in [0] : vector<16xf32>, vector<16xi32> -> vector<16xf32>
      %select_n3A_591 = arith.select %eq3A_44, %add3A_583, %gather3A_590 : vector<16xi1>, vector<16xf32>
      %broadcast_in_dim3A_592 = vector.shape_cast %and3A_61 : vector<16xi32> to vector<16x1xi32>
      %gather3A_593 = vector.shape_cast %broadcast_in_dim3A_592 : vector<16x1xi32> to vector<16xi32>
      %gather3A_594 = tpu.dynamic_gather %select_n3A_591[%gather3A_593] in [0] : vector<16xf32>, vector<16xi32> -> vector<16xf32>
      %add3A_595 = arith.addf %select_n3A_591, %gather3A_594 : vector<16xf32>
      %broadcast_in_dim3A_596 = vector.shape_cast %and3A_67 : vector<16xi32> to vector<16x1xi32>
      %gather3A_597 = vector.shape_cast %broadcast_in_dim3A_596 : vector<16x1xi32> to vector<16xi32>
      %gather3A_598 = tpu.dynamic_gather %add3A_595[%gather3A_597] in [0] : vector<16xf32>, vector<16xi32> -> vector<16xf32>
      %add3A_599 = arith.addf %add3A_595, %gather3A_598 : vector<16xf32>
      %broadcast_in_dim3A_600 = vector.shape_cast %and3A_73 : vector<16xi32> to vector<16x1xi32>
      %gather3A_601 = vector.shape_cast %broadcast_in_dim3A_600 : vector<16x1xi32> to vector<16xi32>
      %gather3A_602 = tpu.dynamic_gather %add3A_599[%gather3A_601] in [0] : vector<16xf32>, vector<16xi32> -> vector<16xf32>
      %add3A_603 = arith.addf %add3A_599, %gather3A_602 : vector<16xf32>
      %mul3A_604 = vector.broadcast %scan3A_80 : f32 to vector<16xf32>
      %mul3A_605 = arith.mulf %add3A_603, %mul3A_604 : vector<16xf32>
      %shift_right_arithmetic3A_606 = arith.constant 1 : i32
      %shift_right_arithmetic3A_607 = vector.broadcast %shift_right_arithmetic3A_606 : i32 to vector<16xi32>
      %shift_right_arithmetic3A_608 = arith.shrsi %iota3A, %shift_right_arithmetic3A_607 : vector<16xi32>
      %eq3A_609 = arith.constant 4 : i32
      %eq3A_610 = vector.broadcast %eq3A_609 : i32 to vector<16xi32>
      %eq3A_611 = arith.cmpi eq, %shift_right_arithmetic3A_608, %eq3A_610 : vector<16xi32>
      %jit3A_612 = arith.constant 0.000000e+00 : f32
      %broadcast_in_dim3A_613 = vector.broadcast %jit3A_612 : f32 to vector<16xf32>
      %select_n3A_614 = arith.select %eq3A_611, %mul3A_605, %broadcast_in_dim3A_613 : vector<16xi1>, vector<16xf32>
      %add3A_615 = arith.addf %add3A_549, %select_n3A_614 : vector<16xf32>
      %add3A_616 = arith.addf %unpack3A_247, %unpack3A_254 : vector<16xf32>
      %add3A_617 = arith.addf %unpack3A_248, %unpack3A_255 : vector<16xf32>
      %ge3A_618 = arith.constant 10 : i32
      %ge3A_619 = vector.broadcast %ge3A_618 : i32 to vector<16xi32>
      %ge3A_620 = arith.cmpi sge, %iota3A, %ge3A_619 : vector<16xi32>
      %jit3A_621 = arith.constant 0.000000e+00 : f32
      %broadcast_in_dim3A_622 = vector.broadcast %jit3A_621 : f32 to vector<16xf32>
      %select_n3A_623 = arith.select %ge3A_620, %unpack3A_240, %broadcast_in_dim3A_622 : vector<16xi1>, vector<16xf32>
      %add3A_624 = arith.addf %add3A_616, %select_n3A_623 : vector<16xf32>
      %ge3A_625 = arith.constant 10 : i32
      %ge3A_626 = vector.broadcast %ge3A_625 : i32 to vector<16xi32>
      %ge3A_627 = arith.cmpi sge, %iota3A, %ge3A_626 : vector<16xi32>
      %jit3A_628 = arith.constant 0.000000e+00 : f32
      %broadcast_in_dim3A_629 = vector.broadcast %jit3A_628 : f32 to vector<16xf32>
      %select_n3A_630 = arith.select %ge3A_627, %unpack3A_241, %broadcast_in_dim3A_629 : vector<16xi1>, vector<16xf32>
      %add3A_631 = arith.addf %add3A_617, %select_n3A_630 : vector<16xf32>
      %lt3A_632 = arith.constant 12 : i32
      %lt3A_633 = vector.broadcast %lt3A_632 : i32 to vector<16xi32>
      %lt3A_634 = arith.cmpi slt, %iota3A, %lt3A_633 : vector<16xi32>
      %jit3A_635 = arith.constant 0.000000e+00 : f32
      %broadcast_in_dim3A_636 = vector.broadcast %jit3A_635 : f32 to vector<16xf32>
      %select_n3A_637 = arith.select %lt3A_634, %unpack3A_261, %broadcast_in_dim3A_636 : vector<16xi1>, vector<16xf32>
      %add3A_638 = arith.addf %add3A_624, %select_n3A_637 : vector<16xf32>
      %lt3A_639 = arith.constant 12 : i32
      %lt3A_640 = vector.broadcast %lt3A_639 : i32 to vector<16xi32>
      %lt3A_641 = arith.cmpi slt, %iota3A, %lt3A_640 : vector<16xi32>
      %jit3A_642 = arith.constant 0.000000e+00 : f32
      %broadcast_in_dim3A_643 = vector.broadcast %jit3A_642 : f32 to vector<16xf32>
      %select_n3A_644 = arith.select %lt3A_641, %unpack3A_262, %broadcast_in_dim3A_643 : vector<16xi1>, vector<16xf32>
      %add3A_645 = arith.addf %add3A_631, %select_n3A_644 : vector<16xf32>
      %broadcast_in_dim3A_646 = vector.shape_cast %and3A_50 : vector<16xi32> to vector<16x1xi32>
      %gather3A_647 = vector.shape_cast %broadcast_in_dim3A_646 : vector<16x1xi32> to vector<16xi32>
      %gather3A_648 = tpu.dynamic_gather %add3A_638[%gather3A_647] in [0] : vector<16xf32>, vector<16xi32> -> vector<16xf32>
      %add3A_649 = arith.addf %add3A_638, %gather3A_648 : vector<16xf32>
      %broadcast_in_dim3A_650 = vector.shape_cast %and3A_50 : vector<16xi32> to vector<16x1xi32>
      %gather3A_651 = vector.shape_cast %broadcast_in_dim3A_650 : vector<16x1xi32> to vector<16xi32>
      %gather3A_652 = tpu.dynamic_gather %add3A_645[%gather3A_651] in [0] : vector<16xf32>, vector<16xi32> -> vector<16xf32>
      %add3A_653 = arith.addf %add3A_645, %gather3A_652 : vector<16xf32>
      %broadcast_in_dim3A_654 = vector.shape_cast %and3A_55 : vector<16xi32> to vector<16x1xi32>
      %gather3A_655 = vector.shape_cast %broadcast_in_dim3A_654 : vector<16x1xi32> to vector<16xi32>
      %gather3A_656 = tpu.dynamic_gather %add3A_653[%gather3A_655] in [0] : vector<16xf32>, vector<16xi32> -> vector<16xf32>
      %select_n3A_657 = arith.select %eq3A_44, %add3A_649, %gather3A_656 : vector<16xi1>, vector<16xf32>
      %broadcast_in_dim3A_658 = vector.shape_cast %and3A_61 : vector<16xi32> to vector<16x1xi32>
      %gather3A_659 = vector.shape_cast %broadcast_in_dim3A_658 : vector<16x1xi32> to vector<16xi32>
      %gather3A_660 = tpu.dynamic_gather %select_n3A_657[%gather3A_659] in [0] : vector<16xf32>, vector<16xi32> -> vector<16xf32>
      %add3A_661 = arith.addf %select_n3A_657, %gather3A_660 : vector<16xf32>
      %broadcast_in_dim3A_662 = vector.shape_cast %and3A_67 : vector<16xi32> to vector<16x1xi32>
      %gather3A_663 = vector.shape_cast %broadcast_in_dim3A_662 : vector<16x1xi32> to vector<16xi32>
      %gather3A_664 = tpu.dynamic_gather %add3A_661[%gather3A_663] in [0] : vector<16xf32>, vector<16xi32> -> vector<16xf32>
      %add3A_665 = arith.addf %add3A_661, %gather3A_664 : vector<16xf32>
      %broadcast_in_dim3A_666 = vector.shape_cast %and3A_73 : vector<16xi32> to vector<16x1xi32>
      %gather3A_667 = vector.shape_cast %broadcast_in_dim3A_666 : vector<16x1xi32> to vector<16xi32>
      %gather3A_668 = tpu.dynamic_gather %add3A_665[%gather3A_667] in [0] : vector<16xf32>, vector<16xi32> -> vector<16xf32>
      %add3A_669 = arith.addf %add3A_665, %gather3A_668 : vector<16xf32>
      %mul3A_670 = vector.broadcast %scan3A_80 : f32 to vector<16xf32>
      %mul3A_671 = arith.mulf %add3A_669, %mul3A_670 : vector<16xf32>
      %shift_right_arithmetic3A_672 = arith.constant 1 : i32
      %shift_right_arithmetic3A_673 = vector.broadcast %shift_right_arithmetic3A_672 : i32 to vector<16xi32>
      %shift_right_arithmetic3A_674 = arith.shrsi %iota3A, %shift_right_arithmetic3A_673 : vector<16xi32>
      %eq3A_675 = arith.constant 5 : i32
      %eq3A_676 = vector.broadcast %eq3A_675 : i32 to vector<16xi32>
      %eq3A_677 = arith.cmpi eq, %shift_right_arithmetic3A_674, %eq3A_676 : vector<16xi32>
      %jit3A_678 = arith.constant 0.000000e+00 : f32
      %broadcast_in_dim3A_679 = vector.broadcast %jit3A_678 : f32 to vector<16xf32>
      %select_n3A_680 = arith.select %eq3A_677, %mul3A_671, %broadcast_in_dim3A_679 : vector<16xi1>, vector<16xf32>
      %add3A_681 = arith.addf %add3A_615, %select_n3A_680 : vector<16xf32>
      %add3A_682 = arith.addf %unpack3A_268, %unpack3A_275 : vector<16xf32>
      %add3A_683 = arith.addf %unpack3A_269, %unpack3A_276 : vector<16xf32>
      %ge3A_684 = arith.constant 12 : i32
      %ge3A_685 = vector.broadcast %ge3A_684 : i32 to vector<16xi32>
      %ge3A_686 = arith.cmpi sge, %iota3A, %ge3A_685 : vector<16xi32>
      %jit3A_687 = arith.constant 0.000000e+00 : f32
      %broadcast_in_dim3A_688 = vector.broadcast %jit3A_687 : f32 to vector<16xf32>
      %select_n3A_689 = arith.select %ge3A_686, %unpack3A_261, %broadcast_in_dim3A_688 : vector<16xi1>, vector<16xf32>
      %add3A_690 = arith.addf %add3A_682, %select_n3A_689 : vector<16xf32>
      %ge3A_691 = arith.constant 12 : i32
      %ge3A_692 = vector.broadcast %ge3A_691 : i32 to vector<16xi32>
      %ge3A_693 = arith.cmpi sge, %iota3A, %ge3A_692 : vector<16xi32>
      %jit3A_694 = arith.constant 0.000000e+00 : f32
      %broadcast_in_dim3A_695 = vector.broadcast %jit3A_694 : f32 to vector<16xf32>
      %select_n3A_696 = arith.select %ge3A_693, %unpack3A_262, %broadcast_in_dim3A_695 : vector<16xi1>, vector<16xf32>
      %add3A_697 = arith.addf %add3A_683, %select_n3A_696 : vector<16xf32>
      %lt3A_698 = arith.constant 14 : i32
      %lt3A_699 = vector.broadcast %lt3A_698 : i32 to vector<16xi32>
      %lt3A_700 = arith.cmpi slt, %iota3A, %lt3A_699 : vector<16xi32>
      %jit3A_701 = arith.constant 0.000000e+00 : f32
      %broadcast_in_dim3A_702 = vector.broadcast %jit3A_701 : f32 to vector<16xf32>
      %select_n3A_703 = arith.select %lt3A_700, %unpack3A_282, %broadcast_in_dim3A_702 : vector<16xi1>, vector<16xf32>
      %add3A_704 = arith.addf %add3A_690, %select_n3A_703 : vector<16xf32>
      %lt3A_705 = arith.constant 14 : i32
      %lt3A_706 = vector.broadcast %lt3A_705 : i32 to vector<16xi32>
      %lt3A_707 = arith.cmpi slt, %iota3A, %lt3A_706 : vector<16xi32>
      %jit3A_708 = arith.constant 0.000000e+00 : f32
      %broadcast_in_dim3A_709 = vector.broadcast %jit3A_708 : f32 to vector<16xf32>
      %select_n3A_710 = arith.select %lt3A_707, %unpack3A_283, %broadcast_in_dim3A_709 : vector<16xi1>, vector<16xf32>
      %add3A_711 = arith.addf %add3A_697, %select_n3A_710 : vector<16xf32>
      %broadcast_in_dim3A_712 = vector.shape_cast %and3A_50 : vector<16xi32> to vector<16x1xi32>
      %gather3A_713 = vector.shape_cast %broadcast_in_dim3A_712 : vector<16x1xi32> to vector<16xi32>
      %gather3A_714 = tpu.dynamic_gather %add3A_704[%gather3A_713] in [0] : vector<16xf32>, vector<16xi32> -> vector<16xf32>
      %add3A_715 = arith.addf %add3A_704, %gather3A_714 : vector<16xf32>
      %broadcast_in_dim3A_716 = vector.shape_cast %and3A_50 : vector<16xi32> to vector<16x1xi32>
      %gather3A_717 = vector.shape_cast %broadcast_in_dim3A_716 : vector<16x1xi32> to vector<16xi32>
      %gather3A_718 = tpu.dynamic_gather %add3A_711[%gather3A_717] in [0] : vector<16xf32>, vector<16xi32> -> vector<16xf32>
      %add3A_719 = arith.addf %add3A_711, %gather3A_718 : vector<16xf32>
      %broadcast_in_dim3A_720 = vector.shape_cast %and3A_55 : vector<16xi32> to vector<16x1xi32>
      %gather3A_721 = vector.shape_cast %broadcast_in_dim3A_720 : vector<16x1xi32> to vector<16xi32>
      %gather3A_722 = tpu.dynamic_gather %add3A_719[%gather3A_721] in [0] : vector<16xf32>, vector<16xi32> -> vector<16xf32>
      %select_n3A_723 = arith.select %eq3A_44, %add3A_715, %gather3A_722 : vector<16xi1>, vector<16xf32>
      %broadcast_in_dim3A_724 = vector.shape_cast %and3A_61 : vector<16xi32> to vector<16x1xi32>
      %gather3A_725 = vector.shape_cast %broadcast_in_dim3A_724 : vector<16x1xi32> to vector<16xi32>
      %gather3A_726 = tpu.dynamic_gather %select_n3A_723[%gather3A_725] in [0] : vector<16xf32>, vector<16xi32> -> vector<16xf32>
      %add3A_727 = arith.addf %select_n3A_723, %gather3A_726 : vector<16xf32>
      %broadcast_in_dim3A_728 = vector.shape_cast %and3A_67 : vector<16xi32> to vector<16x1xi32>
      %gather3A_729 = vector.shape_cast %broadcast_in_dim3A_728 : vector<16x1xi32> to vector<16xi32>
      %gather3A_730 = tpu.dynamic_gather %add3A_727[%gather3A_729] in [0] : vector<16xf32>, vector<16xi32> -> vector<16xf32>
      %add3A_731 = arith.addf %add3A_727, %gather3A_730 : vector<16xf32>
      %broadcast_in_dim3A_732 = vector.shape_cast %and3A_73 : vector<16xi32> to vector<16x1xi32>
      %gather3A_733 = vector.shape_cast %broadcast_in_dim3A_732 : vector<16x1xi32> to vector<16xi32>
      %gather3A_734 = tpu.dynamic_gather %add3A_731[%gather3A_733] in [0] : vector<16xf32>, vector<16xi32> -> vector<16xf32>
      %add3A_735 = arith.addf %add3A_731, %gather3A_734 : vector<16xf32>
      %mul3A_736 = vector.broadcast %scan3A_80 : f32 to vector<16xf32>
      %mul3A_737 = arith.mulf %add3A_735, %mul3A_736 : vector<16xf32>
      %shift_right_arithmetic3A_738 = arith.constant 1 : i32
      %shift_right_arithmetic3A_739 = vector.broadcast %shift_right_arithmetic3A_738 : i32 to vector<16xi32>
      %shift_right_arithmetic3A_740 = arith.shrsi %iota3A, %shift_right_arithmetic3A_739 : vector<16xi32>
      %eq3A_741 = arith.constant 6 : i32
      %eq3A_742 = vector.broadcast %eq3A_741 : i32 to vector<16xi32>
      %eq3A_743 = arith.cmpi eq, %shift_right_arithmetic3A_740, %eq3A_742 : vector<16xi32>
      %jit3A_744 = arith.constant 0.000000e+00 : f32
      %broadcast_in_dim3A_745 = vector.broadcast %jit3A_744 : f32 to vector<16xf32>
      %select_n3A_746 = arith.select %eq3A_743, %mul3A_737, %broadcast_in_dim3A_745 : vector<16xi1>, vector<16xf32>
      %add3A_747 = arith.addf %add3A_681, %select_n3A_746 : vector<16xf32>
      %add3A_748 = arith.addf %unpack3A_289, %unpack3A_296 : vector<16xf32>
      %add3A_749 = arith.addf %unpack3A_290, %unpack3A_297 : vector<16xf32>
      %ge3A_750 = arith.constant 14 : i32
      %ge3A_751 = vector.broadcast %ge3A_750 : i32 to vector<16xi32>
      %ge3A_752 = arith.cmpi sge, %iota3A, %ge3A_751 : vector<16xi32>
      %jit3A_753 = arith.constant 0.000000e+00 : f32
      %broadcast_in_dim3A_754 = vector.broadcast %jit3A_753 : f32 to vector<16xf32>
      %select_n3A_755 = arith.select %ge3A_752, %unpack3A_282, %broadcast_in_dim3A_754 : vector<16xi1>, vector<16xf32>
      %add3A_756 = arith.addf %add3A_748, %select_n3A_755 : vector<16xf32>
      %ge3A_757 = arith.constant 14 : i32
      %ge3A_758 = vector.broadcast %ge3A_757 : i32 to vector<16xi32>
      %ge3A_759 = arith.cmpi sge, %iota3A, %ge3A_758 : vector<16xi32>
      %jit3A_760 = arith.constant 0.000000e+00 : f32
      %broadcast_in_dim3A_761 = vector.broadcast %jit3A_760 : f32 to vector<16xf32>
      %select_n3A_762 = arith.select %ge3A_759, %unpack3A_283, %broadcast_in_dim3A_761 : vector<16xi1>, vector<16xf32>
      %add3A_763 = arith.addf %add3A_749, %select_n3A_762 : vector<16xf32>
      %add3A_764 = arith.addf %add3A_756, %unpack3A_303 : vector<16xf32>
      %add3A_765 = arith.addf %add3A_763, %unpack3A_304 : vector<16xf32>
      %broadcast_in_dim3A_766 = vector.shape_cast %and3A_50 : vector<16xi32> to vector<16x1xi32>
      %gather3A_767 = vector.shape_cast %broadcast_in_dim3A_766 : vector<16x1xi32> to vector<16xi32>
      %gather3A_768 = tpu.dynamic_gather %add3A_764[%gather3A_767] in [0] : vector<16xf32>, vector<16xi32> -> vector<16xf32>
      %add3A_769 = arith.addf %add3A_764, %gather3A_768 : vector<16xf32>
      %broadcast_in_dim3A_770 = vector.shape_cast %and3A_50 : vector<16xi32> to vector<16x1xi32>
      %gather3A_771 = vector.shape_cast %broadcast_in_dim3A_770 : vector<16x1xi32> to vector<16xi32>
      %gather3A_772 = tpu.dynamic_gather %add3A_765[%gather3A_771] in [0] : vector<16xf32>, vector<16xi32> -> vector<16xf32>
      %add3A_773 = arith.addf %add3A_765, %gather3A_772 : vector<16xf32>
      %broadcast_in_dim3A_774 = vector.shape_cast %and3A_55 : vector<16xi32> to vector<16x1xi32>
      %gather3A_775 = vector.shape_cast %broadcast_in_dim3A_774 : vector<16x1xi32> to vector<16xi32>
      %gather3A_776 = tpu.dynamic_gather %add3A_773[%gather3A_775] in [0] : vector<16xf32>, vector<16xi32> -> vector<16xf32>
      %select_n3A_777 = arith.select %eq3A_44, %add3A_769, %gather3A_776 : vector<16xi1>, vector<16xf32>
      %broadcast_in_dim3A_778 = vector.shape_cast %and3A_61 : vector<16xi32> to vector<16x1xi32>
      %gather3A_779 = vector.shape_cast %broadcast_in_dim3A_778 : vector<16x1xi32> to vector<16xi32>
      %gather3A_780 = tpu.dynamic_gather %select_n3A_777[%gather3A_779] in [0] : vector<16xf32>, vector<16xi32> -> vector<16xf32>
      %add3A_781 = arith.addf %select_n3A_777, %gather3A_780 : vector<16xf32>
      %broadcast_in_dim3A_782 = vector.shape_cast %and3A_67 : vector<16xi32> to vector<16x1xi32>
      %gather3A_783 = vector.shape_cast %broadcast_in_dim3A_782 : vector<16x1xi32> to vector<16xi32>
      %gather3A_784 = tpu.dynamic_gather %add3A_781[%gather3A_783] in [0] : vector<16xf32>, vector<16xi32> -> vector<16xf32>
      %add3A_785 = arith.addf %add3A_781, %gather3A_784 : vector<16xf32>
      %broadcast_in_dim3A_786 = vector.shape_cast %and3A_73 : vector<16xi32> to vector<16x1xi32>
      %gather3A_787 = vector.shape_cast %broadcast_in_dim3A_786 : vector<16x1xi32> to vector<16xi32>
      %gather3A_788 = tpu.dynamic_gather %add3A_785[%gather3A_787] in [0] : vector<16xf32>, vector<16xi32> -> vector<16xf32>
      %add3A_789 = arith.addf %add3A_785, %gather3A_788 : vector<16xf32>
      %mul3A_790 = vector.broadcast %scan3A_80 : f32 to vector<16xf32>
      %mul3A_791 = arith.mulf %add3A_789, %mul3A_790 : vector<16xf32>
      %shift_right_arithmetic3A_792 = arith.constant 1 : i32
      %shift_right_arithmetic3A_793 = vector.broadcast %shift_right_arithmetic3A_792 : i32 to vector<16xi32>
      %shift_right_arithmetic3A_794 = arith.shrsi %iota3A, %shift_right_arithmetic3A_793 : vector<16xi32>
      %eq3A_795 = arith.constant 7 : i32
      %eq3A_796 = vector.broadcast %eq3A_795 : i32 to vector<16xi32>
      %eq3A_797 = arith.cmpi eq, %shift_right_arithmetic3A_794, %eq3A_796 : vector<16xi32>
      %jit3A_798 = arith.constant 0.000000e+00 : f32
      %broadcast_in_dim3A_799 = vector.broadcast %jit3A_798 : f32 to vector<16xf32>
      %select_n3A_800 = arith.select %eq3A_797, %mul3A_791, %broadcast_in_dim3A_799 : vector<16xi1>, vector<16xf32>
      %add3A_801 = arith.addf %add3A_747, %select_n3A_800 : vector<16xf32>
      %mul3A_802 = arith.constant 16 : i32
      %mul3A_803 = arith.muli %scan3A_129, %mul3A_802 : i32
      %swap3A = arith.index_cast %mul3A_803 : i32 to index
      %swap3A_804 = tpu.vector_load %arg9[%swap3A] {strides = array<i32>} : memref<1024xf32, #tpu.memory_space<vmem>>, vector<16xf32>,
      tpu.vector_store %arg9[%swap3A], %add3A_801 {strides = array<i32>} : memref<1024xf32, #tpu.memory_space<vmem>>, vector<16xf32>,
    }
    %scan3A_85 = arith.constant 16 : i32
    %dma_wait3A_86 = arith.constant 6400 : i32
    %dma_wait3A_87 = tpu.memref_slice %arg7[%dma_wait3A_86] : memref<25600xf32, #tpu.memory_space<vmem>> -> memref<6400xf32, #tpu.memory_space<vmem>>
    %dma_wait3A_88 = arith.constant 6400 : i32
    %dma_wait3A_89 = tpu.memref_slice %arg6[%dma_wait3A_88] : memref<25600xi32, #tpu.memory_space<vmem>> -> memref<6400xi32, #tpu.memory_space<vmem>>
    %dma_wait3A_90 = arith.constant 0 : i32
    %dma_wait3A_91 = tpu.memref_slice %arg10[%dma_wait3A_90] : memref<1000000xf32, #tpu.memory_space<vmem_shared>> -> memref<1000000xf32, #tpu.memory_space<vmem_shared>>
    tpu.wait_indirect_dma semaphore(%arg11 : memref<!tpu.dma_semaphore, #tpu.memory_space<semaphore_mem>>) src(%dma_wait3A_91 : memref<1000000xf32, #tpu.memory_space<vmem_shared>>) dst(%dma_wait3A_87 : memref<6400xf32, #tpu.memory_space<vmem>>)
    %scan3A_92 = arith.constant 0 : i32
    %scan3A_93 = arith.constant 2.000000e-02 : f32
    %scan3A_94 = arith.constant 16 : i32
    %scan3A_95 = arith.constant 16 : i32
    %scan3A_96 = arith.addi %scan3A_94, %scan3A_95 : i32
    %scan3A_97 = arith.constant 1 : i32
    scf.for %scan3A_129 = %scan3A_94 to %scan3A_96 step %scan3A_97  : i32 {
      %mul3A_130 = arith.constant 400 : i32
      %mul3A_131 = arith.muli %scan3A_129, %mul3A_130 : i32
      %add3A_132 = arith.constant 0 : i32
      %add3A_133 = arith.addi %mul3A_131, %add3A_132 : i32
      %get3A_134 = arith.index_cast %add3A_133 : i32 to index
      %get3A_135 = tpu.vector_load %arg7[%get3A_134] {strides = array<i32>} : memref<25600xf32, #tpu.memory_space<vmem>>, vector<16xf32>,
      %bitcast3A = vector.bitcast %get3A_135 : vector<16xf32> to vector<32xbf16>
      %unpack3A = tpu.unpack_subelements %bitcast3A, 0 {pack_format = #tpu.pack_format<interleaved>} : vector<32xbf16> -> vector<16xf32>
      %unpack3A_136 = tpu.unpack_subelements %bitcast3A, 1 {pack_format = #tpu.pack_format<interleaved>} : vector<32xbf16> -> vector<16xf32>
      %add3A_137 = arith.constant 16 : i32
      %add3A_138 = arith.addi %mul3A_131, %add3A_137 : i32
      %get3A_139 = arith.index_cast %add3A_138 : i32 to index
      %get3A_140 = tpu.vector_load %arg7[%get3A_139] {strides = array<i32>} : memref<25600xf32, #tpu.memory_space<vmem>>, vector<16xf32>,
      %bitcast3A_141 = vector.bitcast %get3A_140 : vector<16xf32> to vector<32xbf16>
      %unpack3A_142 = tpu.unpack_subelements %bitcast3A_141, 0 {pack_format = #tpu.pack_format<interleaved>} : vector<32xbf16> -> vector<16xf32>
      %unpack3A_143 = tpu.unpack_subelements %bitcast3A_141, 1 {pack_format = #tpu.pack_format<interleaved>} : vector<32xbf16> -> vector<16xf32>
      %add3A_144 = arith.constant 32 : i32
      %add3A_145 = arith.addi %mul3A_131, %add3A_144 : i32
      %get3A_146 = arith.index_cast %add3A_145 : i32 to index
      %get3A_147 = tpu.vector_load %arg7[%get3A_146] {strides = array<i32>} : memref<25600xf32, #tpu.memory_space<vmem>>, vector<16xf32>,
      %bitcast3A_148 = vector.bitcast %get3A_147 : vector<16xf32> to vector<32xbf16>
      %unpack3A_149 = tpu.unpack_subelements %bitcast3A_148, 0 {pack_format = #tpu.pack_format<interleaved>} : vector<32xbf16> -> vector<16xf32>
      %unpack3A_150 = tpu.unpack_subelements %bitcast3A_148, 1 {pack_format = #tpu.pack_format<interleaved>} : vector<32xbf16> -> vector<16xf32>
      %add3A_151 = arith.constant 48 : i32
      %add3A_152 = arith.addi %mul3A_131, %add3A_151 : i32
      %get3A_153 = arith.index_cast %add3A_152 : i32 to index
      %get3A_154 = tpu.vector_load %arg7[%get3A_153] {strides = array<i32>} : memref<25600xf32, #tpu.memory_space<vmem>>, vector<16xf32>,
      %bitcast3A_155 = vector.bitcast %get3A_154 : vector<16xf32> to vector<32xbf16>
      %unpack3A_156 = tpu.unpack_subelements %bitcast3A_155, 0 {pack_format = #tpu.pack_format<interleaved>} : vector<32xbf16> -> vector<16xf32>
      %unpack3A_157 = tpu.unpack_subelements %bitcast3A_155, 1 {pack_format = #tpu.pack_format<interleaved>} : vector<32xbf16> -> vector<16xf32>
      %add3A_158 = arith.constant 64 : i32
      %add3A_159 = arith.addi %mul3A_131, %add3A_158 : i32
      %get3A_160 = arith.index_cast %add3A_159 : i32 to index
      %get3A_161 = tpu.vector_load %arg7[%get3A_160] {strides = array<i32>} : memref<25600xf32, #tpu.memory_space<vmem>>, vector<16xf32>,
      %bitcast3A_162 = vector.bitcast %get3A_161 : vector<16xf32> to vector<32xbf16>
      %unpack3A_163 = tpu.unpack_subelements %bitcast3A_162, 0 {pack_format = #tpu.pack_format<interleaved>} : vector<32xbf16> -> vector<16xf32>
      %unpack3A_164 = tpu.unpack_subelements %bitcast3A_162, 1 {pack_format = #tpu.pack_format<interleaved>} : vector<32xbf16> -> vector<16xf32>
      %add3A_165 = arith.constant 80 : i32
      %add3A_166 = arith.addi %mul3A_131, %add3A_165 : i32
      %get3A_167 = arith.index_cast %add3A_166 : i32 to index
      %get3A_168 = tpu.vector_load %arg7[%get3A_167] {strides = array<i32>} : memref<25600xf32, #tpu.memory_space<vmem>>, vector<16xf32>,
      %bitcast3A_169 = vector.bitcast %get3A_168 : vector<16xf32> to vector<32xbf16>
      %unpack3A_170 = tpu.unpack_subelements %bitcast3A_169, 0 {pack_format = #tpu.pack_format<interleaved>} : vector<32xbf16> -> vector<16xf32>
      %unpack3A_171 = tpu.unpack_subelements %bitcast3A_169, 1 {pack_format = #tpu.pack_format<interleaved>} : vector<32xbf16> -> vector<16xf32>
      %add3A_172 = arith.constant 96 : i32
      %add3A_173 = arith.addi %mul3A_131, %add3A_172 : i32
      %get3A_174 = arith.index_cast %add3A_173 : i32 to index
      %get3A_175 = tpu.vector_load %arg7[%get3A_174] {strides = array<i32>} : memref<25600xf32, #tpu.memory_space<vmem>>, vector<16xf32>,
      %bitcast3A_176 = vector.bitcast %get3A_175 : vector<16xf32> to vector<32xbf16>
      %unpack3A_177 = tpu.unpack_subelements %bitcast3A_176, 0 {pack_format = #tpu.pack_format<interleaved>} : vector<32xbf16> -> vector<16xf32>
      %unpack3A_178 = tpu.unpack_subelements %bitcast3A_176, 1 {pack_format = #tpu.pack_format<interleaved>} : vector<32xbf16> -> vector<16xf32>
      %add3A_179 = arith.constant 112 : i32
      %add3A_180 = arith.addi %mul3A_131, %add3A_179 : i32
      %get3A_181 = arith.index_cast %add3A_180 : i32 to index
      %get3A_182 = tpu.vector_load %arg7[%get3A_181] {strides = array<i32>} : memref<25600xf32, #tpu.memory_space<vmem>>, vector<16xf32>,
      %bitcast3A_183 = vector.bitcast %get3A_182 : vector<16xf32> to vector<32xbf16>
      %unpack3A_184 = tpu.unpack_subelements %bitcast3A_183, 0 {pack_format = #tpu.pack_format<interleaved>} : vector<32xbf16> -> vector<16xf32>
      %unpack3A_185 = tpu.unpack_subelements %bitcast3A_183, 1 {pack_format = #tpu.pack_format<interleaved>} : vector<32xbf16> -> vector<16xf32>
      %add3A_186 = arith.constant 128 : i32
      %add3A_187 = arith.addi %mul3A_131, %add3A_186 : i32
      %get3A_188 = arith.index_cast %add3A_187 : i32 to index
      %get3A_189 = tpu.vector_load %arg7[%get3A_188] {strides = array<i32>} : memref<25600xf32, #tpu.memory_space<vmem>>, vector<16xf32>,
      %bitcast3A_190 = vector.bitcast %get3A_189 : vector<16xf32> to vector<32xbf16>
      %unpack3A_191 = tpu.unpack_subelements %bitcast3A_190, 0 {pack_format = #tpu.pack_format<interleaved>} : vector<32xbf16> -> vector<16xf32>
      %unpack3A_192 = tpu.unpack_subelements %bitcast3A_190, 1 {pack_format = #tpu.pack_format<interleaved>} : vector<32xbf16> -> vector<16xf32>
      %add3A_193 = arith.constant 144 : i32
      %add3A_194 = arith.addi %mul3A_131, %add3A_193 : i32
      %get3A_195 = arith.index_cast %add3A_194 : i32 to index
      %get3A_196 = tpu.vector_load %arg7[%get3A_195] {strides = array<i32>} : memref<25600xf32, #tpu.memory_space<vmem>>, vector<16xf32>,
      %bitcast3A_197 = vector.bitcast %get3A_196 : vector<16xf32> to vector<32xbf16>
      %unpack3A_198 = tpu.unpack_subelements %bitcast3A_197, 0 {pack_format = #tpu.pack_format<interleaved>} : vector<32xbf16> -> vector<16xf32>
      %unpack3A_199 = tpu.unpack_subelements %bitcast3A_197, 1 {pack_format = #tpu.pack_format<interleaved>} : vector<32xbf16> -> vector<16xf32>
      %add3A_200 = arith.constant 160 : i32
      %add3A_201 = arith.addi %mul3A_131, %add3A_200 : i32
      %get3A_202 = arith.index_cast %add3A_201 : i32 to index
      %get3A_203 = tpu.vector_load %arg7[%get3A_202] {strides = array<i32>} : memref<25600xf32, #tpu.memory_space<vmem>>, vector<16xf32>,
      %bitcast3A_204 = vector.bitcast %get3A_203 : vector<16xf32> to vector<32xbf16>
      %unpack3A_205 = tpu.unpack_subelements %bitcast3A_204, 0 {pack_format = #tpu.pack_format<interleaved>} : vector<32xbf16> -> vector<16xf32>
      %unpack3A_206 = tpu.unpack_subelements %bitcast3A_204, 1 {pack_format = #tpu.pack_format<interleaved>} : vector<32xbf16> -> vector<16xf32>
      %add3A_207 = arith.constant 176 : i32
      %add3A_208 = arith.addi %mul3A_131, %add3A_207 : i32
      %get3A_209 = arith.index_cast %add3A_208 : i32 to index
      %get3A_210 = tpu.vector_load %arg7[%get3A_209] {strides = array<i32>} : memref<25600xf32, #tpu.memory_space<vmem>>, vector<16xf32>,
      %bitcast3A_211 = vector.bitcast %get3A_210 : vector<16xf32> to vector<32xbf16>
      %unpack3A_212 = tpu.unpack_subelements %bitcast3A_211, 0 {pack_format = #tpu.pack_format<interleaved>} : vector<32xbf16> -> vector<16xf32>
      %unpack3A_213 = tpu.unpack_subelements %bitcast3A_211, 1 {pack_format = #tpu.pack_format<interleaved>} : vector<32xbf16> -> vector<16xf32>
      %add3A_214 = arith.constant 192 : i32
      %add3A_215 = arith.addi %mul3A_131, %add3A_214 : i32
      %get3A_216 = arith.index_cast %add3A_215 : i32 to index
      %get3A_217 = tpu.vector_load %arg7[%get3A_216] {strides = array<i32>} : memref<25600xf32, #tpu.memory_space<vmem>>, vector<16xf32>,
      %bitcast3A_218 = vector.bitcast %get3A_217 : vector<16xf32> to vector<32xbf16>
      %unpack3A_219 = tpu.unpack_subelements %bitcast3A_218, 0 {pack_format = #tpu.pack_format<interleaved>} : vector<32xbf16> -> vector<16xf32>
      %unpack3A_220 = tpu.unpack_subelements %bitcast3A_218, 1 {pack_format = #tpu.pack_format<interleaved>} : vector<32xbf16> -> vector<16xf32>
      %add3A_221 = arith.constant 208 : i32
      %add3A_222 = arith.addi %mul3A_131, %add3A_221 : i32
      %get3A_223 = arith.index_cast %add3A_222 : i32 to index
      %get3A_224 = tpu.vector_load %arg7[%get3A_223] {strides = array<i32>} : memref<25600xf32, #tpu.memory_space<vmem>>, vector<16xf32>,
      %bitcast3A_225 = vector.bitcast %get3A_224 : vector<16xf32> to vector<32xbf16>
      %unpack3A_226 = tpu.unpack_subelements %bitcast3A_225, 0 {pack_format = #tpu.pack_format<interleaved>} : vector<32xbf16> -> vector<16xf32>
      %unpack3A_227 = tpu.unpack_subelements %bitcast3A_225, 1 {pack_format = #tpu.pack_format<interleaved>} : vector<32xbf16> -> vector<16xf32>
      %add3A_228 = arith.constant 224 : i32
      %add3A_229 = arith.addi %mul3A_131, %add3A_228 : i32
      %get3A_230 = arith.index_cast %add3A_229 : i32 to index
      %get3A_231 = tpu.vector_load %arg7[%get3A_230] {strides = array<i32>} : memref<25600xf32, #tpu.memory_space<vmem>>, vector<16xf32>,
      %bitcast3A_232 = vector.bitcast %get3A_231 : vector<16xf32> to vector<32xbf16>
      %unpack3A_233 = tpu.unpack_subelements %bitcast3A_232, 0 {pack_format = #tpu.pack_format<interleaved>} : vector<32xbf16> -> vector<16xf32>
      %unpack3A_234 = tpu.unpack_subelements %bitcast3A_232, 1 {pack_format = #tpu.pack_format<interleaved>} : vector<32xbf16> -> vector<16xf32>
      %add3A_235 = arith.constant 240 : i32
      %add3A_236 = arith.addi %mul3A_131, %add3A_235 : i32
      %get3A_237 = arith.index_cast %add3A_236 : i32 to index
      %get3A_238 = tpu.vector_load %arg7[%get3A_237] {strides = array<i32>} : memref<25600xf32, #tpu.memory_space<vmem>>, vector<16xf32>,
      %bitcast3A_239 = vector.bitcast %get3A_238 : vector<16xf32> to vector<32xbf16>
      %unpack3A_240 = tpu.unpack_subelements %bitcast3A_239, 0 {pack_format = #tpu.pack_format<interleaved>} : vector<32xbf16> -> vector<16xf32>
      %unpack3A_241 = tpu.unpack_subelements %bitcast3A_239, 1 {pack_format = #tpu.pack_format<interleaved>} : vector<32xbf16> -> vector<16xf32>
      %add3A_242 = arith.constant 256 : i32
      %add3A_243 = arith.addi %mul3A_131, %add3A_242 : i32
      %get3A_244 = arith.index_cast %add3A_243 : i32 to index
      %get3A_245 = tpu.vector_load %arg7[%get3A_244] {strides = array<i32>} : memref<25600xf32, #tpu.memory_space<vmem>>, vector<16xf32>,
      %bitcast3A_246 = vector.bitcast %get3A_245 : vector<16xf32> to vector<32xbf16>
      %unpack3A_247 = tpu.unpack_subelements %bitcast3A_246, 0 {pack_format = #tpu.pack_format<interleaved>} : vector<32xbf16> -> vector<16xf32>
      %unpack3A_248 = tpu.unpack_subelements %bitcast3A_246, 1 {pack_format = #tpu.pack_format<interleaved>} : vector<32xbf16> -> vector<16xf32>
      %add3A_249 = arith.constant 272 : i32
      %add3A_250 = arith.addi %mul3A_131, %add3A_249 : i32
      %get3A_251 = arith.index_cast %add3A_250 : i32 to index
      %get3A_252 = tpu.vector_load %arg7[%get3A_251] {strides = array<i32>} : memref<25600xf32, #tpu.memory_space<vmem>>, vector<16xf32>,
      %bitcast3A_253 = vector.bitcast %get3A_252 : vector<16xf32> to vector<32xbf16>
      %unpack3A_254 = tpu.unpack_subelements %bitcast3A_253, 0 {pack_format = #tpu.pack_format<interleaved>} : vector<32xbf16> -> vector<16xf32>
      %unpack3A_255 = tpu.unpack_subelements %bitcast3A_253, 1 {pack_format = #tpu.pack_format<interleaved>} : vector<32xbf16> -> vector<16xf32>
      %add3A_256 = arith.constant 288 : i32
      %add3A_257 = arith.addi %mul3A_131, %add3A_256 : i32
      %get3A_258 = arith.index_cast %add3A_257 : i32 to index
      %get3A_259 = tpu.vector_load %arg7[%get3A_258] {strides = array<i32>} : memref<25600xf32, #tpu.memory_space<vmem>>, vector<16xf32>,
      %bitcast3A_260 = vector.bitcast %get3A_259 : vector<16xf32> to vector<32xbf16>
      %unpack3A_261 = tpu.unpack_subelements %bitcast3A_260, 0 {pack_format = #tpu.pack_format<interleaved>} : vector<32xbf16> -> vector<16xf32>
      %unpack3A_262 = tpu.unpack_subelements %bitcast3A_260, 1 {pack_format = #tpu.pack_format<interleaved>} : vector<32xbf16> -> vector<16xf32>
      %add3A_263 = arith.constant 304 : i32
      %add3A_264 = arith.addi %mul3A_131, %add3A_263 : i32
      %get3A_265 = arith.index_cast %add3A_264 : i32 to index
      %get3A_266 = tpu.vector_load %arg7[%get3A_265] {strides = array<i32>} : memref<25600xf32, #tpu.memory_space<vmem>>, vector<16xf32>,
      %bitcast3A_267 = vector.bitcast %get3A_266 : vector<16xf32> to vector<32xbf16>
      %unpack3A_268 = tpu.unpack_subelements %bitcast3A_267, 0 {pack_format = #tpu.pack_format<interleaved>} : vector<32xbf16> -> vector<16xf32>
      %unpack3A_269 = tpu.unpack_subelements %bitcast3A_267, 1 {pack_format = #tpu.pack_format<interleaved>} : vector<32xbf16> -> vector<16xf32>
      %add3A_270 = arith.constant 320 : i32
      %add3A_271 = arith.addi %mul3A_131, %add3A_270 : i32
      %get3A_272 = arith.index_cast %add3A_271 : i32 to index
      %get3A_273 = tpu.vector_load %arg7[%get3A_272] {strides = array<i32>} : memref<25600xf32, #tpu.memory_space<vmem>>, vector<16xf32>,
      %bitcast3A_274 = vector.bitcast %get3A_273 : vector<16xf32> to vector<32xbf16>
      %unpack3A_275 = tpu.unpack_subelements %bitcast3A_274, 0 {pack_format = #tpu.pack_format<interleaved>} : vector<32xbf16> -> vector<16xf32>
      %unpack3A_276 = tpu.unpack_subelements %bitcast3A_274, 1 {pack_format = #tpu.pack_format<interleaved>} : vector<32xbf16> -> vector<16xf32>
      %add3A_277 = arith.constant 336 : i32
      %add3A_278 = arith.addi %mul3A_131, %add3A_277 : i32
      %get3A_279 = arith.index_cast %add3A_278 : i32 to index
      %get3A_280 = tpu.vector_load %arg7[%get3A_279] {strides = array<i32>} : memref<25600xf32, #tpu.memory_space<vmem>>, vector<16xf32>,
      %bitcast3A_281 = vector.bitcast %get3A_280 : vector<16xf32> to vector<32xbf16>
      %unpack3A_282 = tpu.unpack_subelements %bitcast3A_281, 0 {pack_format = #tpu.pack_format<interleaved>} : vector<32xbf16> -> vector<16xf32>
      %unpack3A_283 = tpu.unpack_subelements %bitcast3A_281, 1 {pack_format = #tpu.pack_format<interleaved>} : vector<32xbf16> -> vector<16xf32>
      %add3A_284 = arith.constant 352 : i32
      %add3A_285 = arith.addi %mul3A_131, %add3A_284 : i32
      %get3A_286 = arith.index_cast %add3A_285 : i32 to index
      %get3A_287 = tpu.vector_load %arg7[%get3A_286] {strides = array<i32>} : memref<25600xf32, #tpu.memory_space<vmem>>, vector<16xf32>,
      %bitcast3A_288 = vector.bitcast %get3A_287 : vector<16xf32> to vector<32xbf16>
      %unpack3A_289 = tpu.unpack_subelements %bitcast3A_288, 0 {pack_format = #tpu.pack_format<interleaved>} : vector<32xbf16> -> vector<16xf32>
      %unpack3A_290 = tpu.unpack_subelements %bitcast3A_288, 1 {pack_format = #tpu.pack_format<interleaved>} : vector<32xbf16> -> vector<16xf32>
      %add3A_291 = arith.constant 368 : i32
      %add3A_292 = arith.addi %mul3A_131, %add3A_291 : i32
      %get3A_293 = arith.index_cast %add3A_292 : i32 to index
      %get3A_294 = tpu.vector_load %arg7[%get3A_293] {strides = array<i32>} : memref<25600xf32, #tpu.memory_space<vmem>>, vector<16xf32>,
      %bitcast3A_295 = vector.bitcast %get3A_294 : vector<16xf32> to vector<32xbf16>
      %unpack3A_296 = tpu.unpack_subelements %bitcast3A_295, 0 {pack_format = #tpu.pack_format<interleaved>} : vector<32xbf16> -> vector<16xf32>
      %unpack3A_297 = tpu.unpack_subelements %bitcast3A_295, 1 {pack_format = #tpu.pack_format<interleaved>} : vector<32xbf16> -> vector<16xf32>
      %add3A_298 = arith.constant 384 : i32
      %add3A_299 = arith.addi %mul3A_131, %add3A_298 : i32
      %get3A_300 = arith.index_cast %add3A_299 : i32 to index
      %get3A_301 = tpu.vector_load %arg7[%get3A_300] {strides = array<i32>} : memref<25600xf32, #tpu.memory_space<vmem>>, vector<16xf32>,
      %bitcast3A_302 = vector.bitcast %get3A_301 : vector<16xf32> to vector<32xbf16>
      %unpack3A_303 = tpu.unpack_subelements %bitcast3A_302, 0 {pack_format = #tpu.pack_format<interleaved>} : vector<32xbf16> -> vector<16xf32>
      %unpack3A_304 = tpu.unpack_subelements %bitcast3A_302, 1 {pack_format = #tpu.pack_format<interleaved>} : vector<32xbf16> -> vector<16xf32>
      %add3A_305 = arith.addf %unpack3A_142, %unpack3A_149 : vector<16xf32>
      %add3A_306 = arith.addf %unpack3A_143, %unpack3A_150 : vector<16xf32>
      %add3A_307 = arith.addf %add3A_305, %unpack3A : vector<16xf32>
      %add3A_308 = arith.addf %add3A_306, %unpack3A_136 : vector<16xf32>
      %lt3A = arith.constant 2 : i32
      %lt3A_309 = vector.broadcast %lt3A : i32 to vector<16xi32>
      %lt3A_310 = arith.cmpi slt, %iota3A, %lt3A_309 : vector<16xi32>
      %jit3A = arith.constant 0.000000e+00 : f32
      %broadcast_in_dim3A = vector.broadcast %jit3A : f32 to vector<16xf32>
      %select_n3A = arith.select %lt3A_310, %unpack3A_156, %broadcast_in_dim3A : vector<16xi1>, vector<16xf32>
      %add3A_311 = arith.addf %add3A_307, %select_n3A : vector<16xf32>
      %lt3A_312 = arith.constant 2 : i32
      %lt3A_313 = vector.broadcast %lt3A_312 : i32 to vector<16xi32>
      %lt3A_314 = arith.cmpi slt, %iota3A, %lt3A_313 : vector<16xi32>
      %jit3A_315 = arith.constant 0.000000e+00 : f32
      %broadcast_in_dim3A_316 = vector.broadcast %jit3A_315 : f32 to vector<16xf32>
      %select_n3A_317 = arith.select %lt3A_314, %unpack3A_157, %broadcast_in_dim3A_316 : vector<16xi1>, vector<16xf32>
      %add3A_318 = arith.addf %add3A_308, %select_n3A_317 : vector<16xf32>
      %broadcast_in_dim3A_319 = vector.shape_cast %and3A_50 : vector<16xi32> to vector<16x1xi32>
      %gather3A = vector.shape_cast %broadcast_in_dim3A_319 : vector<16x1xi32> to vector<16xi32>
      %gather3A_320 = tpu.dynamic_gather %add3A_311[%gather3A] in [0] : vector<16xf32>, vector<16xi32> -> vector<16xf32>
      %add3A_321 = arith.addf %add3A_311, %gather3A_320 : vector<16xf32>
      %broadcast_in_dim3A_322 = vector.shape_cast %and3A_50 : vector<16xi32> to vector<16x1xi32>
      %gather3A_323 = vector.shape_cast %broadcast_in_dim3A_322 : vector<16x1xi32> to vector<16xi32>
      %gather3A_324 = tpu.dynamic_gather %add3A_318[%gather3A_323] in [0] : vector<16xf32>, vector<16xi32> -> vector<16xf32>
      %add3A_325 = arith.addf %add3A_318, %gather3A_324 : vector<16xf32>
      %broadcast_in_dim3A_326 = vector.shape_cast %and3A_55 : vector<16xi32> to vector<16x1xi32>
      %gather3A_327 = vector.shape_cast %broadcast_in_dim3A_326 : vector<16x1xi32> to vector<16xi32>
      %gather3A_328 = tpu.dynamic_gather %add3A_325[%gather3A_327] in [0] : vector<16xf32>, vector<16xi32> -> vector<16xf32>
      %select_n3A_329 = arith.select %eq3A_44, %add3A_321, %gather3A_328 : vector<16xi1>, vector<16xf32>
      %broadcast_in_dim3A_330 = vector.shape_cast %and3A_61 : vector<16xi32> to vector<16x1xi32>
      %gather3A_331 = vector.shape_cast %broadcast_in_dim3A_330 : vector<16x1xi32> to vector<16xi32>
      %gather3A_332 = tpu.dynamic_gather %select_n3A_329[%gather3A_331] in [0] : vector<16xf32>, vector<16xi32> -> vector<16xf32>
      %add3A_333 = arith.addf %select_n3A_329, %gather3A_332 : vector<16xf32>
      %broadcast_in_dim3A_334 = vector.shape_cast %and3A_67 : vector<16xi32> to vector<16x1xi32>
      %gather3A_335 = vector.shape_cast %broadcast_in_dim3A_334 : vector<16x1xi32> to vector<16xi32>
      %gather3A_336 = tpu.dynamic_gather %add3A_333[%gather3A_335] in [0] : vector<16xf32>, vector<16xi32> -> vector<16xf32>
      %add3A_337 = arith.addf %add3A_333, %gather3A_336 : vector<16xf32>
      %broadcast_in_dim3A_338 = vector.shape_cast %and3A_73 : vector<16xi32> to vector<16x1xi32>
      %gather3A_339 = vector.shape_cast %broadcast_in_dim3A_338 : vector<16x1xi32> to vector<16xi32>
      %gather3A_340 = tpu.dynamic_gather %add3A_337[%gather3A_339] in [0] : vector<16xf32>, vector<16xi32> -> vector<16xf32>
      %add3A_341 = arith.addf %add3A_337, %gather3A_340 : vector<16xf32>
      %mul3A_342 = vector.broadcast %scan3A_93 : f32 to vector<16xf32>
      %mul3A_343 = arith.mulf %add3A_341, %mul3A_342 : vector<16xf32>
      %shift_right_arithmetic3A = arith.constant 1 : i32
      %shift_right_arithmetic3A_344 = vector.broadcast %shift_right_arithmetic3A : i32 to vector<16xi32>
      %shift_right_arithmetic3A_345 = arith.shrsi %iota3A, %shift_right_arithmetic3A_344 : vector<16xi32>
      %eq3A_346 = arith.constant 0 : i32
      %eq3A_347 = vector.broadcast %eq3A_346 : i32 to vector<16xi32>
      %eq3A_348 = arith.cmpi eq, %shift_right_arithmetic3A_345, %eq3A_347 : vector<16xi32>
      %jit3A_349 = arith.constant 0.000000e+00 : f32
      %broadcast_in_dim3A_350 = vector.broadcast %jit3A_349 : f32 to vector<16xf32>
      %select_n3A_351 = arith.select %eq3A_348, %mul3A_343, %broadcast_in_dim3A_350 : vector<16xi1>, vector<16xf32>
      %add3A_352 = arith.addf %get3A_39, %select_n3A_351 : vector<16xf32>
      %add3A_353 = arith.addf %unpack3A_163, %unpack3A_170 : vector<16xf32>
      %add3A_354 = arith.addf %unpack3A_164, %unpack3A_171 : vector<16xf32>
      %ge3A = arith.constant 2 : i32
      %ge3A_355 = vector.broadcast %ge3A : i32 to vector<16xi32>
      %ge3A_356 = arith.cmpi sge, %iota3A, %ge3A_355 : vector<16xi32>
      %jit3A_357 = arith.constant 0.000000e+00 : f32
      %broadcast_in_dim3A_358 = vector.broadcast %jit3A_357 : f32 to vector<16xf32>
      %select_n3A_359 = arith.select %ge3A_356, %unpack3A_156, %broadcast_in_dim3A_358 : vector<16xi1>, vector<16xf32>
      %add3A_360 = arith.addf %add3A_353, %select_n3A_359 : vector<16xf32>
      %ge3A_361 = arith.constant 2 : i32
      %ge3A_362 = vector.broadcast %ge3A_361 : i32 to vector<16xi32>
      %ge3A_363 = arith.cmpi sge, %iota3A, %ge3A_362 : vector<16xi32>
      %jit3A_364 = arith.constant 0.000000e+00 : f32
      %broadcast_in_dim3A_365 = vector.broadcast %jit3A_364 : f32 to vector<16xf32>
      %select_n3A_366 = arith.select %ge3A_363, %unpack3A_157, %broadcast_in_dim3A_365 : vector<16xi1>, vector<16xf32>
      %add3A_367 = arith.addf %add3A_354, %select_n3A_366 : vector<16xf32>
      %lt3A_368 = arith.constant 4 : i32
      %lt3A_369 = vector.broadcast %lt3A_368 : i32 to vector<16xi32>
      %lt3A_370 = arith.cmpi slt, %iota3A, %lt3A_369 : vector<16xi32>
      %jit3A_371 = arith.constant 0.000000e+00 : f32
      %broadcast_in_dim3A_372 = vector.broadcast %jit3A_371 : f32 to vector<16xf32>
      %select_n3A_373 = arith.select %lt3A_370, %unpack3A_177, %broadcast_in_dim3A_372 : vector<16xi1>, vector<16xf32>
      %add3A_374 = arith.addf %add3A_360, %select_n3A_373 : vector<16xf32>
      %lt3A_375 = arith.constant 4 : i32
      %lt3A_376 = vector.broadcast %lt3A_375 : i32 to vector<16xi32>
      %lt3A_377 = arith.cmpi slt, %iota3A, %lt3A_376 : vector<16xi32>
      %jit3A_378 = arith.constant 0.000000e+00 : f32
      %broadcast_in_dim3A_379 = vector.broadcast %jit3A_378 : f32 to vector<16xf32>
      %select_n3A_380 = arith.select %lt3A_377, %unpack3A_178, %broadcast_in_dim3A_379 : vector<16xi1>, vector<16xf32>
      %add3A_381 = arith.addf %add3A_367, %select_n3A_380 : vector<16xf32>
      %broadcast_in_dim3A_382 = vector.shape_cast %and3A_50 : vector<16xi32> to vector<16x1xi32>
      %gather3A_383 = vector.shape_cast %broadcast_in_dim3A_382 : vector<16x1xi32> to vector<16xi32>
      %gather3A_384 = tpu.dynamic_gather %add3A_374[%gather3A_383] in [0] : vector<16xf32>, vector<16xi32> -> vector<16xf32>
      %add3A_385 = arith.addf %add3A_374, %gather3A_384 : vector<16xf32>
      %broadcast_in_dim3A_386 = vector.shape_cast %and3A_50 : vector<16xi32> to vector<16x1xi32>
      %gather3A_387 = vector.shape_cast %broadcast_in_dim3A_386 : vector<16x1xi32> to vector<16xi32>
      %gather3A_388 = tpu.dynamic_gather %add3A_381[%gather3A_387] in [0] : vector<16xf32>, vector<16xi32> -> vector<16xf32>
      %add3A_389 = arith.addf %add3A_381, %gather3A_388 : vector<16xf32>
      %broadcast_in_dim3A_390 = vector.shape_cast %and3A_55 : vector<16xi32> to vector<16x1xi32>
      %gather3A_391 = vector.shape_cast %broadcast_in_dim3A_390 : vector<16x1xi32> to vector<16xi32>
      %gather3A_392 = tpu.dynamic_gather %add3A_389[%gather3A_391] in [0] : vector<16xf32>, vector<16xi32> -> vector<16xf32>
      %select_n3A_393 = arith.select %eq3A_44, %add3A_385, %gather3A_392 : vector<16xi1>, vector<16xf32>
      %broadcast_in_dim3A_394 = vector.shape_cast %and3A_61 : vector<16xi32> to vector<16x1xi32>
      %gather3A_395 = vector.shape_cast %broadcast_in_dim3A_394 : vector<16x1xi32> to vector<16xi32>
      %gather3A_396 = tpu.dynamic_gather %select_n3A_393[%gather3A_395] in [0] : vector<16xf32>, vector<16xi32> -> vector<16xf32>
      %add3A_397 = arith.addf %select_n3A_393, %gather3A_396 : vector<16xf32>
      %broadcast_in_dim3A_398 = vector.shape_cast %and3A_67 : vector<16xi32> to vector<16x1xi32>
      %gather3A_399 = vector.shape_cast %broadcast_in_dim3A_398 : vector<16x1xi32> to vector<16xi32>
      %gather3A_400 = tpu.dynamic_gather %add3A_397[%gather3A_399] in [0] : vector<16xf32>, vector<16xi32> -> vector<16xf32>
      %add3A_401 = arith.addf %add3A_397, %gather3A_400 : vector<16xf32>
      %broadcast_in_dim3A_402 = vector.shape_cast %and3A_73 : vector<16xi32> to vector<16x1xi32>
      %gather3A_403 = vector.shape_cast %broadcast_in_dim3A_402 : vector<16x1xi32> to vector<16xi32>
      %gather3A_404 = tpu.dynamic_gather %add3A_401[%gather3A_403] in [0] : vector<16xf32>, vector<16xi32> -> vector<16xf32>
      %add3A_405 = arith.addf %add3A_401, %gather3A_404 : vector<16xf32>
      %mul3A_406 = vector.broadcast %scan3A_93 : f32 to vector<16xf32>
      %mul3A_407 = arith.mulf %add3A_405, %mul3A_406 : vector<16xf32>
      %shift_right_arithmetic3A_408 = arith.constant 1 : i32
      %shift_right_arithmetic3A_409 = vector.broadcast %shift_right_arithmetic3A_408 : i32 to vector<16xi32>
      %shift_right_arithmetic3A_410 = arith.shrsi %iota3A, %shift_right_arithmetic3A_409 : vector<16xi32>
      %eq3A_411 = arith.constant 1 : i32
      %eq3A_412 = vector.broadcast %eq3A_411 : i32 to vector<16xi32>
      %eq3A_413 = arith.cmpi eq, %shift_right_arithmetic3A_410, %eq3A_412 : vector<16xi32>
      %jit3A_414 = arith.constant 0.000000e+00 : f32
      %broadcast_in_dim3A_415 = vector.broadcast %jit3A_414 : f32 to vector<16xf32>
      %select_n3A_416 = arith.select %eq3A_413, %mul3A_407, %broadcast_in_dim3A_415 : vector<16xi1>, vector<16xf32>
      %add3A_417 = arith.addf %add3A_352, %select_n3A_416 : vector<16xf32>
      %add3A_418 = arith.addf %unpack3A_184, %unpack3A_191 : vector<16xf32>
      %add3A_419 = arith.addf %unpack3A_185, %unpack3A_192 : vector<16xf32>
      %ge3A_420 = arith.constant 4 : i32
      %ge3A_421 = vector.broadcast %ge3A_420 : i32 to vector<16xi32>
      %ge3A_422 = arith.cmpi sge, %iota3A, %ge3A_421 : vector<16xi32>
      %jit3A_423 = arith.constant 0.000000e+00 : f32
      %broadcast_in_dim3A_424 = vector.broadcast %jit3A_423 : f32 to vector<16xf32>
      %select_n3A_425 = arith.select %ge3A_422, %unpack3A_177, %broadcast_in_dim3A_424 : vector<16xi1>, vector<16xf32>
      %add3A_426 = arith.addf %add3A_418, %select_n3A_425 : vector<16xf32>
      %ge3A_427 = arith.constant 4 : i32
      %ge3A_428 = vector.broadcast %ge3A_427 : i32 to vector<16xi32>
      %ge3A_429 = arith.cmpi sge, %iota3A, %ge3A_428 : vector<16xi32>
      %jit3A_430 = arith.constant 0.000000e+00 : f32
      %broadcast_in_dim3A_431 = vector.broadcast %jit3A_430 : f32 to vector<16xf32>
      %select_n3A_432 = arith.select %ge3A_429, %unpack3A_178, %broadcast_in_dim3A_431 : vector<16xi1>, vector<16xf32>
      %add3A_433 = arith.addf %add3A_419, %select_n3A_432 : vector<16xf32>
      %lt3A_434 = arith.constant 6 : i32
      %lt3A_435 = vector.broadcast %lt3A_434 : i32 to vector<16xi32>
      %lt3A_436 = arith.cmpi slt, %iota3A, %lt3A_435 : vector<16xi32>
      %jit3A_437 = arith.constant 0.000000e+00 : f32
      %broadcast_in_dim3A_438 = vector.broadcast %jit3A_437 : f32 to vector<16xf32>
      %select_n3A_439 = arith.select %lt3A_436, %unpack3A_198, %broadcast_in_dim3A_438 : vector<16xi1>, vector<16xf32>
      %add3A_440 = arith.addf %add3A_426, %select_n3A_439 : vector<16xf32>
      %lt3A_441 = arith.constant 6 : i32
      %lt3A_442 = vector.broadcast %lt3A_441 : i32 to vector<16xi32>
      %lt3A_443 = arith.cmpi slt, %iota3A, %lt3A_442 : vector<16xi32>
      %jit3A_444 = arith.constant 0.000000e+00 : f32
      %broadcast_in_dim3A_445 = vector.broadcast %jit3A_444 : f32 to vector<16xf32>
      %select_n3A_446 = arith.select %lt3A_443, %unpack3A_199, %broadcast_in_dim3A_445 : vector<16xi1>, vector<16xf32>
      %add3A_447 = arith.addf %add3A_433, %select_n3A_446 : vector<16xf32>
      %broadcast_in_dim3A_448 = vector.shape_cast %and3A_50 : vector<16xi32> to vector<16x1xi32>
      %gather3A_449 = vector.shape_cast %broadcast_in_dim3A_448 : vector<16x1xi32> to vector<16xi32>
      %gather3A_450 = tpu.dynamic_gather %add3A_440[%gather3A_449] in [0] : vector<16xf32>, vector<16xi32> -> vector<16xf32>
      %add3A_451 = arith.addf %add3A_440, %gather3A_450 : vector<16xf32>
      %broadcast_in_dim3A_452 = vector.shape_cast %and3A_50 : vector<16xi32> to vector<16x1xi32>
      %gather3A_453 = vector.shape_cast %broadcast_in_dim3A_452 : vector<16x1xi32> to vector<16xi32>
      %gather3A_454 = tpu.dynamic_gather %add3A_447[%gather3A_453] in [0] : vector<16xf32>, vector<16xi32> -> vector<16xf32>
      %add3A_455 = arith.addf %add3A_447, %gather3A_454 : vector<16xf32>
      %broadcast_in_dim3A_456 = vector.shape_cast %and3A_55 : vector<16xi32> to vector<16x1xi32>
      %gather3A_457 = vector.shape_cast %broadcast_in_dim3A_456 : vector<16x1xi32> to vector<16xi32>
      %gather3A_458 = tpu.dynamic_gather %add3A_455[%gather3A_457] in [0] : vector<16xf32>, vector<16xi32> -> vector<16xf32>
      %select_n3A_459 = arith.select %eq3A_44, %add3A_451, %gather3A_458 : vector<16xi1>, vector<16xf32>
      %broadcast_in_dim3A_460 = vector.shape_cast %and3A_61 : vector<16xi32> to vector<16x1xi32>
      %gather3A_461 = vector.shape_cast %broadcast_in_dim3A_460 : vector<16x1xi32> to vector<16xi32>
      %gather3A_462 = tpu.dynamic_gather %select_n3A_459[%gather3A_461] in [0] : vector<16xf32>, vector<16xi32> -> vector<16xf32>
      %add3A_463 = arith.addf %select_n3A_459, %gather3A_462 : vector<16xf32>
      %broadcast_in_dim3A_464 = vector.shape_cast %and3A_67 : vector<16xi32> to vector<16x1xi32>
      %gather3A_465 = vector.shape_cast %broadcast_in_dim3A_464 : vector<16x1xi32> to vector<16xi32>
      %gather3A_466 = tpu.dynamic_gather %add3A_463[%gather3A_465] in [0] : vector<16xf32>, vector<16xi32> -> vector<16xf32>
      %add3A_467 = arith.addf %add3A_463, %gather3A_466 : vector<16xf32>
      %broadcast_in_dim3A_468 = vector.shape_cast %and3A_73 : vector<16xi32> to vector<16x1xi32>
      %gather3A_469 = vector.shape_cast %broadcast_in_dim3A_468 : vector<16x1xi32> to vector<16xi32>
      %gather3A_470 = tpu.dynamic_gather %add3A_467[%gather3A_469] in [0] : vector<16xf32>, vector<16xi32> -> vector<16xf32>
      %add3A_471 = arith.addf %add3A_467, %gather3A_470 : vector<16xf32>
      %mul3A_472 = vector.broadcast %scan3A_93 : f32 to vector<16xf32>
      %mul3A_473 = arith.mulf %add3A_471, %mul3A_472 : vector<16xf32>
      %shift_right_arithmetic3A_474 = arith.constant 1 : i32
      %shift_right_arithmetic3A_475 = vector.broadcast %shift_right_arithmetic3A_474 : i32 to vector<16xi32>
      %shift_right_arithmetic3A_476 = arith.shrsi %iota3A, %shift_right_arithmetic3A_475 : vector<16xi32>
      %eq3A_477 = arith.constant 2 : i32
      %eq3A_478 = vector.broadcast %eq3A_477 : i32 to vector<16xi32>
      %eq3A_479 = arith.cmpi eq, %shift_right_arithmetic3A_476, %eq3A_478 : vector<16xi32>
      %jit3A_480 = arith.constant 0.000000e+00 : f32
      %broadcast_in_dim3A_481 = vector.broadcast %jit3A_480 : f32 to vector<16xf32>
      %select_n3A_482 = arith.select %eq3A_479, %mul3A_473, %broadcast_in_dim3A_481 : vector<16xi1>, vector<16xf32>
      %add3A_483 = arith.addf %add3A_417, %select_n3A_482 : vector<16xf32>
      %add3A_484 = arith.addf %unpack3A_205, %unpack3A_212 : vector<16xf32>
      %add3A_485 = arith.addf %unpack3A_206, %unpack3A_213 : vector<16xf32>
      %ge3A_486 = arith.constant 6 : i32
      %ge3A_487 = vector.broadcast %ge3A_486 : i32 to vector<16xi32>
      %ge3A_488 = arith.cmpi sge, %iota3A, %ge3A_487 : vector<16xi32>
      %jit3A_489 = arith.constant 0.000000e+00 : f32
      %broadcast_in_dim3A_490 = vector.broadcast %jit3A_489 : f32 to vector<16xf32>
      %select_n3A_491 = arith.select %ge3A_488, %unpack3A_198, %broadcast_in_dim3A_490 : vector<16xi1>, vector<16xf32>
      %add3A_492 = arith.addf %add3A_484, %select_n3A_491 : vector<16xf32>
      %ge3A_493 = arith.constant 6 : i32
      %ge3A_494 = vector.broadcast %ge3A_493 : i32 to vector<16xi32>
      %ge3A_495 = arith.cmpi sge, %iota3A, %ge3A_494 : vector<16xi32>
      %jit3A_496 = arith.constant 0.000000e+00 : f32
      %broadcast_in_dim3A_497 = vector.broadcast %jit3A_496 : f32 to vector<16xf32>
      %select_n3A_498 = arith.select %ge3A_495, %unpack3A_199, %broadcast_in_dim3A_497 : vector<16xi1>, vector<16xf32>
      %add3A_499 = arith.addf %add3A_485, %select_n3A_498 : vector<16xf32>
      %lt3A_500 = arith.constant 8 : i32
      %lt3A_501 = vector.broadcast %lt3A_500 : i32 to vector<16xi32>
      %lt3A_502 = arith.cmpi slt, %iota3A, %lt3A_501 : vector<16xi32>
      %jit3A_503 = arith.constant 0.000000e+00 : f32
      %broadcast_in_dim3A_504 = vector.broadcast %jit3A_503 : f32 to vector<16xf32>
      %select_n3A_505 = arith.select %lt3A_502, %unpack3A_219, %broadcast_in_dim3A_504 : vector<16xi1>, vector<16xf32>
      %add3A_506 = arith.addf %add3A_492, %select_n3A_505 : vector<16xf32>
      %lt3A_507 = arith.constant 8 : i32
      %lt3A_508 = vector.broadcast %lt3A_507 : i32 to vector<16xi32>
      %lt3A_509 = arith.cmpi slt, %iota3A, %lt3A_508 : vector<16xi32>
      %jit3A_510 = arith.constant 0.000000e+00 : f32
      %broadcast_in_dim3A_511 = vector.broadcast %jit3A_510 : f32 to vector<16xf32>
      %select_n3A_512 = arith.select %lt3A_509, %unpack3A_220, %broadcast_in_dim3A_511 : vector<16xi1>, vector<16xf32>
      %add3A_513 = arith.addf %add3A_499, %select_n3A_512 : vector<16xf32>
      %broadcast_in_dim3A_514 = vector.shape_cast %and3A_50 : vector<16xi32> to vector<16x1xi32>
      %gather3A_515 = vector.shape_cast %broadcast_in_dim3A_514 : vector<16x1xi32> to vector<16xi32>
      %gather3A_516 = tpu.dynamic_gather %add3A_506[%gather3A_515] in [0] : vector<16xf32>, vector<16xi32> -> vector<16xf32>
      %add3A_517 = arith.addf %add3A_506, %gather3A_516 : vector<16xf32>
      %broadcast_in_dim3A_518 = vector.shape_cast %and3A_50 : vector<16xi32> to vector<16x1xi32>
      %gather3A_519 = vector.shape_cast %broadcast_in_dim3A_518 : vector<16x1xi32> to vector<16xi32>
      %gather3A_520 = tpu.dynamic_gather %add3A_513[%gather3A_519] in [0] : vector<16xf32>, vector<16xi32> -> vector<16xf32>
      %add3A_521 = arith.addf %add3A_513, %gather3A_520 : vector<16xf32>
      %broadcast_in_dim3A_522 = vector.shape_cast %and3A_55 : vector<16xi32> to vector<16x1xi32>
      %gather3A_523 = vector.shape_cast %broadcast_in_dim3A_522 : vector<16x1xi32> to vector<16xi32>
      %gather3A_524 = tpu.dynamic_gather %add3A_521[%gather3A_523] in [0] : vector<16xf32>, vector<16xi32> -> vector<16xf32>
      %select_n3A_525 = arith.select %eq3A_44, %add3A_517, %gather3A_524 : vector<16xi1>, vector<16xf32>
      %broadcast_in_dim3A_526 = vector.shape_cast %and3A_61 : vector<16xi32> to vector<16x1xi32>
      %gather3A_527 = vector.shape_cast %broadcast_in_dim3A_526 : vector<16x1xi32> to vector<16xi32>
      %gather3A_528 = tpu.dynamic_gather %select_n3A_525[%gather3A_527] in [0] : vector<16xf32>, vector<16xi32> -> vector<16xf32>
      %add3A_529 = arith.addf %select_n3A_525, %gather3A_528 : vector<16xf32>
      %broadcast_in_dim3A_530 = vector.shape_cast %and3A_67 : vector<16xi32> to vector<16x1xi32>
      %gather3A_531 = vector.shape_cast %broadcast_in_dim3A_530 : vector<16x1xi32> to vector<16xi32>
      %gather3A_532 = tpu.dynamic_gather %add3A_529[%gather3A_531] in [0] : vector<16xf32>, vector<16xi32> -> vector<16xf32>
      %add3A_533 = arith.addf %add3A_529, %gather3A_532 : vector<16xf32>
      %broadcast_in_dim3A_534 = vector.shape_cast %and3A_73 : vector<16xi32> to vector<16x1xi32>
      %gather3A_535 = vector.shape_cast %broadcast_in_dim3A_534 : vector<16x1xi32> to vector<16xi32>
      %gather3A_536 = tpu.dynamic_gather %add3A_533[%gather3A_535] in [0] : vector<16xf32>, vector<16xi32> -> vector<16xf32>
      %add3A_537 = arith.addf %add3A_533, %gather3A_536 : vector<16xf32>
      %mul3A_538 = vector.broadcast %scan3A_93 : f32 to vector<16xf32>
      %mul3A_539 = arith.mulf %add3A_537, %mul3A_538 : vector<16xf32>
      %shift_right_arithmetic3A_540 = arith.constant 1 : i32
      %shift_right_arithmetic3A_541 = vector.broadcast %shift_right_arithmetic3A_540 : i32 to vector<16xi32>
      %shift_right_arithmetic3A_542 = arith.shrsi %iota3A, %shift_right_arithmetic3A_541 : vector<16xi32>
      %eq3A_543 = arith.constant 3 : i32
      %eq3A_544 = vector.broadcast %eq3A_543 : i32 to vector<16xi32>
      %eq3A_545 = arith.cmpi eq, %shift_right_arithmetic3A_542, %eq3A_544 : vector<16xi32>
      %jit3A_546 = arith.constant 0.000000e+00 : f32
      %broadcast_in_dim3A_547 = vector.broadcast %jit3A_546 : f32 to vector<16xf32>
      %select_n3A_548 = arith.select %eq3A_545, %mul3A_539, %broadcast_in_dim3A_547 : vector<16xi1>, vector<16xf32>
      %add3A_549 = arith.addf %add3A_483, %select_n3A_548 : vector<16xf32>
      %add3A_550 = arith.addf %unpack3A_226, %unpack3A_233 : vector<16xf32>
      %add3A_551 = arith.addf %unpack3A_227, %unpack3A_234 : vector<16xf32>
      %ge3A_552 = arith.constant 8 : i32
      %ge3A_553 = vector.broadcast %ge3A_552 : i32 to vector<16xi32>
      %ge3A_554 = arith.cmpi sge, %iota3A, %ge3A_553 : vector<16xi32>
      %jit3A_555 = arith.constant 0.000000e+00 : f32
      %broadcast_in_dim3A_556 = vector.broadcast %jit3A_555 : f32 to vector<16xf32>
      %select_n3A_557 = arith.select %ge3A_554, %unpack3A_219, %broadcast_in_dim3A_556 : vector<16xi1>, vector<16xf32>
      %add3A_558 = arith.addf %add3A_550, %select_n3A_557 : vector<16xf32>
      %ge3A_559 = arith.constant 8 : i32
      %ge3A_560 = vector.broadcast %ge3A_559 : i32 to vector<16xi32>
      %ge3A_561 = arith.cmpi sge, %iota3A, %ge3A_560 : vector<16xi32>
      %jit3A_562 = arith.constant 0.000000e+00 : f32
      %broadcast_in_dim3A_563 = vector.broadcast %jit3A_562 : f32 to vector<16xf32>
      %select_n3A_564 = arith.select %ge3A_561, %unpack3A_220, %broadcast_in_dim3A_563 : vector<16xi1>, vector<16xf32>
      %add3A_565 = arith.addf %add3A_551, %select_n3A_564 : vector<16xf32>
      %lt3A_566 = arith.constant 10 : i32
      %lt3A_567 = vector.broadcast %lt3A_566 : i32 to vector<16xi32>
      %lt3A_568 = arith.cmpi slt, %iota3A, %lt3A_567 : vector<16xi32>
      %jit3A_569 = arith.constant 0.000000e+00 : f32
      %broadcast_in_dim3A_570 = vector.broadcast %jit3A_569 : f32 to vector<16xf32>
      %select_n3A_571 = arith.select %lt3A_568, %unpack3A_240, %broadcast_in_dim3A_570 : vector<16xi1>, vector<16xf32>
      %add3A_572 = arith.addf %add3A_558, %select_n3A_571 : vector<16xf32>
      %lt3A_573 = arith.constant 10 : i32
      %lt3A_574 = vector.broadcast %lt3A_573 : i32 to vector<16xi32>
      %lt3A_575 = arith.cmpi slt, %iota3A, %lt3A_574 : vector<16xi32>
      %jit3A_576 = arith.constant 0.000000e+00 : f32
      %broadcast_in_dim3A_577 = vector.broadcast %jit3A_576 : f32 to vector<16xf32>
      %select_n3A_578 = arith.select %lt3A_575, %unpack3A_241, %broadcast_in_dim3A_577 : vector<16xi1>, vector<16xf32>
      %add3A_579 = arith.addf %add3A_565, %select_n3A_578 : vector<16xf32>
      %broadcast_in_dim3A_580 = vector.shape_cast %and3A_50 : vector<16xi32> to vector<16x1xi32>
      %gather3A_581 = vector.shape_cast %broadcast_in_dim3A_580 : vector<16x1xi32> to vector<16xi32>
      %gather3A_582 = tpu.dynamic_gather %add3A_572[%gather3A_581] in [0] : vector<16xf32>, vector<16xi32> -> vector<16xf32>
      %add3A_583 = arith.addf %add3A_572, %gather3A_582 : vector<16xf32>
      %broadcast_in_dim3A_584 = vector.shape_cast %and3A_50 : vector<16xi32> to vector<16x1xi32>
      %gather3A_585 = vector.shape_cast %broadcast_in_dim3A_584 : vector<16x1xi32> to vector<16xi32>
      %gather3A_586 = tpu.dynamic_gather %add3A_579[%gather3A_585] in [0] : vector<16xf32>, vector<16xi32> -> vector<16xf32>
      %add3A_587 = arith.addf %add3A_579, %gather3A_586 : vector<16xf32>
      %broadcast_in_dim3A_588 = vector.shape_cast %and3A_55 : vector<16xi32> to vector<16x1xi32>
      %gather3A_589 = vector.shape_cast %broadcast_in_dim3A_588 : vector<16x1xi32> to vector<16xi32>
      %gather3A_590 = tpu.dynamic_gather %add3A_587[%gather3A_589] in [0] : vector<16xf32>, vector<16xi32> -> vector<16xf32>
      %select_n3A_591 = arith.select %eq3A_44, %add3A_583, %gather3A_590 : vector<16xi1>, vector<16xf32>
      %broadcast_in_dim3A_592 = vector.shape_cast %and3A_61 : vector<16xi32> to vector<16x1xi32>
      %gather3A_593 = vector.shape_cast %broadcast_in_dim3A_592 : vector<16x1xi32> to vector<16xi32>
      %gather3A_594 = tpu.dynamic_gather %select_n3A_591[%gather3A_593] in [0] : vector<16xf32>, vector<16xi32> -> vector<16xf32>
      %add3A_595 = arith.addf %select_n3A_591, %gather3A_594 : vector<16xf32>
      %broadcast_in_dim3A_596 = vector.shape_cast %and3A_67 : vector<16xi32> to vector<16x1xi32>
      %gather3A_597 = vector.shape_cast %broadcast_in_dim3A_596 : vector<16x1xi32> to vector<16xi32>
      %gather3A_598 = tpu.dynamic_gather %add3A_595[%gather3A_597] in [0] : vector<16xf32>, vector<16xi32> -> vector<16xf32>
      %add3A_599 = arith.addf %add3A_595, %gather3A_598 : vector<16xf32>
      %broadcast_in_dim3A_600 = vector.shape_cast %and3A_73 : vector<16xi32> to vector<16x1xi32>
      %gather3A_601 = vector.shape_cast %broadcast_in_dim3A_600 : vector<16x1xi32> to vector<16xi32>
      %gather3A_602 = tpu.dynamic_gather %add3A_599[%gather3A_601] in [0] : vector<16xf32>, vector<16xi32> -> vector<16xf32>
      %add3A_603 = arith.addf %add3A_599, %gather3A_602 : vector<16xf32>
      %mul3A_604 = vector.broadcast %scan3A_93 : f32 to vector<16xf32>
      %mul3A_605 = arith.mulf %add3A_603, %mul3A_604 : vector<16xf32>
      %shift_right_arithmetic3A_606 = arith.constant 1 : i32
      %shift_right_arithmetic3A_607 = vector.broadcast %shift_right_arithmetic3A_606 : i32 to vector<16xi32>
      %shift_right_arithmetic3A_608 = arith.shrsi %iota3A, %shift_right_arithmetic3A_607 : vector<16xi32>
      %eq3A_609 = arith.constant 4 : i32
      %eq3A_610 = vector.broadcast %eq3A_609 : i32 to vector<16xi32>
      %eq3A_611 = arith.cmpi eq, %shift_right_arithmetic3A_608, %eq3A_610 : vector<16xi32>
      %jit3A_612 = arith.constant 0.000000e+00 : f32
      %broadcast_in_dim3A_613 = vector.broadcast %jit3A_612 : f32 to vector<16xf32>
      %select_n3A_614 = arith.select %eq3A_611, %mul3A_605, %broadcast_in_dim3A_613 : vector<16xi1>, vector<16xf32>
      %add3A_615 = arith.addf %add3A_549, %select_n3A_614 : vector<16xf32>
      %add3A_616 = arith.addf %unpack3A_247, %unpack3A_254 : vector<16xf32>
      %add3A_617 = arith.addf %unpack3A_248, %unpack3A_255 : vector<16xf32>
      %ge3A_618 = arith.constant 10 : i32
      %ge3A_619 = vector.broadcast %ge3A_618 : i32 to vector<16xi32>
      %ge3A_620 = arith.cmpi sge, %iota3A, %ge3A_619 : vector<16xi32>
      %jit3A_621 = arith.constant 0.000000e+00 : f32
      %broadcast_in_dim3A_622 = vector.broadcast %jit3A_621 : f32 to vector<16xf32>
      %select_n3A_623 = arith.select %ge3A_620, %unpack3A_240, %broadcast_in_dim3A_622 : vector<16xi1>, vector<16xf32>
      %add3A_624 = arith.addf %add3A_616, %select_n3A_623 : vector<16xf32>
      %ge3A_625 = arith.constant 10 : i32
      %ge3A_626 = vector.broadcast %ge3A_625 : i32 to vector<16xi32>
      %ge3A_627 = arith.cmpi sge, %iota3A, %ge3A_626 : vector<16xi32>
      %jit3A_628 = arith.constant 0.000000e+00 : f32
      %broadcast_in_dim3A_629 = vector.broadcast %jit3A_628 : f32 to vector<16xf32>
      %select_n3A_630 = arith.select %ge3A_627, %unpack3A_241, %broadcast_in_dim3A_629 : vector<16xi1>, vector<16xf32>
      %add3A_631 = arith.addf %add3A_617, %select_n3A_630 : vector<16xf32>
      %lt3A_632 = arith.constant 12 : i32
      %lt3A_633 = vector.broadcast %lt3A_632 : i32 to vector<16xi32>
      %lt3A_634 = arith.cmpi slt, %iota3A, %lt3A_633 : vector<16xi32>
      %jit3A_635 = arith.constant 0.000000e+00 : f32
      %broadcast_in_dim3A_636 = vector.broadcast %jit3A_635 : f32 to vector<16xf32>
      %select_n3A_637 = arith.select %lt3A_634, %unpack3A_261, %broadcast_in_dim3A_636 : vector<16xi1>, vector<16xf32>
      %add3A_638 = arith.addf %add3A_624, %select_n3A_637 : vector<16xf32>
      %lt3A_639 = arith.constant 12 : i32
      %lt3A_640 = vector.broadcast %lt3A_639 : i32 to vector<16xi32>
      %lt3A_641 = arith.cmpi slt, %iota3A, %lt3A_640 : vector<16xi32>
      %jit3A_642 = arith.constant 0.000000e+00 : f32
      %broadcast_in_dim3A_643 = vector.broadcast %jit3A_642 : f32 to vector<16xf32>
      %select_n3A_644 = arith.select %lt3A_641, %unpack3A_262, %broadcast_in_dim3A_643 : vector<16xi1>, vector<16xf32>
      %add3A_645 = arith.addf %add3A_631, %select_n3A_644 : vector<16xf32>
      %broadcast_in_dim3A_646 = vector.shape_cast %and3A_50 : vector<16xi32> to vector<16x1xi32>
      %gather3A_647 = vector.shape_cast %broadcast_in_dim3A_646 : vector<16x1xi32> to vector<16xi32>
      %gather3A_648 = tpu.dynamic_gather %add3A_638[%gather3A_647] in [0] : vector<16xf32>, vector<16xi32> -> vector<16xf32>
      %add3A_649 = arith.addf %add3A_638, %gather3A_648 : vector<16xf32>
      %broadcast_in_dim3A_650 = vector.shape_cast %and3A_50 : vector<16xi32> to vector<16x1xi32>
      %gather3A_651 = vector.shape_cast %broadcast_in_dim3A_650 : vector<16x1xi32> to vector<16xi32>
      %gather3A_652 = tpu.dynamic_gather %add3A_645[%gather3A_651] in [0] : vector<16xf32>, vector<16xi32> -> vector<16xf32>
      %add3A_653 = arith.addf %add3A_645, %gather3A_652 : vector<16xf32>
      %broadcast_in_dim3A_654 = vector.shape_cast %and3A_55 : vector<16xi32> to vector<16x1xi32>
      %gather3A_655 = vector.shape_cast %broadcast_in_dim3A_654 : vector<16x1xi32> to vector<16xi32>
      %gather3A_656 = tpu.dynamic_gather %add3A_653[%gather3A_655] in [0] : vector<16xf32>, vector<16xi32> -> vector<16xf32>
      %select_n3A_657 = arith.select %eq3A_44, %add3A_649, %gather3A_656 : vector<16xi1>, vector<16xf32>
      %broadcast_in_dim3A_658 = vector.shape_cast %and3A_61 : vector<16xi32> to vector<16x1xi32>
      %gather3A_659 = vector.shape_cast %broadcast_in_dim3A_658 : vector<16x1xi32> to vector<16xi32>
      %gather3A_660 = tpu.dynamic_gather %select_n3A_657[%gather3A_659] in [0] : vector<16xf32>, vector<16xi32> -> vector<16xf32>
      %add3A_661 = arith.addf %select_n3A_657, %gather3A_660 : vector<16xf32>
      %broadcast_in_dim3A_662 = vector.shape_cast %and3A_67 : vector<16xi32> to vector<16x1xi32>
      %gather3A_663 = vector.shape_cast %broadcast_in_dim3A_662 : vector<16x1xi32> to vector<16xi32>
      %gather3A_664 = tpu.dynamic_gather %add3A_661[%gather3A_663] in [0] : vector<16xf32>, vector<16xi32> -> vector<16xf32>
      %add3A_665 = arith.addf %add3A_661, %gather3A_664 : vector<16xf32>
      %broadcast_in_dim3A_666 = vector.shape_cast %and3A_73 : vector<16xi32> to vector<16x1xi32>
      %gather3A_667 = vector.shape_cast %broadcast_in_dim3A_666 : vector<16x1xi32> to vector<16xi32>
      %gather3A_668 = tpu.dynamic_gather %add3A_665[%gather3A_667] in [0] : vector<16xf32>, vector<16xi32> -> vector<16xf32>
      %add3A_669 = arith.addf %add3A_665, %gather3A_668 : vector<16xf32>
      %mul3A_670 = vector.broadcast %scan3A_93 : f32 to vector<16xf32>
      %mul3A_671 = arith.mulf %add3A_669, %mul3A_670 : vector<16xf32>
      %shift_right_arithmetic3A_672 = arith.constant 1 : i32
      %shift_right_arithmetic3A_673 = vector.broadcast %shift_right_arithmetic3A_672 : i32 to vector<16xi32>
      %shift_right_arithmetic3A_674 = arith.shrsi %iota3A, %shift_right_arithmetic3A_673 : vector<16xi32>
      %eq3A_675 = arith.constant 5 : i32
      %eq3A_676 = vector.broadcast %eq3A_675 : i32 to vector<16xi32>
      %eq3A_677 = arith.cmpi eq, %shift_right_arithmetic3A_674, %eq3A_676 : vector<16xi32>
      %jit3A_678 = arith.constant 0.000000e+00 : f32
      %broadcast_in_dim3A_679 = vector.broadcast %jit3A_678 : f32 to vector<16xf32>
      %select_n3A_680 = arith.select %eq3A_677, %mul3A_671, %broadcast_in_dim3A_679 : vector<16xi1>, vector<16xf32>
      %add3A_681 = arith.addf %add3A_615, %select_n3A_680 : vector<16xf32>
      %add3A_682 = arith.addf %unpack3A_268, %unpack3A_275 : vector<16xf32>
      %add3A_683 = arith.addf %unpack3A_269, %unpack3A_276 : vector<16xf32>
      %ge3A_684 = arith.constant 12 : i32
      %ge3A_685 = vector.broadcast %ge3A_684 : i32 to vector<16xi32>
      %ge3A_686 = arith.cmpi sge, %iota3A, %ge3A_685 : vector<16xi32>
      %jit3A_687 = arith.constant 0.000000e+00 : f32
      %broadcast_in_dim3A_688 = vector.broadcast %jit3A_687 : f32 to vector<16xf32>
      %select_n3A_689 = arith.select %ge3A_686, %unpack3A_261, %broadcast_in_dim3A_688 : vector<16xi1>, vector<16xf32>
      %add3A_690 = arith.addf %add3A_682, %select_n3A_689 : vector<16xf32>
      %ge3A_691 = arith.constant 12 : i32
      %ge3A_692 = vector.broadcast %ge3A_691 : i32 to vector<16xi32>
      %ge3A_693 = arith.cmpi sge, %iota3A, %ge3A_692 : vector<16xi32>
      %jit3A_694 = arith.constant 0.000000e+00 : f32
      %broadcast_in_dim3A_695 = vector.broadcast %jit3A_694 : f32 to vector<16xf32>
      %select_n3A_696 = arith.select %ge3A_693, %unpack3A_262, %broadcast_in_dim3A_695 : vector<16xi1>, vector<16xf32>
      %add3A_697 = arith.addf %add3A_683, %select_n3A_696 : vector<16xf32>
      %lt3A_698 = arith.constant 14 : i32
      %lt3A_699 = vector.broadcast %lt3A_698 : i32 to vector<16xi32>
      %lt3A_700 = arith.cmpi slt, %iota3A, %lt3A_699 : vector<16xi32>
      %jit3A_701 = arith.constant 0.000000e+00 : f32
      %broadcast_in_dim3A_702 = vector.broadcast %jit3A_701 : f32 to vector<16xf32>
      %select_n3A_703 = arith.select %lt3A_700, %unpack3A_282, %broadcast_in_dim3A_702 : vector<16xi1>, vector<16xf32>
      %add3A_704 = arith.addf %add3A_690, %select_n3A_703 : vector<16xf32>
      %lt3A_705 = arith.constant 14 : i32
      %lt3A_706 = vector.broadcast %lt3A_705 : i32 to vector<16xi32>
      %lt3A_707 = arith.cmpi slt, %iota3A, %lt3A_706 : vector<16xi32>
      %jit3A_708 = arith.constant 0.000000e+00 : f32
      %broadcast_in_dim3A_709 = vector.broadcast %jit3A_708 : f32 to vector<16xf32>
      %select_n3A_710 = arith.select %lt3A_707, %unpack3A_283, %broadcast_in_dim3A_709 : vector<16xi1>, vector<16xf32>
      %add3A_711 = arith.addf %add3A_697, %select_n3A_710 : vector<16xf32>
      %broadcast_in_dim3A_712 = vector.shape_cast %and3A_50 : vector<16xi32> to vector<16x1xi32>
      %gather3A_713 = vector.shape_cast %broadcast_in_dim3A_712 : vector<16x1xi32> to vector<16xi32>
      %gather3A_714 = tpu.dynamic_gather %add3A_704[%gather3A_713] in [0] : vector<16xf32>, vector<16xi32> -> vector<16xf32>
      %add3A_715 = arith.addf %add3A_704, %gather3A_714 : vector<16xf32>
      %broadcast_in_dim3A_716 = vector.shape_cast %and3A_50 : vector<16xi32> to vector<16x1xi32>
      %gather3A_717 = vector.shape_cast %broadcast_in_dim3A_716 : vector<16x1xi32> to vector<16xi32>
      %gather3A_718 = tpu.dynamic_gather %add3A_711[%gather3A_717] in [0] : vector<16xf32>, vector<16xi32> -> vector<16xf32>
      %add3A_719 = arith.addf %add3A_711, %gather3A_718 : vector<16xf32>
      %broadcast_in_dim3A_720 = vector.shape_cast %and3A_55 : vector<16xi32> to vector<16x1xi32>
      %gather3A_721 = vector.shape_cast %broadcast_in_dim3A_720 : vector<16x1xi32> to vector<16xi32>
      %gather3A_722 = tpu.dynamic_gather %add3A_719[%gather3A_721] in [0] : vector<16xf32>, vector<16xi32> -> vector<16xf32>
      %select_n3A_723 = arith.select %eq3A_44, %add3A_715, %gather3A_722 : vector<16xi1>, vector<16xf32>
      %broadcast_in_dim3A_724 = vector.shape_cast %and3A_61 : vector<16xi32> to vector<16x1xi32>
      %gather3A_725 = vector.shape_cast %broadcast_in_dim3A_724 : vector<16x1xi32> to vector<16xi32>
      %gather3A_726 = tpu.dynamic_gather %select_n3A_723[%gather3A_725] in [0] : vector<16xf32>, vector<16xi32> -> vector<16xf32>
      %add3A_727 = arith.addf %select_n3A_723, %gather3A_726 : vector<16xf32>
      %broadcast_in_dim3A_728 = vector.shape_cast %and3A_67 : vector<16xi32> to vector<16x1xi32>
      %gather3A_729 = vector.shape_cast %broadcast_in_dim3A_728 : vector<16x1xi32> to vector<16xi32>
      %gather3A_730 = tpu.dynamic_gather %add3A_727[%gather3A_729] in [0] : vector<16xf32>, vector<16xi32> -> vector<16xf32>
      %add3A_731 = arith.addf %add3A_727, %gather3A_730 : vector<16xf32>
      %broadcast_in_dim3A_732 = vector.shape_cast %and3A_73 : vector<16xi32> to vector<16x1xi32>
      %gather3A_733 = vector.shape_cast %broadcast_in_dim3A_732 : vector<16x1xi32> to vector<16xi32>
      %gather3A_734 = tpu.dynamic_gather %add3A_731[%gather3A_733] in [0] : vector<16xf32>, vector<16xi32> -> vector<16xf32>
      %add3A_735 = arith.addf %add3A_731, %gather3A_734 : vector<16xf32>
      %mul3A_736 = vector.broadcast %scan3A_93 : f32 to vector<16xf32>
      %mul3A_737 = arith.mulf %add3A_735, %mul3A_736 : vector<16xf32>
      %shift_right_arithmetic3A_738 = arith.constant 1 : i32
      %shift_right_arithmetic3A_739 = vector.broadcast %shift_right_arithmetic3A_738 : i32 to vector<16xi32>
      %shift_right_arithmetic3A_740 = arith.shrsi %iota3A, %shift_right_arithmetic3A_739 : vector<16xi32>
      %eq3A_741 = arith.constant 6 : i32
      %eq3A_742 = vector.broadcast %eq3A_741 : i32 to vector<16xi32>
      %eq3A_743 = arith.cmpi eq, %shift_right_arithmetic3A_740, %eq3A_742 : vector<16xi32>
      %jit3A_744 = arith.constant 0.000000e+00 : f32
      %broadcast_in_dim3A_745 = vector.broadcast %jit3A_744 : f32 to vector<16xf32>
      %select_n3A_746 = arith.select %eq3A_743, %mul3A_737, %broadcast_in_dim3A_745 : vector<16xi1>, vector<16xf32>
      %add3A_747 = arith.addf %add3A_681, %select_n3A_746 : vector<16xf32>
      %add3A_748 = arith.addf %unpack3A_289, %unpack3A_296 : vector<16xf32>
      %add3A_749 = arith.addf %unpack3A_290, %unpack3A_297 : vector<16xf32>
      %ge3A_750 = arith.constant 14 : i32
      %ge3A_751 = vector.broadcast %ge3A_750 : i32 to vector<16xi32>
      %ge3A_752 = arith.cmpi sge, %iota3A, %ge3A_751 : vector<16xi32>
      %jit3A_753 = arith.constant 0.000000e+00 : f32
      %broadcast_in_dim3A_754 = vector.broadcast %jit3A_753 : f32 to vector<16xf32>
      %select_n3A_755 = arith.select %ge3A_752, %unpack3A_282, %broadcast_in_dim3A_754 : vector<16xi1>, vector<16xf32>
      %add3A_756 = arith.addf %add3A_748, %select_n3A_755 : vector<16xf32>
      %ge3A_757 = arith.constant 14 : i32
      %ge3A_758 = vector.broadcast %ge3A_757 : i32 to vector<16xi32>
      %ge3A_759 = arith.cmpi sge, %iota3A, %ge3A_758 : vector<16xi32>
      %jit3A_760 = arith.constant 0.000000e+00 : f32
      %broadcast_in_dim3A_761 = vector.broadcast %jit3A_760 : f32 to vector<16xf32>
      %select_n3A_762 = arith.select %ge3A_759, %unpack3A_283, %broadcast_in_dim3A_761 : vector<16xi1>, vector<16xf32>
      %add3A_763 = arith.addf %add3A_749, %select_n3A_762 : vector<16xf32>
      %add3A_764 = arith.addf %add3A_756, %unpack3A_303 : vector<16xf32>
      %add3A_765 = arith.addf %add3A_763, %unpack3A_304 : vector<16xf32>
      %broadcast_in_dim3A_766 = vector.shape_cast %and3A_50 : vector<16xi32> to vector<16x1xi32>
      %gather3A_767 = vector.shape_cast %broadcast_in_dim3A_766 : vector<16x1xi32> to vector<16xi32>
      %gather3A_768 = tpu.dynamic_gather %add3A_764[%gather3A_767] in [0] : vector<16xf32>, vector<16xi32> -> vector<16xf32>
      %add3A_769 = arith.addf %add3A_764, %gather3A_768 : vector<16xf32>
      %broadcast_in_dim3A_770 = vector.shape_cast %and3A_50 : vector<16xi32> to vector<16x1xi32>
      %gather3A_771 = vector.shape_cast %broadcast_in_dim3A_770 : vector<16x1xi32> to vector<16xi32>
      %gather3A_772 = tpu.dynamic_gather %add3A_765[%gather3A_771] in [0] : vector<16xf32>, vector<16xi32> -> vector<16xf32>
      %add3A_773 = arith.addf %add3A_765, %gather3A_772 : vector<16xf32>
      %broadcast_in_dim3A_774 = vector.shape_cast %and3A_55 : vector<16xi32> to vector<16x1xi32>
      %gather3A_775 = vector.shape_cast %broadcast_in_dim3A_774 : vector<16x1xi32> to vector<16xi32>
      %gather3A_776 = tpu.dynamic_gather %add3A_773[%gather3A_775] in [0] : vector<16xf32>, vector<16xi32> -> vector<16xf32>
      %select_n3A_777 = arith.select %eq3A_44, %add3A_769, %gather3A_776 : vector<16xi1>, vector<16xf32>
      %broadcast_in_dim3A_778 = vector.shape_cast %and3A_61 : vector<16xi32> to vector<16x1xi32>
      %gather3A_779 = vector.shape_cast %broadcast_in_dim3A_778 : vector<16x1xi32> to vector<16xi32>
      %gather3A_780 = tpu.dynamic_gather %select_n3A_777[%gather3A_779] in [0] : vector<16xf32>, vector<16xi32> -> vector<16xf32>
      %add3A_781 = arith.addf %select_n3A_777, %gather3A_780 : vector<16xf32>
      %broadcast_in_dim3A_782 = vector.shape_cast %and3A_67 : vector<16xi32> to vector<16x1xi32>
      %gather3A_783 = vector.shape_cast %broadcast_in_dim3A_782 : vector<16x1xi32> to vector<16xi32>
      %gather3A_784 = tpu.dynamic_gather %add3A_781[%gather3A_783] in [0] : vector<16xf32>, vector<16xi32> -> vector<16xf32>
      %add3A_785 = arith.addf %add3A_781, %gather3A_784 : vector<16xf32>
      %broadcast_in_dim3A_786 = vector.shape_cast %and3A_73 : vector<16xi32> to vector<16x1xi32>
      %gather3A_787 = vector.shape_cast %broadcast_in_dim3A_786 : vector<16x1xi32> to vector<16xi32>
      %gather3A_788 = tpu.dynamic_gather %add3A_785[%gather3A_787] in [0] : vector<16xf32>, vector<16xi32> -> vector<16xf32>
      %add3A_789 = arith.addf %add3A_785, %gather3A_788 : vector<16xf32>
      %mul3A_790 = vector.broadcast %scan3A_93 : f32 to vector<16xf32>
      %mul3A_791 = arith.mulf %add3A_789, %mul3A_790 : vector<16xf32>
      %shift_right_arithmetic3A_792 = arith.constant 1 : i32
      %shift_right_arithmetic3A_793 = vector.broadcast %shift_right_arithmetic3A_792 : i32 to vector<16xi32>
      %shift_right_arithmetic3A_794 = arith.shrsi %iota3A, %shift_right_arithmetic3A_793 : vector<16xi32>
      %eq3A_795 = arith.constant 7 : i32
      %eq3A_796 = vector.broadcast %eq3A_795 : i32 to vector<16xi32>
      %eq3A_797 = arith.cmpi eq, %shift_right_arithmetic3A_794, %eq3A_796 : vector<16xi32>
      %jit3A_798 = arith.constant 0.000000e+00 : f32
      %broadcast_in_dim3A_799 = vector.broadcast %jit3A_798 : f32 to vector<16xf32>
      %select_n3A_800 = arith.select %eq3A_797, %mul3A_791, %broadcast_in_dim3A_799 : vector<16xi1>, vector<16xf32>
      %add3A_801 = arith.addf %add3A_747, %select_n3A_800 : vector<16xf32>
      %mul3A_802 = arith.constant 16 : i32
      %mul3A_803 = arith.muli %scan3A_129, %mul3A_802 : i32
      %swap3A = arith.index_cast %mul3A_803 : i32 to index
      %swap3A_804 = tpu.vector_load %arg9[%swap3A] {strides = array<i32>} : memref<1024xf32, #tpu.memory_space<vmem>>, vector<16xf32>,
      tpu.vector_store %arg9[%swap3A], %add3A_801 {strides = array<i32>} : memref<1024xf32, #tpu.memory_space<vmem>>, vector<16xf32>,
    }
    %scan3A_98 = arith.constant 16 : i32
    %dma_wait3A_99 = arith.constant 12800 : i32
    %dma_wait3A_100 = tpu.memref_slice %arg7[%dma_wait3A_99] : memref<25600xf32, #tpu.memory_space<vmem>> -> memref<6400xf32, #tpu.memory_space<vmem>>
    %dma_wait3A_101 = arith.constant 12800 : i32
    %dma_wait3A_102 = tpu.memref_slice %arg6[%dma_wait3A_101] : memref<25600xi32, #tpu.memory_space<vmem>> -> memref<6400xi32, #tpu.memory_space<vmem>>
    %dma_wait3A_103 = arith.constant 0 : i32
    %dma_wait3A_104 = tpu.memref_slice %arg10[%dma_wait3A_103] : memref<1000000xf32, #tpu.memory_space<vmem_shared>> -> memref<1000000xf32, #tpu.memory_space<vmem_shared>>
    tpu.wait_indirect_dma semaphore(%arg11 : memref<!tpu.dma_semaphore, #tpu.memory_space<semaphore_mem>>) src(%dma_wait3A_104 : memref<1000000xf32, #tpu.memory_space<vmem_shared>>) dst(%dma_wait3A_100 : memref<6400xf32, #tpu.memory_space<vmem>>)
    %scan3A_105 = arith.constant 0 : i32
    %scan3A_106 = arith.constant 2.000000e-02 : f32
    %scan3A_107 = arith.constant 32 : i32
    %scan3A_108 = arith.constant 16 : i32
    %scan3A_109 = arith.addi %scan3A_107, %scan3A_108 : i32
    %scan3A_110 = arith.constant 1 : i32
    scf.for %scan3A_129 = %scan3A_107 to %scan3A_109 step %scan3A_110  : i32 {
      %mul3A_130 = arith.constant 400 : i32
      %mul3A_131 = arith.muli %scan3A_129, %mul3A_130 : i32
      %add3A_132 = arith.constant 0 : i32
      %add3A_133 = arith.addi %mul3A_131, %add3A_132 : i32
      %get3A_134 = arith.index_cast %add3A_133 : i32 to index
      %get3A_135 = tpu.vector_load %arg7[%get3A_134] {strides = array<i32>} : memref<25600xf32, #tpu.memory_space<vmem>>, vector<16xf32>,
      %bitcast3A = vector.bitcast %get3A_135 : vector<16xf32> to vector<32xbf16>
      %unpack3A = tpu.unpack_subelements %bitcast3A, 0 {pack_format = #tpu.pack_format<interleaved>} : vector<32xbf16> -> vector<16xf32>
      %unpack3A_136 = tpu.unpack_subelements %bitcast3A, 1 {pack_format = #tpu.pack_format<interleaved>} : vector<32xbf16> -> vector<16xf32>
      %add3A_137 = arith.constant 16 : i32
      %add3A_138 = arith.addi %mul3A_131, %add3A_137 : i32
      %get3A_139 = arith.index_cast %add3A_138 : i32 to index
      %get3A_140 = tpu.vector_load %arg7[%get3A_139] {strides = array<i32>} : memref<25600xf32, #tpu.memory_space<vmem>>, vector<16xf32>,
      %bitcast3A_141 = vector.bitcast %get3A_140 : vector<16xf32> to vector<32xbf16>
      %unpack3A_142 = tpu.unpack_subelements %bitcast3A_141, 0 {pack_format = #tpu.pack_format<interleaved>} : vector<32xbf16> -> vector<16xf32>
      %unpack3A_143 = tpu.unpack_subelements %bitcast3A_141, 1 {pack_format = #tpu.pack_format<interleaved>} : vector<32xbf16> -> vector<16xf32>
      %add3A_144 = arith.constant 32 : i32
      %add3A_145 = arith.addi %mul3A_131, %add3A_144 : i32
      %get3A_146 = arith.index_cast %add3A_145 : i32 to index
      %get3A_147 = tpu.vector_load %arg7[%get3A_146] {strides = array<i32>} : memref<25600xf32, #tpu.memory_space<vmem>>, vector<16xf32>,
      %bitcast3A_148 = vector.bitcast %get3A_147 : vector<16xf32> to vector<32xbf16>
      %unpack3A_149 = tpu.unpack_subelements %bitcast3A_148, 0 {pack_format = #tpu.pack_format<interleaved>} : vector<32xbf16> -> vector<16xf32>
      %unpack3A_150 = tpu.unpack_subelements %bitcast3A_148, 1 {pack_format = #tpu.pack_format<interleaved>} : vector<32xbf16> -> vector<16xf32>
      %add3A_151 = arith.constant 48 : i32
      %add3A_152 = arith.addi %mul3A_131, %add3A_151 : i32
      %get3A_153 = arith.index_cast %add3A_152 : i32 to index
      %get3A_154 = tpu.vector_load %arg7[%get3A_153] {strides = array<i32>} : memref<25600xf32, #tpu.memory_space<vmem>>, vector<16xf32>,
      %bitcast3A_155 = vector.bitcast %get3A_154 : vector<16xf32> to vector<32xbf16>
      %unpack3A_156 = tpu.unpack_subelements %bitcast3A_155, 0 {pack_format = #tpu.pack_format<interleaved>} : vector<32xbf16> -> vector<16xf32>
      %unpack3A_157 = tpu.unpack_subelements %bitcast3A_155, 1 {pack_format = #tpu.pack_format<interleaved>} : vector<32xbf16> -> vector<16xf32>
      %add3A_158 = arith.constant 64 : i32
      %add3A_159 = arith.addi %mul3A_131, %add3A_158 : i32
      %get3A_160 = arith.index_cast %add3A_159 : i32 to index
      %get3A_161 = tpu.vector_load %arg7[%get3A_160] {strides = array<i32>} : memref<25600xf32, #tpu.memory_space<vmem>>, vector<16xf32>,
      %bitcast3A_162 = vector.bitcast %get3A_161 : vector<16xf32> to vector<32xbf16>
      %unpack3A_163 = tpu.unpack_subelements %bitcast3A_162, 0 {pack_format = #tpu.pack_format<interleaved>} : vector<32xbf16> -> vector<16xf32>
      %unpack3A_164 = tpu.unpack_subelements %bitcast3A_162, 1 {pack_format = #tpu.pack_format<interleaved>} : vector<32xbf16> -> vector<16xf32>
      %add3A_165 = arith.constant 80 : i32
      %add3A_166 = arith.addi %mul3A_131, %add3A_165 : i32
      %get3A_167 = arith.index_cast %add3A_166 : i32 to index
      %get3A_168 = tpu.vector_load %arg7[%get3A_167] {strides = array<i32>} : memref<25600xf32, #tpu.memory_space<vmem>>, vector<16xf32>,
      %bitcast3A_169 = vector.bitcast %get3A_168 : vector<16xf32> to vector<32xbf16>
      %unpack3A_170 = tpu.unpack_subelements %bitcast3A_169, 0 {pack_format = #tpu.pack_format<interleaved>} : vector<32xbf16> -> vector<16xf32>
      %unpack3A_171 = tpu.unpack_subelements %bitcast3A_169, 1 {pack_format = #tpu.pack_format<interleaved>} : vector<32xbf16> -> vector<16xf32>
      %add3A_172 = arith.constant 96 : i32
      %add3A_173 = arith.addi %mul3A_131, %add3A_172 : i32
      %get3A_174 = arith.index_cast %add3A_173 : i32 to index
      %get3A_175 = tpu.vector_load %arg7[%get3A_174] {strides = array<i32>} : memref<25600xf32, #tpu.memory_space<vmem>>, vector<16xf32>,
      %bitcast3A_176 = vector.bitcast %get3A_175 : vector<16xf32> to vector<32xbf16>
      %unpack3A_177 = tpu.unpack_subelements %bitcast3A_176, 0 {pack_format = #tpu.pack_format<interleaved>} : vector<32xbf16> -> vector<16xf32>
      %unpack3A_178 = tpu.unpack_subelements %bitcast3A_176, 1 {pack_format = #tpu.pack_format<interleaved>} : vector<32xbf16> -> vector<16xf32>
      %add3A_179 = arith.constant 112 : i32
      %add3A_180 = arith.addi %mul3A_131, %add3A_179 : i32
      %get3A_181 = arith.index_cast %add3A_180 : i32 to index
      %get3A_182 = tpu.vector_load %arg7[%get3A_181] {strides = array<i32>} : memref<25600xf32, #tpu.memory_space<vmem>>, vector<16xf32>,
      %bitcast3A_183 = vector.bitcast %get3A_182 : vector<16xf32> to vector<32xbf16>
      %unpack3A_184 = tpu.unpack_subelements %bitcast3A_183, 0 {pack_format = #tpu.pack_format<interleaved>} : vector<32xbf16> -> vector<16xf32>
      %unpack3A_185 = tpu.unpack_subelements %bitcast3A_183, 1 {pack_format = #tpu.pack_format<interleaved>} : vector<32xbf16> -> vector<16xf32>
      %add3A_186 = arith.constant 128 : i32
      %add3A_187 = arith.addi %mul3A_131, %add3A_186 : i32
      %get3A_188 = arith.index_cast %add3A_187 : i32 to index
      %get3A_189 = tpu.vector_load %arg7[%get3A_188] {strides = array<i32>} : memref<25600xf32, #tpu.memory_space<vmem>>, vector<16xf32>,
      %bitcast3A_190 = vector.bitcast %get3A_189 : vector<16xf32> to vector<32xbf16>
      %unpack3A_191 = tpu.unpack_subelements %bitcast3A_190, 0 {pack_format = #tpu.pack_format<interleaved>} : vector<32xbf16> -> vector<16xf32>
      %unpack3A_192 = tpu.unpack_subelements %bitcast3A_190, 1 {pack_format = #tpu.pack_format<interleaved>} : vector<32xbf16> -> vector<16xf32>
      %add3A_193 = arith.constant 144 : i32
      %add3A_194 = arith.addi %mul3A_131, %add3A_193 : i32
      %get3A_195 = arith.index_cast %add3A_194 : i32 to index
      %get3A_196 = tpu.vector_load %arg7[%get3A_195] {strides = array<i32>} : memref<25600xf32, #tpu.memory_space<vmem>>, vector<16xf32>,
      %bitcast3A_197 = vector.bitcast %get3A_196 : vector<16xf32> to vector<32xbf16>
      %unpack3A_198 = tpu.unpack_subelements %bitcast3A_197, 0 {pack_format = #tpu.pack_format<interleaved>} : vector<32xbf16> -> vector<16xf32>
      %unpack3A_199 = tpu.unpack_subelements %bitcast3A_197, 1 {pack_format = #tpu.pack_format<interleaved>} : vector<32xbf16> -> vector<16xf32>
      %add3A_200 = arith.constant 160 : i32
      %add3A_201 = arith.addi %mul3A_131, %add3A_200 : i32
      %get3A_202 = arith.index_cast %add3A_201 : i32 to index
      %get3A_203 = tpu.vector_load %arg7[%get3A_202] {strides = array<i32>} : memref<25600xf32, #tpu.memory_space<vmem>>, vector<16xf32>,
      %bitcast3A_204 = vector.bitcast %get3A_203 : vector<16xf32> to vector<32xbf16>
      %unpack3A_205 = tpu.unpack_subelements %bitcast3A_204, 0 {pack_format = #tpu.pack_format<interleaved>} : vector<32xbf16> -> vector<16xf32>
      %unpack3A_206 = tpu.unpack_subelements %bitcast3A_204, 1 {pack_format = #tpu.pack_format<interleaved>} : vector<32xbf16> -> vector<16xf32>
      %add3A_207 = arith.constant 176 : i32
      %add3A_208 = arith.addi %mul3A_131, %add3A_207 : i32
      %get3A_209 = arith.index_cast %add3A_208 : i32 to index
      %get3A_210 = tpu.vector_load %arg7[%get3A_209] {strides = array<i32>} : memref<25600xf32, #tpu.memory_space<vmem>>, vector<16xf32>,
      %bitcast3A_211 = vector.bitcast %get3A_210 : vector<16xf32> to vector<32xbf16>
      %unpack3A_212 = tpu.unpack_subelements %bitcast3A_211, 0 {pack_format = #tpu.pack_format<interleaved>} : vector<32xbf16> -> vector<16xf32>
      %unpack3A_213 = tpu.unpack_subelements %bitcast3A_211, 1 {pack_format = #tpu.pack_format<interleaved>} : vector<32xbf16> -> vector<16xf32>
      %add3A_214 = arith.constant 192 : i32
      %add3A_215 = arith.addi %mul3A_131, %add3A_214 : i32
      %get3A_216 = arith.index_cast %add3A_215 : i32 to index
      %get3A_217 = tpu.vector_load %arg7[%get3A_216] {strides = array<i32>} : memref<25600xf32, #tpu.memory_space<vmem>>, vector<16xf32>,
      %bitcast3A_218 = vector.bitcast %get3A_217 : vector<16xf32> to vector<32xbf16>
      %unpack3A_219 = tpu.unpack_subelements %bitcast3A_218, 0 {pack_format = #tpu.pack_format<interleaved>} : vector<32xbf16> -> vector<16xf32>
      %unpack3A_220 = tpu.unpack_subelements %bitcast3A_218, 1 {pack_format = #tpu.pack_format<interleaved>} : vector<32xbf16> -> vector<16xf32>
      %add3A_221 = arith.constant 208 : i32
      %add3A_222 = arith.addi %mul3A_131, %add3A_221 : i32
      %get3A_223 = arith.index_cast %add3A_222 : i32 to index
      %get3A_224 = tpu.vector_load %arg7[%get3A_223] {strides = array<i32>} : memref<25600xf32, #tpu.memory_space<vmem>>, vector<16xf32>,
      %bitcast3A_225 = vector.bitcast %get3A_224 : vector<16xf32> to vector<32xbf16>
      %unpack3A_226 = tpu.unpack_subelements %bitcast3A_225, 0 {pack_format = #tpu.pack_format<interleaved>} : vector<32xbf16> -> vector<16xf32>
      %unpack3A_227 = tpu.unpack_subelements %bitcast3A_225, 1 {pack_format = #tpu.pack_format<interleaved>} : vector<32xbf16> -> vector<16xf32>
      %add3A_228 = arith.constant 224 : i32
      %add3A_229 = arith.addi %mul3A_131, %add3A_228 : i32
      %get3A_230 = arith.index_cast %add3A_229 : i32 to index
      %get3A_231 = tpu.vector_load %arg7[%get3A_230] {strides = array<i32>} : memref<25600xf32, #tpu.memory_space<vmem>>, vector<16xf32>,
      %bitcast3A_232 = vector.bitcast %get3A_231 : vector<16xf32> to vector<32xbf16>
      %unpack3A_233 = tpu.unpack_subelements %bitcast3A_232, 0 {pack_format = #tpu.pack_format<interleaved>} : vector<32xbf16> -> vector<16xf32>
      %unpack3A_234 = tpu.unpack_subelements %bitcast3A_232, 1 {pack_format = #tpu.pack_format<interleaved>} : vector<32xbf16> -> vector<16xf32>
      %add3A_235 = arith.constant 240 : i32
      %add3A_236 = arith.addi %mul3A_131, %add3A_235 : i32
      %get3A_237 = arith.index_cast %add3A_236 : i32 to index
      %get3A_238 = tpu.vector_load %arg7[%get3A_237] {strides = array<i32>} : memref<25600xf32, #tpu.memory_space<vmem>>, vector<16xf32>,
      %bitcast3A_239 = vector.bitcast %get3A_238 : vector<16xf32> to vector<32xbf16>
      %unpack3A_240 = tpu.unpack_subelements %bitcast3A_239, 0 {pack_format = #tpu.pack_format<interleaved>} : vector<32xbf16> -> vector<16xf32>
      %unpack3A_241 = tpu.unpack_subelements %bitcast3A_239, 1 {pack_format = #tpu.pack_format<interleaved>} : vector<32xbf16> -> vector<16xf32>
      %add3A_242 = arith.constant 256 : i32
      %add3A_243 = arith.addi %mul3A_131, %add3A_242 : i32
      %get3A_244 = arith.index_cast %add3A_243 : i32 to index
      %get3A_245 = tpu.vector_load %arg7[%get3A_244] {strides = array<i32>} : memref<25600xf32, #tpu.memory_space<vmem>>, vector<16xf32>,
      %bitcast3A_246 = vector.bitcast %get3A_245 : vector<16xf32> to vector<32xbf16>
      %unpack3A_247 = tpu.unpack_subelements %bitcast3A_246, 0 {pack_format = #tpu.pack_format<interleaved>} : vector<32xbf16> -> vector<16xf32>
      %unpack3A_248 = tpu.unpack_subelements %bitcast3A_246, 1 {pack_format = #tpu.pack_format<interleaved>} : vector<32xbf16> -> vector<16xf32>
      %add3A_249 = arith.constant 272 : i32
      %add3A_250 = arith.addi %mul3A_131, %add3A_249 : i32
      %get3A_251 = arith.index_cast %add3A_250 : i32 to index
      %get3A_252 = tpu.vector_load %arg7[%get3A_251] {strides = array<i32>} : memref<25600xf32, #tpu.memory_space<vmem>>, vector<16xf32>,
      %bitcast3A_253 = vector.bitcast %get3A_252 : vector<16xf32> to vector<32xbf16>
      %unpack3A_254 = tpu.unpack_subelements %bitcast3A_253, 0 {pack_format = #tpu.pack_format<interleaved>} : vector<32xbf16> -> vector<16xf32>
      %unpack3A_255 = tpu.unpack_subelements %bitcast3A_253, 1 {pack_format = #tpu.pack_format<interleaved>} : vector<32xbf16> -> vector<16xf32>
      %add3A_256 = arith.constant 288 : i32
      %add3A_257 = arith.addi %mul3A_131, %add3A_256 : i32
      %get3A_258 = arith.index_cast %add3A_257 : i32 to index
      %get3A_259 = tpu.vector_load %arg7[%get3A_258] {strides = array<i32>} : memref<25600xf32, #tpu.memory_space<vmem>>, vector<16xf32>,
      %bitcast3A_260 = vector.bitcast %get3A_259 : vector<16xf32> to vector<32xbf16>
      %unpack3A_261 = tpu.unpack_subelements %bitcast3A_260, 0 {pack_format = #tpu.pack_format<interleaved>} : vector<32xbf16> -> vector<16xf32>
      %unpack3A_262 = tpu.unpack_subelements %bitcast3A_260, 1 {pack_format = #tpu.pack_format<interleaved>} : vector<32xbf16> -> vector<16xf32>
      %add3A_263 = arith.constant 304 : i32
      %add3A_264 = arith.addi %mul3A_131, %add3A_263 : i32
      %get3A_265 = arith.index_cast %add3A_264 : i32 to index
      %get3A_266 = tpu.vector_load %arg7[%get3A_265] {strides = array<i32>} : memref<25600xf32, #tpu.memory_space<vmem>>, vector<16xf32>,
      %bitcast3A_267 = vector.bitcast %get3A_266 : vector<16xf32> to vector<32xbf16>
      %unpack3A_268 = tpu.unpack_subelements %bitcast3A_267, 0 {pack_format = #tpu.pack_format<interleaved>} : vector<32xbf16> -> vector<16xf32>
      %unpack3A_269 = tpu.unpack_subelements %bitcast3A_267, 1 {pack_format = #tpu.pack_format<interleaved>} : vector<32xbf16> -> vector<16xf32>
      %add3A_270 = arith.constant 320 : i32
      %add3A_271 = arith.addi %mul3A_131, %add3A_270 : i32
      %get3A_272 = arith.index_cast %add3A_271 : i32 to index
      %get3A_273 = tpu.vector_load %arg7[%get3A_272] {strides = array<i32>} : memref<25600xf32, #tpu.memory_space<vmem>>, vector<16xf32>,
      %bitcast3A_274 = vector.bitcast %get3A_273 : vector<16xf32> to vector<32xbf16>
      %unpack3A_275 = tpu.unpack_subelements %bitcast3A_274, 0 {pack_format = #tpu.pack_format<interleaved>} : vector<32xbf16> -> vector<16xf32>
      %unpack3A_276 = tpu.unpack_subelements %bitcast3A_274, 1 {pack_format = #tpu.pack_format<interleaved>} : vector<32xbf16> -> vector<16xf32>
      %add3A_277 = arith.constant 336 : i32
      %add3A_278 = arith.addi %mul3A_131, %add3A_277 : i32
      %get3A_279 = arith.index_cast %add3A_278 : i32 to index
      %get3A_280 = tpu.vector_load %arg7[%get3A_279] {strides = array<i32>} : memref<25600xf32, #tpu.memory_space<vmem>>, vector<16xf32>,
      %bitcast3A_281 = vector.bitcast %get3A_280 : vector<16xf32> to vector<32xbf16>
      %unpack3A_282 = tpu.unpack_subelements %bitcast3A_281, 0 {pack_format = #tpu.pack_format<interleaved>} : vector<32xbf16> -> vector<16xf32>
      %unpack3A_283 = tpu.unpack_subelements %bitcast3A_281, 1 {pack_format = #tpu.pack_format<interleaved>} : vector<32xbf16> -> vector<16xf32>
      %add3A_284 = arith.constant 352 : i32
      %add3A_285 = arith.addi %mul3A_131, %add3A_284 : i32
      %get3A_286 = arith.index_cast %add3A_285 : i32 to index
      %get3A_287 = tpu.vector_load %arg7[%get3A_286] {strides = array<i32>} : memref<25600xf32, #tpu.memory_space<vmem>>, vector<16xf32>,
      %bitcast3A_288 = vector.bitcast %get3A_287 : vector<16xf32> to vector<32xbf16>
      %unpack3A_289 = tpu.unpack_subelements %bitcast3A_288, 0 {pack_format = #tpu.pack_format<interleaved>} : vector<32xbf16> -> vector<16xf32>
      %unpack3A_290 = tpu.unpack_subelements %bitcast3A_288, 1 {pack_format = #tpu.pack_format<interleaved>} : vector<32xbf16> -> vector<16xf32>
      %add3A_291 = arith.constant 368 : i32
      %add3A_292 = arith.addi %mul3A_131, %add3A_291 : i32
      %get3A_293 = arith.index_cast %add3A_292 : i32 to index
      %get3A_294 = tpu.vector_load %arg7[%get3A_293] {strides = array<i32>} : memref<25600xf32, #tpu.memory_space<vmem>>, vector<16xf32>,
      %bitcast3A_295 = vector.bitcast %get3A_294 : vector<16xf32> to vector<32xbf16>
      %unpack3A_296 = tpu.unpack_subelements %bitcast3A_295, 0 {pack_format = #tpu.pack_format<interleaved>} : vector<32xbf16> -> vector<16xf32>
      %unpack3A_297 = tpu.unpack_subelements %bitcast3A_295, 1 {pack_format = #tpu.pack_format<interleaved>} : vector<32xbf16> -> vector<16xf32>
      %add3A_298 = arith.constant 384 : i32
      %add3A_299 = arith.addi %mul3A_131, %add3A_298 : i32
      %get3A_300 = arith.index_cast %add3A_299 : i32 to index
      %get3A_301 = tpu.vector_load %arg7[%get3A_300] {strides = array<i32>} : memref<25600xf32, #tpu.memory_space<vmem>>, vector<16xf32>,
      %bitcast3A_302 = vector.bitcast %get3A_301 : vector<16xf32> to vector<32xbf16>
      %unpack3A_303 = tpu.unpack_subelements %bitcast3A_302, 0 {pack_format = #tpu.pack_format<interleaved>} : vector<32xbf16> -> vector<16xf32>
      %unpack3A_304 = tpu.unpack_subelements %bitcast3A_302, 1 {pack_format = #tpu.pack_format<interleaved>} : vector<32xbf16> -> vector<16xf32>
      %add3A_305 = arith.addf %unpack3A_142, %unpack3A_149 : vector<16xf32>
      %add3A_306 = arith.addf %unpack3A_143, %unpack3A_150 : vector<16xf32>
      %add3A_307 = arith.addf %add3A_305, %unpack3A : vector<16xf32>
      %add3A_308 = arith.addf %add3A_306, %unpack3A_136 : vector<16xf32>
      %lt3A = arith.constant 2 : i32
      %lt3A_309 = vector.broadcast %lt3A : i32 to vector<16xi32>
      %lt3A_310 = arith.cmpi slt, %iota3A, %lt3A_309 : vector<16xi32>
      %jit3A = arith.constant 0.000000e+00 : f32
      %broadcast_in_dim3A = vector.broadcast %jit3A : f32 to vector<16xf32>
      %select_n3A = arith.select %lt3A_310, %unpack3A_156, %broadcast_in_dim3A : vector<16xi1>, vector<16xf32>
      %add3A_311 = arith.addf %add3A_307, %select_n3A : vector<16xf32>
      %lt3A_312 = arith.constant 2 : i32
      %lt3A_313 = vector.broadcast %lt3A_312 : i32 to vector<16xi32>
      %lt3A_314 = arith.cmpi slt, %iota3A, %lt3A_313 : vector<16xi32>
      %jit3A_315 = arith.constant 0.000000e+00 : f32
      %broadcast_in_dim3A_316 = vector.broadcast %jit3A_315 : f32 to vector<16xf32>
      %select_n3A_317 = arith.select %lt3A_314, %unpack3A_157, %broadcast_in_dim3A_316 : vector<16xi1>, vector<16xf32>
      %add3A_318 = arith.addf %add3A_308, %select_n3A_317 : vector<16xf32>
      %broadcast_in_dim3A_319 = vector.shape_cast %and3A_50 : vector<16xi32> to vector<16x1xi32>
      %gather3A = vector.shape_cast %broadcast_in_dim3A_319 : vector<16x1xi32> to vector<16xi32>
      %gather3A_320 = tpu.dynamic_gather %add3A_311[%gather3A] in [0] : vector<16xf32>, vector<16xi32> -> vector<16xf32>
      %add3A_321 = arith.addf %add3A_311, %gather3A_320 : vector<16xf32>
      %broadcast_in_dim3A_322 = vector.shape_cast %and3A_50 : vector<16xi32> to vector<16x1xi32>
      %gather3A_323 = vector.shape_cast %broadcast_in_dim3A_322 : vector<16x1xi32> to vector<16xi32>
      %gather3A_324 = tpu.dynamic_gather %add3A_318[%gather3A_323] in [0] : vector<16xf32>, vector<16xi32> -> vector<16xf32>
      %add3A_325 = arith.addf %add3A_318, %gather3A_324 : vector<16xf32>
      %broadcast_in_dim3A_326 = vector.shape_cast %and3A_55 : vector<16xi32> to vector<16x1xi32>
      %gather3A_327 = vector.shape_cast %broadcast_in_dim3A_326 : vector<16x1xi32> to vector<16xi32>
      %gather3A_328 = tpu.dynamic_gather %add3A_325[%gather3A_327] in [0] : vector<16xf32>, vector<16xi32> -> vector<16xf32>
      %select_n3A_329 = arith.select %eq3A_44, %add3A_321, %gather3A_328 : vector<16xi1>, vector<16xf32>
      %broadcast_in_dim3A_330 = vector.shape_cast %and3A_61 : vector<16xi32> to vector<16x1xi32>
      %gather3A_331 = vector.shape_cast %broadcast_in_dim3A_330 : vector<16x1xi32> to vector<16xi32>
      %gather3A_332 = tpu.dynamic_gather %select_n3A_329[%gather3A_331] in [0] : vector<16xf32>, vector<16xi32> -> vector<16xf32>
      %add3A_333 = arith.addf %select_n3A_329, %gather3A_332 : vector<16xf32>
      %broadcast_in_dim3A_334 = vector.shape_cast %and3A_67 : vector<16xi32> to vector<16x1xi32>
      %gather3A_335 = vector.shape_cast %broadcast_in_dim3A_334 : vector<16x1xi32> to vector<16xi32>
      %gather3A_336 = tpu.dynamic_gather %add3A_333[%gather3A_335] in [0] : vector<16xf32>, vector<16xi32> -> vector<16xf32>
      %add3A_337 = arith.addf %add3A_333, %gather3A_336 : vector<16xf32>
      %broadcast_in_dim3A_338 = vector.shape_cast %and3A_73 : vector<16xi32> to vector<16x1xi32>
      %gather3A_339 = vector.shape_cast %broadcast_in_dim3A_338 : vector<16x1xi32> to vector<16xi32>
      %gather3A_340 = tpu.dynamic_gather %add3A_337[%gather3A_339] in [0] : vector<16xf32>, vector<16xi32> -> vector<16xf32>
      %add3A_341 = arith.addf %add3A_337, %gather3A_340 : vector<16xf32>
      %mul3A_342 = vector.broadcast %scan3A_106 : f32 to vector<16xf32>
      %mul3A_343 = arith.mulf %add3A_341, %mul3A_342 : vector<16xf32>
      %shift_right_arithmetic3A = arith.constant 1 : i32
      %shift_right_arithmetic3A_344 = vector.broadcast %shift_right_arithmetic3A : i32 to vector<16xi32>
      %shift_right_arithmetic3A_345 = arith.shrsi %iota3A, %shift_right_arithmetic3A_344 : vector<16xi32>
      %eq3A_346 = arith.constant 0 : i32
      %eq3A_347 = vector.broadcast %eq3A_346 : i32 to vector<16xi32>
      %eq3A_348 = arith.cmpi eq, %shift_right_arithmetic3A_345, %eq3A_347 : vector<16xi32>
      %jit3A_349 = arith.constant 0.000000e+00 : f32
      %broadcast_in_dim3A_350 = vector.broadcast %jit3A_349 : f32 to vector<16xf32>
      %select_n3A_351 = arith.select %eq3A_348, %mul3A_343, %broadcast_in_dim3A_350 : vector<16xi1>, vector<16xf32>
      %add3A_352 = arith.addf %get3A_39, %select_n3A_351 : vector<16xf32>
      %add3A_353 = arith.addf %unpack3A_163, %unpack3A_170 : vector<16xf32>
      %add3A_354 = arith.addf %unpack3A_164, %unpack3A_171 : vector<16xf32>
      %ge3A = arith.constant 2 : i32
      %ge3A_355 = vector.broadcast %ge3A : i32 to vector<16xi32>
      %ge3A_356 = arith.cmpi sge, %iota3A, %ge3A_355 : vector<16xi32>
      %jit3A_357 = arith.constant 0.000000e+00 : f32
      %broadcast_in_dim3A_358 = vector.broadcast %jit3A_357 : f32 to vector<16xf32>
      %select_n3A_359 = arith.select %ge3A_356, %unpack3A_156, %broadcast_in_dim3A_358 : vector<16xi1>, vector<16xf32>
      %add3A_360 = arith.addf %add3A_353, %select_n3A_359 : vector<16xf32>
      %ge3A_361 = arith.constant 2 : i32
      %ge3A_362 = vector.broadcast %ge3A_361 : i32 to vector<16xi32>
      %ge3A_363 = arith.cmpi sge, %iota3A, %ge3A_362 : vector<16xi32>
      %jit3A_364 = arith.constant 0.000000e+00 : f32
      %broadcast_in_dim3A_365 = vector.broadcast %jit3A_364 : f32 to vector<16xf32>
      %select_n3A_366 = arith.select %ge3A_363, %unpack3A_157, %broadcast_in_dim3A_365 : vector<16xi1>, vector<16xf32>
      %add3A_367 = arith.addf %add3A_354, %select_n3A_366 : vector<16xf32>
      %lt3A_368 = arith.constant 4 : i32
      %lt3A_369 = vector.broadcast %lt3A_368 : i32 to vector<16xi32>
      %lt3A_370 = arith.cmpi slt, %iota3A, %lt3A_369 : vector<16xi32>
      %jit3A_371 = arith.constant 0.000000e+00 : f32
      %broadcast_in_dim3A_372 = vector.broadcast %jit3A_371 : f32 to vector<16xf32>
      %select_n3A_373 = arith.select %lt3A_370, %unpack3A_177, %broadcast_in_dim3A_372 : vector<16xi1>, vector<16xf32>
      %add3A_374 = arith.addf %add3A_360, %select_n3A_373 : vector<16xf32>
      %lt3A_375 = arith.constant 4 : i32
      %lt3A_376 = vector.broadcast %lt3A_375 : i32 to vector<16xi32>
      %lt3A_377 = arith.cmpi slt, %iota3A, %lt3A_376 : vector<16xi32>
      %jit3A_378 = arith.constant 0.000000e+00 : f32
      %broadcast_in_dim3A_379 = vector.broadcast %jit3A_378 : f32 to vector<16xf32>
      %select_n3A_380 = arith.select %lt3A_377, %unpack3A_178, %broadcast_in_dim3A_379 : vector<16xi1>, vector<16xf32>
      %add3A_381 = arith.addf %add3A_367, %select_n3A_380 : vector<16xf32>
      %broadcast_in_dim3A_382 = vector.shape_cast %and3A_50 : vector<16xi32> to vector<16x1xi32>
      %gather3A_383 = vector.shape_cast %broadcast_in_dim3A_382 : vector<16x1xi32> to vector<16xi32>
      %gather3A_384 = tpu.dynamic_gather %add3A_374[%gather3A_383] in [0] : vector<16xf32>, vector<16xi32> -> vector<16xf32>
      %add3A_385 = arith.addf %add3A_374, %gather3A_384 : vector<16xf32>
      %broadcast_in_dim3A_386 = vector.shape_cast %and3A_50 : vector<16xi32> to vector<16x1xi32>
      %gather3A_387 = vector.shape_cast %broadcast_in_dim3A_386 : vector<16x1xi32> to vector<16xi32>
      %gather3A_388 = tpu.dynamic_gather %add3A_381[%gather3A_387] in [0] : vector<16xf32>, vector<16xi32> -> vector<16xf32>
      %add3A_389 = arith.addf %add3A_381, %gather3A_388 : vector<16xf32>
      %broadcast_in_dim3A_390 = vector.shape_cast %and3A_55 : vector<16xi32> to vector<16x1xi32>
      %gather3A_391 = vector.shape_cast %broadcast_in_dim3A_390 : vector<16x1xi32> to vector<16xi32>
      %gather3A_392 = tpu.dynamic_gather %add3A_389[%gather3A_391] in [0] : vector<16xf32>, vector<16xi32> -> vector<16xf32>
      %select_n3A_393 = arith.select %eq3A_44, %add3A_385, %gather3A_392 : vector<16xi1>, vector<16xf32>
      %broadcast_in_dim3A_394 = vector.shape_cast %and3A_61 : vector<16xi32> to vector<16x1xi32>
      %gather3A_395 = vector.shape_cast %broadcast_in_dim3A_394 : vector<16x1xi32> to vector<16xi32>
      %gather3A_396 = tpu.dynamic_gather %select_n3A_393[%gather3A_395] in [0] : vector<16xf32>, vector<16xi32> -> vector<16xf32>
      %add3A_397 = arith.addf %select_n3A_393, %gather3A_396 : vector<16xf32>
      %broadcast_in_dim3A_398 = vector.shape_cast %and3A_67 : vector<16xi32> to vector<16x1xi32>
      %gather3A_399 = vector.shape_cast %broadcast_in_dim3A_398 : vector<16x1xi32> to vector<16xi32>
      %gather3A_400 = tpu.dynamic_gather %add3A_397[%gather3A_399] in [0] : vector<16xf32>, vector<16xi32> -> vector<16xf32>
      %add3A_401 = arith.addf %add3A_397, %gather3A_400 : vector<16xf32>
      %broadcast_in_dim3A_402 = vector.shape_cast %and3A_73 : vector<16xi32> to vector<16x1xi32>
      %gather3A_403 = vector.shape_cast %broadcast_in_dim3A_402 : vector<16x1xi32> to vector<16xi32>
      %gather3A_404 = tpu.dynamic_gather %add3A_401[%gather3A_403] in [0] : vector<16xf32>, vector<16xi32> -> vector<16xf32>
      %add3A_405 = arith.addf %add3A_401, %gather3A_404 : vector<16xf32>
      %mul3A_406 = vector.broadcast %scan3A_106 : f32 to vector<16xf32>
      %mul3A_407 = arith.mulf %add3A_405, %mul3A_406 : vector<16xf32>
      %shift_right_arithmetic3A_408 = arith.constant 1 : i32
      %shift_right_arithmetic3A_409 = vector.broadcast %shift_right_arithmetic3A_408 : i32 to vector<16xi32>
      %shift_right_arithmetic3A_410 = arith.shrsi %iota3A, %shift_right_arithmetic3A_409 : vector<16xi32>
      %eq3A_411 = arith.constant 1 : i32
      %eq3A_412 = vector.broadcast %eq3A_411 : i32 to vector<16xi32>
      %eq3A_413 = arith.cmpi eq, %shift_right_arithmetic3A_410, %eq3A_412 : vector<16xi32>
      %jit3A_414 = arith.constant 0.000000e+00 : f32
      %broadcast_in_dim3A_415 = vector.broadcast %jit3A_414 : f32 to vector<16xf32>
      %select_n3A_416 = arith.select %eq3A_413, %mul3A_407, %broadcast_in_dim3A_415 : vector<16xi1>, vector<16xf32>
      %add3A_417 = arith.addf %add3A_352, %select_n3A_416 : vector<16xf32>
      %add3A_418 = arith.addf %unpack3A_184, %unpack3A_191 : vector<16xf32>
      %add3A_419 = arith.addf %unpack3A_185, %unpack3A_192 : vector<16xf32>
      %ge3A_420 = arith.constant 4 : i32
      %ge3A_421 = vector.broadcast %ge3A_420 : i32 to vector<16xi32>
      %ge3A_422 = arith.cmpi sge, %iota3A, %ge3A_421 : vector<16xi32>
      %jit3A_423 = arith.constant 0.000000e+00 : f32
      %broadcast_in_dim3A_424 = vector.broadcast %jit3A_423 : f32 to vector<16xf32>
      %select_n3A_425 = arith.select %ge3A_422, %unpack3A_177, %broadcast_in_dim3A_424 : vector<16xi1>, vector<16xf32>
      %add3A_426 = arith.addf %add3A_418, %select_n3A_425 : vector<16xf32>
      %ge3A_427 = arith.constant 4 : i32
      %ge3A_428 = vector.broadcast %ge3A_427 : i32 to vector<16xi32>
      %ge3A_429 = arith.cmpi sge, %iota3A, %ge3A_428 : vector<16xi32>
      %jit3A_430 = arith.constant 0.000000e+00 : f32
      %broadcast_in_dim3A_431 = vector.broadcast %jit3A_430 : f32 to vector<16xf32>
      %select_n3A_432 = arith.select %ge3A_429, %unpack3A_178, %broadcast_in_dim3A_431 : vector<16xi1>, vector<16xf32>
      %add3A_433 = arith.addf %add3A_419, %select_n3A_432 : vector<16xf32>
      %lt3A_434 = arith.constant 6 : i32
      %lt3A_435 = vector.broadcast %lt3A_434 : i32 to vector<16xi32>
      %lt3A_436 = arith.cmpi slt, %iota3A, %lt3A_435 : vector<16xi32>
      %jit3A_437 = arith.constant 0.000000e+00 : f32
      %broadcast_in_dim3A_438 = vector.broadcast %jit3A_437 : f32 to vector<16xf32>
      %select_n3A_439 = arith.select %lt3A_436, %unpack3A_198, %broadcast_in_dim3A_438 : vector<16xi1>, vector<16xf32>
      %add3A_440 = arith.addf %add3A_426, %select_n3A_439 : vector<16xf32>
      %lt3A_441 = arith.constant 6 : i32
      %lt3A_442 = vector.broadcast %lt3A_441 : i32 to vector<16xi32>
      %lt3A_443 = arith.cmpi slt, %iota3A, %lt3A_442 : vector<16xi32>
      %jit3A_444 = arith.constant 0.000000e+00 : f32
      %broadcast_in_dim3A_445 = vector.broadcast %jit3A_444 : f32 to vector<16xf32>
      %select_n3A_446 = arith.select %lt3A_443, %unpack3A_199, %broadcast_in_dim3A_445 : vector<16xi1>, vector<16xf32>
      %add3A_447 = arith.addf %add3A_433, %select_n3A_446 : vector<16xf32>
      %broadcast_in_dim3A_448 = vector.shape_cast %and3A_50 : vector<16xi32> to vector<16x1xi32>
      %gather3A_449 = vector.shape_cast %broadcast_in_dim3A_448 : vector<16x1xi32> to vector<16xi32>
      %gather3A_450 = tpu.dynamic_gather %add3A_440[%gather3A_449] in [0] : vector<16xf32>, vector<16xi32> -> vector<16xf32>
      %add3A_451 = arith.addf %add3A_440, %gather3A_450 : vector<16xf32>
      %broadcast_in_dim3A_452 = vector.shape_cast %and3A_50 : vector<16xi32> to vector<16x1xi32>
      %gather3A_453 = vector.shape_cast %broadcast_in_dim3A_452 : vector<16x1xi32> to vector<16xi32>
      %gather3A_454 = tpu.dynamic_gather %add3A_447[%gather3A_453] in [0] : vector<16xf32>, vector<16xi32> -> vector<16xf32>
      %add3A_455 = arith.addf %add3A_447, %gather3A_454 : vector<16xf32>
      %broadcast_in_dim3A_456 = vector.shape_cast %and3A_55 : vector<16xi32> to vector<16x1xi32>
      %gather3A_457 = vector.shape_cast %broadcast_in_dim3A_456 : vector<16x1xi32> to vector<16xi32>
      %gather3A_458 = tpu.dynamic_gather %add3A_455[%gather3A_457] in [0] : vector<16xf32>, vector<16xi32> -> vector<16xf32>
      %select_n3A_459 = arith.select %eq3A_44, %add3A_451, %gather3A_458 : vector<16xi1>, vector<16xf32>
      %broadcast_in_dim3A_460 = vector.shape_cast %and3A_61 : vector<16xi32> to vector<16x1xi32>
      %gather3A_461 = vector.shape_cast %broadcast_in_dim3A_460 : vector<16x1xi32> to vector<16xi32>
      %gather3A_462 = tpu.dynamic_gather %select_n3A_459[%gather3A_461] in [0] : vector<16xf32>, vector<16xi32> -> vector<16xf32>
      %add3A_463 = arith.addf %select_n3A_459, %gather3A_462 : vector<16xf32>
      %broadcast_in_dim3A_464 = vector.shape_cast %and3A_67 : vector<16xi32> to vector<16x1xi32>
      %gather3A_465 = vector.shape_cast %broadcast_in_dim3A_464 : vector<16x1xi32> to vector<16xi32>
      %gather3A_466 = tpu.dynamic_gather %add3A_463[%gather3A_465] in [0] : vector<16xf32>, vector<16xi32> -> vector<16xf32>
      %add3A_467 = arith.addf %add3A_463, %gather3A_466 : vector<16xf32>
      %broadcast_in_dim3A_468 = vector.shape_cast %and3A_73 : vector<16xi32> to vector<16x1xi32>
      %gather3A_469 = vector.shape_cast %broadcast_in_dim3A_468 : vector<16x1xi32> to vector<16xi32>
      %gather3A_470 = tpu.dynamic_gather %add3A_467[%gather3A_469] in [0] : vector<16xf32>, vector<16xi32> -> vector<16xf32>
      %add3A_471 = arith.addf %add3A_467, %gather3A_470 : vector<16xf32>
      %mul3A_472 = vector.broadcast %scan3A_106 : f32 to vector<16xf32>
      %mul3A_473 = arith.mulf %add3A_471, %mul3A_472 : vector<16xf32>
      %shift_right_arithmetic3A_474 = arith.constant 1 : i32
      %shift_right_arithmetic3A_475 = vector.broadcast %shift_right_arithmetic3A_474 : i32 to vector<16xi32>
      %shift_right_arithmetic3A_476 = arith.shrsi %iota3A, %shift_right_arithmetic3A_475 : vector<16xi32>
      %eq3A_477 = arith.constant 2 : i32
      %eq3A_478 = vector.broadcast %eq3A_477 : i32 to vector<16xi32>
      %eq3A_479 = arith.cmpi eq, %shift_right_arithmetic3A_476, %eq3A_478 : vector<16xi32>
      %jit3A_480 = arith.constant 0.000000e+00 : f32
      %broadcast_in_dim3A_481 = vector.broadcast %jit3A_480 : f32 to vector<16xf32>
      %select_n3A_482 = arith.select %eq3A_479, %mul3A_473, %broadcast_in_dim3A_481 : vector<16xi1>, vector<16xf32>
      %add3A_483 = arith.addf %add3A_417, %select_n3A_482 : vector<16xf32>
      %add3A_484 = arith.addf %unpack3A_205, %unpack3A_212 : vector<16xf32>
      %add3A_485 = arith.addf %unpack3A_206, %unpack3A_213 : vector<16xf32>
      %ge3A_486 = arith.constant 6 : i32
      %ge3A_487 = vector.broadcast %ge3A_486 : i32 to vector<16xi32>
      %ge3A_488 = arith.cmpi sge, %iota3A, %ge3A_487 : vector<16xi32>
      %jit3A_489 = arith.constant 0.000000e+00 : f32
      %broadcast_in_dim3A_490 = vector.broadcast %jit3A_489 : f32 to vector<16xf32>
      %select_n3A_491 = arith.select %ge3A_488, %unpack3A_198, %broadcast_in_dim3A_490 : vector<16xi1>, vector<16xf32>
      %add3A_492 = arith.addf %add3A_484, %select_n3A_491 : vector<16xf32>
      %ge3A_493 = arith.constant 6 : i32
      %ge3A_494 = vector.broadcast %ge3A_493 : i32 to vector<16xi32>
      %ge3A_495 = arith.cmpi sge, %iota3A, %ge3A_494 : vector<16xi32>
      %jit3A_496 = arith.constant 0.000000e+00 : f32
      %broadcast_in_dim3A_497 = vector.broadcast %jit3A_496 : f32 to vector<16xf32>
      %select_n3A_498 = arith.select %ge3A_495, %unpack3A_199, %broadcast_in_dim3A_497 : vector<16xi1>, vector<16xf32>
      %add3A_499 = arith.addf %add3A_485, %select_n3A_498 : vector<16xf32>
      %lt3A_500 = arith.constant 8 : i32
      %lt3A_501 = vector.broadcast %lt3A_500 : i32 to vector<16xi32>
      %lt3A_502 = arith.cmpi slt, %iota3A, %lt3A_501 : vector<16xi32>
      %jit3A_503 = arith.constant 0.000000e+00 : f32
      %broadcast_in_dim3A_504 = vector.broadcast %jit3A_503 : f32 to vector<16xf32>
      %select_n3A_505 = arith.select %lt3A_502, %unpack3A_219, %broadcast_in_dim3A_504 : vector<16xi1>, vector<16xf32>
      %add3A_506 = arith.addf %add3A_492, %select_n3A_505 : vector<16xf32>
      %lt3A_507 = arith.constant 8 : i32
      %lt3A_508 = vector.broadcast %lt3A_507 : i32 to vector<16xi32>
      %lt3A_509 = arith.cmpi slt, %iota3A, %lt3A_508 : vector<16xi32>
      %jit3A_510 = arith.constant 0.000000e+00 : f32
      %broadcast_in_dim3A_511 = vector.broadcast %jit3A_510 : f32 to vector<16xf32>
      %select_n3A_512 = arith.select %lt3A_509, %unpack3A_220, %broadcast_in_dim3A_511 : vector<16xi1>, vector<16xf32>
      %add3A_513 = arith.addf %add3A_499, %select_n3A_512 : vector<16xf32>
      %broadcast_in_dim3A_514 = vector.shape_cast %and3A_50 : vector<16xi32> to vector<16x1xi32>
      %gather3A_515 = vector.shape_cast %broadcast_in_dim3A_514 : vector<16x1xi32> to vector<16xi32>
      %gather3A_516 = tpu.dynamic_gather %add3A_506[%gather3A_515] in [0] : vector<16xf32>, vector<16xi32> -> vector<16xf32>
      %add3A_517 = arith.addf %add3A_506, %gather3A_516 : vector<16xf32>
      %broadcast_in_dim3A_518 = vector.shape_cast %and3A_50 : vector<16xi32> to vector<16x1xi32>
      %gather3A_519 = vector.shape_cast %broadcast_in_dim3A_518 : vector<16x1xi32> to vector<16xi32>
      %gather3A_520 = tpu.dynamic_gather %add3A_513[%gather3A_519] in [0] : vector<16xf32>, vector<16xi32> -> vector<16xf32>
      %add3A_521 = arith.addf %add3A_513, %gather3A_520 : vector<16xf32>
      %broadcast_in_dim3A_522 = vector.shape_cast %and3A_55 : vector<16xi32> to vector<16x1xi32>
      %gather3A_523 = vector.shape_cast %broadcast_in_dim3A_522 : vector<16x1xi32> to vector<16xi32>
      %gather3A_524 = tpu.dynamic_gather %add3A_521[%gather3A_523] in [0] : vector<16xf32>, vector<16xi32> -> vector<16xf32>
      %select_n3A_525 = arith.select %eq3A_44, %add3A_517, %gather3A_524 : vector<16xi1>, vector<16xf32>
      %broadcast_in_dim3A_526 = vector.shape_cast %and3A_61 : vector<16xi32> to vector<16x1xi32>
      %gather3A_527 = vector.shape_cast %broadcast_in_dim3A_526 : vector<16x1xi32> to vector<16xi32>
      %gather3A_528 = tpu.dynamic_gather %select_n3A_525[%gather3A_527] in [0] : vector<16xf32>, vector<16xi32> -> vector<16xf32>
      %add3A_529 = arith.addf %select_n3A_525, %gather3A_528 : vector<16xf32>
      %broadcast_in_dim3A_530 = vector.shape_cast %and3A_67 : vector<16xi32> to vector<16x1xi32>
      %gather3A_531 = vector.shape_cast %broadcast_in_dim3A_530 : vector<16x1xi32> to vector<16xi32>
      %gather3A_532 = tpu.dynamic_gather %add3A_529[%gather3A_531] in [0] : vector<16xf32>, vector<16xi32> -> vector<16xf32>
      %add3A_533 = arith.addf %add3A_529, %gather3A_532 : vector<16xf32>
      %broadcast_in_dim3A_534 = vector.shape_cast %and3A_73 : vector<16xi32> to vector<16x1xi32>
      %gather3A_535 = vector.shape_cast %broadcast_in_dim3A_534 : vector<16x1xi32> to vector<16xi32>
      %gather3A_536 = tpu.dynamic_gather %add3A_533[%gather3A_535] in [0] : vector<16xf32>, vector<16xi32> -> vector<16xf32>
      %add3A_537 = arith.addf %add3A_533, %gather3A_536 : vector<16xf32>
      %mul3A_538 = vector.broadcast %scan3A_106 : f32 to vector<16xf32>
      %mul3A_539 = arith.mulf %add3A_537, %mul3A_538 : vector<16xf32>
      %shift_right_arithmetic3A_540 = arith.constant 1 : i32
      %shift_right_arithmetic3A_541 = vector.broadcast %shift_right_arithmetic3A_540 : i32 to vector<16xi32>
      %shift_right_arithmetic3A_542 = arith.shrsi %iota3A, %shift_right_arithmetic3A_541 : vector<16xi32>
      %eq3A_543 = arith.constant 3 : i32
      %eq3A_544 = vector.broadcast %eq3A_543 : i32 to vector<16xi32>
      %eq3A_545 = arith.cmpi eq, %shift_right_arithmetic3A_542, %eq3A_544 : vector<16xi32>
      %jit3A_546 = arith.constant 0.000000e+00 : f32
      %broadcast_in_dim3A_547 = vector.broadcast %jit3A_546 : f32 to vector<16xf32>
      %select_n3A_548 = arith.select %eq3A_545, %mul3A_539, %broadcast_in_dim3A_547 : vector<16xi1>, vector<16xf32>
      %add3A_549 = arith.addf %add3A_483, %select_n3A_548 : vector<16xf32>
      %add3A_550 = arith.addf %unpack3A_226, %unpack3A_233 : vector<16xf32>
      %add3A_551 = arith.addf %unpack3A_227, %unpack3A_234 : vector<16xf32>
      %ge3A_552 = arith.constant 8 : i32
      %ge3A_553 = vector.broadcast %ge3A_552 : i32 to vector<16xi32>
      %ge3A_554 = arith.cmpi sge, %iota3A, %ge3A_553 : vector<16xi32>
      %jit3A_555 = arith.constant 0.000000e+00 : f32
      %broadcast_in_dim3A_556 = vector.broadcast %jit3A_555 : f32 to vector<16xf32>
      %select_n3A_557 = arith.select %ge3A_554, %unpack3A_219, %broadcast_in_dim3A_556 : vector<16xi1>, vector<16xf32>
      %add3A_558 = arith.addf %add3A_550, %select_n3A_557 : vector<16xf32>
      %ge3A_559 = arith.constant 8 : i32
      %ge3A_560 = vector.broadcast %ge3A_559 : i32 to vector<16xi32>
      %ge3A_561 = arith.cmpi sge, %iota3A, %ge3A_560 : vector<16xi32>
      %jit3A_562 = arith.constant 0.000000e+00 : f32
      %broadcast_in_dim3A_563 = vector.broadcast %jit3A_562 : f32 to vector<16xf32>
      %select_n3A_564 = arith.select %ge3A_561, %unpack3A_220, %broadcast_in_dim3A_563 : vector<16xi1>, vector<16xf32>
      %add3A_565 = arith.addf %add3A_551, %select_n3A_564 : vector<16xf32>
      %lt3A_566 = arith.constant 10 : i32
      %lt3A_567 = vector.broadcast %lt3A_566 : i32 to vector<16xi32>
      %lt3A_568 = arith.cmpi slt, %iota3A, %lt3A_567 : vector<16xi32>
      %jit3A_569 = arith.constant 0.000000e+00 : f32
      %broadcast_in_dim3A_570 = vector.broadcast %jit3A_569 : f32 to vector<16xf32>
      %select_n3A_571 = arith.select %lt3A_568, %unpack3A_240, %broadcast_in_dim3A_570 : vector<16xi1>, vector<16xf32>
      %add3A_572 = arith.addf %add3A_558, %select_n3A_571 : vector<16xf32>
      %lt3A_573 = arith.constant 10 : i32
      %lt3A_574 = vector.broadcast %lt3A_573 : i32 to vector<16xi32>
      %lt3A_575 = arith.cmpi slt, %iota3A, %lt3A_574 : vector<16xi32>
      %jit3A_576 = arith.constant 0.000000e+00 : f32
      %broadcast_in_dim3A_577 = vector.broadcast %jit3A_576 : f32 to vector<16xf32>
      %select_n3A_578 = arith.select %lt3A_575, %unpack3A_241, %broadcast_in_dim3A_577 : vector<16xi1>, vector<16xf32>
      %add3A_579 = arith.addf %add3A_565, %select_n3A_578 : vector<16xf32>
      %broadcast_in_dim3A_580 = vector.shape_cast %and3A_50 : vector<16xi32> to vector<16x1xi32>
      %gather3A_581 = vector.shape_cast %broadcast_in_dim3A_580 : vector<16x1xi32> to vector<16xi32>
      %gather3A_582 = tpu.dynamic_gather %add3A_572[%gather3A_581] in [0] : vector<16xf32>, vector<16xi32> -> vector<16xf32>
      %add3A_583 = arith.addf %add3A_572, %gather3A_582 : vector<16xf32>
      %broadcast_in_dim3A_584 = vector.shape_cast %and3A_50 : vector<16xi32> to vector<16x1xi32>
      %gather3A_585 = vector.shape_cast %broadcast_in_dim3A_584 : vector<16x1xi32> to vector<16xi32>
      %gather3A_586 = tpu.dynamic_gather %add3A_579[%gather3A_585] in [0] : vector<16xf32>, vector<16xi32> -> vector<16xf32>
      %add3A_587 = arith.addf %add3A_579, %gather3A_586 : vector<16xf32>
      %broadcast_in_dim3A_588 = vector.shape_cast %and3A_55 : vector<16xi32> to vector<16x1xi32>
      %gather3A_589 = vector.shape_cast %broadcast_in_dim3A_588 : vector<16x1xi32> to vector<16xi32>
      %gather3A_590 = tpu.dynamic_gather %add3A_587[%gather3A_589] in [0] : vector<16xf32>, vector<16xi32> -> vector<16xf32>
      %select_n3A_591 = arith.select %eq3A_44, %add3A_583, %gather3A_590 : vector<16xi1>, vector<16xf32>
      %broadcast_in_dim3A_592 = vector.shape_cast %and3A_61 : vector<16xi32> to vector<16x1xi32>
      %gather3A_593 = vector.shape_cast %broadcast_in_dim3A_592 : vector<16x1xi32> to vector<16xi32>
      %gather3A_594 = tpu.dynamic_gather %select_n3A_591[%gather3A_593] in [0] : vector<16xf32>, vector<16xi32> -> vector<16xf32>
      %add3A_595 = arith.addf %select_n3A_591, %gather3A_594 : vector<16xf32>
      %broadcast_in_dim3A_596 = vector.shape_cast %and3A_67 : vector<16xi32> to vector<16x1xi32>
      %gather3A_597 = vector.shape_cast %broadcast_in_dim3A_596 : vector<16x1xi32> to vector<16xi32>
      %gather3A_598 = tpu.dynamic_gather %add3A_595[%gather3A_597] in [0] : vector<16xf32>, vector<16xi32> -> vector<16xf32>
      %add3A_599 = arith.addf %add3A_595, %gather3A_598 : vector<16xf32>
      %broadcast_in_dim3A_600 = vector.shape_cast %and3A_73 : vector<16xi32> to vector<16x1xi32>
      %gather3A_601 = vector.shape_cast %broadcast_in_dim3A_600 : vector<16x1xi32> to vector<16xi32>
      %gather3A_602 = tpu.dynamic_gather %add3A_599[%gather3A_601] in [0] : vector<16xf32>, vector<16xi32> -> vector<16xf32>
      %add3A_603 = arith.addf %add3A_599, %gather3A_602 : vector<16xf32>
      %mul3A_604 = vector.broadcast %scan3A_106 : f32 to vector<16xf32>
      %mul3A_605 = arith.mulf %add3A_603, %mul3A_604 : vector<16xf32>
      %shift_right_arithmetic3A_606 = arith.constant 1 : i32
      %shift_right_arithmetic3A_607 = vector.broadcast %shift_right_arithmetic3A_606 : i32 to vector<16xi32>
      %shift_right_arithmetic3A_608 = arith.shrsi %iota3A, %shift_right_arithmetic3A_607 : vector<16xi32>
      %eq3A_609 = arith.constant 4 : i32
      %eq3A_610 = vector.broadcast %eq3A_609 : i32 to vector<16xi32>
      %eq3A_611 = arith.cmpi eq, %shift_right_arithmetic3A_608, %eq3A_610 : vector<16xi32>
      %jit3A_612 = arith.constant 0.000000e+00 : f32
      %broadcast_in_dim3A_613 = vector.broadcast %jit3A_612 : f32 to vector<16xf32>
      %select_n3A_614 = arith.select %eq3A_611, %mul3A_605, %broadcast_in_dim3A_613 : vector<16xi1>, vector<16xf32>
      %add3A_615 = arith.addf %add3A_549, %select_n3A_614 : vector<16xf32>
      %add3A_616 = arith.addf %unpack3A_247, %unpack3A_254 : vector<16xf32>
      %add3A_617 = arith.addf %unpack3A_248, %unpack3A_255 : vector<16xf32>
      %ge3A_618 = arith.constant 10 : i32
      %ge3A_619 = vector.broadcast %ge3A_618 : i32 to vector<16xi32>
      %ge3A_620 = arith.cmpi sge, %iota3A, %ge3A_619 : vector<16xi32>
      %jit3A_621 = arith.constant 0.000000e+00 : f32
      %broadcast_in_dim3A_622 = vector.broadcast %jit3A_621 : f32 to vector<16xf32>
      %select_n3A_623 = arith.select %ge3A_620, %unpack3A_240, %broadcast_in_dim3A_622 : vector<16xi1>, vector<16xf32>
      %add3A_624 = arith.addf %add3A_616, %select_n3A_623 : vector<16xf32>
      %ge3A_625 = arith.constant 10 : i32
      %ge3A_626 = vector.broadcast %ge3A_625 : i32 to vector<16xi32>
      %ge3A_627 = arith.cmpi sge, %iota3A, %ge3A_626 : vector<16xi32>
      %jit3A_628 = arith.constant 0.000000e+00 : f32
      %broadcast_in_dim3A_629 = vector.broadcast %jit3A_628 : f32 to vector<16xf32>
      %select_n3A_630 = arith.select %ge3A_627, %unpack3A_241, %broadcast_in_dim3A_629 : vector<16xi1>, vector<16xf32>
      %add3A_631 = arith.addf %add3A_617, %select_n3A_630 : vector<16xf32>
      %lt3A_632 = arith.constant 12 : i32
      %lt3A_633 = vector.broadcast %lt3A_632 : i32 to vector<16xi32>
      %lt3A_634 = arith.cmpi slt, %iota3A, %lt3A_633 : vector<16xi32>
      %jit3A_635 = arith.constant 0.000000e+00 : f32
      %broadcast_in_dim3A_636 = vector.broadcast %jit3A_635 : f32 to vector<16xf32>
      %select_n3A_637 = arith.select %lt3A_634, %unpack3A_261, %broadcast_in_dim3A_636 : vector<16xi1>, vector<16xf32>
      %add3A_638 = arith.addf %add3A_624, %select_n3A_637 : vector<16xf32>
      %lt3A_639 = arith.constant 12 : i32
      %lt3A_640 = vector.broadcast %lt3A_639 : i32 to vector<16xi32>
      %lt3A_641 = arith.cmpi slt, %iota3A, %lt3A_640 : vector<16xi32>
      %jit3A_642 = arith.constant 0.000000e+00 : f32
      %broadcast_in_dim3A_643 = vector.broadcast %jit3A_642 : f32 to vector<16xf32>
      %select_n3A_644 = arith.select %lt3A_641, %unpack3A_262, %broadcast_in_dim3A_643 : vector<16xi1>, vector<16xf32>
      %add3A_645 = arith.addf %add3A_631, %select_n3A_644 : vector<16xf32>
      %broadcast_in_dim3A_646 = vector.shape_cast %and3A_50 : vector<16xi32> to vector<16x1xi32>
      %gather3A_647 = vector.shape_cast %broadcast_in_dim3A_646 : vector<16x1xi32> to vector<16xi32>
      %gather3A_648 = tpu.dynamic_gather %add3A_638[%gather3A_647] in [0] : vector<16xf32>, vector<16xi32> -> vector<16xf32>
      %add3A_649 = arith.addf %add3A_638, %gather3A_648 : vector<16xf32>
      %broadcast_in_dim3A_650 = vector.shape_cast %and3A_50 : vector<16xi32> to vector<16x1xi32>
      %gather3A_651 = vector.shape_cast %broadcast_in_dim3A_650 : vector<16x1xi32> to vector<16xi32>
      %gather3A_652 = tpu.dynamic_gather %add3A_645[%gather3A_651] in [0] : vector<16xf32>, vector<16xi32> -> vector<16xf32>
      %add3A_653 = arith.addf %add3A_645, %gather3A_652 : vector<16xf32>
      %broadcast_in_dim3A_654 = vector.shape_cast %and3A_55 : vector<16xi32> to vector<16x1xi32>
      %gather3A_655 = vector.shape_cast %broadcast_in_dim3A_654 : vector<16x1xi32> to vector<16xi32>
      %gather3A_656 = tpu.dynamic_gather %add3A_653[%gather3A_655] in [0] : vector<16xf32>, vector<16xi32> -> vector<16xf32>
      %select_n3A_657 = arith.select %eq3A_44, %add3A_649, %gather3A_656 : vector<16xi1>, vector<16xf32>
      %broadcast_in_dim3A_658 = vector.shape_cast %and3A_61 : vector<16xi32> to vector<16x1xi32>
      %gather3A_659 = vector.shape_cast %broadcast_in_dim3A_658 : vector<16x1xi32> to vector<16xi32>
      %gather3A_660 = tpu.dynamic_gather %select_n3A_657[%gather3A_659] in [0] : vector<16xf32>, vector<16xi32> -> vector<16xf32>
      %add3A_661 = arith.addf %select_n3A_657, %gather3A_660 : vector<16xf32>
      %broadcast_in_dim3A_662 = vector.shape_cast %and3A_67 : vector<16xi32> to vector<16x1xi32>
      %gather3A_663 = vector.shape_cast %broadcast_in_dim3A_662 : vector<16x1xi32> to vector<16xi32>
      %gather3A_664 = tpu.dynamic_gather %add3A_661[%gather3A_663] in [0] : vector<16xf32>, vector<16xi32> -> vector<16xf32>
      %add3A_665 = arith.addf %add3A_661, %gather3A_664 : vector<16xf32>
      %broadcast_in_dim3A_666 = vector.shape_cast %and3A_73 : vector<16xi32> to vector<16x1xi32>
      %gather3A_667 = vector.shape_cast %broadcast_in_dim3A_666 : vector<16x1xi32> to vector<16xi32>
      %gather3A_668 = tpu.dynamic_gather %add3A_665[%gather3A_667] in [0] : vector<16xf32>, vector<16xi32> -> vector<16xf32>
      %add3A_669 = arith.addf %add3A_665, %gather3A_668 : vector<16xf32>
      %mul3A_670 = vector.broadcast %scan3A_106 : f32 to vector<16xf32>
      %mul3A_671 = arith.mulf %add3A_669, %mul3A_670 : vector<16xf32>
      %shift_right_arithmetic3A_672 = arith.constant 1 : i32
      %shift_right_arithmetic3A_673 = vector.broadcast %shift_right_arithmetic3A_672 : i32 to vector<16xi32>
      %shift_right_arithmetic3A_674 = arith.shrsi %iota3A, %shift_right_arithmetic3A_673 : vector<16xi32>
      %eq3A_675 = arith.constant 5 : i32
      %eq3A_676 = vector.broadcast %eq3A_675 : i32 to vector<16xi32>
      %eq3A_677 = arith.cmpi eq, %shift_right_arithmetic3A_674, %eq3A_676 : vector<16xi32>
      %jit3A_678 = arith.constant 0.000000e+00 : f32
      %broadcast_in_dim3A_679 = vector.broadcast %jit3A_678 : f32 to vector<16xf32>
      %select_n3A_680 = arith.select %eq3A_677, %mul3A_671, %broadcast_in_dim3A_679 : vector<16xi1>, vector<16xf32>
      %add3A_681 = arith.addf %add3A_615, %select_n3A_680 : vector<16xf32>
      %add3A_682 = arith.addf %unpack3A_268, %unpack3A_275 : vector<16xf32>
      %add3A_683 = arith.addf %unpack3A_269, %unpack3A_276 : vector<16xf32>
      %ge3A_684 = arith.constant 12 : i32
      %ge3A_685 = vector.broadcast %ge3A_684 : i32 to vector<16xi32>
      %ge3A_686 = arith.cmpi sge, %iota3A, %ge3A_685 : vector<16xi32>
      %jit3A_687 = arith.constant 0.000000e+00 : f32
      %broadcast_in_dim3A_688 = vector.broadcast %jit3A_687 : f32 to vector<16xf32>
      %select_n3A_689 = arith.select %ge3A_686, %unpack3A_261, %broadcast_in_dim3A_688 : vector<16xi1>, vector<16xf32>
      %add3A_690 = arith.addf %add3A_682, %select_n3A_689 : vector<16xf32>
      %ge3A_691 = arith.constant 12 : i32
      %ge3A_692 = vector.broadcast %ge3A_691 : i32 to vector<16xi32>
      %ge3A_693 = arith.cmpi sge, %iota3A, %ge3A_692 : vector<16xi32>
      %jit3A_694 = arith.constant 0.000000e+00 : f32
      %broadcast_in_dim3A_695 = vector.broadcast %jit3A_694 : f32 to vector<16xf32>
      %select_n3A_696 = arith.select %ge3A_693, %unpack3A_262, %broadcast_in_dim3A_695 : vector<16xi1>, vector<16xf32>
      %add3A_697 = arith.addf %add3A_683, %select_n3A_696 : vector<16xf32>
      %lt3A_698 = arith.constant 14 : i32
      %lt3A_699 = vector.broadcast %lt3A_698 : i32 to vector<16xi32>
      %lt3A_700 = arith.cmpi slt, %iota3A, %lt3A_699 : vector<16xi32>
      %jit3A_701 = arith.constant 0.000000e+00 : f32
      %broadcast_in_dim3A_702 = vector.broadcast %jit3A_701 : f32 to vector<16xf32>
      %select_n3A_703 = arith.select %lt3A_700, %unpack3A_282, %broadcast_in_dim3A_702 : vector<16xi1>, vector<16xf32>
      %add3A_704 = arith.addf %add3A_690, %select_n3A_703 : vector<16xf32>
      %lt3A_705 = arith.constant 14 : i32
      %lt3A_706 = vector.broadcast %lt3A_705 : i32 to vector<16xi32>
      %lt3A_707 = arith.cmpi slt, %iota3A, %lt3A_706 : vector<16xi32>
      %jit3A_708 = arith.constant 0.000000e+00 : f32
      %broadcast_in_dim3A_709 = vector.broadcast %jit3A_708 : f32 to vector<16xf32>
      %select_n3A_710 = arith.select %lt3A_707, %unpack3A_283, %broadcast_in_dim3A_709 : vector<16xi1>, vector<16xf32>
      %add3A_711 = arith.addf %add3A_697, %select_n3A_710 : vector<16xf32>
      %broadcast_in_dim3A_712 = vector.shape_cast %and3A_50 : vector<16xi32> to vector<16x1xi32>
      %gather3A_713 = vector.shape_cast %broadcast_in_dim3A_712 : vector<16x1xi32> to vector<16xi32>
      %gather3A_714 = tpu.dynamic_gather %add3A_704[%gather3A_713] in [0] : vector<16xf32>, vector<16xi32> -> vector<16xf32>
      %add3A_715 = arith.addf %add3A_704, %gather3A_714 : vector<16xf32>
      %broadcast_in_dim3A_716 = vector.shape_cast %and3A_50 : vector<16xi32> to vector<16x1xi32>
      %gather3A_717 = vector.shape_cast %broadcast_in_dim3A_716 : vector<16x1xi32> to vector<16xi32>
      %gather3A_718 = tpu.dynamic_gather %add3A_711[%gather3A_717] in [0] : vector<16xf32>, vector<16xi32> -> vector<16xf32>
      %add3A_719 = arith.addf %add3A_711, %gather3A_718 : vector<16xf32>
      %broadcast_in_dim3A_720 = vector.shape_cast %and3A_55 : vector<16xi32> to vector<16x1xi32>
      %gather3A_721 = vector.shape_cast %broadcast_in_dim3A_720 : vector<16x1xi32> to vector<16xi32>
      %gather3A_722 = tpu.dynamic_gather %add3A_719[%gather3A_721] in [0] : vector<16xf32>, vector<16xi32> -> vector<16xf32>
      %select_n3A_723 = arith.select %eq3A_44, %add3A_715, %gather3A_722 : vector<16xi1>, vector<16xf32>
      %broadcast_in_dim3A_724 = vector.shape_cast %and3A_61 : vector<16xi32> to vector<16x1xi32>
      %gather3A_725 = vector.shape_cast %broadcast_in_dim3A_724 : vector<16x1xi32> to vector<16xi32>
      %gather3A_726 = tpu.dynamic_gather %select_n3A_723[%gather3A_725] in [0] : vector<16xf32>, vector<16xi32> -> vector<16xf32>
      %add3A_727 = arith.addf %select_n3A_723, %gather3A_726 : vector<16xf32>
      %broadcast_in_dim3A_728 = vector.shape_cast %and3A_67 : vector<16xi32> to vector<16x1xi32>
      %gather3A_729 = vector.shape_cast %broadcast_in_dim3A_728 : vector<16x1xi32> to vector<16xi32>
      %gather3A_730 = tpu.dynamic_gather %add3A_727[%gather3A_729] in [0] : vector<16xf32>, vector<16xi32> -> vector<16xf32>
      %add3A_731 = arith.addf %add3A_727, %gather3A_730 : vector<16xf32>
      %broadcast_in_dim3A_732 = vector.shape_cast %and3A_73 : vector<16xi32> to vector<16x1xi32>
      %gather3A_733 = vector.shape_cast %broadcast_in_dim3A_732 : vector<16x1xi32> to vector<16xi32>
      %gather3A_734 = tpu.dynamic_gather %add3A_731[%gather3A_733] in [0] : vector<16xf32>, vector<16xi32> -> vector<16xf32>
      %add3A_735 = arith.addf %add3A_731, %gather3A_734 : vector<16xf32>
      %mul3A_736 = vector.broadcast %scan3A_106 : f32 to vector<16xf32>
      %mul3A_737 = arith.mulf %add3A_735, %mul3A_736 : vector<16xf32>
      %shift_right_arithmetic3A_738 = arith.constant 1 : i32
      %shift_right_arithmetic3A_739 = vector.broadcast %shift_right_arithmetic3A_738 : i32 to vector<16xi32>
      %shift_right_arithmetic3A_740 = arith.shrsi %iota3A, %shift_right_arithmetic3A_739 : vector<16xi32>
      %eq3A_741 = arith.constant 6 : i32
      %eq3A_742 = vector.broadcast %eq3A_741 : i32 to vector<16xi32>
      %eq3A_743 = arith.cmpi eq, %shift_right_arithmetic3A_740, %eq3A_742 : vector<16xi32>
      %jit3A_744 = arith.constant 0.000000e+00 : f32
      %broadcast_in_dim3A_745 = vector.broadcast %jit3A_744 : f32 to vector<16xf32>
      %select_n3A_746 = arith.select %eq3A_743, %mul3A_737, %broadcast_in_dim3A_745 : vector<16xi1>, vector<16xf32>
      %add3A_747 = arith.addf %add3A_681, %select_n3A_746 : vector<16xf32>
      %add3A_748 = arith.addf %unpack3A_289, %unpack3A_296 : vector<16xf32>
      %add3A_749 = arith.addf %unpack3A_290, %unpack3A_297 : vector<16xf32>
      %ge3A_750 = arith.constant 14 : i32
      %ge3A_751 = vector.broadcast %ge3A_750 : i32 to vector<16xi32>
      %ge3A_752 = arith.cmpi sge, %iota3A, %ge3A_751 : vector<16xi32>
      %jit3A_753 = arith.constant 0.000000e+00 : f32
      %broadcast_in_dim3A_754 = vector.broadcast %jit3A_753 : f32 to vector<16xf32>
      %select_n3A_755 = arith.select %ge3A_752, %unpack3A_282, %broadcast_in_dim3A_754 : vector<16xi1>, vector<16xf32>
      %add3A_756 = arith.addf %add3A_748, %select_n3A_755 : vector<16xf32>
      %ge3A_757 = arith.constant 14 : i32
      %ge3A_758 = vector.broadcast %ge3A_757 : i32 to vector<16xi32>
      %ge3A_759 = arith.cmpi sge, %iota3A, %ge3A_758 : vector<16xi32>
      %jit3A_760 = arith.constant 0.000000e+00 : f32
      %broadcast_in_dim3A_761 = vector.broadcast %jit3A_760 : f32 to vector<16xf32>
      %select_n3A_762 = arith.select %ge3A_759, %unpack3A_283, %broadcast_in_dim3A_761 : vector<16xi1>, vector<16xf32>
      %add3A_763 = arith.addf %add3A_749, %select_n3A_762 : vector<16xf32>
      %add3A_764 = arith.addf %add3A_756, %unpack3A_303 : vector<16xf32>
      %add3A_765 = arith.addf %add3A_763, %unpack3A_304 : vector<16xf32>
      %broadcast_in_dim3A_766 = vector.shape_cast %and3A_50 : vector<16xi32> to vector<16x1xi32>
      %gather3A_767 = vector.shape_cast %broadcast_in_dim3A_766 : vector<16x1xi32> to vector<16xi32>
      %gather3A_768 = tpu.dynamic_gather %add3A_764[%gather3A_767] in [0] : vector<16xf32>, vector<16xi32> -> vector<16xf32>
      %add3A_769 = arith.addf %add3A_764, %gather3A_768 : vector<16xf32>
      %broadcast_in_dim3A_770 = vector.shape_cast %and3A_50 : vector<16xi32> to vector<16x1xi32>
      %gather3A_771 = vector.shape_cast %broadcast_in_dim3A_770 : vector<16x1xi32> to vector<16xi32>
      %gather3A_772 = tpu.dynamic_gather %add3A_765[%gather3A_771] in [0] : vector<16xf32>, vector<16xi32> -> vector<16xf32>
      %add3A_773 = arith.addf %add3A_765, %gather3A_772 : vector<16xf32>
      %broadcast_in_dim3A_774 = vector.shape_cast %and3A_55 : vector<16xi32> to vector<16x1xi32>
      %gather3A_775 = vector.shape_cast %broadcast_in_dim3A_774 : vector<16x1xi32> to vector<16xi32>
      %gather3A_776 = tpu.dynamic_gather %add3A_773[%gather3A_775] in [0] : vector<16xf32>, vector<16xi32> -> vector<16xf32>
      %select_n3A_777 = arith.select %eq3A_44, %add3A_769, %gather3A_776 : vector<16xi1>, vector<16xf32>
      %broadcast_in_dim3A_778 = vector.shape_cast %and3A_61 : vector<16xi32> to vector<16x1xi32>
      %gather3A_779 = vector.shape_cast %broadcast_in_dim3A_778 : vector<16x1xi32> to vector<16xi32>
      %gather3A_780 = tpu.dynamic_gather %select_n3A_777[%gather3A_779] in [0] : vector<16xf32>, vector<16xi32> -> vector<16xf32>
      %add3A_781 = arith.addf %select_n3A_777, %gather3A_780 : vector<16xf32>
      %broadcast_in_dim3A_782 = vector.shape_cast %and3A_67 : vector<16xi32> to vector<16x1xi32>
      %gather3A_783 = vector.shape_cast %broadcast_in_dim3A_782 : vector<16x1xi32> to vector<16xi32>
      %gather3A_784 = tpu.dynamic_gather %add3A_781[%gather3A_783] in [0] : vector<16xf32>, vector<16xi32> -> vector<16xf32>
      %add3A_785 = arith.addf %add3A_781, %gather3A_784 : vector<16xf32>
      %broadcast_in_dim3A_786 = vector.shape_cast %and3A_73 : vector<16xi32> to vector<16x1xi32>
      %gather3A_787 = vector.shape_cast %broadcast_in_dim3A_786 : vector<16x1xi32> to vector<16xi32>
      %gather3A_788 = tpu.dynamic_gather %add3A_785[%gather3A_787] in [0] : vector<16xf32>, vector<16xi32> -> vector<16xf32>
      %add3A_789 = arith.addf %add3A_785, %gather3A_788 : vector<16xf32>
      %mul3A_790 = vector.broadcast %scan3A_106 : f32 to vector<16xf32>
      %mul3A_791 = arith.mulf %add3A_789, %mul3A_790 : vector<16xf32>
      %shift_right_arithmetic3A_792 = arith.constant 1 : i32
      %shift_right_arithmetic3A_793 = vector.broadcast %shift_right_arithmetic3A_792 : i32 to vector<16xi32>
      %shift_right_arithmetic3A_794 = arith.shrsi %iota3A, %shift_right_arithmetic3A_793 : vector<16xi32>
      %eq3A_795 = arith.constant 7 : i32
      %eq3A_796 = vector.broadcast %eq3A_795 : i32 to vector<16xi32>
      %eq3A_797 = arith.cmpi eq, %shift_right_arithmetic3A_794, %eq3A_796 : vector<16xi32>
      %jit3A_798 = arith.constant 0.000000e+00 : f32
      %broadcast_in_dim3A_799 = vector.broadcast %jit3A_798 : f32 to vector<16xf32>
      %select_n3A_800 = arith.select %eq3A_797, %mul3A_791, %broadcast_in_dim3A_799 : vector<16xi1>, vector<16xf32>
      %add3A_801 = arith.addf %add3A_747, %select_n3A_800 : vector<16xf32>
      %mul3A_802 = arith.constant 16 : i32
      %mul3A_803 = arith.muli %scan3A_129, %mul3A_802 : i32
      %swap3A = arith.index_cast %mul3A_803 : i32 to index
      %swap3A_804 = tpu.vector_load %arg9[%swap3A] {strides = array<i32>} : memref<1024xf32, #tpu.memory_space<vmem>>, vector<16xf32>,
      tpu.vector_store %arg9[%swap3A], %add3A_801 {strides = array<i32>} : memref<1024xf32, #tpu.memory_space<vmem>>, vector<16xf32>,
    }
    %scan3A_111 = arith.constant 16 : i32
    %dma_wait3A_112 = arith.constant 19200 : i32
    %dma_wait3A_113 = tpu.memref_slice %arg7[%dma_wait3A_112] : memref<25600xf32, #tpu.memory_space<vmem>> -> memref<6400xf32, #tpu.memory_space<vmem>>
    %dma_wait3A_114 = arith.constant 19200 : i32
    %dma_wait3A_115 = tpu.memref_slice %arg6[%dma_wait3A_114] : memref<25600xi32, #tpu.memory_space<vmem>> -> memref<6400xi32, #tpu.memory_space<vmem>>
    %dma_wait3A_116 = arith.constant 0 : i32
    %dma_wait3A_117 = tpu.memref_slice %arg10[%dma_wait3A_116] : memref<1000000xf32, #tpu.memory_space<vmem_shared>> -> memref<1000000xf32, #tpu.memory_space<vmem_shared>>
    tpu.wait_indirect_dma semaphore(%arg11 : memref<!tpu.dma_semaphore, #tpu.memory_space<semaphore_mem>>) src(%dma_wait3A_117 : memref<1000000xf32, #tpu.memory_space<vmem_shared>>) dst(%dma_wait3A_113 : memref<6400xf32, #tpu.memory_space<vmem>>)
    %scan3A_118 = arith.constant 0 : i32
    %scan3A_119 = arith.constant 2.000000e-02 : f32
    %scan3A_120 = arith.constant 48 : i32
    %scan3A_121 = arith.constant 16 : i32
    %scan3A_122 = arith.addi %scan3A_120, %scan3A_121 : i32
    %scan3A_123 = arith.constant 1 : i32
    scf.for %scan3A_129 = %scan3A_120 to %scan3A_122 step %scan3A_123  : i32 {
      %mul3A_130 = arith.constant 400 : i32
      %mul3A_131 = arith.muli %scan3A_129, %mul3A_130 : i32
      %add3A_132 = arith.constant 0 : i32
      %add3A_133 = arith.addi %mul3A_131, %add3A_132 : i32
      %get3A_134 = arith.index_cast %add3A_133 : i32 to index
      %get3A_135 = tpu.vector_load %arg7[%get3A_134] {strides = array<i32>} : memref<25600xf32, #tpu.memory_space<vmem>>, vector<16xf32>,
      %bitcast3A = vector.bitcast %get3A_135 : vector<16xf32> to vector<32xbf16>
      %unpack3A = tpu.unpack_subelements %bitcast3A, 0 {pack_format = #tpu.pack_format<interleaved>} : vector<32xbf16> -> vector<16xf32>
      %unpack3A_136 = tpu.unpack_subelements %bitcast3A, 1 {pack_format = #tpu.pack_format<interleaved>} : vector<32xbf16> -> vector<16xf32>
      %add3A_137 = arith.constant 16 : i32
      %add3A_138 = arith.addi %mul3A_131, %add3A_137 : i32
      %get3A_139 = arith.index_cast %add3A_138 : i32 to index
      %get3A_140 = tpu.vector_load %arg7[%get3A_139] {strides = array<i32>} : memref<25600xf32, #tpu.memory_space<vmem>>, vector<16xf32>,
      %bitcast3A_141 = vector.bitcast %get3A_140 : vector<16xf32> to vector<32xbf16>
      %unpack3A_142 = tpu.unpack_subelements %bitcast3A_141, 0 {pack_format = #tpu.pack_format<interleaved>} : vector<32xbf16> -> vector<16xf32>
      %unpack3A_143 = tpu.unpack_subelements %bitcast3A_141, 1 {pack_format = #tpu.pack_format<interleaved>} : vector<32xbf16> -> vector<16xf32>
      %add3A_144 = arith.constant 32 : i32
      %add3A_145 = arith.addi %mul3A_131, %add3A_144 : i32
      %get3A_146 = arith.index_cast %add3A_145 : i32 to index
      %get3A_147 = tpu.vector_load %arg7[%get3A_146] {strides = array<i32>} : memref<25600xf32, #tpu.memory_space<vmem>>, vector<16xf32>,
      %bitcast3A_148 = vector.bitcast %get3A_147 : vector<16xf32> to vector<32xbf16>
      %unpack3A_149 = tpu.unpack_subelements %bitcast3A_148, 0 {pack_format = #tpu.pack_format<interleaved>} : vector<32xbf16> -> vector<16xf32>
      %unpack3A_150 = tpu.unpack_subelements %bitcast3A_148, 1 {pack_format = #tpu.pack_format<interleaved>} : vector<32xbf16> -> vector<16xf32>
      %add3A_151 = arith.constant 48 : i32
      %add3A_152 = arith.addi %mul3A_131, %add3A_151 : i32
      %get3A_153 = arith.index_cast %add3A_152 : i32 to index
      %get3A_154 = tpu.vector_load %arg7[%get3A_153] {strides = array<i32>} : memref<25600xf32, #tpu.memory_space<vmem>>, vector<16xf32>,
      %bitcast3A_155 = vector.bitcast %get3A_154 : vector<16xf32> to vector<32xbf16>
      %unpack3A_156 = tpu.unpack_subelements %bitcast3A_155, 0 {pack_format = #tpu.pack_format<interleaved>} : vector<32xbf16> -> vector<16xf32>
      %unpack3A_157 = tpu.unpack_subelements %bitcast3A_155, 1 {pack_format = #tpu.pack_format<interleaved>} : vector<32xbf16> -> vector<16xf32>
      %add3A_158 = arith.constant 64 : i32
      %add3A_159 = arith.addi %mul3A_131, %add3A_158 : i32
      %get3A_160 = arith.index_cast %add3A_159 : i32 to index
      %get3A_161 = tpu.vector_load %arg7[%get3A_160] {strides = array<i32>} : memref<25600xf32, #tpu.memory_space<vmem>>, vector<16xf32>,
      %bitcast3A_162 = vector.bitcast %get3A_161 : vector<16xf32> to vector<32xbf16>
      %unpack3A_163 = tpu.unpack_subelements %bitcast3A_162, 0 {pack_format = #tpu.pack_format<interleaved>} : vector<32xbf16> -> vector<16xf32>
      %unpack3A_164 = tpu.unpack_subelements %bitcast3A_162, 1 {pack_format = #tpu.pack_format<interleaved>} : vector<32xbf16> -> vector<16xf32>
      %add3A_165 = arith.constant 80 : i32
      %add3A_166 = arith.addi %mul3A_131, %add3A_165 : i32
      %get3A_167 = arith.index_cast %add3A_166 : i32 to index
      %get3A_168 = tpu.vector_load %arg7[%get3A_167] {strides = array<i32>} : memref<25600xf32, #tpu.memory_space<vmem>>, vector<16xf32>,
      %bitcast3A_169 = vector.bitcast %get3A_168 : vector<16xf32> to vector<32xbf16>
      %unpack3A_170 = tpu.unpack_subelements %bitcast3A_169, 0 {pack_format = #tpu.pack_format<interleaved>} : vector<32xbf16> -> vector<16xf32>
      %unpack3A_171 = tpu.unpack_subelements %bitcast3A_169, 1 {pack_format = #tpu.pack_format<interleaved>} : vector<32xbf16> -> vector<16xf32>
      %add3A_172 = arith.constant 96 : i32
      %add3A_173 = arith.addi %mul3A_131, %add3A_172 : i32
      %get3A_174 = arith.index_cast %add3A_173 : i32 to index
      %get3A_175 = tpu.vector_load %arg7[%get3A_174] {strides = array<i32>} : memref<25600xf32, #tpu.memory_space<vmem>>, vector<16xf32>,
      %bitcast3A_176 = vector.bitcast %get3A_175 : vector<16xf32> to vector<32xbf16>
      %unpack3A_177 = tpu.unpack_subelements %bitcast3A_176, 0 {pack_format = #tpu.pack_format<interleaved>} : vector<32xbf16> -> vector<16xf32>
      %unpack3A_178 = tpu.unpack_subelements %bitcast3A_176, 1 {pack_format = #tpu.pack_format<interleaved>} : vector<32xbf16> -> vector<16xf32>
      %add3A_179 = arith.constant 112 : i32
      %add3A_180 = arith.addi %mul3A_131, %add3A_179 : i32
      %get3A_181 = arith.index_cast %add3A_180 : i32 to index
      %get3A_182 = tpu.vector_load %arg7[%get3A_181] {strides = array<i32>} : memref<25600xf32, #tpu.memory_space<vmem>>, vector<16xf32>,
      %bitcast3A_183 = vector.bitcast %get3A_182 : vector<16xf32> to vector<32xbf16>
      %unpack3A_184 = tpu.unpack_subelements %bitcast3A_183, 0 {pack_format = #tpu.pack_format<interleaved>} : vector<32xbf16> -> vector<16xf32>
      %unpack3A_185 = tpu.unpack_subelements %bitcast3A_183, 1 {pack_format = #tpu.pack_format<interleaved>} : vector<32xbf16> -> vector<16xf32>
      %add3A_186 = arith.constant 128 : i32
      %add3A_187 = arith.addi %mul3A_131, %add3A_186 : i32
      %get3A_188 = arith.index_cast %add3A_187 : i32 to index
      %get3A_189 = tpu.vector_load %arg7[%get3A_188] {strides = array<i32>} : memref<25600xf32, #tpu.memory_space<vmem>>, vector<16xf32>,
      %bitcast3A_190 = vector.bitcast %get3A_189 : vector<16xf32> to vector<32xbf16>
      %unpack3A_191 = tpu.unpack_subelements %bitcast3A_190, 0 {pack_format = #tpu.pack_format<interleaved>} : vector<32xbf16> -> vector<16xf32>
      %unpack3A_192 = tpu.unpack_subelements %bitcast3A_190, 1 {pack_format = #tpu.pack_format<interleaved>} : vector<32xbf16> -> vector<16xf32>
      %add3A_193 = arith.constant 144 : i32
      %add3A_194 = arith.addi %mul3A_131, %add3A_193 : i32
      %get3A_195 = arith.index_cast %add3A_194 : i32 to index
      %get3A_196 = tpu.vector_load %arg7[%get3A_195] {strides = array<i32>} : memref<25600xf32, #tpu.memory_space<vmem>>, vector<16xf32>,
      %bitcast3A_197 = vector.bitcast %get3A_196 : vector<16xf32> to vector<32xbf16>
      %unpack3A_198 = tpu.unpack_subelements %bitcast3A_197, 0 {pack_format = #tpu.pack_format<interleaved>} : vector<32xbf16> -> vector<16xf32>
      %unpack3A_199 = tpu.unpack_subelements %bitcast3A_197, 1 {pack_format = #tpu.pack_format<interleaved>} : vector<32xbf16> -> vector<16xf32>
      %add3A_200 = arith.constant 160 : i32
      %add3A_201 = arith.addi %mul3A_131, %add3A_200 : i32
      %get3A_202 = arith.index_cast %add3A_201 : i32 to index
      %get3A_203 = tpu.vector_load %arg7[%get3A_202] {strides = array<i32>} : memref<25600xf32, #tpu.memory_space<vmem>>, vector<16xf32>,
      %bitcast3A_204 = vector.bitcast %get3A_203 : vector<16xf32> to vector<32xbf16>
      %unpack3A_205 = tpu.unpack_subelements %bitcast3A_204, 0 {pack_format = #tpu.pack_format<interleaved>} : vector<32xbf16> -> vector<16xf32>
      %unpack3A_206 = tpu.unpack_subelements %bitcast3A_204, 1 {pack_format = #tpu.pack_format<interleaved>} : vector<32xbf16> -> vector<16xf32>
      %add3A_207 = arith.constant 176 : i32
      %add3A_208 = arith.addi %mul3A_131, %add3A_207 : i32
      %get3A_209 = arith.index_cast %add3A_208 : i32 to index
      %get3A_210 = tpu.vector_load %arg7[%get3A_209] {strides = array<i32>} : memref<25600xf32, #tpu.memory_space<vmem>>, vector<16xf32>,
      %bitcast3A_211 = vector.bitcast %get3A_210 : vector<16xf32> to vector<32xbf16>
      %unpack3A_212 = tpu.unpack_subelements %bitcast3A_211, 0 {pack_format = #tpu.pack_format<interleaved>} : vector<32xbf16> -> vector<16xf32>
      %unpack3A_213 = tpu.unpack_subelements %bitcast3A_211, 1 {pack_format = #tpu.pack_format<interleaved>} : vector<32xbf16> -> vector<16xf32>
      %add3A_214 = arith.constant 192 : i32
      %add3A_215 = arith.addi %mul3A_131, %add3A_214 : i32
      %get3A_216 = arith.index_cast %add3A_215 : i32 to index
      %get3A_217 = tpu.vector_load %arg7[%get3A_216] {strides = array<i32>} : memref<25600xf32, #tpu.memory_space<vmem>>, vector<16xf32>,
      %bitcast3A_218 = vector.bitcast %get3A_217 : vector<16xf32> to vector<32xbf16>
      %unpack3A_219 = tpu.unpack_subelements %bitcast3A_218, 0 {pack_format = #tpu.pack_format<interleaved>} : vector<32xbf16> -> vector<16xf32>
      %unpack3A_220 = tpu.unpack_subelements %bitcast3A_218, 1 {pack_format = #tpu.pack_format<interleaved>} : vector<32xbf16> -> vector<16xf32>
      %add3A_221 = arith.constant 208 : i32
      %add3A_222 = arith.addi %mul3A_131, %add3A_221 : i32
      %get3A_223 = arith.index_cast %add3A_222 : i32 to index
      %get3A_224 = tpu.vector_load %arg7[%get3A_223] {strides = array<i32>} : memref<25600xf32, #tpu.memory_space<vmem>>, vector<16xf32>,
      %bitcast3A_225 = vector.bitcast %get3A_224 : vector<16xf32> to vector<32xbf16>
      %unpack3A_226 = tpu.unpack_subelements %bitcast3A_225, 0 {pack_format = #tpu.pack_format<interleaved>} : vector<32xbf16> -> vector<16xf32>
      %unpack3A_227 = tpu.unpack_subelements %bitcast3A_225, 1 {pack_format = #tpu.pack_format<interleaved>} : vector<32xbf16> -> vector<16xf32>
      %add3A_228 = arith.constant 224 : i32
      %add3A_229 = arith.addi %mul3A_131, %add3A_228 : i32
      %get3A_230 = arith.index_cast %add3A_229 : i32 to index
      %get3A_231 = tpu.vector_load %arg7[%get3A_230] {strides = array<i32>} : memref<25600xf32, #tpu.memory_space<vmem>>, vector<16xf32>,
      %bitcast3A_232 = vector.bitcast %get3A_231 : vector<16xf32> to vector<32xbf16>
      %unpack3A_233 = tpu.unpack_subelements %bitcast3A_232, 0 {pack_format = #tpu.pack_format<interleaved>} : vector<32xbf16> -> vector<16xf32>
      %unpack3A_234 = tpu.unpack_subelements %bitcast3A_232, 1 {pack_format = #tpu.pack_format<interleaved>} : vector<32xbf16> -> vector<16xf32>
      %add3A_235 = arith.constant 240 : i32
      %add3A_236 = arith.addi %mul3A_131, %add3A_235 : i32
      %get3A_237 = arith.index_cast %add3A_236 : i32 to index
      %get3A_238 = tpu.vector_load %arg7[%get3A_237] {strides = array<i32>} : memref<25600xf32, #tpu.memory_space<vmem>>, vector<16xf32>,
      %bitcast3A_239 = vector.bitcast %get3A_238 : vector<16xf32> to vector<32xbf16>
      %unpack3A_240 = tpu.unpack_subelements %bitcast3A_239, 0 {pack_format = #tpu.pack_format<interleaved>} : vector<32xbf16> -> vector<16xf32>
      %unpack3A_241 = tpu.unpack_subelements %bitcast3A_239, 1 {pack_format = #tpu.pack_format<interleaved>} : vector<32xbf16> -> vector<16xf32>
      %add3A_242 = arith.constant 256 : i32
      %add3A_243 = arith.addi %mul3A_131, %add3A_242 : i32
      %get3A_244 = arith.index_cast %add3A_243 : i32 to index
      %get3A_245 = tpu.vector_load %arg7[%get3A_244] {strides = array<i32>} : memref<25600xf32, #tpu.memory_space<vmem>>, vector<16xf32>,
      %bitcast3A_246 = vector.bitcast %get3A_245 : vector<16xf32> to vector<32xbf16>
      %unpack3A_247 = tpu.unpack_subelements %bitcast3A_246, 0 {pack_format = #tpu.pack_format<interleaved>} : vector<32xbf16> -> vector<16xf32>
      %unpack3A_248 = tpu.unpack_subelements %bitcast3A_246, 1 {pack_format = #tpu.pack_format<interleaved>} : vector<32xbf16> -> vector<16xf32>
      %add3A_249 = arith.constant 272 : i32
      %add3A_250 = arith.addi %mul3A_131, %add3A_249 : i32
      %get3A_251 = arith.index_cast %add3A_250 : i32 to index
      %get3A_252 = tpu.vector_load %arg7[%get3A_251] {strides = array<i32>} : memref<25600xf32, #tpu.memory_space<vmem>>, vector<16xf32>,
      %bitcast3A_253 = vector.bitcast %get3A_252 : vector<16xf32> to vector<32xbf16>
      %unpack3A_254 = tpu.unpack_subelements %bitcast3A_253, 0 {pack_format = #tpu.pack_format<interleaved>} : vector<32xbf16> -> vector<16xf32>
      %unpack3A_255 = tpu.unpack_subelements %bitcast3A_253, 1 {pack_format = #tpu.pack_format<interleaved>} : vector<32xbf16> -> vector<16xf32>
      %add3A_256 = arith.constant 288 : i32
      %add3A_257 = arith.addi %mul3A_131, %add3A_256 : i32
      %get3A_258 = arith.index_cast %add3A_257 : i32 to index
      %get3A_259 = tpu.vector_load %arg7[%get3A_258] {strides = array<i32>} : memref<25600xf32, #tpu.memory_space<vmem>>, vector<16xf32>,
      %bitcast3A_260 = vector.bitcast %get3A_259 : vector<16xf32> to vector<32xbf16>
      %unpack3A_261 = tpu.unpack_subelements %bitcast3A_260, 0 {pack_format = #tpu.pack_format<interleaved>} : vector<32xbf16> -> vector<16xf32>
      %unpack3A_262 = tpu.unpack_subelements %bitcast3A_260, 1 {pack_format = #tpu.pack_format<interleaved>} : vector<32xbf16> -> vector<16xf32>
      %add3A_263 = arith.constant 304 : i32
      %add3A_264 = arith.addi %mul3A_131, %add3A_263 : i32
      %get3A_265 = arith.index_cast %add3A_264 : i32 to index
      %get3A_266 = tpu.vector_load %arg7[%get3A_265] {strides = array<i32>} : memref<25600xf32, #tpu.memory_space<vmem>>, vector<16xf32>,
      %bitcast3A_267 = vector.bitcast %get3A_266 : vector<16xf32> to vector<32xbf16>
      %unpack3A_268 = tpu.unpack_subelements %bitcast3A_267, 0 {pack_format = #tpu.pack_format<interleaved>} : vector<32xbf16> -> vector<16xf32>
      %unpack3A_269 = tpu.unpack_subelements %bitcast3A_267, 1 {pack_format = #tpu.pack_format<interleaved>} : vector<32xbf16> -> vector<16xf32>
      %add3A_270 = arith.constant 320 : i32
      %add3A_271 = arith.addi %mul3A_131, %add3A_270 : i32
      %get3A_272 = arith.index_cast %add3A_271 : i32 to index
      %get3A_273 = tpu.vector_load %arg7[%get3A_272] {strides = array<i32>} : memref<25600xf32, #tpu.memory_space<vmem>>, vector<16xf32>,
      %bitcast3A_274 = vector.bitcast %get3A_273 : vector<16xf32> to vector<32xbf16>
      %unpack3A_275 = tpu.unpack_subelements %bitcast3A_274, 0 {pack_format = #tpu.pack_format<interleaved>} : vector<32xbf16> -> vector<16xf32>
      %unpack3A_276 = tpu.unpack_subelements %bitcast3A_274, 1 {pack_format = #tpu.pack_format<interleaved>} : vector<32xbf16> -> vector<16xf32>
      %add3A_277 = arith.constant 336 : i32
      %add3A_278 = arith.addi %mul3A_131, %add3A_277 : i32
      %get3A_279 = arith.index_cast %add3A_278 : i32 to index
      %get3A_280 = tpu.vector_load %arg7[%get3A_279] {strides = array<i32>} : memref<25600xf32, #tpu.memory_space<vmem>>, vector<16xf32>,
      %bitcast3A_281 = vector.bitcast %get3A_280 : vector<16xf32> to vector<32xbf16>
      %unpack3A_282 = tpu.unpack_subelements %bitcast3A_281, 0 {pack_format = #tpu.pack_format<interleaved>} : vector<32xbf16> -> vector<16xf32>
      %unpack3A_283 = tpu.unpack_subelements %bitcast3A_281, 1 {pack_format = #tpu.pack_format<interleaved>} : vector<32xbf16> -> vector<16xf32>
      %add3A_284 = arith.constant 352 : i32
      %add3A_285 = arith.addi %mul3A_131, %add3A_284 : i32
      %get3A_286 = arith.index_cast %add3A_285 : i32 to index
      %get3A_287 = tpu.vector_load %arg7[%get3A_286] {strides = array<i32>} : memref<25600xf32, #tpu.memory_space<vmem>>, vector<16xf32>,
      %bitcast3A_288 = vector.bitcast %get3A_287 : vector<16xf32> to vector<32xbf16>
      %unpack3A_289 = tpu.unpack_subelements %bitcast3A_288, 0 {pack_format = #tpu.pack_format<interleaved>} : vector<32xbf16> -> vector<16xf32>
      %unpack3A_290 = tpu.unpack_subelements %bitcast3A_288, 1 {pack_format = #tpu.pack_format<interleaved>} : vector<32xbf16> -> vector<16xf32>
      %add3A_291 = arith.constant 368 : i32
      %add3A_292 = arith.addi %mul3A_131, %add3A_291 : i32
      %get3A_293 = arith.index_cast %add3A_292 : i32 to index
      %get3A_294 = tpu.vector_load %arg7[%get3A_293] {strides = array<i32>} : memref<25600xf32, #tpu.memory_space<vmem>>, vector<16xf32>,
      %bitcast3A_295 = vector.bitcast %get3A_294 : vector<16xf32> to vector<32xbf16>
      %unpack3A_296 = tpu.unpack_subelements %bitcast3A_295, 0 {pack_format = #tpu.pack_format<interleaved>} : vector<32xbf16> -> vector<16xf32>
      %unpack3A_297 = tpu.unpack_subelements %bitcast3A_295, 1 {pack_format = #tpu.pack_format<interleaved>} : vector<32xbf16> -> vector<16xf32>
      %add3A_298 = arith.constant 384 : i32
      %add3A_299 = arith.addi %mul3A_131, %add3A_298 : i32
      %get3A_300 = arith.index_cast %add3A_299 : i32 to index
      %get3A_301 = tpu.vector_load %arg7[%get3A_300] {strides = array<i32>} : memref<25600xf32, #tpu.memory_space<vmem>>, vector<16xf32>,
      %bitcast3A_302 = vector.bitcast %get3A_301 : vector<16xf32> to vector<32xbf16>
      %unpack3A_303 = tpu.unpack_subelements %bitcast3A_302, 0 {pack_format = #tpu.pack_format<interleaved>} : vector<32xbf16> -> vector<16xf32>
      %unpack3A_304 = tpu.unpack_subelements %bitcast3A_302, 1 {pack_format = #tpu.pack_format<interleaved>} : vector<32xbf16> -> vector<16xf32>
      %add3A_305 = arith.addf %unpack3A_142, %unpack3A_149 : vector<16xf32>
      %add3A_306 = arith.addf %unpack3A_143, %unpack3A_150 : vector<16xf32>
      %add3A_307 = arith.addf %add3A_305, %unpack3A : vector<16xf32>
      %add3A_308 = arith.addf %add3A_306, %unpack3A_136 : vector<16xf32>
      %lt3A = arith.constant 2 : i32
      %lt3A_309 = vector.broadcast %lt3A : i32 to vector<16xi32>
      %lt3A_310 = arith.cmpi slt, %iota3A, %lt3A_309 : vector<16xi32>
      %jit3A = arith.constant 0.000000e+00 : f32
      %broadcast_in_dim3A = vector.broadcast %jit3A : f32 to vector<16xf32>
      %select_n3A = arith.select %lt3A_310, %unpack3A_156, %broadcast_in_dim3A : vector<16xi1>, vector<16xf32>
      %add3A_311 = arith.addf %add3A_307, %select_n3A : vector<16xf32>
      %lt3A_312 = arith.constant 2 : i32
      %lt3A_313 = vector.broadcast %lt3A_312 : i32 to vector<16xi32>
      %lt3A_314 = arith.cmpi slt, %iota3A, %lt3A_313 : vector<16xi32>
      %jit3A_315 = arith.constant 0.000000e+00 : f32
      %broadcast_in_dim3A_316 = vector.broadcast %jit3A_315 : f32 to vector<16xf32>
      %select_n3A_317 = arith.select %lt3A_314, %unpack3A_157, %broadcast_in_dim3A_316 : vector<16xi1>, vector<16xf32>
      %add3A_318 = arith.addf %add3A_308, %select_n3A_317 : vector<16xf32>
      %broadcast_in_dim3A_319 = vector.shape_cast %and3A_50 : vector<16xi32> to vector<16x1xi32>
      %gather3A = vector.shape_cast %broadcast_in_dim3A_319 : vector<16x1xi32> to vector<16xi32>
      %gather3A_320 = tpu.dynamic_gather %add3A_311[%gather3A] in [0] : vector<16xf32>, vector<16xi32> -> vector<16xf32>
      %add3A_321 = arith.addf %add3A_311, %gather3A_320 : vector<16xf32>
      %broadcast_in_dim3A_322 = vector.shape_cast %and3A_50 : vector<16xi32> to vector<16x1xi32>
      %gather3A_323 = vector.shape_cast %broadcast_in_dim3A_322 : vector<16x1xi32> to vector<16xi32>
      %gather3A_324 = tpu.dynamic_gather %add3A_318[%gather3A_323] in [0] : vector<16xf32>, vector<16xi32> -> vector<16xf32>
      %add3A_325 = arith.addf %add3A_318, %gather3A_324 : vector<16xf32>
      %broadcast_in_dim3A_326 = vector.shape_cast %and3A_55 : vector<16xi32> to vector<16x1xi32>
      %gather3A_327 = vector.shape_cast %broadcast_in_dim3A_326 : vector<16x1xi32> to vector<16xi32>
      %gather3A_328 = tpu.dynamic_gather %add3A_325[%gather3A_327] in [0] : vector<16xf32>, vector<16xi32> -> vector<16xf32>
      %select_n3A_329 = arith.select %eq3A_44, %add3A_321, %gather3A_328 : vector<16xi1>, vector<16xf32>
      %broadcast_in_dim3A_330 = vector.shape_cast %and3A_61 : vector<16xi32> to vector<16x1xi32>
      %gather3A_331 = vector.shape_cast %broadcast_in_dim3A_330 : vector<16x1xi32> to vector<16xi32>
      %gather3A_332 = tpu.dynamic_gather %select_n3A_329[%gather3A_331] in [0] : vector<16xf32>, vector<16xi32> -> vector<16xf32>
      %add3A_333 = arith.addf %select_n3A_329, %gather3A_332 : vector<16xf32>
      %broadcast_in_dim3A_334 = vector.shape_cast %and3A_67 : vector<16xi32> to vector<16x1xi32>
      %gather3A_335 = vector.shape_cast %broadcast_in_dim3A_334 : vector<16x1xi32> to vector<16xi32>
      %gather3A_336 = tpu.dynamic_gather %add3A_333[%gather3A_335] in [0] : vector<16xf32>, vector<16xi32> -> vector<16xf32>
      %add3A_337 = arith.addf %add3A_333, %gather3A_336 : vector<16xf32>
      %broadcast_in_dim3A_338 = vector.shape_cast %and3A_73 : vector<16xi32> to vector<16x1xi32>
      %gather3A_339 = vector.shape_cast %broadcast_in_dim3A_338 : vector<16x1xi32> to vector<16xi32>
      %gather3A_340 = tpu.dynamic_gather %add3A_337[%gather3A_339] in [0] : vector<16xf32>, vector<16xi32> -> vector<16xf32>
      %add3A_341 = arith.addf %add3A_337, %gather3A_340 : vector<16xf32>
      %mul3A_342 = vector.broadcast %scan3A_119 : f32 to vector<16xf32>
      %mul3A_343 = arith.mulf %add3A_341, %mul3A_342 : vector<16xf32>
      %shift_right_arithmetic3A = arith.constant 1 : i32
      %shift_right_arithmetic3A_344 = vector.broadcast %shift_right_arithmetic3A : i32 to vector<16xi32>
      %shift_right_arithmetic3A_345 = arith.shrsi %iota3A, %shift_right_arithmetic3A_344 : vector<16xi32>
      %eq3A_346 = arith.constant 0 : i32
      %eq3A_347 = vector.broadcast %eq3A_346 : i32 to vector<16xi32>
      %eq3A_348 = arith.cmpi eq, %shift_right_arithmetic3A_345, %eq3A_347 : vector<16xi32>
      %jit3A_349 = arith.constant 0.000000e+00 : f32
      %broadcast_in_dim3A_350 = vector.broadcast %jit3A_349 : f32 to vector<16xf32>
      %select_n3A_351 = arith.select %eq3A_348, %mul3A_343, %broadcast_in_dim3A_350 : vector<16xi1>, vector<16xf32>
      %add3A_352 = arith.addf %get3A_39, %select_n3A_351 : vector<16xf32>
      %add3A_353 = arith.addf %unpack3A_163, %unpack3A_170 : vector<16xf32>
      %add3A_354 = arith.addf %unpack3A_164, %unpack3A_171 : vector<16xf32>
      %ge3A = arith.constant 2 : i32
      %ge3A_355 = vector.broadcast %ge3A : i32 to vector<16xi32>
      %ge3A_356 = arith.cmpi sge, %iota3A, %ge3A_355 : vector<16xi32>
      %jit3A_357 = arith.constant 0.000000e+00 : f32
      %broadcast_in_dim3A_358 = vector.broadcast %jit3A_357 : f32 to vector<16xf32>
      %select_n3A_359 = arith.select %ge3A_356, %unpack3A_156, %broadcast_in_dim3A_358 : vector<16xi1>, vector<16xf32>
      %add3A_360 = arith.addf %add3A_353, %select_n3A_359 : vector<16xf32>
      %ge3A_361 = arith.constant 2 : i32
      %ge3A_362 = vector.broadcast %ge3A_361 : i32 to vector<16xi32>
      %ge3A_363 = arith.cmpi sge, %iota3A, %ge3A_362 : vector<16xi32>
      %jit3A_364 = arith.constant 0.000000e+00 : f32
      %broadcast_in_dim3A_365 = vector.broadcast %jit3A_364 : f32 to vector<16xf32>
      %select_n3A_366 = arith.select %ge3A_363, %unpack3A_157, %broadcast_in_dim3A_365 : vector<16xi1>, vector<16xf32>
      %add3A_367 = arith.addf %add3A_354, %select_n3A_366 : vector<16xf32>
      %lt3A_368 = arith.constant 4 : i32
      %lt3A_369 = vector.broadcast %lt3A_368 : i32 to vector<16xi32>
      %lt3A_370 = arith.cmpi slt, %iota3A, %lt3A_369 : vector<16xi32>
      %jit3A_371 = arith.constant 0.000000e+00 : f32
      %broadcast_in_dim3A_372 = vector.broadcast %jit3A_371 : f32 to vector<16xf32>
      %select_n3A_373 = arith.select %lt3A_370, %unpack3A_177, %broadcast_in_dim3A_372 : vector<16xi1>, vector<16xf32>
      %add3A_374 = arith.addf %add3A_360, %select_n3A_373 : vector<16xf32>
      %lt3A_375 = arith.constant 4 : i32
      %lt3A_376 = vector.broadcast %lt3A_375 : i32 to vector<16xi32>
      %lt3A_377 = arith.cmpi slt, %iota3A, %lt3A_376 : vector<16xi32>
      %jit3A_378 = arith.constant 0.000000e+00 : f32
      %broadcast_in_dim3A_379 = vector.broadcast %jit3A_378 : f32 to vector<16xf32>
      %select_n3A_380 = arith.select %lt3A_377, %unpack3A_178, %broadcast_in_dim3A_379 : vector<16xi1>, vector<16xf32>
      %add3A_381 = arith.addf %add3A_367, %select_n3A_380 : vector<16xf32>
      %broadcast_in_dim3A_382 = vector.shape_cast %and3A_50 : vector<16xi32> to vector<16x1xi32>
      %gather3A_383 = vector.shape_cast %broadcast_in_dim3A_382 : vector<16x1xi32> to vector<16xi32>
      %gather3A_384 = tpu.dynamic_gather %add3A_374[%gather3A_383] in [0] : vector<16xf32>, vector<16xi32> -> vector<16xf32>
      %add3A_385 = arith.addf %add3A_374, %gather3A_384 : vector<16xf32>
      %broadcast_in_dim3A_386 = vector.shape_cast %and3A_50 : vector<16xi32> to vector<16x1xi32>
      %gather3A_387 = vector.shape_cast %broadcast_in_dim3A_386 : vector<16x1xi32> to vector<16xi32>
      %gather3A_388 = tpu.dynamic_gather %add3A_381[%gather3A_387] in [0] : vector<16xf32>, vector<16xi32> -> vector<16xf32>
      %add3A_389 = arith.addf %add3A_381, %gather3A_388 : vector<16xf32>
      %broadcast_in_dim3A_390 = vector.shape_cast %and3A_55 : vector<16xi32> to vector<16x1xi32>
      %gather3A_391 = vector.shape_cast %broadcast_in_dim3A_390 : vector<16x1xi32> to vector<16xi32>
      %gather3A_392 = tpu.dynamic_gather %add3A_389[%gather3A_391] in [0] : vector<16xf32>, vector<16xi32> -> vector<16xf32>
      %select_n3A_393 = arith.select %eq3A_44, %add3A_385, %gather3A_392 : vector<16xi1>, vector<16xf32>
      %broadcast_in_dim3A_394 = vector.shape_cast %and3A_61 : vector<16xi32> to vector<16x1xi32>
      %gather3A_395 = vector.shape_cast %broadcast_in_dim3A_394 : vector<16x1xi32> to vector<16xi32>
      %gather3A_396 = tpu.dynamic_gather %select_n3A_393[%gather3A_395] in [0] : vector<16xf32>, vector<16xi32> -> vector<16xf32>
      %add3A_397 = arith.addf %select_n3A_393, %gather3A_396 : vector<16xf32>
      %broadcast_in_dim3A_398 = vector.shape_cast %and3A_67 : vector<16xi32> to vector<16x1xi32>
      %gather3A_399 = vector.shape_cast %broadcast_in_dim3A_398 : vector<16x1xi32> to vector<16xi32>
      %gather3A_400 = tpu.dynamic_gather %add3A_397[%gather3A_399] in [0] : vector<16xf32>, vector<16xi32> -> vector<16xf32>
      %add3A_401 = arith.addf %add3A_397, %gather3A_400 : vector<16xf32>
      %broadcast_in_dim3A_402 = vector.shape_cast %and3A_73 : vector<16xi32> to vector<16x1xi32>
      %gather3A_403 = vector.shape_cast %broadcast_in_dim3A_402 : vector<16x1xi32> to vector<16xi32>
      %gather3A_404 = tpu.dynamic_gather %add3A_401[%gather3A_403] in [0] : vector<16xf32>, vector<16xi32> -> vector<16xf32>
      %add3A_405 = arith.addf %add3A_401, %gather3A_404 : vector<16xf32>
      %mul3A_406 = vector.broadcast %scan3A_119 : f32 to vector<16xf32>
      %mul3A_407 = arith.mulf %add3A_405, %mul3A_406 : vector<16xf32>
      %shift_right_arithmetic3A_408 = arith.constant 1 : i32
      %shift_right_arithmetic3A_409 = vector.broadcast %shift_right_arithmetic3A_408 : i32 to vector<16xi32>
      %shift_right_arithmetic3A_410 = arith.shrsi %iota3A, %shift_right_arithmetic3A_409 : vector<16xi32>
      %eq3A_411 = arith.constant 1 : i32
      %eq3A_412 = vector.broadcast %eq3A_411 : i32 to vector<16xi32>
      %eq3A_413 = arith.cmpi eq, %shift_right_arithmetic3A_410, %eq3A_412 : vector<16xi32>
      %jit3A_414 = arith.constant 0.000000e+00 : f32
      %broadcast_in_dim3A_415 = vector.broadcast %jit3A_414 : f32 to vector<16xf32>
      %select_n3A_416 = arith.select %eq3A_413, %mul3A_407, %broadcast_in_dim3A_415 : vector<16xi1>, vector<16xf32>
      %add3A_417 = arith.addf %add3A_352, %select_n3A_416 : vector<16xf32>
      %add3A_418 = arith.addf %unpack3A_184, %unpack3A_191 : vector<16xf32>
      %add3A_419 = arith.addf %unpack3A_185, %unpack3A_192 : vector<16xf32>
      %ge3A_420 = arith.constant 4 : i32
      %ge3A_421 = vector.broadcast %ge3A_420 : i32 to vector<16xi32>
      %ge3A_422 = arith.cmpi sge, %iota3A, %ge3A_421 : vector<16xi32>
      %jit3A_423 = arith.constant 0.000000e+00 : f32
      %broadcast_in_dim3A_424 = vector.broadcast %jit3A_423 : f32 to vector<16xf32>
      %select_n3A_425 = arith.select %ge3A_422, %unpack3A_177, %broadcast_in_dim3A_424 : vector<16xi1>, vector<16xf32>
      %add3A_426 = arith.addf %add3A_418, %select_n3A_425 : vector<16xf32>
      %ge3A_427 = arith.constant 4 : i32
      %ge3A_428 = vector.broadcast %ge3A_427 : i32 to vector<16xi32>
      %ge3A_429 = arith.cmpi sge, %iota3A, %ge3A_428 : vector<16xi32>
      %jit3A_430 = arith.constant 0.000000e+00 : f32
      %broadcast_in_dim3A_431 = vector.broadcast %jit3A_430 : f32 to vector<16xf32>
      %select_n3A_432 = arith.select %ge3A_429, %unpack3A_178, %broadcast_in_dim3A_431 : vector<16xi1>, vector<16xf32>
      %add3A_433 = arith.addf %add3A_419, %select_n3A_432 : vector<16xf32>
      %lt3A_434 = arith.constant 6 : i32
      %lt3A_435 = vector.broadcast %lt3A_434 : i32 to vector<16xi32>
      %lt3A_436 = arith.cmpi slt, %iota3A, %lt3A_435 : vector<16xi32>
      %jit3A_437 = arith.constant 0.000000e+00 : f32
      %broadcast_in_dim3A_438 = vector.broadcast %jit3A_437 : f32 to vector<16xf32>
      %select_n3A_439 = arith.select %lt3A_436, %unpack3A_198, %broadcast_in_dim3A_438 : vector<16xi1>, vector<16xf32>
      %add3A_440 = arith.addf %add3A_426, %select_n3A_439 : vector<16xf32>
      %lt3A_441 = arith.constant 6 : i32
      %lt3A_442 = vector.broadcast %lt3A_441 : i32 to vector<16xi32>
      %lt3A_443 = arith.cmpi slt, %iota3A, %lt3A_442 : vector<16xi32>
      %jit3A_444 = arith.constant 0.000000e+00 : f32
      %broadcast_in_dim3A_445 = vector.broadcast %jit3A_444 : f32 to vector<16xf32>
      %select_n3A_446 = arith.select %lt3A_443, %unpack3A_199, %broadcast_in_dim3A_445 : vector<16xi1>, vector<16xf32>
      %add3A_447 = arith.addf %add3A_433, %select_n3A_446 : vector<16xf32>
      %broadcast_in_dim3A_448 = vector.shape_cast %and3A_50 : vector<16xi32> to vector<16x1xi32>
      %gather3A_449 = vector.shape_cast %broadcast_in_dim3A_448 : vector<16x1xi32> to vector<16xi32>
      %gather3A_450 = tpu.dynamic_gather %add3A_440[%gather3A_449] in [0] : vector<16xf32>, vector<16xi32> -> vector<16xf32>
      %add3A_451 = arith.addf %add3A_440, %gather3A_450 : vector<16xf32>
      %broadcast_in_dim3A_452 = vector.shape_cast %and3A_50 : vector<16xi32> to vector<16x1xi32>
      %gather3A_453 = vector.shape_cast %broadcast_in_dim3A_452 : vector<16x1xi32> to vector<16xi32>
      %gather3A_454 = tpu.dynamic_gather %add3A_447[%gather3A_453] in [0] : vector<16xf32>, vector<16xi32> -> vector<16xf32>
      %add3A_455 = arith.addf %add3A_447, %gather3A_454 : vector<16xf32>
      %broadcast_in_dim3A_456 = vector.shape_cast %and3A_55 : vector<16xi32> to vector<16x1xi32>
      %gather3A_457 = vector.shape_cast %broadcast_in_dim3A_456 : vector<16x1xi32> to vector<16xi32>
      %gather3A_458 = tpu.dynamic_gather %add3A_455[%gather3A_457] in [0] : vector<16xf32>, vector<16xi32> -> vector<16xf32>
      %select_n3A_459 = arith.select %eq3A_44, %add3A_451, %gather3A_458 : vector<16xi1>, vector<16xf32>
      %broadcast_in_dim3A_460 = vector.shape_cast %and3A_61 : vector<16xi32> to vector<16x1xi32>
      %gather3A_461 = vector.shape_cast %broadcast_in_dim3A_460 : vector<16x1xi32> to vector<16xi32>
      %gather3A_462 = tpu.dynamic_gather %select_n3A_459[%gather3A_461] in [0] : vector<16xf32>, vector<16xi32> -> vector<16xf32>
      %add3A_463 = arith.addf %select_n3A_459, %gather3A_462 : vector<16xf32>
      %broadcast_in_dim3A_464 = vector.shape_cast %and3A_67 : vector<16xi32> to vector<16x1xi32>
      %gather3A_465 = vector.shape_cast %broadcast_in_dim3A_464 : vector<16x1xi32> to vector<16xi32>
      %gather3A_466 = tpu.dynamic_gather %add3A_463[%gather3A_465] in [0] : vector<16xf32>, vector<16xi32> -> vector<16xf32>
      %add3A_467 = arith.addf %add3A_463, %gather3A_466 : vector<16xf32>
      %broadcast_in_dim3A_468 = vector.shape_cast %and3A_73 : vector<16xi32> to vector<16x1xi32>
      %gather3A_469 = vector.shape_cast %broadcast_in_dim3A_468 : vector<16x1xi32> to vector<16xi32>
      %gather3A_470 = tpu.dynamic_gather %add3A_467[%gather3A_469] in [0] : vector<16xf32>, vector<16xi32> -> vector<16xf32>
      %add3A_471 = arith.addf %add3A_467, %gather3A_470 : vector<16xf32>
      %mul3A_472 = vector.broadcast %scan3A_119 : f32 to vector<16xf32>
      %mul3A_473 = arith.mulf %add3A_471, %mul3A_472 : vector<16xf32>
      %shift_right_arithmetic3A_474 = arith.constant 1 : i32
      %shift_right_arithmetic3A_475 = vector.broadcast %shift_right_arithmetic3A_474 : i32 to vector<16xi32>
      %shift_right_arithmetic3A_476 = arith.shrsi %iota3A, %shift_right_arithmetic3A_475 : vector<16xi32>
      %eq3A_477 = arith.constant 2 : i32
      %eq3A_478 = vector.broadcast %eq3A_477 : i32 to vector<16xi32>
      %eq3A_479 = arith.cmpi eq, %shift_right_arithmetic3A_476, %eq3A_478 : vector<16xi32>
      %jit3A_480 = arith.constant 0.000000e+00 : f32
      %broadcast_in_dim3A_481 = vector.broadcast %jit3A_480 : f32 to vector<16xf32>
      %select_n3A_482 = arith.select %eq3A_479, %mul3A_473, %broadcast_in_dim3A_481 : vector<16xi1>, vector<16xf32>
      %add3A_483 = arith.addf %add3A_417, %select_n3A_482 : vector<16xf32>
      %add3A_484 = arith.addf %unpack3A_205, %unpack3A_212 : vector<16xf32>
      %add3A_485 = arith.addf %unpack3A_206, %unpack3A_213 : vector<16xf32>
      %ge3A_486 = arith.constant 6 : i32
      %ge3A_487 = vector.broadcast %ge3A_486 : i32 to vector<16xi32>
      %ge3A_488 = arith.cmpi sge, %iota3A, %ge3A_487 : vector<16xi32>
      %jit3A_489 = arith.constant 0.000000e+00 : f32
      %broadcast_in_dim3A_490 = vector.broadcast %jit3A_489 : f32 to vector<16xf32>
      %select_n3A_491 = arith.select %ge3A_488, %unpack3A_198, %broadcast_in_dim3A_490 : vector<16xi1>, vector<16xf32>
      %add3A_492 = arith.addf %add3A_484, %select_n3A_491 : vector<16xf32>
      %ge3A_493 = arith.constant 6 : i32
      %ge3A_494 = vector.broadcast %ge3A_493 : i32 to vector<16xi32>
      %ge3A_495 = arith.cmpi sge, %iota3A, %ge3A_494 : vector<16xi32>
      %jit3A_496 = arith.constant 0.000000e+00 : f32
      %broadcast_in_dim3A_497 = vector.broadcast %jit3A_496 : f32 to vector<16xf32>
      %select_n3A_498 = arith.select %ge3A_495, %unpack3A_199, %broadcast_in_dim3A_497 : vector<16xi1>, vector<16xf32>
      %add3A_499 = arith.addf %add3A_485, %select_n3A_498 : vector<16xf32>
      %lt3A_500 = arith.constant 8 : i32
      %lt3A_501 = vector.broadcast %lt3A_500 : i32 to vector<16xi32>
      %lt3A_502 = arith.cmpi slt, %iota3A, %lt3A_501 : vector<16xi32>
      %jit3A_503 = arith.constant 0.000000e+00 : f32
      %broadcast_in_dim3A_504 = vector.broadcast %jit3A_503 : f32 to vector<16xf32>
      %select_n3A_505 = arith.select %lt3A_502, %unpack3A_219, %broadcast_in_dim3A_504 : vector<16xi1>, vector<16xf32>
      %add3A_506 = arith.addf %add3A_492, %select_n3A_505 : vector<16xf32>
      %lt3A_507 = arith.constant 8 : i32
      %lt3A_508 = vector.broadcast %lt3A_507 : i32 to vector<16xi32>
      %lt3A_509 = arith.cmpi slt, %iota3A, %lt3A_508 : vector<16xi32>
      %jit3A_510 = arith.constant 0.000000e+00 : f32
      %broadcast_in_dim3A_511 = vector.broadcast %jit3A_510 : f32 to vector<16xf32>
      %select_n3A_512 = arith.select %lt3A_509, %unpack3A_220, %broadcast_in_dim3A_511 : vector<16xi1>, vector<16xf32>
      %add3A_513 = arith.addf %add3A_499, %select_n3A_512 : vector<16xf32>
      %broadcast_in_dim3A_514 = vector.shape_cast %and3A_50 : vector<16xi32> to vector<16x1xi32>
      %gather3A_515 = vector.shape_cast %broadcast_in_dim3A_514 : vector<16x1xi32> to vector<16xi32>
      %gather3A_516 = tpu.dynamic_gather %add3A_506[%gather3A_515] in [0] : vector<16xf32>, vector<16xi32> -> vector<16xf32>
      %add3A_517 = arith.addf %add3A_506, %gather3A_516 : vector<16xf32>
      %broadcast_in_dim3A_518 = vector.shape_cast %and3A_50 : vector<16xi32> to vector<16x1xi32>
      %gather3A_519 = vector.shape_cast %broadcast_in_dim3A_518 : vector<16x1xi32> to vector<16xi32>
      %gather3A_520 = tpu.dynamic_gather %add3A_513[%gather3A_519] in [0] : vector<16xf32>, vector<16xi32> -> vector<16xf32>
      %add3A_521 = arith.addf %add3A_513, %gather3A_520 : vector<16xf32>
      %broadcast_in_dim3A_522 = vector.shape_cast %and3A_55 : vector<16xi32> to vector<16x1xi32>
      %gather3A_523 = vector.shape_cast %broadcast_in_dim3A_522 : vector<16x1xi32> to vector<16xi32>
      %gather3A_524 = tpu.dynamic_gather %add3A_521[%gather3A_523] in [0] : vector<16xf32>, vector<16xi32> -> vector<16xf32>
      %select_n3A_525 = arith.select %eq3A_44, %add3A_517, %gather3A_524 : vector<16xi1>, vector<16xf32>
      %broadcast_in_dim3A_526 = vector.shape_cast %and3A_61 : vector<16xi32> to vector<16x1xi32>
      %gather3A_527 = vector.shape_cast %broadcast_in_dim3A_526 : vector<16x1xi32> to vector<16xi32>
      %gather3A_528 = tpu.dynamic_gather %select_n3A_525[%gather3A_527] in [0] : vector<16xf32>, vector<16xi32> -> vector<16xf32>
      %add3A_529 = arith.addf %select_n3A_525, %gather3A_528 : vector<16xf32>
      %broadcast_in_dim3A_530 = vector.shape_cast %and3A_67 : vector<16xi32> to vector<16x1xi32>
      %gather3A_531 = vector.shape_cast %broadcast_in_dim3A_530 : vector<16x1xi32> to vector<16xi32>
      %gather3A_532 = tpu.dynamic_gather %add3A_529[%gather3A_531] in [0] : vector<16xf32>, vector<16xi32> -> vector<16xf32>
      %add3A_533 = arith.addf %add3A_529, %gather3A_532 : vector<16xf32>
      %broadcast_in_dim3A_534 = vector.shape_cast %and3A_73 : vector<16xi32> to vector<16x1xi32>
      %gather3A_535 = vector.shape_cast %broadcast_in_dim3A_534 : vector<16x1xi32> to vector<16xi32>
      %gather3A_536 = tpu.dynamic_gather %add3A_533[%gather3A_535] in [0] : vector<16xf32>, vector<16xi32> -> vector<16xf32>
      %add3A_537 = arith.addf %add3A_533, %gather3A_536 : vector<16xf32>
      %mul3A_538 = vector.broadcast %scan3A_119 : f32 to vector<16xf32>
      %mul3A_539 = arith.mulf %add3A_537, %mul3A_538 : vector<16xf32>
      %shift_right_arithmetic3A_540 = arith.constant 1 : i32
      %shift_right_arithmetic3A_541 = vector.broadcast %shift_right_arithmetic3A_540 : i32 to vector<16xi32>
      %shift_right_arithmetic3A_542 = arith.shrsi %iota3A, %shift_right_arithmetic3A_541 : vector<16xi32>
      %eq3A_543 = arith.constant 3 : i32
      %eq3A_544 = vector.broadcast %eq3A_543 : i32 to vector<16xi32>
      %eq3A_545 = arith.cmpi eq, %shift_right_arithmetic3A_542, %eq3A_544 : vector<16xi32>
      %jit3A_546 = arith.constant 0.000000e+00 : f32
      %broadcast_in_dim3A_547 = vector.broadcast %jit3A_546 : f32 to vector<16xf32>
      %select_n3A_548 = arith.select %eq3A_545, %mul3A_539, %broadcast_in_dim3A_547 : vector<16xi1>, vector<16xf32>
      %add3A_549 = arith.addf %add3A_483, %select_n3A_548 : vector<16xf32>
      %add3A_550 = arith.addf %unpack3A_226, %unpack3A_233 : vector<16xf32>
      %add3A_551 = arith.addf %unpack3A_227, %unpack3A_234 : vector<16xf32>
      %ge3A_552 = arith.constant 8 : i32
      %ge3A_553 = vector.broadcast %ge3A_552 : i32 to vector<16xi32>
      %ge3A_554 = arith.cmpi sge, %iota3A, %ge3A_553 : vector<16xi32>
      %jit3A_555 = arith.constant 0.000000e+00 : f32
      %broadcast_in_dim3A_556 = vector.broadcast %jit3A_555 : f32 to vector<16xf32>
      %select_n3A_557 = arith.select %ge3A_554, %unpack3A_219, %broadcast_in_dim3A_556 : vector<16xi1>, vector<16xf32>
      %add3A_558 = arith.addf %add3A_550, %select_n3A_557 : vector<16xf32>
      %ge3A_559 = arith.constant 8 : i32
      %ge3A_560 = vector.broadcast %ge3A_559 : i32 to vector<16xi32>
      %ge3A_561 = arith.cmpi sge, %iota3A, %ge3A_560 : vector<16xi32>
      %jit3A_562 = arith.constant 0.000000e+00 : f32
      %broadcast_in_dim3A_563 = vector.broadcast %jit3A_562 : f32 to vector<16xf32>
      %select_n3A_564 = arith.select %ge3A_561, %unpack3A_220, %broadcast_in_dim3A_563 : vector<16xi1>, vector<16xf32>
      %add3A_565 = arith.addf %add3A_551, %select_n3A_564 : vector<16xf32>
      %lt3A_566 = arith.constant 10 : i32
      %lt3A_567 = vector.broadcast %lt3A_566 : i32 to vector<16xi32>
      %lt3A_568 = arith.cmpi slt, %iota3A, %lt3A_567 : vector<16xi32>
      %jit3A_569 = arith.constant 0.000000e+00 : f32
      %broadcast_in_dim3A_570 = vector.broadcast %jit3A_569 : f32 to vector<16xf32>
      %select_n3A_571 = arith.select %lt3A_568, %unpack3A_240, %broadcast_in_dim3A_570 : vector<16xi1>, vector<16xf32>
      %add3A_572 = arith.addf %add3A_558, %select_n3A_571 : vector<16xf32>
      %lt3A_573 = arith.constant 10 : i32
      %lt3A_574 = vector.broadcast %lt3A_573 : i32 to vector<16xi32>
      %lt3A_575 = arith.cmpi slt, %iota3A, %lt3A_574 : vector<16xi32>
      %jit3A_576 = arith.constant 0.000000e+00 : f32
      %broadcast_in_dim3A_577 = vector.broadcast %jit3A_576 : f32 to vector<16xf32>
      %select_n3A_578 = arith.select %lt3A_575, %unpack3A_241, %broadcast_in_dim3A_577 : vector<16xi1>, vector<16xf32>
      %add3A_579 = arith.addf %add3A_565, %select_n3A_578 : vector<16xf32>
      %broadcast_in_dim3A_580 = vector.shape_cast %and3A_50 : vector<16xi32> to vector<16x1xi32>
      %gather3A_581 = vector.shape_cast %broadcast_in_dim3A_580 : vector<16x1xi32> to vector<16xi32>
      %gather3A_582 = tpu.dynamic_gather %add3A_572[%gather3A_581] in [0] : vector<16xf32>, vector<16xi32> -> vector<16xf32>
      %add3A_583 = arith.addf %add3A_572, %gather3A_582 : vector<16xf32>
      %broadcast_in_dim3A_584 = vector.shape_cast %and3A_50 : vector<16xi32> to vector<16x1xi32>
      %gather3A_585 = vector.shape_cast %broadcast_in_dim3A_584 : vector<16x1xi32> to vector<16xi32>
      %gather3A_586 = tpu.dynamic_gather %add3A_579[%gather3A_585] in [0] : vector<16xf32>, vector<16xi32> -> vector<16xf32>
      %add3A_587 = arith.addf %add3A_579, %gather3A_586 : vector<16xf32>
      %broadcast_in_dim3A_588 = vector.shape_cast %and3A_55 : vector<16xi32> to vector<16x1xi32>
      %gather3A_589 = vector.shape_cast %broadcast_in_dim3A_588 : vector<16x1xi32> to vector<16xi32>
      %gather3A_590 = tpu.dynamic_gather %add3A_587[%gather3A_589] in [0] : vector<16xf32>, vector<16xi32> -> vector<16xf32>
      %select_n3A_591 = arith.select %eq3A_44, %add3A_583, %gather3A_590 : vector<16xi1>, vector<16xf32>
      %broadcast_in_dim3A_592 = vector.shape_cast %and3A_61 : vector<16xi32> to vector<16x1xi32>
      %gather3A_593 = vector.shape_cast %broadcast_in_dim3A_592 : vector<16x1xi32> to vector<16xi32>
      %gather3A_594 = tpu.dynamic_gather %select_n3A_591[%gather3A_593] in [0] : vector<16xf32>, vector<16xi32> -> vector<16xf32>
      %add3A_595 = arith.addf %select_n3A_591, %gather3A_594 : vector<16xf32>
      %broadcast_in_dim3A_596 = vector.shape_cast %and3A_67 : vector<16xi32> to vector<16x1xi32>
      %gather3A_597 = vector.shape_cast %broadcast_in_dim3A_596 : vector<16x1xi32> to vector<16xi32>
      %gather3A_598 = tpu.dynamic_gather %add3A_595[%gather3A_597] in [0] : vector<16xf32>, vector<16xi32> -> vector<16xf32>
      %add3A_599 = arith.addf %add3A_595, %gather3A_598 : vector<16xf32>
      %broadcast_in_dim3A_600 = vector.shape_cast %and3A_73 : vector<16xi32> to vector<16x1xi32>
      %gather3A_601 = vector.shape_cast %broadcast_in_dim3A_600 : vector<16x1xi32> to vector<16xi32>
      %gather3A_602 = tpu.dynamic_gather %add3A_599[%gather3A_601] in [0] : vector<16xf32>, vector<16xi32> -> vector<16xf32>
      %add3A_603 = arith.addf %add3A_599, %gather3A_602 : vector<16xf32>
      %mul3A_604 = vector.broadcast %scan3A_119 : f32 to vector<16xf32>
      %mul3A_605 = arith.mulf %add3A_603, %mul3A_604 : vector<16xf32>
      %shift_right_arithmetic3A_606 = arith.constant 1 : i32
      %shift_right_arithmetic3A_607 = vector.broadcast %shift_right_arithmetic3A_606 : i32 to vector<16xi32>
      %shift_right_arithmetic3A_608 = arith.shrsi %iota3A, %shift_right_arithmetic3A_607 : vector<16xi32>
      %eq3A_609 = arith.constant 4 : i32
      %eq3A_610 = vector.broadcast %eq3A_609 : i32 to vector<16xi32>
      %eq3A_611 = arith.cmpi eq, %shift_right_arithmetic3A_608, %eq3A_610 : vector<16xi32>
      %jit3A_612 = arith.constant 0.000000e+00 : f32
      %broadcast_in_dim3A_613 = vector.broadcast %jit3A_612 : f32 to vector<16xf32>
      %select_n3A_614 = arith.select %eq3A_611, %mul3A_605, %broadcast_in_dim3A_613 : vector<16xi1>, vector<16xf32>
      %add3A_615 = arith.addf %add3A_549, %select_n3A_614 : vector<16xf32>
      %add3A_616 = arith.addf %unpack3A_247, %unpack3A_254 : vector<16xf32>
      %add3A_617 = arith.addf %unpack3A_248, %unpack3A_255 : vector<16xf32>
      %ge3A_618 = arith.constant 10 : i32
      %ge3A_619 = vector.broadcast %ge3A_618 : i32 to vector<16xi32>
      %ge3A_620 = arith.cmpi sge, %iota3A, %ge3A_619 : vector<16xi32>
      %jit3A_621 = arith.constant 0.000000e+00 : f32
      %broadcast_in_dim3A_622 = vector.broadcast %jit3A_621 : f32 to vector<16xf32>
      %select_n3A_623 = arith.select %ge3A_620, %unpack3A_240, %broadcast_in_dim3A_622 : vector<16xi1>, vector<16xf32>
      %add3A_624 = arith.addf %add3A_616, %select_n3A_623 : vector<16xf32>
      %ge3A_625 = arith.constant 10 : i32
      %ge3A_626 = vector.broadcast %ge3A_625 : i32 to vector<16xi32>
      %ge3A_627 = arith.cmpi sge, %iota3A, %ge3A_626 : vector<16xi32>
      %jit3A_628 = arith.constant 0.000000e+00 : f32
      %broadcast_in_dim3A_629 = vector.broadcast %jit3A_628 : f32 to vector<16xf32>
      %select_n3A_630 = arith.select %ge3A_627, %unpack3A_241, %broadcast_in_dim3A_629 : vector<16xi1>, vector<16xf32>
      %add3A_631 = arith.addf %add3A_617, %select_n3A_630 : vector<16xf32>
      %lt3A_632 = arith.constant 12 : i32
      %lt3A_633 = vector.broadcast %lt3A_632 : i32 to vector<16xi32>
      %lt3A_634 = arith.cmpi slt, %iota3A, %lt3A_633 : vector<16xi32>
      %jit3A_635 = arith.constant 0.000000e+00 : f32
      %broadcast_in_dim3A_636 = vector.broadcast %jit3A_635 : f32 to vector<16xf32>
      %select_n3A_637 = arith.select %lt3A_634, %unpack3A_261, %broadcast_in_dim3A_636 : vector<16xi1>, vector<16xf32>
      %add3A_638 = arith.addf %add3A_624, %select_n3A_637 : vector<16xf32>
      %lt3A_639 = arith.constant 12 : i32
      %lt3A_640 = vector.broadcast %lt3A_639 : i32 to vector<16xi32>
      %lt3A_641 = arith.cmpi slt, %iota3A, %lt3A_640 : vector<16xi32>
      %jit3A_642 = arith.constant 0.000000e+00 : f32
      %broadcast_in_dim3A_643 = vector.broadcast %jit3A_642 : f32 to vector<16xf32>
      %select_n3A_644 = arith.select %lt3A_641, %unpack3A_262, %broadcast_in_dim3A_643 : vector<16xi1>, vector<16xf32>
      %add3A_645 = arith.addf %add3A_631, %select_n3A_644 : vector<16xf32>
      %broadcast_in_dim3A_646 = vector.shape_cast %and3A_50 : vector<16xi32> to vector<16x1xi32>
      %gather3A_647 = vector.shape_cast %broadcast_in_dim3A_646 : vector<16x1xi32> to vector<16xi32>
      %gather3A_648 = tpu.dynamic_gather %add3A_638[%gather3A_647] in [0] : vector<16xf32>, vector<16xi32> -> vector<16xf32>
      %add3A_649 = arith.addf %add3A_638, %gather3A_648 : vector<16xf32>
      %broadcast_in_dim3A_650 = vector.shape_cast %and3A_50 : vector<16xi32> to vector<16x1xi32>
      %gather3A_651 = vector.shape_cast %broadcast_in_dim3A_650 : vector<16x1xi32> to vector<16xi32>
      %gather3A_652 = tpu.dynamic_gather %add3A_645[%gather3A_651] in [0] : vector<16xf32>, vector<16xi32> -> vector<16xf32>
      %add3A_653 = arith.addf %add3A_645, %gather3A_652 : vector<16xf32>
      %broadcast_in_dim3A_654 = vector.shape_cast %and3A_55 : vector<16xi32> to vector<16x1xi32>
      %gather3A_655 = vector.shape_cast %broadcast_in_dim3A_654 : vector<16x1xi32> to vector<16xi32>
      %gather3A_656 = tpu.dynamic_gather %add3A_653[%gather3A_655] in [0] : vector<16xf32>, vector<16xi32> -> vector<16xf32>
      %select_n3A_657 = arith.select %eq3A_44, %add3A_649, %gather3A_656 : vector<16xi1>, vector<16xf32>
      %broadcast_in_dim3A_658 = vector.shape_cast %and3A_61 : vector<16xi32> to vector<16x1xi32>
      %gather3A_659 = vector.shape_cast %broadcast_in_dim3A_658 : vector<16x1xi32> to vector<16xi32>
      %gather3A_660 = tpu.dynamic_gather %select_n3A_657[%gather3A_659] in [0] : vector<16xf32>, vector<16xi32> -> vector<16xf32>
      %add3A_661 = arith.addf %select_n3A_657, %gather3A_660 : vector<16xf32>
      %broadcast_in_dim3A_662 = vector.shape_cast %and3A_67 : vector<16xi32> to vector<16x1xi32>
      %gather3A_663 = vector.shape_cast %broadcast_in_dim3A_662 : vector<16x1xi32> to vector<16xi32>
      %gather3A_664 = tpu.dynamic_gather %add3A_661[%gather3A_663] in [0] : vector<16xf32>, vector<16xi32> -> vector<16xf32>
      %add3A_665 = arith.addf %add3A_661, %gather3A_664 : vector<16xf32>
      %broadcast_in_dim3A_666 = vector.shape_cast %and3A_73 : vector<16xi32> to vector<16x1xi32>
      %gather3A_667 = vector.shape_cast %broadcast_in_dim3A_666 : vector<16x1xi32> to vector<16xi32>
      %gather3A_668 = tpu.dynamic_gather %add3A_665[%gather3A_667] in [0] : vector<16xf32>, vector<16xi32> -> vector<16xf32>
      %add3A_669 = arith.addf %add3A_665, %gather3A_668 : vector<16xf32>
      %mul3A_670 = vector.broadcast %scan3A_119 : f32 to vector<16xf32>
      %mul3A_671 = arith.mulf %add3A_669, %mul3A_670 : vector<16xf32>
      %shift_right_arithmetic3A_672 = arith.constant 1 : i32
      %shift_right_arithmetic3A_673 = vector.broadcast %shift_right_arithmetic3A_672 : i32 to vector<16xi32>
      %shift_right_arithmetic3A_674 = arith.shrsi %iota3A, %shift_right_arithmetic3A_673 : vector<16xi32>
      %eq3A_675 = arith.constant 5 : i32
      %eq3A_676 = vector.broadcast %eq3A_675 : i32 to vector<16xi32>
      %eq3A_677 = arith.cmpi eq, %shift_right_arithmetic3A_674, %eq3A_676 : vector<16xi32>
      %jit3A_678 = arith.constant 0.000000e+00 : f32
      %broadcast_in_dim3A_679 = vector.broadcast %jit3A_678 : f32 to vector<16xf32>
      %select_n3A_680 = arith.select %eq3A_677, %mul3A_671, %broadcast_in_dim3A_679 : vector<16xi1>, vector<16xf32>
      %add3A_681 = arith.addf %add3A_615, %select_n3A_680 : vector<16xf32>
      %add3A_682 = arith.addf %unpack3A_268, %unpack3A_275 : vector<16xf32>
      %add3A_683 = arith.addf %unpack3A_269, %unpack3A_276 : vector<16xf32>
      %ge3A_684 = arith.constant 12 : i32
      %ge3A_685 = vector.broadcast %ge3A_684 : i32 to vector<16xi32>
      %ge3A_686 = arith.cmpi sge, %iota3A, %ge3A_685 : vector<16xi32>
      %jit3A_687 = arith.constant 0.000000e+00 : f32
      %broadcast_in_dim3A_688 = vector.broadcast %jit3A_687 : f32 to vector<16xf32>
      %select_n3A_689 = arith.select %ge3A_686, %unpack3A_261, %broadcast_in_dim3A_688 : vector<16xi1>, vector<16xf32>
      %add3A_690 = arith.addf %add3A_682, %select_n3A_689 : vector<16xf32>
      %ge3A_691 = arith.constant 12 : i32
      %ge3A_692 = vector.broadcast %ge3A_691 : i32 to vector<16xi32>
      %ge3A_693 = arith.cmpi sge, %iota3A, %ge3A_692 : vector<16xi32>
      %jit3A_694 = arith.constant 0.000000e+00 : f32
      %broadcast_in_dim3A_695 = vector.broadcast %jit3A_694 : f32 to vector<16xf32>
      %select_n3A_696 = arith.select %ge3A_693, %unpack3A_262, %broadcast_in_dim3A_695 : vector<16xi1>, vector<16xf32>
      %add3A_697 = arith.addf %add3A_683, %select_n3A_696 : vector<16xf32>
      %lt3A_698 = arith.constant 14 : i32
      %lt3A_699 = vector.broadcast %lt3A_698 : i32 to vector<16xi32>
      %lt3A_700 = arith.cmpi slt, %iota3A, %lt3A_699 : vector<16xi32>
      %jit3A_701 = arith.constant 0.000000e+00 : f32
      %broadcast_in_dim3A_702 = vector.broadcast %jit3A_701 : f32 to vector<16xf32>
      %select_n3A_703 = arith.select %lt3A_700, %unpack3A_282, %broadcast_in_dim3A_702 : vector<16xi1>, vector<16xf32>
      %add3A_704 = arith.addf %add3A_690, %select_n3A_703 : vector<16xf32>
      %lt3A_705 = arith.constant 14 : i32
      %lt3A_706 = vector.broadcast %lt3A_705 : i32 to vector<16xi32>
      %lt3A_707 = arith.cmpi slt, %iota3A, %lt3A_706 : vector<16xi32>
      %jit3A_708 = arith.constant 0.000000e+00 : f32
      %broadcast_in_dim3A_709 = vector.broadcast %jit3A_708 : f32 to vector<16xf32>
      %select_n3A_710 = arith.select %lt3A_707, %unpack3A_283, %broadcast_in_dim3A_709 : vector<16xi1>, vector<16xf32>
      %add3A_711 = arith.addf %add3A_697, %select_n3A_710 : vector<16xf32>
      %broadcast_in_dim3A_712 = vector.shape_cast %and3A_50 : vector<16xi32> to vector<16x1xi32>
      %gather3A_713 = vector.shape_cast %broadcast_in_dim3A_712 : vector<16x1xi32> to vector<16xi32>
      %gather3A_714 = tpu.dynamic_gather %add3A_704[%gather3A_713] in [0] : vector<16xf32>, vector<16xi32> -> vector<16xf32>
      %add3A_715 = arith.addf %add3A_704, %gather3A_714 : vector<16xf32>
      %broadcast_in_dim3A_716 = vector.shape_cast %and3A_50 : vector<16xi32> to vector<16x1xi32>
      %gather3A_717 = vector.shape_cast %broadcast_in_dim3A_716 : vector<16x1xi32> to vector<16xi32>
      %gather3A_718 = tpu.dynamic_gather %add3A_711[%gather3A_717] in [0] : vector<16xf32>, vector<16xi32> -> vector<16xf32>
      %add3A_719 = arith.addf %add3A_711, %gather3A_718 : vector<16xf32>
      %broadcast_in_dim3A_720 = vector.shape_cast %and3A_55 : vector<16xi32> to vector<16x1xi32>
      %gather3A_721 = vector.shape_cast %broadcast_in_dim3A_720 : vector<16x1xi32> to vector<16xi32>
      %gather3A_722 = tpu.dynamic_gather %add3A_719[%gather3A_721] in [0] : vector<16xf32>, vector<16xi32> -> vector<16xf32>
      %select_n3A_723 = arith.select %eq3A_44, %add3A_715, %gather3A_722 : vector<16xi1>, vector<16xf32>
      %broadcast_in_dim3A_724 = vector.shape_cast %and3A_61 : vector<16xi32> to vector<16x1xi32>
      %gather3A_725 = vector.shape_cast %broadcast_in_dim3A_724 : vector<16x1xi32> to vector<16xi32>
      %gather3A_726 = tpu.dynamic_gather %select_n3A_723[%gather3A_725] in [0] : vector<16xf32>, vector<16xi32> -> vector<16xf32>
      %add3A_727 = arith.addf %select_n3A_723, %gather3A_726 : vector<16xf32>
      %broadcast_in_dim3A_728 = vector.shape_cast %and3A_67 : vector<16xi32> to vector<16x1xi32>
      %gather3A_729 = vector.shape_cast %broadcast_in_dim3A_728 : vector<16x1xi32> to vector<16xi32>
      %gather3A_730 = tpu.dynamic_gather %add3A_727[%gather3A_729] in [0] : vector<16xf32>, vector<16xi32> -> vector<16xf32>
      %add3A_731 = arith.addf %add3A_727, %gather3A_730 : vector<16xf32>
      %broadcast_in_dim3A_732 = vector.shape_cast %and3A_73 : vector<16xi32> to vector<16x1xi32>
      %gather3A_733 = vector.shape_cast %broadcast_in_dim3A_732 : vector<16x1xi32> to vector<16xi32>
      %gather3A_734 = tpu.dynamic_gather %add3A_731[%gather3A_733] in [0] : vector<16xf32>, vector<16xi32> -> vector<16xf32>
      %add3A_735 = arith.addf %add3A_731, %gather3A_734 : vector<16xf32>
      %mul3A_736 = vector.broadcast %scan3A_119 : f32 to vector<16xf32>
      %mul3A_737 = arith.mulf %add3A_735, %mul3A_736 : vector<16xf32>
      %shift_right_arithmetic3A_738 = arith.constant 1 : i32
      %shift_right_arithmetic3A_739 = vector.broadcast %shift_right_arithmetic3A_738 : i32 to vector<16xi32>
      %shift_right_arithmetic3A_740 = arith.shrsi %iota3A, %shift_right_arithmetic3A_739 : vector<16xi32>
      %eq3A_741 = arith.constant 6 : i32
      %eq3A_742 = vector.broadcast %eq3A_741 : i32 to vector<16xi32>
      %eq3A_743 = arith.cmpi eq, %shift_right_arithmetic3A_740, %eq3A_742 : vector<16xi32>
      %jit3A_744 = arith.constant 0.000000e+00 : f32
      %broadcast_in_dim3A_745 = vector.broadcast %jit3A_744 : f32 to vector<16xf32>
      %select_n3A_746 = arith.select %eq3A_743, %mul3A_737, %broadcast_in_dim3A_745 : vector<16xi1>, vector<16xf32>
      %add3A_747 = arith.addf %add3A_681, %select_n3A_746 : vector<16xf32>
      %add3A_748 = arith.addf %unpack3A_289, %unpack3A_296 : vector<16xf32>
      %add3A_749 = arith.addf %unpack3A_290, %unpack3A_297 : vector<16xf32>
      %ge3A_750 = arith.constant 14 : i32
      %ge3A_751 = vector.broadcast %ge3A_750 : i32 to vector<16xi32>
      %ge3A_752 = arith.cmpi sge, %iota3A, %ge3A_751 : vector<16xi32>
      %jit3A_753 = arith.constant 0.000000e+00 : f32
      %broadcast_in_dim3A_754 = vector.broadcast %jit3A_753 : f32 to vector<16xf32>
      %select_n3A_755 = arith.select %ge3A_752, %unpack3A_282, %broadcast_in_dim3A_754 : vector<16xi1>, vector<16xf32>
      %add3A_756 = arith.addf %add3A_748, %select_n3A_755 : vector<16xf32>
      %ge3A_757 = arith.constant 14 : i32
      %ge3A_758 = vector.broadcast %ge3A_757 : i32 to vector<16xi32>
      %ge3A_759 = arith.cmpi sge, %iota3A, %ge3A_758 : vector<16xi32>
      %jit3A_760 = arith.constant 0.000000e+00 : f32
      %broadcast_in_dim3A_761 = vector.broadcast %jit3A_760 : f32 to vector<16xf32>
      %select_n3A_762 = arith.select %ge3A_759, %unpack3A_283, %broadcast_in_dim3A_761 : vector<16xi1>, vector<16xf32>
      %add3A_763 = arith.addf %add3A_749, %select_n3A_762 : vector<16xf32>
      %add3A_764 = arith.addf %add3A_756, %unpack3A_303 : vector<16xf32>
      %add3A_765 = arith.addf %add3A_763, %unpack3A_304 : vector<16xf32>
      %broadcast_in_dim3A_766 = vector.shape_cast %and3A_50 : vector<16xi32> to vector<16x1xi32>
      %gather3A_767 = vector.shape_cast %broadcast_in_dim3A_766 : vector<16x1xi32> to vector<16xi32>
      %gather3A_768 = tpu.dynamic_gather %add3A_764[%gather3A_767] in [0] : vector<16xf32>, vector<16xi32> -> vector<16xf32>
      %add3A_769 = arith.addf %add3A_764, %gather3A_768 : vector<16xf32>
      %broadcast_in_dim3A_770 = vector.shape_cast %and3A_50 : vector<16xi32> to vector<16x1xi32>
      %gather3A_771 = vector.shape_cast %broadcast_in_dim3A_770 : vector<16x1xi32> to vector<16xi32>
      %gather3A_772 = tpu.dynamic_gather %add3A_765[%gather3A_771] in [0] : vector<16xf32>, vector<16xi32> -> vector<16xf32>
      %add3A_773 = arith.addf %add3A_765, %gather3A_772 : vector<16xf32>
      %broadcast_in_dim3A_774 = vector.shape_cast %and3A_55 : vector<16xi32> to vector<16x1xi32>
      %gather3A_775 = vector.shape_cast %broadcast_in_dim3A_774 : vector<16x1xi32> to vector<16xi32>
      %gather3A_776 = tpu.dynamic_gather %add3A_773[%gather3A_775] in [0] : vector<16xf32>, vector<16xi32> -> vector<16xf32>
      %select_n3A_777 = arith.select %eq3A_44, %add3A_769, %gather3A_776 : vector<16xi1>, vector<16xf32>
      %broadcast_in_dim3A_778 = vector.shape_cast %and3A_61 : vector<16xi32> to vector<16x1xi32>
      %gather3A_779 = vector.shape_cast %broadcast_in_dim3A_778 : vector<16x1xi32> to vector<16xi32>
      %gather3A_780 = tpu.dynamic_gather %select_n3A_777[%gather3A_779] in [0] : vector<16xf32>, vector<16xi32> -> vector<16xf32>
      %add3A_781 = arith.addf %select_n3A_777, %gather3A_780 : vector<16xf32>
      %broadcast_in_dim3A_782 = vector.shape_cast %and3A_67 : vector<16xi32> to vector<16x1xi32>
      %gather3A_783 = vector.shape_cast %broadcast_in_dim3A_782 : vector<16x1xi32> to vector<16xi32>
      %gather3A_784 = tpu.dynamic_gather %add3A_781[%gather3A_783] in [0] : vector<16xf32>, vector<16xi32> -> vector<16xf32>
      %add3A_785 = arith.addf %add3A_781, %gather3A_784 : vector<16xf32>
      %broadcast_in_dim3A_786 = vector.shape_cast %and3A_73 : vector<16xi32> to vector<16x1xi32>
      %gather3A_787 = vector.shape_cast %broadcast_in_dim3A_786 : vector<16x1xi32> to vector<16xi32>
      %gather3A_788 = tpu.dynamic_gather %add3A_785[%gather3A_787] in [0] : vector<16xf32>, vector<16xi32> -> vector<16xf32>
      %add3A_789 = arith.addf %add3A_785, %gather3A_788 : vector<16xf32>
      %mul3A_790 = vector.broadcast %scan3A_119 : f32 to vector<16xf32>
      %mul3A_791 = arith.mulf %add3A_789, %mul3A_790 : vector<16xf32>
      %shift_right_arithmetic3A_792 = arith.constant 1 : i32
      %shift_right_arithmetic3A_793 = vector.broadcast %shift_right_arithmetic3A_792 : i32 to vector<16xi32>
      %shift_right_arithmetic3A_794 = arith.shrsi %iota3A, %shift_right_arithmetic3A_793 : vector<16xi32>
      %eq3A_795 = arith.constant 7 : i32
      %eq3A_796 = vector.broadcast %eq3A_795 : i32 to vector<16xi32>
      %eq3A_797 = arith.cmpi eq, %shift_right_arithmetic3A_794, %eq3A_796 : vector<16xi32>
      %jit3A_798 = arith.constant 0.000000e+00 : f32
      %broadcast_in_dim3A_799 = vector.broadcast %jit3A_798 : f32 to vector<16xf32>
      %select_n3A_800 = arith.select %eq3A_797, %mul3A_791, %broadcast_in_dim3A_799 : vector<16xi1>, vector<16xf32>
      %add3A_801 = arith.addf %add3A_747, %select_n3A_800 : vector<16xf32>
      %mul3A_802 = arith.constant 16 : i32
      %mul3A_803 = arith.muli %scan3A_129, %mul3A_802 : i32
      %swap3A = arith.index_cast %mul3A_803 : i32 to index
      %swap3A_804 = tpu.vector_load %arg9[%swap3A] {strides = array<i32>} : memref<1024xf32, #tpu.memory_space<vmem>>, vector<16xf32>,
      tpu.vector_store %arg9[%swap3A], %add3A_801 {strides = array<i32>} : memref<1024xf32, #tpu.memory_space<vmem>>, vector<16xf32>,
    }
    %scan3A_124 = arith.constant 16 : i32
    %mul3A_125 = arith.constant 512 : i32
    %mul3A_126 = arith.muli %add3A, %mul3A_125 : i32
    %mul3A_127 = arith.constant 2 : i32
    %mul3A_128 = arith.muli %mul3A_126, %mul3A_127 : i32
    "tpu.region"() ({
      %run_scoped3A = tpu.sem_alloc : memref<!tpu.dma_semaphore, #tpu.memory_space<semaphore_mem>>
      %dma_start3A_129 = tpu.memref_slice %arg5[%mul3A_128] : memref<32768xf32, #tpu.memory_space<hbm>> -> memref<1024xf32, #tpu.memory_space<hbm>>
      %dma_start3A_130 = tpu.memref_slice %arg5[%mul3A_128] : memref<32768xf32, #tpu.memory_space<hbm>> -> memref<1024xf32, #tpu.memory_space<hbm>>
      tpu.enqueue_dma source(%arg9 : memref<1024xf32, #tpu.memory_space<vmem>>) target(%dma_start3A_130 : memref<1024xf32, #tpu.memory_space<hbm>>) target_semaphore(%run_scoped3A : memref<!tpu.dma_semaphore, #tpu.memory_space<semaphore_mem>>)
      %dma_wait3A_131 = tpu.memref_slice %arg5[%mul3A_128] : memref<32768xf32, #tpu.memory_space<hbm>> -> memref<1024xf32, #tpu.memory_space<hbm>>
      %dma_wait3A_132 = tpu.memref_slice %arg5[%mul3A_128] : memref<32768xf32, #tpu.memory_space<hbm>> -> memref<1024xf32, #tpu.memory_space<hbm>>
      tpu.wait_dma2 semaphore(%run_scoped3A : memref<!tpu.dma_semaphore, #tpu.memory_space<semaphore_mem>>) src(%arg9 : memref<1024xf32, #tpu.memory_space<vmem>>) dst(%dma_wait3A_132 : memref<1024xf32, #tpu.memory_space<hbm>>)
      tpu.yield
    }) : () -> ()
    return
  }
}

module attributes {stable_mosaic.version = 14 : i64} {
  func.func @_mm_body(%arg0: i32, %arg1: memref<10000x64xf32, #tpu.memory_space<vmem>>, %arg2: memref<64x2xf32, #tpu.memory_space<vmem>>, %arg3: memref<1x1x10000xi32, #tpu.memory_space<vmem>>) attributes {dimension_semantics = [#tpu.dimension_semantics<arbitrary>], iteration_bounds = array<i64: 100>, scalar_prefetch = 0 : i64, scratch_operands = 0 : i64, tpu.core_type = #tpu.core_type<tc>, window_params = [{transform_indices = @transform_0, window_bounds = array<i64: 10000, 64>}, {pipeline_mode = #tpu.pipeline_mode<synchronous>, transform_indices = @transform_1, window_bounds = array<i64: 64, 2>}, {transform_indices = @transform_2, window_bounds = array<i64: 1, 1, 10000>}]} {
    %get3A = arith.constant 0 : index
    %get3A_0 = arith.constant 0 : index
    %get3A_1 = vector.load %arg2[%get3A, %get3A_0] : memref<64x2xf32, #tpu.memory_space<vmem>>, vector<64x2xf32>
    %get3A_2 = arith.constant 0 : index
    %get3A_3 = arith.constant 0 : index
    %get3A_4 = vector.load %arg1[%get3A_2, %get3A_3] : memref<10000x64xf32, #tpu.memory_space<vmem>>, vector<10000x64xf32>
    %dot_general3A = arith.constant dense<0.000000e+00> : vector<2x10000xf32>
    %dot_general3A_5 = tpu.matmul %get3A_1, %get3A_4, %dot_general3A {dimension_numbers = #tpu.dot_dimension_numbers<[0], [1], [1], [0], [0, 1, 1, 0], [], []>, transpose_lhs_hint = false} : vector<64x2xf32>, vector<10000x64xf32>, vector<2x10000xf32> -> vector<2x10000xf32>
    %convert_element_type3A = arith.truncf %dot_general3A_5 : vector<2x10000xf32> to vector<2x10000xbf16>
    %bitcast_convert_type3A = tpu.bitcast %convert_element_type3A : vector<2x10000xbf16> -> vector<2x10000xi16>
    %convert_element_type3A_6 = arith.extui %bitcast_convert_type3A : vector<2x10000xi16> to vector<2x10000xi32>
    %slice3A = vector.extract_strided_slice %convert_element_type3A_6 {offsets = [0, 0], sizes = [1, 10000], strides = [1, 1]} : vector<2x10000xi32> to vector<1x10000xi32>
    %slice3A_7 = vector.extract_strided_slice %convert_element_type3A_6 {offsets = [1, 0], sizes = [1, 10000], strides = [1, 1]} : vector<2x10000xi32> to vector<1x10000xi32>
    %shift_left3A = arith.constant 16 : i32
    %shift_left3A_8 = vector.broadcast %shift_left3A : i32 to vector<1x10000xi32>
    %shift_left3A_9 = arith.shli %slice3A_7, %shift_left3A_8 : vector<1x10000xi32>
    %or3A = arith.ori %slice3A, %shift_left3A_9 : vector<1x10000xi32>
    %swap3A = arith.constant 0 : index
    %swap3A_10 = arith.constant 0 : index
    %swap3A_11 = arith.constant 0 : index
    %swap3A_12 = vector.load %arg3[%swap3A, %swap3A_10, %swap3A_11] : memref<1x1x10000xi32, #tpu.memory_space<vmem>>, vector<1x1x10000xi32>
    %swap3A_13 = vector.shape_cast %swap3A_12 : vector<1x1x10000xi32> to vector<1x10000xi32>
    %swap3A_14 = vector.shape_cast %or3A : vector<1x10000xi32> to vector<1x1x10000xi32>
    tpu.vector_store %arg3[%swap3A, %swap3A_10, %swap3A_11], %swap3A_14 {strides = array<i32>} : memref<1x1x10000xi32, #tpu.memory_space<vmem>>, vector<1x1x10000xi32>,
    return
  }
  func.func @transform_0(%arg0: i32) -> (i32, i32) {
    %c0_i32 = arith.constant 0 : i32
    %c0_i32_0 = arith.constant 0 : i32
    return %arg0, %c0_i32 : i32, i32
  }
  func.func @transform_1(%arg0: i32) -> (i32, i32) {
    %c0_i32 = arith.constant 0 : i32
    %c0_i32_0 = arith.constant 0 : i32
    %c0_i32_1 = arith.constant 0 : i32
    return %c0_i32, %c0_i32_0 : i32, i32
  }
  func.func @transform_2(%arg0: i32) -> (i32, i32, i32) {
    %c0_i32 = arith.constant 0 : i32
    %c0_i32_0 = arith.constant 0 : i32
    %c0_i32_1 = arith.constant 0 : i32
    return %arg0, %c0_i32, %c0_i32_0 : i32, i32, i32
  }
}

</mosaic_0001>

<sc_bundles>
// kernel: kernel.4.cloned.1.call-start
scs
__scs_entry_jumppad:
0x0: {  	(pc) =	sbr.rel $0x88, $3  }
0x1: {  	(tag) =	ssettag $0x0;
	lr =	simm.s32 $0x1  }
0x2: {  	[smem:$0x3F9D] =	sst lr;
	_ =	strace $0xD0000000  }
0x3: {  	_ = 	snop  }
0x4: {  	_ = 	snop  }
0x5: {  	_ = 	snop  }
0x6: {  	_ = 	snop  }
0x7: {  	_ = 	snop  }
__scs_overlays_trampoline_lowered:
0x8: {  	[smem:$0x3FAC] =	sst s0  }
0x9: {  	[smem:$0x3FAD] =	sst s1  }
0xa: {  	[smem:$0x3FAE] =	sst s2  }
0xb: {  	[smem:$0x3FAF] =	sst s3  }
0xc: {  	[smem:$0x3FB0] =	sst s4  }
0xd: {  	[smem:$0x3FB1] =	sst s5  }
0xe: {  	[smem:$0x3FB2] =	sst s6  }
0xf: {  	[smem:$0x3FB3] =	sst s7  }
0x10: {  	[smem:$0x3FB4] =	sst s8  }
0x11: {  	[smem:$0x3FB5] =	sst s9;
	s0 =	simm.s32 @!p0 $0x0  }
0x12: {  	s1 =	sld [smem:$0x3F9B];
	s0 =	simm.s32 @p0 $0x1  }
0x13: {  	[smem:$0x3FB6] =	sst s0;
	s0 =	simm.s32 @!p1 $0x0  }
0x14: {  	s2 =	sld [smem:$0x3F9A];
	s0 =	simm.s32 @p1 $0x1  }
0x15: {  	[smem:$0x3FB7] =	sst s0;
	s0 =	simm.s32 @!p2 $0x0  }
0x16: {  	s3 =	sld [smem:$0x3FDB];
	s0 =	simm.s32 @p2 $0x1  }
0x17: {  	s4 =	simm.s32 $0x1BF5;
	[smem:$0x3FB9] =	sst s0  }
0x18: {  	s0 =	sld [smem:$0x3F9C];
	_ =	swait.ge [sflag:s4], $0x0  }
0x19: {  	s7 =	sld [smem:$0x3F9D]  }
0x1a: {  	s8 =	sadd.s32 $0xFFFFE003, lr  }
0x1b: {  	s9 =	sadd.s32 $0xFFFFFEF7, lr;
	s5 =	simm.s32 $0xFFFFFFFF;
	p2 =	slt.u32 s8, $0xFFFFF086  }
0x1c: {  	p1 =	slt.u32 s9, $0xF7A;
	s5 =	simm.s32 @!p2 $0x0  }
0x1d: {  	s5 =	simm.s32 @p1 $0x1;
	p0 =	seq.s32 s7, s2  }
0x1e: {  	s7 =	smul.u32 @!p0 $0xF7A, s2;
	p2 =	seq.s32 @!p0 s5, $0x0  }
0x1f: {  	s9 =	smul.u32 $0xF7A, s1;
	s8 =	simm.s32 @!p0 $0x1BF5;
	p2 =	por !p2, p0  }
0x20: {  	[sflag:s8] =	ssyncset.s32 @!p0 $0xFFFFF086;
	s6 =	sadd.s32 @!p0 s3, s7;
	s7 =	simm.s32 @!p0 $0x108  }
0x21: {  	s3 =	sadd.s32 s3, s9;
	s6 =	sadd.s32 @!p0 $0x88, s6;
	s7 =	simm.s32 @p2 $0x1082  }
0x22: {  	[simem:s7], [sflag:s8] =	dma.local @!p0 [hbm:s6], $0xF7A  }
0x23: {  	s9 =	sor.u32 $0xD0000000, s2;
	s6 =	simm.s32 $0x108;
	_ =	swait.ge @!p0 [sflag:s8], $0x0  }
0x24: {  	s3 =	sadd.s32 $0x88, s3;
	s6 =	simm.s32 @!p1 $0x1082;
	[sflag:s4] =	ssyncset.s32 $0xFFFFF086  }
0x25: {  	[simem:s6], [sflag:s4] =	dma.local [hbm:s3], $0xF7A  }
0x26: {  	[smem:$0x3F9D] =	sst s1;
	(tag) =	ssettag s2;
	_ =	strace s9  }
0x27: {  	s1 =	sld [smem:$0x3FAD]  }
0x28: {  	s2 =	sld [smem:$0x3FAE]  }
0x29: {  	s4 =	sld [smem:$0x3FB0]  }
0x2a: {  	p0 =	seq.s32 s5, $0x0;
	s5 =	sld [smem:$0x3FB1]  }
0x2b: {  	s6 =	sld [smem:$0x3FB2]  }
0x2c: {  	s7 =	sld [smem:$0x3FB3]  }
0x2d: {  	s3 =	simm.s32 $0x108;
	s8 =	sld [smem:$0x3FB4]  }
0x2e: {  	s3 =	simm.s32 @!p0 $0x1082;
	s9 =	sld [smem:$0x3FB5]  }
0x2f: {  	lr =	sadd.s32 s0, s3;
	s0 =	sld [smem:$0x3FAC]  }
0x30: {  	s3 =	sld [smem:$0x3FAF]  }
0x31: {  	[smem:$0x3FB8] =	sst s10  }
0x32: {  	s10 =	sld [smem:$0x3FB6];
	_ =	sdelay $0x3  }
0x33: {  	p0 =	seq.s32 s10, $0x1;
	s10 =	sld [smem:$0x3FB8];
	_ =	sdelay $0x3  }
0x34: {  	[smem:$0x3FB8] =	sst s10  }
0x35: {  	s10 =	sld [smem:$0x3FB7];
	_ =	sdelay $0x3  }
0x36: {  	p1 =	seq.s32 s10, $0x1;
	s10 =	sld [smem:$0x3FB8];
	_ =	sdelay $0x3  }
0x37: {  	[smem:$0x3FB8] =	sst s10  }
0x38: {  	s10 =	sld [smem:$0x3FB9]  }
0x39: {  	_ = 	snop;
	(pc) =	sbr.ind lr, $3  }
0x3a: {  	_ = 	snop  }
0x3b: {  	_ = 	snop  }
0x3c: {  	p2 =	seq.s32 s10, $0x1;
	s10 =	sld [smem:$0x3FB8]  }
0x3d: {  	_ =	shalt  }
0x3e: {  	_ =	shalt  }
0x3f: {  	_ =	shalt  }
0x40: {  	_ =	shalt  }
0x41: {  	_ =	shalt  }
0x42: {  	_ =	shalt  }
0x43: {  	_ =	shalt  }
0x44: {  	_ =	shalt  }
0x45: {  	_ =	shalt  }
0x46: {  	_ =	shalt  }
0x47: {  	_ =	shalt  }
0x48: {  	_ =	shalt  }
0x49: {  	_ =	shalt  }
0x4a: {  	_ =	shalt  }
0x4b: {  	_ =	shalt  }
0x4c: {  	_ =	shalt  }
0x4d: {  	_ =	shalt  }
0x4e: {  	_ =	shalt  }
0x4f: {  	_ =	shalt  }
0x50: {  	_ =	shalt  }
0x51: {  	_ =	shalt  }
0x52: {  	_ =	shalt  }
0x53: {  	_ =	shalt  }
0x54: {  	_ =	shalt  }
0x55: {  	_ =	shalt  }
0x56: {  	_ =	shalt  }
0x57: {  	_ =	shalt  }
0x58: {  	_ =	shalt  }
0x59: {  	_ =	shalt  }
0x5a: {  	_ =	shalt  }
0x5b: {  	_ =	shalt  }
0x5c: {  	_ =	shalt  }
0x5d: {  	_ =	shalt  }
0x5e: {  	_ =	shalt  }
0x5f: {  	_ =	shalt  }
0x60: {  	_ =	shalt  }
0x61: {  	_ =	shalt  }
0x62: {  	_ =	shalt  }
0x63: {  	_ =	shalt  }
0x64: {  	_ =	shalt  }
0x65: {  	_ =	shalt  }
0x66: {  	_ =	shalt  }
0x67: {  	_ =	shalt  }
0x68: {  	_ =	shalt  }
0x69: {  	_ =	shalt  }
0x6a: {  	_ =	shalt  }
0x6b: {  	_ =	shalt  }
0x6c: {  	_ =	shalt  }
0x6d: {  	_ =	shalt  }
0x6e: {  	_ =	shalt  }
0x6f: {  	_ =	shalt  }
0x70: {  	_ =	shalt  }
0x71: {  	_ =	shalt  }
0x72: {  	_ =	shalt  }
0x73: {  	_ =	shalt  }
0x74: {  	_ =	shalt  }
0x75: {  	_ =	shalt  }
0x76: {  	_ =	shalt  }
0x77: {  	_ =	shalt  }
0x78: {  	_ =	shalt  }
0x79: {  	_ =	shalt  }
0x7a: {  	_ =	shalt  }
0x7b: {  	_ =	shalt  }
0x7c: {  	_ =	shalt  }
0x7d: {  	_ =	shalt  }
0x7e: {  	_ =	shalt  }
0x7f: {  	_ =	shalt  }
0x80: {  	_ =	shalt  }
0x81: {  	_ =	shalt  }
0x82: {  	_ =	shalt  }
0x83: {  	_ =	shalt  }
0x84: {  	_ =	shalt  }
0x85: {  	_ =	shalt  }
0x86: {  	_ =	shalt  }
0x87: {  	_ =	shalt  }
.Lfunc_end0:
.L_simem_size_0:
called_computation_lowered:
.L_overlay_start_0:
0x88: {  	s2 =	sld [smem:$0x3FD9]  }
0x89: {  	s3 =	sld [smem:$0x3FFE];
	_ =	sdelay $0x1  }
0x8a: {  	s1 =	srdreg.scid  }
0x8b: {  	s0 =	sand.u32 $0x1, s1  }
0x8c: {  	s17 =	sshll.u32 s0, $0xA;
	s2 =	sadd.s32 s3, s2  }
0x8d: {  	s2 =	sadd.s32 s2, s17  }
0x8e: {  	[smem:$0x3FC4] =	sst s2  }
0x8f: {  	_ = 	snop  }
0x90: {  	s2 =	sld [smem:$0x3FD0];
	(tm) =	ssettm $0x1  }
0x91: {  	s18 =	sld [smem:$0x3FFB];
	_ =	sdelay $0x3  }
0x92: {  	_ =	strace s18  }
0x93: {  	s3 =	sld [smem:$0x3FFC];
	_ =	sdelay $0x3  }
0x94: {  	_ =	strace s3  }
0x95: {  	s3 =	sld [smem:$0x3FFD];
	_ =	sdelay $0x3  }
0x96: {  	_ =	strace s3  }
0x97: {  	_ =	strace $0x8FFFFFFF  }
0x98: {  	s19 =	sld [smem:$0x3FDB];
	_ =	sdelay $0x1  }
0x99: {  	s4 =	simm.s32 $_scs_section_size  }
0x9a: {  	s5 =	simm.s32 $_size__tile_overlayer_lowered;
	s6 =	simm.s32 $_tile_overlayer_lowered  }
0x9b: {  	s22 =	simm.s32 $0x1BFF;
	s21 =	sshll.u32 s6, $0x1;
	s3 =	sadd.s32 s4, s19  }
0x9c: {  	s7 =	simm.s32 $0x0;
	s20 =	sshll.u32 s5, $0x1;
	s5 =	sadd.s32 s21, s3  }
0x9d: {  	[timem:s7], [sflag:s22] =	dma.local [hbm:s5], s20  }
0x9e: {  	_ =	swait.ge [sflag:s22], s20  }
0x9f: {  	s4 =	ssub.s32 $0x0, s20;
	[sflag:s22] =	ssyncset.done $0x0  }
0xa0: {  	[sflag:s22] =	ssyncadd.s32 s4;
	_ =	sdelay $0x1  }
0xa1: {  	s23 =	simm.s32 $0x1B8B  }
0xa2: {  	_ =	swait.ge [sflag:s23], $0x1  }
0xa3: {  	[sflag:s23] =	ssyncset.done $0x0  }
0xa4: {  	s25 =	simm.s32 $0x1B8E;
	s24 =	sld [smem:$0x3FFE];
	[sflag:s23] =	ssyncadd.s32 $0xFFFFFFFF  }
0xa5: {  	s26 =	simm.s32 $execute0_lowered;
	[smem:$0x3FD2] =	sst s25  }
0xa6: {  	s5 =	sshll.u32 s26, $0x1;
	_ =	strace $0x80000046;
	[dreg:$0x1] =	wrdreg $0xFFFFFFFF  }
0xa7: {  	s28 =	simm.s32 $_size_execute0_lowered;
	s3 =	sadd.s32 s3, s5;
	[dreg:$0x0] =	wrdreg $0x0  }
0xa8: {  	s5 =	sshll.u32 s28, $0x1;
	[dreg:$0x2] =	wrdreg s3  }
0xa9: {  	[dreg:$0x3] =	wrdreg s5  }
0xaa: {  	[dreg:$0x4] =	wrdreg $0xC0  }
0xab: {  	_ =	task [dreg:s7], $0x5FFFF  }
0xac: {  	[dreg:$0x1] =	wrdreg $0xFFFFFFFF  }
0xad: {  	[dreg:$0x0] =	wrdreg $0x60  }
0xae: {  	[dreg:$0x2] =	wrdreg s24  }
0xaf: {  	[dreg:$0x3] =	wrdreg s2  }
0xb0: {  	[dreg:$0x4] =	wrdreg $0xCC100  }
0xb1: {  	[dreg:$0x5] =	wrdreg $0x9  }
0xb2: {  	_ =	task.clear_ibuf [dreg:s7], $0x6FFFF;
	_ =	strace $0x90000046  }
0xb3: {  	s29 =	simm.s32 $0x9;
	_ =	strace $0x80000048  }
0xb4: {  	_ =	swait.ge [sflag:s29], $0x1  }
0xb5: {  	[sflag:s29] =	ssyncadd.s32 $0xFFFFFFFF  }
0xb6: {  	_ =	strace $0x90000048  }
0xb7: {  	_ =	sfence  }
0xb8: {  	s30 =	sld [smem:$0x0];
	_ =	sdelay $0x2  }
0xb9: {  	s31 =	sshll.u32 s1, $0xD;
	s1 =	sshrl.u32 s1, $0x2  }
0xba: {  	s3 =	sand.u32 $0x4000, s31;
	s1 =	sadd.s32 s1, s30  }
0xbb: {  	s0 =	sor.u32 s3, s0;
	s1 =	sshll.u32 s1, $0x11  }
0xbc: {  	s0 =	sor.u32 s1, s0  }
0xbd: {  	s0 =	sadd.s32 $0x8F2B, s0  }
0xbe: {  	[sflag:s0] =	ssyncadd.remote.s32 $0x1  }
0xbf: {  	_ =	sfence.sel $0xFFFF  }
0xc0: {  	[dreg:$0x0] =	wrdreg $0xFFFFFFFF;
	(pc) =	sbr.abs _section_cstart, $3  }
0xc1: {  	[dreg:$0x1] =	wrdreg $0xFFFFFFFF  }
0xc2: {  	_ =	task.clear_ibuf [dreg:s7], $0x2FFFF;
	_ =	strace $0x9FFFFFFF  }
0xc3: {  	(tm) =	ssettm $0x7FFFFFFF  }
tec
execute0_lowered:
.L_overlay_start_1:
0x0: {  	(tag) =	ssettag $0x1  }
0x1: {  	v0 =	vimm.s32 $0xFEDCBA9;
	v1 =	vimm.s32 $0x87654321  }
0x2: {  	v2 =	vimm.s32 $0xEDCBA987;
	v3 =	vimm.s32 $0x6543210F;
	vm0 =	vmmov $0x3  }
0x3: {  	vm1 =	vcmask $0xB08;
	vm2 =	vcmask $0x300;
	v4 =	vimm.s32 $0x3210FEDC  }
0x4: {  	v5 =	vimm.s32 $0xBA987654;
	vm3 =	vcmask $0x710;
	vm4 =	vmmov $0x3f  }
0x5: {  	vm5 =	vcmask $0xF18;
	vm6 =	vmmov $0xff;
	vm7 =	vcmask $0x1720  }
0x6: {  	vm8 =	vmmov $0x3ff;
	v0 =	vunpack.c.l.s4.s8 v0;
	v1 =	vunpack.c.l.s4.s8 v1  }
0x7: {  	s7 =	rddreg [dreg:$0x0];
	vm9 =	vcmask $0x1F28;
	vm10 =	vmmov $0xfff;
	v2 =	vunpack.c.l.s4.s8 v2  }
0x8: {  	s8 =	rddreg [dreg:$0x1];
	v3 =	vunpack.c.l.s4.s8 v3;
	v0 =	vunpack.c.0.s8.s32 v0;
	v1 =	vunpack.c.0.s8.s32 v1  }
0x9: {  	s0 =	rddreg [dreg:$0x2];
	s10 =	stileid.u32;
	vm11 =	vcmask $0x2730;
	vm1 =	vmor vm2, vm1;
	vm2 =	vcmask $0x1310  }
0xa: {  	s2 =	srdreg.scid;
	s14 =	simm.s32 $0x1900;
	s15 =	simm.s32 $0x6400;
	v0 =	vcombine.low v1, v0;
	v1 =	vunpack.c.0.s8.s32 v2;
	v2 =	vunpack.c.0.s8.s32 v3  }
0xb: {  	s16 =	simm.s32 $0x7D00;
	s17 =	simm.s32 $0x3200;
	s18 =	simm.s32 $0x9600;
	vm12 =	vmmov $0x3fff;
	vm13 =	vcmask $0x2F38;
	vm1 =	vmor vm1, vm2  }
0xc: {  	s1 =	rddreg [dreg:$0x3];
	s19 =	simm.s32 $0x4B00;
	s20 =	simm.s32 $0xAF00;
	v3 =	vimm.s32 $0x98765432;
	v1 =	vcombine.low v2, v1;
	v2 =	vimm.s32 $0x10FEDCBA  }
0xd: {  	s21 =	simm.s32 $0xC810;
	s22 =	simm.s32 $0x2;
	s23 =	simm.s32 $0x0;
	vm2 =	vcmask $0x1B18;
	v3 =	vunpack.c.l.s4.s8 v3;
	v2 =	vunpack.c.l.s4.s8 v2  }
0xe: {  	s3 =	sand.u32 $0x1, s2;
	s4 =	sshll.u32 s10, $0x1;
	v4 =	vunpack.c.l.s4.s8 v4;
	v5 =	vunpack.c.l.s4.s8 v5;
	s2 =	simm.s32 $0x0;
	vm1 =	vmor vm1, vm2  }
0xf: {  	s5 =	smul.u32 $0xF420, s10;
	s31 =	sshll.u32 s10, $0x6;
	s13 =	sadd.s32 $0xF4200, s0;
	vm2 =	vcmask $0x2320;
	v3 =	vunpack.c.0.s8.s32 v3;
	v2 =	vunpack.c.0.s8.s32 v2  }
0x10: {  	p0 =	sne.s32 s10, $0x0;
	s10 =	simm.s32 $0xC800;
	s9 =	sor.u32 s3, s4;
	v4 =	vunpack.c.0.s8.s32 v4;
	v5 =	vunpack.c.0.s8.s32 v5;
	vm1 =	vmor vm1, vm2  }
0x11: {  	[smem:$0x7FF] =	sst s2;
	s11 =	ssub.s32 $0x2, s3;
	s3 =	sadd.s32 $0x38000, s7;
	vm2 =	vcmask $0x2B28;
	v2 =	vcombine.low v3, v2;
	v3 =	vimm.s32 $0xFEDCBA98  }
0x12: {  	s4 =	smul.u32 $0xC80, s9;
	_ =	strace $0x80000047;
	s6 =	sshrl.u32 s5, $0x3;
	v4 =	vcombine.low v5, v4;
	v5 =	vimm.s32 $0x76543210;
	v3 =	vunpack.c.l.s4.s8 v3  }
0x13: {  	s12 =	sshrl.u32 s11, $0x1;
	s30 =	sadd.s32 s5, s0;
	s9 =	sshll.u32 s9, $0x7;
	vm1 =	vmor vm1, vm2;
	vm2 =	vcmask $0x3330;
	v5 =	vunpack.c.l.s4.s8 v5  }
0x14: {  	s6 =	sadd.s32 s6, s7;
	s11 =	ssub.s32 s11, s12;
	s8 =	sadd.s32 s8, s9;
	vm1 =	vmor vm1, vm2;
	vm2 =	vcmask $0x3B38;
	v3 =	vunpack.c.0.s8.s32 v3  }
0x15: {  	s12 =	sshrl.u32 @!p0 s13, $0x3;
	s13 =	simm.s32 $0x1;
	s4 =	sadd.s32 s4, s7;
	v0 =	vand.u32 $0xF, v0;
	vm1 =	vmor vm1, vm2;
	v5 =	vunpack.c.0.s8.s32 v5  }
0x16: {  	s5 =	sadd.s32 $0x600, s6;
	s6 =	sor.u32 $0x1C01, s31;
	s7 =	sadd.s32 $0x1EE40, s7;
	vm2 =	vmmov $0xf;
	v1 =	vand.u32 $0xF, v1;
	v6 =	vand.u32 $0xF, v3  }
0x17: {  	s9 =	smax.u32 s11, $0x1;
	s11 =	sshrl.u32 s30, $0x3;
	s4 =	sadd.s32 $0x1F000, s4;
	v2 =	vand.u32 $0xF, v2;
	v3 =	vand.u32 $0xF, v4;
	v4 =	vcombine.low v6, v5  }
.LBB2_1:
0x18: {  	[tilespmem:s2], [sflag:$0x1] =	stream.linear.gather [hbm4b:s4+s2], $0x6400, $0x38;
	[tilespmem:$0x1C038] =	vst v63  }
0x19: {  	s24 =	simm.s32 @!p0 $0x1C02  }
0x1a: {  	[tilespmem:s10], [sflag:$0x1] =	stream.linear.gather [hbm4b:s3+s2], $0x10, $0x38;
	[tilespmem:$0x1C038] =	vst v63  }
0x1b: {  	[spmem:s11], [sflag:s6] =	dma.local [hbm:s5], $0x1E84  }
0x1c: {  	[spmem:s12], [sflag:s24] =	dma.local @!p0 [hbm:s7], $0x8  }
0x1d: {  	s24 =	simm.s32 @!p0 $0x2  }
0x1e: {  	_ =	swait.ge @!p0 [sflag:s24], $0x8  }
0x1f: {  	[sflag:s24] =	ssyncset.done @!p0 $0x0  }
0x20: {  	[sflag:s24] =	ssyncadd.s32 @!p0 $0xFFFFFFF8  }
0x21: {  	_ =	swait.ge [sflag:s13], $0x6400  }
0x22: {  	[sflag:s13] =	ssyncset.done $0x0  }
0x23: {  	[sflag:s13] =	ssyncadd.s32 $0xFFFF9C00  }
0x24: {  	_ =	swait.ge [sflag:s13], $0x10  }
0x25: {  	[sflag:s13] =	ssyncset.done $0x0  }
0x26: {  	[sflag:s13] =	ssyncadd.s32 $0xFFFFFFF0  }
0x27: {  	_ =	swait.ge [sflag:s13], $0x1E84  }
0x28: {  	[sflag:s13] =	ssyncset.done $0x0  }
0x29: {  	[sflag:s13] =	ssyncadd.s32 $0xFFFFE17C  }
0x2a: {  	[bflag:$0x0] =	sbarrier.arrive $0xFFFF  }
0x2b: {  	[tilespmem:s15], [sflag:$0x1] =	stream.indirect.gather [spmem:s0], $0x1, s2, s14, $0xb8;
	[tilespmem:$0x1C038] =	vst v63  }
0x2c: {  	_ = 	snop  }
0x2d: {  	[tilespmem:s16], [sflag:$0x1] =	stream.indirect.gather [spmem:s0], $0x1, s14, s14, $0xb8;
	[tilespmem:$0x1C038] =	vst v63  }
0x2e: {  	_ = 	snop  }
0x2f: {  	[tilespmem:s18], [sflag:$0x1] =	stream.indirect.gather [spmem:s0], $0x1, s17, s14, $0xb8;
	[tilespmem:$0x1C038] =	vst v63  }
0x30: {  	_ = 	snop  }
0x31: {  	[tilespmem:s20], [sflag:$0x1] =	stream.indirect.gather [spmem:s0], $0x1, s19, s14, $0xb8;
	[tilespmem:$0x1C038] =	vst v63  }
0x32: {  	v5 =	vld [tilespmem:$0xC800];
	_ =	swait.ge [sflag:s13], $0x1900  }
0x33: {  	[sflag:s13] =	ssyncset.done $0x0  }
0x34: {  	s24 =	simm.s32 $0x64C0;
	[sflag:s13] =	ssyncadd.s32 $0xFFFFE700  }
0x35: {  	v6 =	vld [tilespmem:s24+$0xC0]  }
0x36: {  	v7 =	vld [tilespmem:s24+$0xA0]  }
0x37: {  	v8 =	vld [tilespmem:s24+$0xB0]  }
0x38: {  	v9 =	vld [tilespmem:s24+$0x70]  }
0x39: {  	v10 =	vld [tilespmem:s24+$0x80]  }
0x3a: {  	v11 =	vld [tilespmem:s24+$0x40]  }
0x3b: {  	v12 =	vld [tilespmem:s24+$0x50]  }
0x3c: {  	v13 =	vld [tilespmem:s24+$0x10];
	v14 =	vunpack.i.l.bf16.f32 v7  }
0x3d: {  	v16 =	vld [tilespmem:s24+$0x20];
	v15 =	vunpack.i.u.bf16.f32 v6;
	v6 =	vunpack.i.l.bf16.f32 v6;
	v7 =	vunpack.i.u.bf16.f32 v7  }
0x3e: {  	v18 =	vld [tilespmem:s24+$0xFFFFFFE0];
	v17 =	vunpack.i.u.bf16.f32 v8;
	v8 =	vunpack.i.l.bf16.f32 v8;
	v19 =	vunpack.i.l.bf16.f32 v9  }
0x3f: {  	v20 =	vld [tilespmem:s24+$0xFFFFFF40];
	v9 =	vunpack.i.u.bf16.f32 v9;
	v21 =	vunpack.i.l.bf16.f32 v11;
	v11 =	vunpack.i.u.bf16.f32 v11  }
0x40: {  	v22 =	vld [tilespmem:s24+$0xFFFFFFC0];
	v7 =	vadd.f32 v17, v7;
	v17 =	vunpack.i.u.bf16.f32 v10;
	v10 =	vunpack.i.l.bf16.f32 v10  }
0x41: {  	v23 =	vunpack.i.l.bf16.f32 v13;
	v8 =	vadd.f32 v8, v14;
	v14 =	vld [tilespmem:s24+$0xFFFFFFF0];
	v19 =	vadd.f32 v10, v19  }
0x42: {  	v9 =	vadd.f32 v17, v9;
	v10 =	vld [tilespmem:s24+$0xFFFFFFB0];
	v17 =	vunpack.i.u.bf16.f32 v12;
	v12 =	vunpack.i.l.bf16.f32 v12  }
0x43: {  	v25 =	vunpack.i.l.bf16.f32 v18;
	v21 =	vadd.f32 v12, v21;
	v24 =	vadd.f32 v17, v11;
	v11 =	vld [tilespmem:s24+$0xFFFFFF80]  }
0x44: {  	v12 =	vunpack.i.u.bf16.f32 v13;
	v13 =	vunpack.i.u.bf16.f32 v16;
	v16 =	vunpack.i.l.bf16.f32 v16;
	v17 =	vld [tilespmem:s24+$0xFFFFFF90]  }
0x45: {  	v16 =	vadd.f32 v16, v23;
	v23 =	vadd.f32 v13, v12;
	v12 =	vunpack.i.u.bf16.f32 v18;
	v18 =	vld [tilespmem:s24+$0x90]  }
0x46: {  	v27 =	vld [tilespmem:s24+$0x60];
	v26 =	vunpack.i.l.bf16.f32 v20;
	v13 =	vunpack.i.u.bf16.f32 v14;
	v14 =	vunpack.i.l.bf16.f32 v14  }
0x47: {  	v14 =	vadd.f32 v14, v25;
	v13 =	vadd.f32 v13, v12;
	v12 =	vunpack.i.l.bf16.f32 v10  }
0x48: {  	v25 =	vunpack.i.l.bf16.f32 v22;
	v10 =	vunpack.i.u.bf16.f32 v10;
	v22 =	vunpack.i.u.bf16.f32 v22  }
0x49: {  	v12 =	vadd.f32 v25, v12;
	v25 =	vunpack.i.l.bf16.f32 v11;
	v28 =	vunpack.i.l.bf16.f32 v17  }
0x4a: {  	v10 =	vadd.f32 v22, v10;
	v22 =	vunpack.i.u.bf16.f32 v11;
	v29 =	vunpack.i.u.bf16.f32 v18  }
0x4b: {  	v11 =	vadd.f32 v28, v25;
	v25 =	vunpack.i.u.bf16.f32 v27;
	v18 =	vunpack.i.l.bf16.f32 v18  }
0x4c: {  	v30 =	vld [tilespmem:s24+$0xFFFFFF50];
	v27 =	vunpack.i.l.bf16.f32 v27;
	v52 =	vsel vm12, $0x0, v29;
	v31 =	vsel vm10, $0x0, v25  }
0x4d: {  	v32 =	vsel vm12, $0x0, v18;
	v53 =	vnsel vm12, $0x0, v29;
	v7 =	vadd.f32 v7, v52  }
0x4e: {  	v54 =	vld [tilespmem:s24+$0xFFFFFF60];
	v55 =	vsel vm10, $0x0, v27;
	v9 =	vadd.f32 v9, v31;
	v8 =	vadd.f32 v8, v32  }
0x4f: {  	v7 =	vadd.f32 v15, v7;
	v15 =	vunpack.i.u.bf16.f32 v17;
	v17 =	vadd.f32 v19, v55  }
0x50: {  	v18 =	vnsel vm12, $0x0, v18;
	v9 =	vadd.f32 v53, v9;
	v6 =	vadd.f32 v6, v8  }
0x51: {  	v56 =	vunpack.i.u.bf16.f32 v30;
	v8 =	vperm.xlane v7, v0;
	v17 =	vadd.f32 v18, v17  }
0x52: {  	v58 =	vld [tilespmem:s24+$0x30];
	v19 =	vunpack.i.l.bf16.f32 v30;
	v18 =	vperm.xlane v9, v0;
	v57 =	vperm.xlane v6, v0  }
0x53: {  	v7 =	vadd.f32 v8, v7;
	v8 =	vunpack.i.l.bf16.f32 v54;
	v59 =	vperm.xlane v17, v0  }
0x54: {  	v9 =	vadd.f32 v18, v9;
	v18 =	vunpack.i.u.bf16.f32 v54;
	v6 =	vadd.f32 v57, v6  }
0x55: {  	v20 =	vunpack.i.u.bf16.f32 v20;
	v8 =	vadd.f32 v8, v19;
	v28 =	vadd.f32 v18, v56  }
0x56: {  	v7 =	vperm.xlane v7, v1;
	v19 =	vadd.f32 v59, v17;
	v9 =	vperm.xlane v9, v1  }
0x57: {  	v60 =	vunpack.i.u.bf16.f32 v58;
	v18 =	vadd.f32 v15, v22;
	v17 =	vadd.f32 v8, v26  }
0x58: {  	v15 =	vld [tilespmem:s24+$0x0];
	v26 =	vunpack.i.l.bf16.f32 v58;
	v6 =	vsel vm1, v6, v7;
	v7 =	vsel vm1, v19, v9  }
0x59: {  	v19 =	vadd.f32 v28, v20;
	v20 =	vsel vm8, $0x0, v26;
	v8 =	vperm.xlane v6, v2  }
0x5a: {  	v9 =	vperm.xlane v7, v2;
	v20 =	vadd.f32 v21, v20;
	v21 =	vsel vm8, $0x0, v60  }
0x5b: {  	v25 =	vnsel vm10, $0x0, v25;
	v21 =	vadd.f32 v24, v21  }
0x5c: {  	v6 =	vadd.f32 v8, v6;
	v8 =	vadd.f32 v9, v7;
	v9 =	vnsel vm10, $0x0, v27  }
0x5d: {  	v22 =	vld [tilespmem:s24+$0xFFFFFFD0];
	v24 =	vnsel vm8, $0x0, v26;
	v27 =	vadd.f32 v9, v20;
	v20 =	vunpack.i.u.bf16.f32 v15  }
0x5e: {  	v61 =	vadd.f32 v25, v21;
	v21 =	vunpack.i.l.bf16.f32 v15;
	v7 =	vperm.xlane v6, v3  }
0x5f: {  	v9 =	vperm.xlane v8, v3;
	v15 =	vsel vm6, $0x0, v20;
	v25 =	vperm.xlane v27, v0  }
0x60: {  	v26 =	vsel vm6, $0x0, v21;
	v62 =	vadd.f32 v23, v15;
	v63 =	vperm.xlane v61, v0  }
0x61: {  	v26 =	vadd.f32 v16, v26;
	v16 =	vnsel vm8, $0x0, v60;
	v15 =	vadd.f32 v25, v27  }
0x62: {  	s26 =	simm.s32 $0x40;
	s25 =	simm.s32 $0x0;
	v23 =	vunpack.i.l.bf16.f32 v22;
	v25 =	vadd.f32 v16, v62;
	v16 =	vadd.f32 v63, v61  }
.LBB2_2:
0x63: {  	p1 =	sne.s32 s26, $0x3C0;
	v27 =	vld [tilespmem:s24+$0xFFFFFFA0];
	v22 =	vunpack.i.u.bf16.f32 v22;
	v28 =	vsel vm4, $0x0, v23;
	v24 =	vadd.f32 v24, v26  }
0x64: {  	v14 =	vadd.f32 v14, v28;
	v26 =	vsel vm4, $0x0, v22;
	v28 =	vperm.xlane v25, v0  }
0x65: {  	v21 =	vnsel vm6, $0x0, v21;
	v20 =	vnsel vm6, $0x0, v20;
	v29 =	vld [tilespmem:s24+$0xFFFFFF70];
	v13 =	vadd.f32 v13, v26  }
0x66: {  	v14 =	vadd.f32 v21, v14;
	v21 =	vperm.xlane v24, v0;
	v25 =	vadd.f32 v28, v25  }
0x67: {  	v23 =	vnsel vm4, $0x0, v23;
	v22 =	vnsel vm4, $0x0, v22;
	v13 =	vadd.f32 v20, v13  }
0x68: {  	v20 =	vunpack.i.u.bf16.f32 v27;
	v26 =	vunpack.i.l.bf16.f32 v27;
	v27 =	vperm.xlane v14, v0  }
0x69: {  	v28 =	vnsel vm2, $0x0, v26;
	v30 =	vnsel vm2, $0x0, v20;
	v26 =	vsel vm2, $0x0, v26  }
0x6a: {  	v20 =	vsel vm2, $0x0, v20;
	v31 =	vunpack.i.u.bf16.f32 v29;
	v12 =	vadd.f32 v12, v26  }
0x6b: {  	v26 =	vunpack.i.l.bf16.f32 v29;
	v29 =	vnsel vm0, $0x0, v31;
	v31 =	vsel vm0, $0x0, v31  }
0x6c: {  	v19 =	vadd.f32 v29, v19;
	v29 =	vsel vm0, $0x0, v26;
	v18 =	vadd.f32 v18, v31  }
0x6d: {  	v10 =	vadd.f32 v10, v20;
	v26 =	vnsel vm0, $0x0, v26;
	v11 =	vadd.f32 v11, v29  }
0x6e: {  	v17 =	vadd.f32 v26, v17;
	v20 =	vperm.xlane v19, v0;
	v18 =	vadd.f32 v30, v18  }
0x6f: {  	v10 =	vadd.f32 v22, v10;
	v22 =	vperm.xlane v13, v0;
	v11 =	vadd.f32 v28, v11  }
0x70: {  	v26 =	vperm.xlane v17, v0;
	v19 =	vadd.f32 v20, v19;
	v20 =	vperm.xlane v18, v0  }
0x71: {  	v12 =	vadd.f32 v23, v12;
	v23 =	vperm.xlane v10, v0;
	v28 =	vperm.xlane v11, v0  }
0x72: {  	v17 =	vadd.f32 v26, v17;
	v19 =	vperm.xlane v19, v1;
	v18 =	vadd.f32 v20, v18  }
0x73: {  	v13 =	vadd.f32 v22, v13;
	v10 =	vadd.f32 v23, v10;
	v20 =	vperm.xlane v12, v0  }
0x74: {  	v11 =	vadd.f32 v28, v11;
	v17 =	vsel vm1, v17, v19;
	v18 =	vperm.xlane v18, v1  }
0x75: {  	v14 =	vadd.f32 v27, v14;
	v13 =	vperm.xlane v13, v1;
	v19 =	vperm.xlane v17, v2  }
0x76: {  	v10 =	vperm.xlane v10, v1;
	v12 =	vadd.f32 v20, v12;
	v11 =	vsel vm1, v11, v18  }
0x77: {  	v17 =	vadd.f32 v19, v17;
	v18 =	vperm.xlane v11, v2;
	v19 =	vadd.f32 v21, v24  }
0x78: {  	v10 =	vsel vm1, v12, v10;
	v12 =	vsel vm1, v14, v13;
	v13 =	vperm.xlane v25, v1  }
0x79: {  	v14 =	vperm.xlane v17, v3;
	v11 =	vadd.f32 v18, v11;
	v18 =	vperm.xlane v10, v2  }
0x7a: {  	v16 =	vperm.xlane v16, v1;
	v20 =	vperm.xlane v12, v2;
	v13 =	vsel vm1, v19, v13  }
0x7b: {  	v14 =	vadd.f32 v14, v17;
	v17 =	vperm.xlane v11, v3;
	v10 =	vadd.f32 v18, v10  }
0x7c: {  	v15 =	vsel vm1, v15, v16;
	v12 =	vadd.f32 v20, v12;
	v18 =	vperm.xlane v13, v2  }
0x7d: {  	v16 =	vperm.xlane v14, v4;
	v11 =	vadd.f32 v17, v11;
	v17 =	vperm.xlane v10, v3  }
0x7e: {  	v19 =	vperm.xlane v12, v3;
	v13 =	vadd.f32 v18, v13;
	v18 =	vperm.xlane v15, v2  }
0x7f: {  	v14 =	vadd.f32 v16, v14;
	v16 =	vperm.xlane v11, v4;
	v10 =	vadd.f32 v17, v10  }
0x80: {  	v12 =	vadd.f32 v19, v12;
	v17 =	vperm.xlane v13, v3;
	v15 =	vadd.f32 v18, v15  }
0x81: {  	v14 =	vmul.f32 $1.999999960e-02, v14;
	v11 =	vadd.f32 v16, v11;
	v16 =	vperm.xlane v10, v4  }
0x82: {  	v18 =	vperm.xlane v12, v4;
	v13 =	vadd.f32 v17, v13;
	v17 =	vperm.xlane v15, v3  }
0x83: {  	v14 =	vnsel vm0, $0x0, v14;
	v11 =	vmul.f32 $1.999999960e-02, v11;
	v10 =	vadd.f32 v16, v10  }
0x84: {  	v16 =	vperm.xlane v13, v4;
	v15 =	vadd.f32 v17, v15;
	v14 =	vadd.f32 v14, v5  }
0x85: {  	v12 =	vadd.f32 v18, v12;
	v11 =	vsel vm3, $0x0, v11;
	v10 =	vmul.f32 $1.999999960e-02, v10  }
0x86: {  	v8 =	vadd.f32 v9, v8;
	v11 =	vadd.f32 v11, v14;
	v14 =	vperm.xlane v15, v4  }
0x87: {  	v9 =	vsel vm5, $0x0, v10;
	v10 =	vmul.f32 $1.999999960e-02, v12;
	v12 =	vadd.f32 v16, v13  }
0x88: {  	v6 =	vadd.f32 v7, v6;
	v9 =	vadd.f32 v9, v11;
	v11 =	vperm.xlane v8, v4  }
0x89: {  	v7 =	vsel vm7, $0x0, v10;
	v10 =	vmul.f32 $1.999999960e-02, v12;
	v12 =	vadd.f32 v14, v15  }
0x8a: {  	v7 =	vadd.f32 v7, v9;
	v9 =	vperm.xlane v6, v4  }
0x8b: {  	v8 =	vadd.f32 v11, v8;
	v10 =	vsel vm9, $0x0, v10;
	v12 =	vmul.f32 $1.999999960e-02, v12  }
0x8c: {  	v7 =	vadd.f32 v10, v7  }
0x8d: {  	v8 =	vmul.f32 $1.999999960e-02, v8;
	v6 =	vadd.f32 v9, v6;
	v10 =	vsel vm11, $0x0, v12  }
0x8e: {  	v7 =	vadd.f32 v10, v7  }
0x8f: {  	v8 =	vsel vm13, $0x0, v8;
	v6 =	vmul.f32 $1.999999960e-02, v6  }
0x90: {  	v7 =	vadd.f32 v8, v7  }
0x91: {  	v6 =	vsel vm12, $0x0, v6  }
0x92: {  	v6 =	vadd.f32 v6, v7  }
0x93: {  	s28 =	sshra.s32 s25, $0x2;
	s25 =	smov.u32 s26  }
0x94: {  	s24 =	sadd.s32 $0x190, s24;
	[tilespmem:s28+$0xC810] =	vst v6  }
0x95: {  	v6 =	vld [tilespmem:s24+$0xC0]  }
0x96: {  	v7 =	vld [tilespmem:s24+$0xA0]  }
0x97: {  	v8 =	vld [tilespmem:s24+$0xB0]  }
0x98: {  	v9 =	vld [tilespmem:s24+$0x70]  }
0x99: {  	v10 =	vld [tilespmem:s24+$0x80]  }
0x9a: {  	v11 =	vld [tilespmem:s24+$0x40]  }
0x9b: {  	v12 =	vld [tilespmem:s24+$0x50]  }
0x9c: {  	v15 =	vunpack.i.u.bf16.f32 v6;
	v6 =	vunpack.i.l.bf16.f32 v6;
	v14 =	vunpack.i.l.bf16.f32 v7;
	v13 =	vld [tilespmem:s24+$0x10]  }
0x9d: {  	v7 =	vunpack.i.u.bf16.f32 v7;
	v17 =	vunpack.i.u.bf16.f32 v8;
	v8 =	vunpack.i.l.bf16.f32 v8;
	v16 =	vld [tilespmem:s24+$0x20]  }
0x9e: {  	v19 =	vunpack.i.l.bf16.f32 v9;
	v8 =	vadd.f32 v8, v14;
	v7 =	vadd.f32 v17, v7;
	v18 =	vld [tilespmem:s24+$0xFFFFFFE0]  }
0x9f: {  	v9 =	vunpack.i.u.bf16.f32 v9;
	v17 =	vunpack.i.u.bf16.f32 v10;
	v10 =	vunpack.i.l.bf16.f32 v10;
	v14 =	vld [tilespmem:s24+$0xFFFFFFF0]  }
0xa0: {  	v21 =	vunpack.i.l.bf16.f32 v11;
	v19 =	vadd.f32 v10, v19;
	v9 =	vadd.f32 v17, v9;
	v20 =	vld [tilespmem:s24+$0xFFFFFF40]  }
0xa1: {  	v11 =	vunpack.i.u.bf16.f32 v11;
	v17 =	vunpack.i.u.bf16.f32 v12;
	v12 =	vunpack.i.l.bf16.f32 v12;
	v10 =	vld [tilespmem:s24+$0xFFFFFFB0]  }
0xa2: {  	v23 =	vunpack.i.l.bf16.f32 v13;
	v21 =	vadd.f32 v12, v21;
	v24 =	vadd.f32 v17, v11;
	v22 =	vld [tilespmem:s24+$0xFFFFFFC0]  }
0xa3: {  	v12 =	vunpack.i.u.bf16.f32 v13;
	v13 =	vunpack.i.u.bf16.f32 v16;
	v16 =	vunpack.i.l.bf16.f32 v16;
	v11 =	vld [tilespmem:s24+$0xFFFFFF80]  }
0xa4: {  	v25 =	vunpack.i.l.bf16.f32 v18;
	v16 =	vadd.f32 v16, v23;
	v23 =	vadd.f32 v13, v12;
	v17 =	vld [tilespmem:s24+$0xFFFFFF90]  }
0xa5: {  	v12 =	vunpack.i.u.bf16.f32 v18;
	v13 =	vunpack.i.u.bf16.f32 v14;
	v14 =	vunpack.i.l.bf16.f32 v14;
	v18 =	vld [tilespmem:s24+$0x90]  }
0xa6: {  	v26 =	vunpack.i.l.bf16.f32 v20;
	v14 =	vadd.f32 v14, v25;
	v13 =	vadd.f32 v13, v12;
	v27 =	vld [tilespmem:s24+$0x60]  }
0xa7: {  	v20 =	vunpack.i.u.bf16.f32 v20;
	v12 =	vunpack.i.l.bf16.f32 v10;
	v25 =	vunpack.i.l.bf16.f32 v22  }
0xa8: {  	v10 =	vunpack.i.u.bf16.f32 v10;
	v22 =	vunpack.i.u.bf16.f32 v22;
	v12 =	vadd.f32 v25, v12  }
0xa9: {  	v25 =	vunpack.i.l.bf16.f32 v11;
	v10 =	vadd.f32 v22, v10;
	v28 =	vunpack.i.l.bf16.f32 v17  }
0xaa: {  	v22 =	vunpack.i.u.bf16.f32 v11;
	v29 =	vunpack.i.u.bf16.f32 v18;
	v11 =	vadd.f32 v28, v25  }
0xab: {  	v18 =	vunpack.i.l.bf16.f32 v18;
	v25 =	vunpack.i.u.bf16.f32 v27;
	v28 =	vsel vm12, $0x0, v29  }
0xac: {  	v32 =	vsel vm12, $0x0, v18;
	v30 =	vld [tilespmem:s24+$0xFFFFFF50];
	v31 =	vsel vm10, $0x0, v25;
	v7 =	vadd.f32 v7, v28  }
0xad: {  	v27 =	vunpack.i.l.bf16.f32 v27;
	v28 =	vnsel vm12, $0x0, v29;
	v9 =	vadd.f32 v9, v31  }
0xae: {  	v8 =	vadd.f32 v8, v32;
	v31 =	vsel vm10, $0x0, v27;
	v29 =	vld [tilespmem:s24+$0xFFFFFF60];
	v7 =	vadd.f32 v15, v7  }
0xaf: {  	v15 =	vunpack.i.u.bf16.f32 v17;
	v17 =	vadd.f32 v19, v31;
	v9 =	vadd.f32 v28, v9  }
0xb0: {  	v18 =	vnsel vm12, $0x0, v18;
	v6 =	vadd.f32 v6, v8;
	v8 =	vperm.xlane v7, v0  }
0xb1: {  	v17 =	vadd.f32 v18, v17;
	v19 =	vunpack.i.l.bf16.f32 v30;
	v18 =	vperm.xlane v9, v0  }
0xb2: {  	v28 =	vunpack.i.u.bf16.f32 v30;
	v30 =	vperm.xlane v6, v0;
	v7 =	vadd.f32 v8, v7  }
0xb3: {  	v32 =	vperm.xlane v17, v0;
	v8 =	vunpack.i.l.bf16.f32 v29;
	v31 =	vld [tilespmem:s24+$0x30];
	v9 =	vadd.f32 v18, v9  }
0xb4: {  	v18 =	vunpack.i.u.bf16.f32 v29;
	v6 =	vadd.f32 v30, v6;
	v7 =	vperm.xlane v7, v1  }
0xb5: {  	v8 =	vadd.f32 v8, v19;
	v19 =	vadd.f32 v32, v17;
	v9 =	vperm.xlane v9, v1  }
0xb6: {  	v28 =	vadd.f32 v18, v28;
	v18 =	vadd.f32 v15, v22;
	v6 =	vsel vm1, v6, v7  }
0xb7: {  	v17 =	vadd.f32 v8, v26;
	v7 =	vsel vm1, v19, v9;
	v8 =	vperm.xlane v6, v2  }
0xb8: {  	v19 =	vadd.f32 v28, v20;
	v15 =	vld [tilespmem:s24+$0x0];
	v26 =	vunpack.i.l.bf16.f32 v31;
	v9 =	vperm.xlane v7, v2  }
0xb9: {  	v28 =	vunpack.i.u.bf16.f32 v31;
	v20 =	vsel vm8, $0x0, v26;
	v6 =	vadd.f32 v8, v6  }
0xba: {  	v20 =	vadd.f32 v21, v20;
	v21 =	vsel vm8, $0x0, v28;
	v8 =	vadd.f32 v9, v7  }
0xbb: {  	v9 =	vnsel vm10, $0x0, v27;
	v21 =	vadd.f32 v24, v21;
	v7 =	vperm.xlane v6, v3  }
0xbc: {  	v25 =	vnsel vm10, $0x0, v25;
	v22 =	vld [tilespmem:s24+$0xFFFFFFD0];
	v27 =	vadd.f32 v9, v20;
	v9 =	vperm.xlane v8, v3  }
.Ltmp0:
0xbd: {  	v24 =	vnsel vm8, $0x0, v26;
	v20 =	vunpack.i.u.bf16.f32 v15;
	v29 =	vadd.f32 v25, v21;
	(pc) =	sbr.rel @p1 .LBB2_2-.Ltmp0, $4  }
0xbe: {  	v21 =	vunpack.i.l.bf16.f32 v15;
	v15 =	vsel vm6, $0x0, v20;
	v25 =	vperm.xlane v27, v0  }
0xbf: {  	v26 =	vsel vm6, $0x0, v21;
	v30 =	vadd.f32 v23, v15;
	v31 =	vperm.xlane v29, v0  }
0xc0: {  	v26 =	vadd.f32 v16, v26;
	v16 =	vnsel vm8, $0x0, v28;
	v15 =	vadd.f32 v25, v27  }
0xc1: {  	s26 =	sadd.s32 $0x40, s26;
	v23 =	vunpack.i.l.bf16.f32 v22;
	v25 =	vadd.f32 v16, v30;
	v16 =	vadd.f32 v31, v29  }
0xc2: {  	v27 =	vld [tilespmem:s24+$0xFFFFFFA0];
	v22 =	vunpack.i.u.bf16.f32 v22  }
0xc3: {  	v28 =	vsel vm4, $0x0, v23;
	v24 =	vadd.f32 v24, v26;
	v29 =	vld [tilespmem:s24+$0xFFFFFF70];
	v21 =	vnsel vm6, $0x0, v21  }
0xc4: {  	v20 =	vnsel vm6, $0x0, v20;
	v14 =	vadd.f32 v14, v28;
	v26 =	vsel vm4, $0x0, v22  }
0xc5: {  	v23 =	vnsel vm4, $0x0, v23;
	v44 =	vperm.xlane v25, v0;
	v13 =	vadd.f32 v13, v26  }
0xc6: {  	v22 =	vnsel vm4, $0x0, v22;
	v14 =	vadd.f32 v21, v14;
	v21 =	vperm.xlane v24, v0  }
0xc7: {  	v13 =	vadd.f32 v20, v13;
	v20 =	vunpack.i.u.bf16.f32 v27;
	v26 =	vunpack.i.l.bf16.f32 v27  }
0xc8: {  	v27 =	vperm.xlane v14, v0;
	v31 =	vunpack.i.u.bf16.f32 v29;
	v45 =	vnsel vm2, $0x0, v26  }
0xc9: {  	v30 =	vnsel vm2, $0x0, v20;
	v26 =	vsel vm2, $0x0, v26;
	v20 =	vsel vm2, $0x0, v20  }
0xca: {  	v46 =	vnsel vm0, $0x0, v31;
	v31 =	vsel vm0, $0x0, v31;
	v12 =	vadd.f32 v12, v26  }
0xcb: {  	v26 =	vunpack.i.l.bf16.f32 v29;
	v19 =	vadd.f32 v46, v19;
	v18 =	vadd.f32 v18, v31  }
0xcc: {  	v10 =	vadd.f32 v10, v20;
	v47 =	vsel vm0, $0x0, v26;
	v26 =	vnsel vm0, $0x0, v26  }
0xcd: {  	v11 =	vadd.f32 v11, v47;
	v17 =	vadd.f32 v26, v17;
	v20 =	vperm.xlane v19, v0  }
0xce: {  	v18 =	vadd.f32 v30, v18;
	v10 =	vadd.f32 v22, v10;
	v22 =	vperm.xlane v13, v0  }
0xcf: {  	v11 =	vadd.f32 v45, v11;
	v26 =	vperm.xlane v17, v0;
	v19 =	vadd.f32 v20, v19  }
0xd0: {  	v12 =	vadd.f32 v23, v12;
	v20 =	vperm.xlane v18, v0;
	v23 =	vperm.xlane v10, v0  }
0xd1: {  	v28 =	vperm.xlane v11, v0;
	v17 =	vadd.f32 v26, v17;
	v19 =	vperm.xlane v19, v1  }
0xd2: {  	v18 =	vadd.f32 v20, v18;
	v20 =	vperm.xlane v12, v0;
	v10 =	vadd.f32 v23, v10  }
0xd3: {  	v13 =	vadd.f32 v22, v13;
	v17 =	vsel vm1, v17, v19;
	v11 =	vadd.f32 v28, v11  }
0xd4: {  	v18 =	vperm.xlane v18, v1;
	v12 =	vadd.f32 v20, v12;
	v10 =	vperm.xlane v10, v1  }
0xd5: {  	v14 =	vadd.f32 v27, v14;
	v13 =	vperm.xlane v13, v1;
	v19 =	vperm.xlane v17, v2  }
0xd6: {  	v25 =	vadd.f32 v44, v25;
	v11 =	vsel vm1, v11, v18;
	v10 =	vsel vm1, v12, v10  }
0xd7: {  	v12 =	vsel vm1, v14, v13;
	v17 =	vadd.f32 v19, v17;
	v18 =	vperm.xlane v11, v2  }
0xd8: {  	v13 =	vperm.xlane v25, v1;
	v19 =	vadd.f32 v21, v24;
	v20 =	vperm.xlane v12, v2  }
0xd9: {  	v14 =	vperm.xlane v17, v3;
	v11 =	vadd.f32 v18, v11;
	v18 =	vperm.xlane v10, v2  }
0xda: {  	v16 =	vperm.xlane v16, v1;
	v13 =	vsel vm1, v19, v13;
	v12 =	vadd.f32 v20, v12  }
0xdb: {  	v14 =	vadd.f32 v14, v17;
	v17 =	vperm.xlane v11, v3;
	v10 =	vadd.f32 v18, v10  }
0xdc: {  	v15 =	vsel vm1, v15, v16;
	v18 =	vperm.xlane v13, v2;
	v19 =	vperm.xlane v12, v3  }
0xdd: {  	v16 =	vperm.xlane v14, v4;
	v11 =	vadd.f32 v17, v11;
	v17 =	vperm.xlane v10, v3  }
0xde: {  	v13 =	vadd.f32 v18, v13;
	v18 =	vperm.xlane v15, v2;
	v12 =	vadd.f32 v19, v12  }
0xdf: {  	v14 =	vadd.f32 v16, v14;
	v16 =	vperm.xlane v11, v4;
	v10 =	vadd.f32 v17, v10  }
0xe0: {  	v17 =	vperm.xlane v13, v3;
	v15 =	vadd.f32 v18, v15;
	v18 =	vperm.xlane v12, v4  }
0xe1: {  	v14 =	vmul.f32 $1.999999960e-02, v14;
	v11 =	vadd.f32 v16, v11;
	v16 =	vperm.xlane v10, v4  }
0xe2: {  	v13 =	vadd.f32 v17, v13;
	v17 =	vperm.xlane v15, v3;
	v12 =	vadd.f32 v18, v12  }
0xe3: {  	v14 =	vnsel vm0, $0x0, v14;
	v11 =	vmul.f32 $1.999999960e-02, v11;
	v10 =	vadd.f32 v16, v10  }
0xe4: {  	v15 =	vadd.f32 v17, v15;
	v14 =	vadd.f32 v14, v5  }
0xe5: {  	v16 =	vperm.xlane v13, v4;
	v11 =	vsel vm3, $0x0, v11;
	v10 =	vmul.f32 $1.999999960e-02, v10  }
0xe6: {  	v8 =	vadd.f32 v9, v8;
	v11 =	vadd.f32 v11, v14;
	v14 =	vperm.xlane v15, v4  }
0xe7: {  	v9 =	vsel vm5, $0x0, v10;
	v10 =	vmul.f32 $1.999999960e-02, v12;
	v12 =	vadd.f32 v16, v13  }
0xe8: {  	v6 =	vadd.f32 v7, v6;
	v9 =	vadd.f32 v9, v11;
	v11 =	vperm.xlane v8, v4  }
0xe9: {  	v7 =	vsel vm7, $0x0, v10;
	v10 =	vmul.f32 $1.999999960e-02, v12;
	v12 =	vadd.f32 v14, v15  }
0xea: {  	v7 =	vadd.f32 v7, v9;
	v9 =	vperm.xlane v6, v4  }
0xeb: {  	v8 =	vadd.f32 v11, v8;
	v10 =	vsel vm9, $0x0, v10;
	v12 =	vmul.f32 $1.999999960e-02, v12  }
0xec: {  	v7 =	vadd.f32 v10, v7  }
0xed: {  	v8 =	vmul.f32 $1.999999960e-02, v8;
	v6 =	vadd.f32 v9, v6;
	v10 =	vsel vm11, $0x0, v12  }
0xee: {  	v7 =	vadd.f32 v10, v7  }
0xef: {  	v8 =	vsel vm13, $0x0, v8;
	v6 =	vmul.f32 $1.999999960e-02, v6  }
0xf0: {  	v7 =	vadd.f32 v8, v7  }
0xf1: {  	v6 =	vsel vm12, $0x0, v6  }
0xf2: {  	v6 =	vadd.f32 v6, v7  }
0xf3: {  	s31 =	sshra.s32 s25, $0x2  }
0xf4: {  	[tilespmem:s31+$0xC810] =	vst v6  }
0xf5: {  	_ =	swait.ge [sflag:s13], $0x1900  }
0xf6: {  	[sflag:s13] =	ssyncset.done $0x0  }
0xf7: {  	s24 =	simm.s32 $0x7E80;
	[sflag:s13] =	ssyncadd.s32 $0xFFFFE700  }
0xf8: {  	v6 =	vld [tilespmem:s24+$0x0]  }
0xf9: {  	v7 =	vld [tilespmem:s24+$0xFFFFFFE0]  }
0xfa: {  	v8 =	vld [tilespmem:s24+$0xFFFFFFF0]  }
0xfb: {  	v9 =	vld [tilespmem:s24+$0xFFFFFFB0]  }
0xfc: {  	v10 =	vld [tilespmem:s24+$0xFFFFFFC0]  }
0xfd: {  	v11 =	vld [tilespmem:s24+$0xFFFFFF80]  }
0xfe: {  	v13 =	vld [tilespmem:s24+$0xFFFFFF50]  }
0xff: {  	v18 =	vld [tilespmem:s24+$0xFFFFFF20]  }
0x100: {  	v12 =	vld [tilespmem:s24+$0xFFFFFF90];
	v14 =	vunpack.i.l.bf16.f32 v7  }
0x101: {  	v16 =	vld [tilespmem:s24+$0xFFFFFF60];
	v15 =	vunpack.i.u.bf16.f32 v6;
	v6 =	vunpack.i.l.bf16.f32 v6;
	v7 =	vunpack.i.u.bf16.f32 v7  }
0x102: {  	v51 =	vld [tilespmem:s24+$0xFFFFFE90];
	v17 =	vunpack.i.u.bf16.f32 v8;
	v8 =	vunpack.i.l.bf16.f32 v8;
	v19 =	vunpack.i.l.bf16.f32 v9  }
0x103: {  	v22 =	vld [tilespmem:s24+$0xFFFFFF00];
	v9 =	vunpack.i.u.bf16.f32 v9;
	v21 =	vunpack.i.l.bf16.f32 v11;
	v11 =	vunpack.i.u.bf16.f32 v11  }
0x104: {  	v58 =	vld [tilespmem:s24+$0xFFFFFF70];
	v23 =	vunpack.i.l.bf16.f32 v13;
	v25 =	vunpack.i.l.bf16.f32 v18;
	v8 =	vadd.f32 v8, v14  }
0x105: {  	v7 =	vadd.f32 v17, v7;
	v14 =	vld [tilespmem:s24+$0xFFFFFF30];
	v17 =	vunpack.i.u.bf16.f32 v10;
	v10 =	vunpack.i.l.bf16.f32 v10  }
0x106: {  	v19 =	vadd.f32 v10, v19;
	v9 =	vadd.f32 v17, v9;
	v10 =	vld [tilespmem:s24+$0xFFFFFEF0];
	v17 =	vunpack.i.u.bf16.f32 v12  }
0x107: {  	v56 =	vunpack.i.u.bf16.f32 v51;
	v12 =	vunpack.i.l.bf16.f32 v12;
	v24 =	vadd.f32 v17, v11;
	v11 =	vld [tilespmem:s24+$0xFFFFFEC0]  }
0x108: {  	v21 =	vadd.f32 v12, v21;
	v12 =	vunpack.i.u.bf16.f32 v13;
	v13 =	vunpack.i.u.bf16.f32 v16;
	v17 =	vld [tilespmem:s24+$0xFFFFFED0]  }
0x109: {  	v60 =	vunpack.i.u.bf16.f32 v58;
	v26 =	vadd.f32 v13, v12;
	v12 =	vunpack.i.u.bf16.f32 v18;
	v18 =	vld [tilespmem:s24+$0xFFFFFFD0]  }
0x10a: {  	v27 =	vld [tilespmem:s24+$0xFFFFFFA0];
	v16 =	vunpack.i.l.bf16.f32 v16;
	v13 =	vunpack.i.u.bf16.f32 v14;
	v14 =	vunpack.i.l.bf16.f32 v14  }
0x10b: {  	v14 =	vadd.f32 v14, v25;
	v13 =	vadd.f32 v13, v12;
	v12 =	vunpack.i.l.bf16.f32 v10  }
0x10c: {  	v25 =	vunpack.i.l.bf16.f32 v22;
	v10 =	vunpack.i.u.bf16.f32 v10;
	v22 =	vunpack.i.u.bf16.f32 v22  }
0x10d: {  	v12 =	vadd.f32 v25, v12;
	v25 =	vunpack.i.l.bf16.f32 v11;
	v48 =	vunpack.i.l.bf16.f32 v17  }
0x10e: {  	v10 =	vadd.f32 v22, v10;
	v22 =	vunpack.i.u.bf16.f32 v11;
	v49 =	vunpack.i.u.bf16.f32 v18  }
0x10f: {  	v11 =	vadd.f32 v48, v25;
	v25 =	vunpack.i.u.bf16.f32 v27;
	v18 =	vunpack.i.l.bf16.f32 v18  }
0x110: {  	v27 =	vunpack.i.l.bf16.f32 v27;
	v50 =	vsel vm12, $0x0, v49;
	v52 =	vsel vm10, $0x0, v25  }
0x111: {  	v32 =	vsel vm12, $0x0, v18;
	v53 =	vnsel vm12, $0x0, v49;
	v7 =	vadd.f32 v7, v50  }
0x112: {  	v54 =	vld [tilespmem:s24+$0xFFFFFEA0];
	v55 =	vsel vm10, $0x0, v27;
	v9 =	vadd.f32 v9, v52;
	v8 =	vadd.f32 v8, v32  }
0x113: {  	v7 =	vadd.f32 v15, v7;
	v15 =	vunpack.i.u.bf16.f32 v17;
	v17 =	vadd.f32 v19, v55  }
0x114: {  	v20 =	vld [tilespmem:s24+$0xFFFFFE80];
	v18 =	vnsel vm12, $0x0, v18;
	v9 =	vadd.f32 v53, v9;
	v6 =	vadd.f32 v6, v8  }
0x115: {  	v16 =	vadd.f32 v16, v23;
	v8 =	vperm.xlane v7, v0;
	v17 =	vadd.f32 v18, v17  }
0x116: {  	v19 =	vunpack.i.l.bf16.f32 v51;
	v18 =	vperm.xlane v9, v0;
	v57 =	vperm.xlane v6, v0  }
0x117: {  	v7 =	vadd.f32 v8, v7;
	v8 =	vunpack.i.l.bf16.f32 v54;
	v59 =	vperm.xlane v17, v0  }
0x118: {  	v9 =	vadd.f32 v18, v9;
	v18 =	vunpack.i.u.bf16.f32 v54;
	v6 =	vadd.f32 v57, v6  }
0x119: {  	v23 =	vunpack.i.l.bf16.f32 v20;
	v8 =	vadd.f32 v8, v19;
	v28 =	vadd.f32 v18, v56  }
0x11a: {  	v7 =	vperm.xlane v7, v1;
	v19 =	vadd.f32 v59, v17;
	v9 =	vperm.xlane v9, v1  }
0x11b: {  	v20 =	vunpack.i.u.bf16.f32 v20;
	v18 =	vadd.f32 v15, v22;
	v17 =	vadd.f32 v8, v23  }
0x11c: {  	v15 =	vld [tilespmem:s24+$0xFFFFFF40];
	v23 =	vunpack.i.l.bf16.f32 v58;
	v6 =	vsel vm1, v6, v7;
	v7 =	vsel vm1, v19, v9  }
0x11d: {  	v19 =	vadd.f32 v28, v20;
	v20 =	vsel vm8, $0x0, v23;
	v8 =	vperm.xlane v6, v2  }
0x11e: {  	v9 =	vperm.xlane v7, v2;
	v20 =	vadd.f32 v21, v20;
	v21 =	vsel vm8, $0x0, v60  }
0x11f: {  	v25 =	vnsel vm10, $0x0, v25;
	v21 =	vadd.f32 v24, v21  }
0x120: {  	v6 =	vadd.f32 v8, v6;
	v8 =	vadd.f32 v9, v7;
	v9 =	vnsel vm10, $0x0, v27  }
0x121: {  	v22 =	vld [tilespmem:s24+$0xFFFFFF10];
	v23 =	vnsel vm8, $0x0, v23;
	v24 =	vadd.f32 v9, v20;
	v20 =	vunpack.i.u.bf16.f32 v15  }
0x122: {  	v27 =	vadd.f32 v25, v21;
	v21 =	vunpack.i.l.bf16.f32 v15;
	v7 =	vperm.xlane v6, v3  }
0x123: {  	v9 =	vperm.xlane v8, v3;
	v15 =	vsel vm6, $0x0, v20;
	v25 =	vperm.xlane v24, v0  }
0x124: {  	v61 =	vsel vm6, $0x0, v21;
	v62 =	vadd.f32 v26, v15;
	v63 =	vperm.xlane v27, v0  }
0x125: {  	v26 =	vadd.f32 v16, v61;
	v16 =	vnsel vm8, $0x0, v60;
	v15 =	vadd.f32 v25, v24  }
0x126: {  	s25 =	simm.s32 $0x0;
	s26 =	simm.s32 $0x40;
	v24 =	vunpack.i.l.bf16.f32 v22;
	v25 =	vadd.f32 v16, v62;
	v16 =	vadd.f32 v63, v27  }
.LBB2_4:
0x127: {  	p1 =	sne.s32 s26, $0x3C0;
	v27 =	vld [tilespmem:s24+$0xFFFFFEE0];
	v22 =	vunpack.i.u.bf16.f32 v22;
	v28 =	vsel vm4, $0x0, v24;
	v23 =	vadd.f32 v23, v26  }
0x128: {  	v14 =	vadd.f32 v14, v28;
	v26 =	vsel vm4, $0x0, v22;
	v28 =	vperm.xlane v25, v0  }
0x129: {  	v21 =	vnsel vm6, $0x0, v21;
	v20 =	vnsel vm6, $0x0, v20;
	v29 =	vld [tilespmem:s24+$0xFFFFFEB0];
	v13 =	vadd.f32 v13, v26  }
0x12a: {  	v14 =	vadd.f32 v21, v14;
	v21 =	vperm.xlane v23, v0;
	v25 =	vadd.f32 v28, v25  }
0x12b: {  	v24 =	vnsel vm4, $0x0, v24;
	v22 =	vnsel vm4, $0x0, v22;
	v13 =	vadd.f32 v20, v13  }
0x12c: {  	v20 =	vunpack.i.u.bf16.f32 v27;
	v26 =	vunpack.i.l.bf16.f32 v27;
	v27 =	vperm.xlane v14, v0  }
0x12d: {  	v28 =	vnsel vm2, $0x0, v26;
	v30 =	vnsel vm2, $0x0, v20;
	v26 =	vsel vm2, $0x0, v26  }
0x12e: {  	v20 =	vsel vm2, $0x0, v20;
	v31 =	vunpack.i.u.bf16.f32 v29;
	v12 =	vadd.f32 v12, v26  }
0x12f: {  	v26 =	vunpack.i.l.bf16.f32 v29;
	v29 =	vnsel vm0, $0x0, v31;
	v31 =	vsel vm0, $0x0, v31  }
0x130: {  	v19 =	vadd.f32 v29, v19;
	v29 =	vsel vm0, $0x0, v26;
	v18 =	vadd.f32 v18, v31  }
0x131: {  	v10 =	vadd.f32 v10, v20;
	v26 =	vnsel vm0, $0x0, v26;
	v11 =	vadd.f32 v11, v29  }
0x132: {  	v17 =	vadd.f32 v26, v17;
	v20 =	vperm.xlane v19, v0;
	v18 =	vadd.f32 v30, v18  }
0x133: {  	v10 =	vadd.f32 v22, v10;
	v22 =	vperm.xlane v13, v0;
	v11 =	vadd.f32 v28, v11  }
0x134: {  	v26 =	vperm.xlane v17, v0;
	v19 =	vadd.f32 v20, v19;
	v20 =	vperm.xlane v18, v0  }
0x135: {  	v12 =	vadd.f32 v24, v12;
	v24 =	vperm.xlane v10, v0;
	v28 =	vperm.xlane v11, v0  }
0x136: {  	v17 =	vadd.f32 v26, v17;
	v19 =	vperm.xlane v19, v1;
	v18 =	vadd.f32 v20, v18  }
0x137: {  	v13 =	vadd.f32 v22, v13;
	v10 =	vadd.f32 v24, v10;
	v20 =	vperm.xlane v12, v0  }
0x138: {  	v11 =	vadd.f32 v28, v11;
	v17 =	vsel vm1, v17, v19;
	v18 =	vperm.xlane v18, v1  }
0x139: {  	v14 =	vadd.f32 v27, v14;
	v13 =	vperm.xlane v13, v1;
	v19 =	vperm.xlane v17, v2  }
0x13a: {  	v10 =	vperm.xlane v10, v1;
	v12 =	vadd.f32 v20, v12;
	v11 =	vsel vm1, v11, v18  }
0x13b: {  	v17 =	vadd.f32 v19, v17;
	v18 =	vperm.xlane v11, v2;
	v19 =	vadd.f32 v21, v23  }
0x13c: {  	v10 =	vsel vm1, v12, v10;
	v12 =	vsel vm1, v14, v13;
	v13 =	vperm.xlane v25, v1  }
0x13d: {  	v14 =	vperm.xlane v17, v3;
	v11 =	vadd.f32 v18, v11;
	v18 =	vperm.xlane v10, v2  }
0x13e: {  	v16 =	vperm.xlane v16, v1;
	v20 =	vperm.xlane v12, v2;
	v13 =	vsel vm1, v19, v13  }
0x13f: {  	v14 =	vadd.f32 v14, v17;
	v17 =	vperm.xlane v11, v3;
	v10 =	vadd.f32 v18, v10  }
0x140: {  	v15 =	vsel vm1, v15, v16;
	v12 =	vadd.f32 v20, v12;
	v18 =	vperm.xlane v13, v2  }
0x141: {  	v16 =	vperm.xlane v14, v4;
	v11 =	vadd.f32 v17, v11;
	v17 =	vperm.xlane v10, v3  }
0x142: {  	v19 =	vperm.xlane v12, v3;
	v13 =	vadd.f32 v18, v13;
	v18 =	vperm.xlane v15, v2  }
0x143: {  	v14 =	vadd.f32 v16, v14;
	v16 =	vperm.xlane v11, v4;
	v10 =	vadd.f32 v17, v10  }
0x144: {  	v12 =	vadd.f32 v19, v12;
	v17 =	vperm.xlane v13, v3;
	v15 =	vadd.f32 v18, v15  }
0x145: {  	v14 =	vmul.f32 $1.999999960e-02, v14;
	v11 =	vadd.f32 v16, v11;
	v16 =	vperm.xlane v10, v4  }
0x146: {  	v18 =	vperm.xlane v12, v4;
	v13 =	vadd.f32 v17, v13;
	v17 =	vperm.xlane v15, v3  }
0x147: {  	v14 =	vnsel vm0, $0x0, v14;
	v11 =	vmul.f32 $1.999999960e-02, v11;
	v10 =	vadd.f32 v16, v10  }
0x148: {  	v16 =	vperm.xlane v13, v4;
	v15 =	vadd.f32 v17, v15;
	v14 =	vadd.f32 v14, v5  }
0x149: {  	v12 =	vadd.f32 v18, v12;
	v11 =	vsel vm3, $0x0, v11;
	v10 =	vmul.f32 $1.999999960e-02, v10  }
0x14a: {  	v8 =	vadd.f32 v9, v8;
	v11 =	vadd.f32 v11, v14;
	v14 =	vperm.xlane v15, v4  }
0x14b: {  	v9 =	vsel vm5, $0x0, v10;
	v10 =	vmul.f32 $1.999999960e-02, v12;
	v12 =	vadd.f32 v16, v13  }
0x14c: {  	v6 =	vadd.f32 v7, v6;
	v9 =	vadd.f32 v9, v11;
	v11 =	vperm.xlane v8, v4  }
0x14d: {  	v7 =	vsel vm7, $0x0, v10;
	v10 =	vmul.f32 $1.999999960e-02, v12;
	v12 =	vadd.f32 v14, v15  }
0x14e: {  	v7 =	vadd.f32 v7, v9;
	v9 =	vperm.xlane v6, v4  }
0x14f: {  	v8 =	vadd.f32 v11, v8;
	v10 =	vsel vm9, $0x0, v10;
	v12 =	vmul.f32 $1.999999960e-02, v12  }
0x150: {  	v7 =	vadd.f32 v10, v7  }
0x151: {  	v8 =	vmul.f32 $1.999999960e-02, v8;
	v6 =	vadd.f32 v9, v6;
	v10 =	vsel vm11, $0x0, v12  }
0x152: {  	v7 =	vadd.f32 v10, v7  }
0x153: {  	v8 =	vsel vm13, $0x0, v8;
	v6 =	vmul.f32 $1.999999960e-02, v6  }
0x154: {  	v7 =	vadd.f32 v8, v7  }
0x155: {  	v6 =	vsel vm12, $0x0, v6  }
0x156: {  	v6 =	vadd.f32 v6, v7  }
0x157: {  	s28 =	sshra.s32 s25, $0x2;
	s25 =	smov.u32 s26  }
0x158: {  	s24 =	sadd.s32 $0x190, s24;
	[tilespmem:s28+$0xC910] =	vst v6  }
0x159: {  	v6 =	vld [tilespmem:s24+$0x0]  }
0x15a: {  	v7 =	vld [tilespmem:s24+$0xFFFFFFE0]  }
0x15b: {  	v8 =	vld [tilespmem:s24+$0xFFFFFFF0]  }
0x15c: {  	v9 =	vld [tilespmem:s24+$0xFFFFFFB0]  }
0x15d: {  	v10 =	vld [tilespmem:s24+$0xFFFFFFC0]  }
0x15e: {  	v11 =	vld [tilespmem:s24+$0xFFFFFF80]  }
0x15f: {  	v12 =	vld [tilespmem:s24+$0xFFFFFF90]  }
0x160: {  	v15 =	vunpack.i.u.bf16.f32 v6;
	v6 =	vunpack.i.l.bf16.f32 v6;
	v14 =	vunpack.i.l.bf16.f32 v7;
	v13 =	vld [tilespmem:s24+$0xFFFFFF50]  }
0x161: {  	v7 =	vunpack.i.u.bf16.f32 v7;
	v17 =	vunpack.i.u.bf16.f32 v8;
	v8 =	vunpack.i.l.bf16.f32 v8;
	v16 =	vld [tilespmem:s24+$0xFFFFFF60]  }
0x162: {  	v19 =	vunpack.i.l.bf16.f32 v9;
	v8 =	vadd.f32 v8, v14;
	v7 =	vadd.f32 v17, v7;
	v18 =	vld [tilespmem:s24+$0xFFFFFF20]  }
0x163: {  	v9 =	vunpack.i.u.bf16.f32 v9;
	v17 =	vunpack.i.u.bf16.f32 v10;
	v10 =	vunpack.i.l.bf16.f32 v10;
	v14 =	vld [tilespmem:s24+$0xFFFFFF30]  }
0x164: {  	v21 =	vunpack.i.l.bf16.f32 v11;
	v19 =	vadd.f32 v10, v19;
	v9 =	vadd.f32 v17, v9;
	v20 =	vld [tilespmem:s24+$0xFFFFFE80]  }
0x165: {  	v11 =	vunpack.i.u.bf16.f32 v11;
	v17 =	vunpack.i.u.bf16.f32 v12;
	v12 =	vunpack.i.l.bf16.f32 v12;
	v10 =	vld [tilespmem:s24+$0xFFFFFEF0]  }
0x166: {  	v23 =	vunpack.i.l.bf16.f32 v13;
	v21 =	vadd.f32 v12, v21;
	v24 =	vadd.f32 v17, v11;
	v22 =	vld [tilespmem:s24+$0xFFFFFF00]  }
0x167: {  	v12 =	vunpack.i.u.bf16.f32 v13;
	v13 =	vunpack.i.u.bf16.f32 v16;
	v16 =	vunpack.i.l.bf16.f32 v16;
	v11 =	vld [tilespmem:s24+$0xFFFFFEC0]  }
0x168: {  	v25 =	vunpack.i.l.bf16.f32 v18;
	v16 =	vadd.f32 v16, v23;
	v26 =	vadd.f32 v13, v12;
	v17 =	vld [tilespmem:s24+$0xFFFFFED0]  }
0x169: {  	v12 =	vunpack.i.u.bf16.f32 v18;
	v13 =	vunpack.i.u.bf16.f32 v14;
	v14 =	vunpack.i.l.bf16.f32 v14;
	v18 =	vld [tilespmem:s24+$0xFFFFFFD0]  }
0x16a: {  	v23 =	vunpack.i.l.bf16.f32 v20;
	v14 =	vadd.f32 v14, v25;
	v13 =	vadd.f32 v13, v12;
	v27 =	vld [tilespmem:s24+$0xFFFFFFA0]  }
0x16b: {  	v20 =	vunpack.i.u.bf16.f32 v20;
	v12 =	vunpack.i.l.bf16.f32 v10;
	v25 =	vunpack.i.l.bf16.f32 v22  }
0x16c: {  	v10 =	vunpack.i.u.bf16.f32 v10;
	v22 =	vunpack.i.u.bf16.f32 v22;
	v12 =	vadd.f32 v25, v12  }
0x16d: {  	v25 =	vunpack.i.l.bf16.f32 v11;
	v10 =	vadd.f32 v22, v10;
	v28 =	vunpack.i.l.bf16.f32 v17  }
0x16e: {  	v22 =	vunpack.i.u.bf16.f32 v11;
	v29 =	vunpack.i.u.bf16.f32 v18;
	v11 =	vadd.f32 v28, v25  }
0x16f: {  	v18 =	vunpack.i.l.bf16.f32 v18;
	v25 =	vunpack.i.u.bf16.f32 v27;
	v28 =	vsel vm12, $0x0, v29  }
0x170: {  	v32 =	vsel vm12, $0x0, v18;
	v30 =	vld [tilespmem:s24+$0xFFFFFE90];
	v31 =	vsel vm10, $0x0, v25;
	v7 =	vadd.f32 v7, v28  }
0x171: {  	v27 =	vunpack.i.l.bf16.f32 v27;
	v28 =	vnsel vm12, $0x0, v29;
	v9 =	vadd.f32 v9, v31  }
0x172: {  	v8 =	vadd.f32 v8, v32;
	v31 =	vsel vm10, $0x0, v27;
	v29 =	vld [tilespmem:s24+$0xFFFFFEA0];
	v7 =	vadd.f32 v15, v7  }
0x173: {  	v15 =	vunpack.i.u.bf16.f32 v17;
	v17 =	vadd.f32 v19, v31;
	v9 =	vadd.f32 v28, v9  }
0x174: {  	v18 =	vnsel vm12, $0x0, v18;
	v6 =	vadd.f32 v6, v8;
	v8 =	vperm.xlane v7, v0  }
0x175: {  	v17 =	vadd.f32 v18, v17;
	v19 =	vunpack.i.l.bf16.f32 v30;
	v18 =	vperm.xlane v9, v0  }
0x176: {  	v28 =	vunpack.i.u.bf16.f32 v30;
	v30 =	vperm.xlane v6, v0;
	v7 =	vadd.f32 v8, v7  }
0x177: {  	v32 =	vperm.xlane v17, v0;
	v8 =	vunpack.i.l.bf16.f32 v29;
	v31 =	vld [tilespmem:s24+$0xFFFFFF70];
	v9 =	vadd.f32 v18, v9  }
0x178: {  	v18 =	vunpack.i.u.bf16.f32 v29;
	v6 =	vadd.f32 v30, v6;
	v7 =	vperm.xlane v7, v1  }
0x179: {  	v8 =	vadd.f32 v8, v19;
	v19 =	vadd.f32 v32, v17;
	v9 =	vperm.xlane v9, v1  }
0x17a: {  	v28 =	vadd.f32 v18, v28;
	v18 =	vadd.f32 v15, v22;
	v6 =	vsel vm1, v6, v7  }
0x17b: {  	v17 =	vadd.f32 v8, v23;
	v7 =	vsel vm1, v19, v9;
	v8 =	vperm.xlane v6, v2  }
0x17c: {  	v19 =	vadd.f32 v28, v20;
	v15 =	vld [tilespmem:s24+$0xFFFFFF40];
	v23 =	vunpack.i.l.bf16.f32 v31;
	v9 =	vperm.xlane v7, v2  }
0x17d: {  	v28 =	vunpack.i.u.bf16.f32 v31;
	v20 =	vsel vm8, $0x0, v23;
	v6 =	vadd.f32 v8, v6  }
0x17e: {  	v20 =	vadd.f32 v21, v20;
	v21 =	vsel vm8, $0x0, v28;
	v8 =	vadd.f32 v9, v7  }
0x17f: {  	v9 =	vnsel vm10, $0x0, v27;
	v21 =	vadd.f32 v24, v21;
	v7 =	vperm.xlane v6, v3  }
0x180: {  	v25 =	vnsel vm10, $0x0, v25;
	v22 =	vld [tilespmem:s24+$0xFFFFFF10];
	v24 =	vadd.f32 v9, v20;
	v9 =	vperm.xlane v8, v3  }
.Ltmp1:
0x181: {  	v23 =	vnsel vm8, $0x0, v23;
	v20 =	vunpack.i.u.bf16.f32 v15;
	v27 =	vadd.f32 v25, v21;
	(pc) =	sbr.rel @p1 .LBB2_4-.Ltmp1, $4  }
0x182: {  	v21 =	vunpack.i.l.bf16.f32 v15;
	v15 =	vsel vm6, $0x0, v20;
	v25 =	vperm.xlane v24, v0  }
0x183: {  	v29 =	vsel vm6, $0x0, v21;
	v30 =	vadd.f32 v26, v15;
	v31 =	vperm.xlane v27, v0  }
0x184: {  	v26 =	vadd.f32 v16, v29;
	v16 =	vnsel vm8, $0x0, v28;
	v15 =	vadd.f32 v25, v24  }
0x185: {  	s26 =	sadd.s32 $0x40, s26;
	v24 =	vunpack.i.l.bf16.f32 v22;
	v25 =	vadd.f32 v16, v30;
	v16 =	vadd.f32 v31, v27  }
0x186: {  	v27 =	vld [tilespmem:s24+$0xFFFFFEE0];
	v22 =	vunpack.i.u.bf16.f32 v22  }
0x187: {  	v28 =	vsel vm4, $0x0, v24;
	v23 =	vadd.f32 v23, v26;
	v29 =	vld [tilespmem:s24+$0xFFFFFEB0];
	v21 =	vnsel vm6, $0x0, v21  }
0x188: {  	v20 =	vnsel vm6, $0x0, v20;
	v14 =	vadd.f32 v14, v28;
	v26 =	vsel vm4, $0x0, v22  }
0x189: {  	v24 =	vnsel vm4, $0x0, v24;
	v44 =	vperm.xlane v25, v0;
	v13 =	vadd.f32 v13, v26  }
0x18a: {  	v22 =	vnsel vm4, $0x0, v22;
	v14 =	vadd.f32 v21, v14;
	v21 =	vperm.xlane v23, v0  }
0x18b: {  	v13 =	vadd.f32 v20, v13;
	v20 =	vunpack.i.u.bf16.f32 v27;
	v26 =	vunpack.i.l.bf16.f32 v27  }
0x18c: {  	v27 =	vperm.xlane v14, v0;
	v31 =	vunpack.i.u.bf16.f32 v29;
	v45 =	vnsel vm2, $0x0, v26  }
0x18d: {  	v30 =	vnsel vm2, $0x0, v20;
	v26 =	vsel vm2, $0x0, v26;
	v20 =	vsel vm2, $0x0, v20  }
0x18e: {  	v46 =	vnsel vm0, $0x0, v31;
	v31 =	vsel vm0, $0x0, v31;
	v12 =	vadd.f32 v12, v26  }
0x18f: {  	v26 =	vunpack.i.l.bf16.f32 v29;
	v19 =	vadd.f32 v46, v19;
	v18 =	vadd.f32 v18, v31  }
0x190: {  	v10 =	vadd.f32 v10, v20;
	v47 =	vsel vm0, $0x0, v26;
	v26 =	vnsel vm0, $0x0, v26  }
0x191: {  	v11 =	vadd.f32 v11, v47;
	v17 =	vadd.f32 v26, v17;
	v20 =	vperm.xlane v19, v0  }
0x192: {  	v18 =	vadd.f32 v30, v18;
	v10 =	vadd.f32 v22, v10;
	v22 =	vperm.xlane v13, v0  }
0x193: {  	v11 =	vadd.f32 v45, v11;
	v26 =	vperm.xlane v17, v0;
	v19 =	vadd.f32 v20, v19  }
0x194: {  	v12 =	vadd.f32 v24, v12;
	v20 =	vperm.xlane v18, v0;
	v24 =	vperm.xlane v10, v0  }
0x195: {  	v28 =	vperm.xlane v11, v0;
	v17 =	vadd.f32 v26, v17;
	v19 =	vperm.xlane v19, v1  }
0x196: {  	v18 =	vadd.f32 v20, v18;
	v20 =	vperm.xlane v12, v0;
	v10 =	vadd.f32 v24, v10  }
0x197: {  	v13 =	vadd.f32 v22, v13;
	v17 =	vsel vm1, v17, v19;
	v11 =	vadd.f32 v28, v11  }
0x198: {  	v18 =	vperm.xlane v18, v1;
	v12 =	vadd.f32 v20, v12;
	v10 =	vperm.xlane v10, v1  }
0x199: {  	v14 =	vadd.f32 v27, v14;
	v13 =	vperm.xlane v13, v1;
	v19 =	vperm.xlane v17, v2  }
0x19a: {  	v25 =	vadd.f32 v44, v25;
	v11 =	vsel vm1, v11, v18;
	v10 =	vsel vm1, v12, v10  }
0x19b: {  	v12 =	vsel vm1, v14, v13;
	v17 =	vadd.f32 v19, v17;
	v18 =	vperm.xlane v11, v2  }
0x19c: {  	v13 =	vperm.xlane v25, v1;
	v19 =	vadd.f32 v21, v23;
	v20 =	vperm.xlane v12, v2  }
0x19d: {  	v14 =	vperm.xlane v17, v3;
	v11 =	vadd.f32 v18, v11;
	v18 =	vperm.xlane v10, v2  }
0x19e: {  	v16 =	vperm.xlane v16, v1;
	v13 =	vsel vm1, v19, v13;
	v12 =	vadd.f32 v20, v12  }
0x19f: {  	v14 =	vadd.f32 v14, v17;
	v17 =	vperm.xlane v11, v3;
	v10 =	vadd.f32 v18, v10  }
0x1a0: {  	v15 =	vsel vm1, v15, v16;
	v18 =	vperm.xlane v13, v2;
	v19 =	vperm.xlane v12, v3  }
0x1a1: {  	v16 =	vperm.xlane v14, v4;
	v11 =	vadd.f32 v17, v11;
	v17 =	vperm.xlane v10, v3  }
0x1a2: {  	v13 =	vadd.f32 v18, v13;
	v18 =	vperm.xlane v15, v2;
	v12 =	vadd.f32 v19, v12  }
0x1a3: {  	v14 =	vadd.f32 v16, v14;
	v16 =	vperm.xlane v11, v4;
	v10 =	vadd.f32 v17, v10  }
0x1a4: {  	v17 =	vperm.xlane v13, v3;
	v15 =	vadd.f32 v18, v15;
	v18 =	vperm.xlane v12, v4  }
0x1a5: {  	v14 =	vmul.f32 $1.999999960e-02, v14;
	v11 =	vadd.f32 v16, v11;
	v16 =	vperm.xlane v10, v4  }
0x1a6: {  	v13 =	vadd.f32 v17, v13;
	v17 =	vperm.xlane v15, v3;
	v12 =	vadd.f32 v18, v12  }
0x1a7: {  	v14 =	vnsel vm0, $0x0, v14;
	v11 =	vmul.f32 $1.999999960e-02, v11;
	v10 =	vadd.f32 v16, v10  }
0x1a8: {  	v15 =	vadd.f32 v17, v15;
	v14 =	vadd.f32 v14, v5  }
0x1a9: {  	v16 =	vperm.xlane v13, v4;
	v11 =	vsel vm3, $0x0, v11;
	v10 =	vmul.f32 $1.999999960e-02, v10  }
0x1aa: {  	v8 =	vadd.f32 v9, v8;
	v11 =	vadd.f32 v11, v14;
	v14 =	vperm.xlane v15, v4  }
0x1ab: {  	v9 =	vsel vm5, $0x0, v10;
	v10 =	vmul.f32 $1.999999960e-02, v12;
	v12 =	vadd.f32 v16, v13  }
0x1ac: {  	v6 =	vadd.f32 v7, v6;
	v9 =	vadd.f32 v9, v11;
	v11 =	vperm.xlane v8, v4  }
0x1ad: {  	v7 =	vsel vm7, $0x0, v10;
	v10 =	vmul.f32 $1.999999960e-02, v12;
	v12 =	vadd.f32 v14, v15  }
0x1ae: {  	v7 =	vadd.f32 v7, v9;
	v9 =	vperm.xlane v6, v4  }
0x1af: {  	v8 =	vadd.f32 v11, v8;
	v10 =	vsel vm9, $0x0, v10;
	v12 =	vmul.f32 $1.999999960e-02, v12  }
0x1b0: {  	v7 =	vadd.f32 v10, v7  }
0x1b1: {  	v8 =	vmul.f32 $1.999999960e-02, v8;
	v6 =	vadd.f32 v9, v6;
	v10 =	vsel vm11, $0x0, v12  }
0x1b2: {  	v7 =	vadd.f32 v10, v7  }
0x1b3: {  	v8 =	vsel vm13, $0x0, v8;
	v6 =	vmul.f32 $1.999999960e-02, v6  }
0x1b4: {  	v7 =	vadd.f32 v8, v7  }
0x1b5: {  	v6 =	vsel vm12, $0x0, v6  }
0x1b6: {  	v6 =	vadd.f32 v6, v7  }
0x1b7: {  	s31 =	sshra.s32 s25, $0x2  }
0x1b8: {  	[tilespmem:s31+$0xC910] =	vst v6  }
0x1b9: {  	_ =	swait.ge [sflag:s13], $0x1900  }
0x1ba: {  	[sflag:s13] =	ssyncset.done $0x0  }
0x1bb: {  	s24 =	simm.s32 $0x9780;
	[sflag:s13] =	ssyncadd.s32 $0xFFFFE700  }
0x1bc: {  	v6 =	vld [tilespmem:s24+$0x0]  }
0x1bd: {  	v7 =	vld [tilespmem:s24+$0xFFFFFFE0]  }
0x1be: {  	v8 =	vld [tilespmem:s24+$0xFFFFFFF0]  }
0x1bf: {  	v9 =	vld [tilespmem:s24+$0xFFFFFFB0]  }
0x1c0: {  	v10 =	vld [tilespmem:s24+$0xFFFFFFC0]  }
0x1c1: {  	v11 =	vld [tilespmem:s24+$0xFFFFFF80]  }
0x1c2: {  	v13 =	vld [tilespmem:s24+$0xFFFFFF50]  }
0x1c3: {  	v18 =	vld [tilespmem:s24+$0xFFFFFF20]  }
0x1c4: {  	v12 =	vld [tilespmem:s24+$0xFFFFFF90];
	v14 =	vunpack.i.l.bf16.f32 v7  }
0x1c5: {  	v16 =	vld [tilespmem:s24+$0xFFFFFF60];
	v15 =	vunpack.i.u.bf16.f32 v6;
	v6 =	vunpack.i.l.bf16.f32 v6;
	v7 =	vunpack.i.u.bf16.f32 v7  }
0x1c6: {  	v51 =	vld [tilespmem:s24+$0xFFFFFE90];
	v17 =	vunpack.i.u.bf16.f32 v8;
	v8 =	vunpack.i.l.bf16.f32 v8;
	v19 =	vunpack.i.l.bf16.f32 v9  }
0x1c7: {  	v22 =	vld [tilespmem:s24+$0xFFFFFF00];
	v9 =	vunpack.i.u.bf16.f32 v9;
	v21 =	vunpack.i.l.bf16.f32 v11;
	v11 =	vunpack.i.u.bf16.f32 v11  }
0x1c8: {  	v58 =	vld [tilespmem:s24+$0xFFFFFF70];
	v23 =	vunpack.i.l.bf16.f32 v13;
	v25 =	vunpack.i.l.bf16.f32 v18;
	v8 =	vadd.f32 v8, v14  }
0x1c9: {  	v7 =	vadd.f32 v17, v7;
	v14 =	vld [tilespmem:s24+$0xFFFFFF30];
	v17 =	vunpack.i.u.bf16.f32 v10;
	v10 =	vunpack.i.l.bf16.f32 v10  }
0x1ca: {  	v19 =	vadd.f32 v10, v19;
	v9 =	vadd.f32 v17, v9;
	v10 =	vld [tilespmem:s24+$0xFFFFFEF0];
	v17 =	vunpack.i.u.bf16.f32 v12  }
0x1cb: {  	v56 =	vunpack.i.u.bf16.f32 v51;
	v12 =	vunpack.i.l.bf16.f32 v12;
	v24 =	vadd.f32 v17, v11;
	v11 =	vld [tilespmem:s24+$0xFFFFFEC0]  }
0x1cc: {  	v21 =	vadd.f32 v12, v21;
	v12 =	vunpack.i.u.bf16.f32 v13;
	v13 =	vunpack.i.u.bf16.f32 v16;
	v17 =	vld [tilespmem:s24+$0xFFFFFED0]  }
0x1cd: {  	v60 =	vunpack.i.u.bf16.f32 v58;
	v26 =	vadd.f32 v13, v12;
	v12 =	vunpack.i.u.bf16.f32 v18;
	v18 =	vld [tilespmem:s24+$0xFFFFFFD0]  }
0x1ce: {  	v27 =	vld [tilespmem:s24+$0xFFFFFFA0];
	v16 =	vunpack.i.l.bf16.f32 v16;
	v13 =	vunpack.i.u.bf16.f32 v14;
	v14 =	vunpack.i.l.bf16.f32 v14  }
0x1cf: {  	v14 =	vadd.f32 v14, v25;
	v13 =	vadd.f32 v13, v12;
	v12 =	vunpack.i.l.bf16.f32 v10  }
0x1d0: {  	v25 =	vunpack.i.l.bf16.f32 v22;
	v10 =	vunpack.i.u.bf16.f32 v10;
	v22 =	vunpack.i.u.bf16.f32 v22  }
0x1d1: {  	v12 =	vadd.f32 v25, v12;
	v25 =	vunpack.i.l.bf16.f32 v11;
	v48 =	vunpack.i.l.bf16.f32 v17  }
0x1d2: {  	v10 =	vadd.f32 v22, v10;
	v22 =	vunpack.i.u.bf16.f32 v11;
	v49 =	vunpack.i.u.bf16.f32 v18  }
0x1d3: {  	v11 =	vadd.f32 v48, v25;
	v25 =	vunpack.i.u.bf16.f32 v27;
	v18 =	vunpack.i.l.bf16.f32 v18  }
0x1d4: {  	v27 =	vunpack.i.l.bf16.f32 v27;
	v50 =	vsel vm12, $0x0, v49;
	v52 =	vsel vm10, $0x0, v25  }
0x1d5: {  	v32 =	vsel vm12, $0x0, v18;
	v53 =	vnsel vm12, $0x0, v49;
	v7 =	vadd.f32 v7, v50  }
0x1d6: {  	v54 =	vld [tilespmem:s24+$0xFFFFFEA0];
	v55 =	vsel vm10, $0x0, v27;
	v9 =	vadd.f32 v9, v52;
	v8 =	vadd.f32 v8, v32  }
0x1d7: {  	v7 =	vadd.f32 v15, v7;
	v15 =	vunpack.i.u.bf16.f32 v17;
	v17 =	vadd.f32 v19, v55  }
0x1d8: {  	v20 =	vld [tilespmem:s24+$0xFFFFFE80];
	v18 =	vnsel vm12, $0x0, v18;
	v9 =	vadd.f32 v53, v9;
	v6 =	vadd.f32 v6, v8  }
0x1d9: {  	v16 =	vadd.f32 v16, v23;
	v8 =	vperm.xlane v7, v0;
	v17 =	vadd.f32 v18, v17  }
0x1da: {  	v19 =	vunpack.i.l.bf16.f32 v51;
	v18 =	vperm.xlane v9, v0;
	v57 =	vperm.xlane v6, v0  }
0x1db: {  	v7 =	vadd.f32 v8, v7;
	v8 =	vunpack.i.l.bf16.f32 v54;
	v59 =	vperm.xlane v17, v0  }
0x1dc: {  	v9 =	vadd.f32 v18, v9;
	v18 =	vunpack.i.u.bf16.f32 v54;
	v6 =	vadd.f32 v57, v6  }
0x1dd: {  	v23 =	vunpack.i.l.bf16.f32 v20;
	v8 =	vadd.f32 v8, v19;
	v28 =	vadd.f32 v18, v56  }
0x1de: {  	v7 =	vperm.xlane v7, v1;
	v19 =	vadd.f32 v59, v17;
	v9 =	vperm.xlane v9, v1  }
0x1df: {  	v20 =	vunpack.i.u.bf16.f32 v20;
	v18 =	vadd.f32 v15, v22;
	v17 =	vadd.f32 v8, v23  }
0x1e0: {  	v15 =	vld [tilespmem:s24+$0xFFFFFF40];
	v23 =	vunpack.i.l.bf16.f32 v58;
	v6 =	vsel vm1, v6, v7;
	v7 =	vsel vm1, v19, v9  }
0x1e1: {  	v19 =	vadd.f32 v28, v20;
	v20 =	vsel vm8, $0x0, v23;
	v8 =	vperm.xlane v6, v2  }
0x1e2: {  	v9 =	vperm.xlane v7, v2;
	v20 =	vadd.f32 v21, v20;
	v21 =	vsel vm8, $0x0, v60  }
0x1e3: {  	v25 =	vnsel vm10, $0x0, v25;
	v21 =	vadd.f32 v24, v21  }
0x1e4: {  	v6 =	vadd.f32 v8, v6;
	v8 =	vadd.f32 v9, v7;
	v9 =	vnsel vm10, $0x0, v27  }
0x1e5: {  	v22 =	vld [tilespmem:s24+$0xFFFFFF10];
	v23 =	vnsel vm8, $0x0, v23;
	v24 =	vadd.f32 v9, v20;
	v20 =	vunpack.i.u.bf16.f32 v15  }
0x1e6: {  	v27 =	vadd.f32 v25, v21;
	v21 =	vunpack.i.l.bf16.f32 v15;
	v7 =	vperm.xlane v6, v3  }
0x1e7: {  	v9 =	vperm.xlane v8, v3;
	v15 =	vsel vm6, $0x0, v20;
	v25 =	vperm.xlane v24, v0  }
0x1e8: {  	v61 =	vsel vm6, $0x0, v21;
	v62 =	vadd.f32 v26, v15;
	v63 =	vperm.xlane v27, v0  }
0x1e9: {  	v26 =	vadd.f32 v16, v61;
	v16 =	vnsel vm8, $0x0, v60;
	v15 =	vadd.f32 v25, v24  }
0x1ea: {  	s25 =	simm.s32 $0x0;
	s26 =	simm.s32 $0x40;
	v24 =	vunpack.i.l.bf16.f32 v22;
	v25 =	vadd.f32 v16, v62;
	v16 =	vadd.f32 v63, v27  }
.LBB2_6:
0x1eb: {  	p1 =	sne.s32 s26, $0x3C0;
	v27 =	vld [tilespmem:s24+$0xFFFFFEE0];
	v22 =	vunpack.i.u.bf16.f32 v22;
	v28 =	vsel vm4, $0x0, v24;
	v23 =	vadd.f32 v23, v26  }
0x1ec: {  	v14 =	vadd.f32 v14, v28;
	v26 =	vsel vm4, $0x0, v22;
	v28 =	vperm.xlane v25, v0  }
0x1ed: {  	v21 =	vnsel vm6, $0x0, v21;
	v20 =	vnsel vm6, $0x0, v20;
	v29 =	vld [tilespmem:s24+$0xFFFFFEB0];
	v13 =	vadd.f32 v13, v26  }
0x1ee: {  	v14 =	vadd.f32 v21, v14;
	v21 =	vperm.xlane v23, v0;
	v25 =	vadd.f32 v28, v25  }
0x1ef: {  	v24 =	vnsel vm4, $0x0, v24;
	v22 =	vnsel vm4, $0x0, v22;
	v13 =	vadd.f32 v20, v13  }
0x1f0: {  	v20 =	vunpack.i.u.bf16.f32 v27;
	v26 =	vunpack.i.l.bf16.f32 v27;
	v27 =	vperm.xlane v14, v0  }
0x1f1: {  	v28 =	vnsel vm2, $0x0, v26;
	v30 =	vnsel vm2, $0x0, v20;
	v26 =	vsel vm2, $0x0, v26  }
0x1f2: {  	v20 =	vsel vm2, $0x0, v20;
	v31 =	vunpack.i.u.bf16.f32 v29;
	v12 =	vadd.f32 v12, v26  }
0x1f3: {  	v26 =	vunpack.i.l.bf16.f32 v29;
	v29 =	vnsel vm0, $0x0, v31;
	v31 =	vsel vm0, $0x0, v31  }
0x1f4: {  	v19 =	vadd.f32 v29, v19;
	v29 =	vsel vm0, $0x0, v26;
	v18 =	vadd.f32 v18, v31  }
0x1f5: {  	v10 =	vadd.f32 v10, v20;
	v26 =	vnsel vm0, $0x0, v26;
	v11 =	vadd.f32 v11, v29  }
0x1f6: {  	v17 =	vadd.f32 v26, v17;
	v20 =	vperm.xlane v19, v0;
	v18 =	vadd.f32 v30, v18  }
0x1f7: {  	v10 =	vadd.f32 v22, v10;
	v22 =	vperm.xlane v13, v0;
	v11 =	vadd.f32 v28, v11  }
0x1f8: {  	v26 =	vperm.xlane v17, v0;
	v19 =	vadd.f32 v20, v19;
	v20 =	vperm.xlane v18, v0  }
0x1f9: {  	v12 =	vadd.f32 v24, v12;
	v24 =	vperm.xlane v10, v0;
	v28 =	vperm.xlane v11, v0  }
0x1fa: {  	v17 =	vadd.f32 v26, v17;
	v19 =	vperm.xlane v19, v1;
	v18 =	vadd.f32 v20, v18  }
0x1fb: {  	v13 =	vadd.f32 v22, v13;
	v10 =	vadd.f32 v24, v10;
	v20 =	vperm.xlane v12, v0  }
0x1fc: {  	v11 =	vadd.f32 v28, v11;
	v17 =	vsel vm1, v17, v19;
	v18 =	vperm.xlane v18, v1  }
0x1fd: {  	v14 =	vadd.f32 v27, v14;
	v13 =	vperm.xlane v13, v1;
	v19 =	vperm.xlane v17, v2  }
0x1fe: {  	v10 =	vperm.xlane v10, v1;
	v12 =	vadd.f32 v20, v12;
	v11 =	vsel vm1, v11, v18  }
0x1ff: {  	v17 =	vadd.f32 v19, v17;
	v18 =	vperm.xlane v11, v2;
	v19 =	vadd.f32 v21, v23  }
0x200: {  	v10 =	vsel vm1, v12, v10;
	v12 =	vsel vm1, v14, v13;
	v13 =	vperm.xlane v25, v1  }
0x201: {  	v14 =	vperm.xlane v17, v3;
	v11 =	vadd.f32 v18, v11;
	v18 =	vperm.xlane v10, v2  }
0x202: {  	v16 =	vperm.xlane v16, v1;
	v20 =	vperm.xlane v12, v2;
	v13 =	vsel vm1, v19, v13  }
0x203: {  	v14 =	vadd.f32 v14, v17;
	v17 =	vperm.xlane v11, v3;
	v10 =	vadd.f32 v18, v10  }
0x204: {  	v15 =	vsel vm1, v15, v16;
	v12 =	vadd.f32 v20, v12;
	v18 =	vperm.xlane v13, v2  }
0x205: {  	v16 =	vperm.xlane v14, v4;
	v11 =	vadd.f32 v17, v11;
	v17 =	vperm.xlane v10, v3  }
0x206: {  	v19 =	vperm.xlane v12, v3;
	v13 =	vadd.f32 v18, v13;
	v18 =	vperm.xlane v15, v2  }
0x207: {  	v14 =	vadd.f32 v16, v14;
	v16 =	vperm.xlane v11, v4;
	v10 =	vadd.f32 v17, v10  }
0x208: {  	v12 =	vadd.f32 v19, v12;
	v17 =	vperm.xlane v13, v3;
	v15 =	vadd.f32 v18, v15  }
0x209: {  	v14 =	vmul.f32 $1.999999960e-02, v14;
	v11 =	vadd.f32 v16, v11;
	v16 =	vperm.xlane v10, v4  }
0x20a: {  	v18 =	vperm.xlane v12, v4;
	v13 =	vadd.f32 v17, v13;
	v17 =	vperm.xlane v15, v3  }
0x20b: {  	v14 =	vnsel vm0, $0x0, v14;
	v11 =	vmul.f32 $1.999999960e-02, v11;
	v10 =	vadd.f32 v16, v10  }
0x20c: {  	v16 =	vperm.xlane v13, v4;
	v15 =	vadd.f32 v17, v15;
	v14 =	vadd.f32 v14, v5  }
0x20d: {  	v12 =	vadd.f32 v18, v12;
	v11 =	vsel vm3, $0x0, v11;
	v10 =	vmul.f32 $1.999999960e-02, v10  }
0x20e: {  	v8 =	vadd.f32 v9, v8;
	v11 =	vadd.f32 v11, v14;
	v14 =	vperm.xlane v15, v4  }
0x20f: {  	v9 =	vsel vm5, $0x0, v10;
	v10 =	vmul.f32 $1.999999960e-02, v12;
	v12 =	vadd.f32 v16, v13  }
0x210: {  	v6 =	vadd.f32 v7, v6;
	v9 =	vadd.f32 v9, v11;
	v11 =	vperm.xlane v8, v4  }
0x211: {  	v7 =	vsel vm7, $0x0, v10;
	v10 =	vmul.f32 $1.999999960e-02, v12;
	v12 =	vadd.f32 v14, v15  }
0x212: {  	v7 =	vadd.f32 v7, v9;
	v9 =	vperm.xlane v6, v4  }
0x213: {  	v8 =	vadd.f32 v11, v8;
	v10 =	vsel vm9, $0x0, v10;
	v12 =	vmul.f32 $1.999999960e-02, v12  }
0x214: {  	v7 =	vadd.f32 v10, v7  }
0x215: {  	v8 =	vmul.f32 $1.999999960e-02, v8;
	v6 =	vadd.f32 v9, v6;
	v10 =	vsel vm11, $0x0, v12  }
0x216: {  	v7 =	vadd.f32 v10, v7  }
0x217: {  	v8 =	vsel vm13, $0x0, v8;
	v6 =	vmul.f32 $1.999999960e-02, v6  }
0x218: {  	v7 =	vadd.f32 v8, v7  }
0x219: {  	v6 =	vsel vm12, $0x0, v6  }
0x21a: {  	v6 =	vadd.f32 v6, v7  }
0x21b: {  	s28 =	sshra.s32 s25, $0x2;
	s25 =	smov.u32 s26  }
0x21c: {  	s24 =	sadd.s32 $0x190, s24;
	[tilespmem:s28+$0xCA10] =	vst v6  }
0x21d: {  	v6 =	vld [tilespmem:s24+$0x0]  }
0x21e: {  	v7 =	vld [tilespmem:s24+$0xFFFFFFE0]  }
0x21f: {  	v8 =	vld [tilespmem:s24+$0xFFFFFFF0]  }
0x220: {  	v9 =	vld [tilespmem:s24+$0xFFFFFFB0]  }
0x221: {  	v10 =	vld [tilespmem:s24+$0xFFFFFFC0]  }
0x222: {  	v11 =	vld [tilespmem:s24+$0xFFFFFF80]  }
0x223: {  	v12 =	vld [tilespmem:s24+$0xFFFFFF90]  }
0x224: {  	v15 =	vunpack.i.u.bf16.f32 v6;
	v6 =	vunpack.i.l.bf16.f32 v6;
	v14 =	vunpack.i.l.bf16.f32 v7;
	v13 =	vld [tilespmem:s24+$0xFFFFFF50]  }
0x225: {  	v7 =	vunpack.i.u.bf16.f32 v7;
	v17 =	vunpack.i.u.bf16.f32 v8;
	v8 =	vunpack.i.l.bf16.f32 v8;
	v16 =	vld [tilespmem:s24+$0xFFFFFF60]  }
0x226: {  	v19 =	vunpack.i.l.bf16.f32 v9;
	v8 =	vadd.f32 v8, v14;
	v7 =	vadd.f32 v17, v7;
	v18 =	vld [tilespmem:s24+$0xFFFFFF20]  }
0x227: {  	v9 =	vunpack.i.u.bf16.f32 v9;
	v17 =	vunpack.i.u.bf16.f32 v10;
	v10 =	vunpack.i.l.bf16.f32 v10;
	v14 =	vld [tilespmem:s24+$0xFFFFFF30]  }
0x228: {  	v21 =	vunpack.i.l.bf16.f32 v11;
	v19 =	vadd.f32 v10, v19;
	v9 =	vadd.f32 v17, v9;
	v20 =	vld [tilespmem:s24+$0xFFFFFE80]  }
0x229: {  	v11 =	vunpack.i.u.bf16.f32 v11;
	v17 =	vunpack.i.u.bf16.f32 v12;
	v12 =	vunpack.i.l.bf16.f32 v12;
	v10 =	vld [tilespmem:s24+$0xFFFFFEF0]  }
0x22a: {  	v23 =	vunpack.i.l.bf16.f32 v13;
	v21 =	vadd.f32 v12, v21;
	v24 =	vadd.f32 v17, v11;
	v22 =	vld [tilespmem:s24+$0xFFFFFF00]  }
0x22b: {  	v12 =	vunpack.i.u.bf16.f32 v13;
	v13 =	vunpack.i.u.bf16.f32 v16;
	v16 =	vunpack.i.l.bf16.f32 v16;
	v11 =	vld [tilespmem:s24+$0xFFFFFEC0]  }
0x22c: {  	v25 =	vunpack.i.l.bf16.f32 v18;
	v16 =	vadd.f32 v16, v23;
	v26 =	vadd.f32 v13, v12;
	v17 =	vld [tilespmem:s24+$0xFFFFFED0]  }
0x22d: {  	v12 =	vunpack.i.u.bf16.f32 v18;
	v13 =	vunpack.i.u.bf16.f32 v14;
	v14 =	vunpack.i.l.bf16.f32 v14;
	v18 =	vld [tilespmem:s24+$0xFFFFFFD0]  }
0x22e: {  	v23 =	vunpack.i.l.bf16.f32 v20;
	v14 =	vadd.f32 v14, v25;
	v13 =	vadd.f32 v13, v12;
	v27 =	vld [tilespmem:s24+$0xFFFFFFA0]  }
0x22f: {  	v20 =	vunpack.i.u.bf16.f32 v20;
	v12 =	vunpack.i.l.bf16.f32 v10;
	v25 =	vunpack.i.l.bf16.f32 v22  }
0x230: {  	v10 =	vunpack.i.u.bf16.f32 v10;
	v22 =	vunpack.i.u.bf16.f32 v22;
	v12 =	vadd.f32 v25, v12  }
0x231: {  	v25 =	vunpack.i.l.bf16.f32 v11;
	v10 =	vadd.f32 v22, v10;
	v28 =	vunpack.i.l.bf16.f32 v17  }
0x232: {  	v22 =	vunpack.i.u.bf16.f32 v11;
	v29 =	vunpack.i.u.bf16.f32 v18;
	v11 =	vadd.f32 v28, v25  }
0x233: {  	v18 =	vunpack.i.l.bf16.f32 v18;
	v25 =	vunpack.i.u.bf16.f32 v27;
	v28 =	vsel vm12, $0x0, v29  }
0x234: {  	v32 =	vsel vm12, $0x0, v18;
	v30 =	vld [tilespmem:s24+$0xFFFFFE90];
	v31 =	vsel vm10, $0x0, v25;
	v7 =	vadd.f32 v7, v28  }
0x235: {  	v27 =	vunpack.i.l.bf16.f32 v27;
	v28 =	vnsel vm12, $0x0, v29;
	v9 =	vadd.f32 v9, v31  }
0x236: {  	v8 =	vadd.f32 v8, v32;
	v31 =	vsel vm10, $0x0, v27;
	v29 =	vld [tilespmem:s24+$0xFFFFFEA0];
	v7 =	vadd.f32 v15, v7  }
0x237: {  	v15 =	vunpack.i.u.bf16.f32 v17;
	v17 =	vadd.f32 v19, v31;
	v9 =	vadd.f32 v28, v9  }
0x238: {  	v18 =	vnsel vm12, $0x0, v18;
	v6 =	vadd.f32 v6, v8;
	v8 =	vperm.xlane v7, v0  }
0x239: {  	v17 =	vadd.f32 v18, v17;
	v19 =	vunpack.i.l.bf16.f32 v30;
	v18 =	vperm.xlane v9, v0  }
0x23a: {  	v28 =	vunpack.i.u.bf16.f32 v30;
	v30 =	vperm.xlane v6, v0;
	v7 =	vadd.f32 v8, v7  }
0x23b: {  	v32 =	vperm.xlane v17, v0;
	v8 =	vunpack.i.l.bf16.f32 v29;
	v31 =	vld [tilespmem:s24+$0xFFFFFF70];
	v9 =	vadd.f32 v18, v9  }
0x23c: {  	v18 =	vunpack.i.u.bf16.f32 v29;
	v6 =	vadd.f32 v30, v6;
	v7 =	vperm.xlane v7, v1  }
0x23d: {  	v8 =	vadd.f32 v8, v19;
	v19 =	vadd.f32 v32, v17;
	v9 =	vperm.xlane v9, v1  }
0x23e: {  	v28 =	vadd.f32 v18, v28;
	v18 =	vadd.f32 v15, v22;
	v6 =	vsel vm1, v6, v7  }
0x23f: {  	v17 =	vadd.f32 v8, v23;
	v7 =	vsel vm1, v19, v9;
	v8 =	vperm.xlane v6, v2  }
0x240: {  	v19 =	vadd.f32 v28, v20;
	v15 =	vld [tilespmem:s24+$0xFFFFFF40];
	v23 =	vunpack.i.l.bf16.f32 v31;
	v9 =	vperm.xlane v7, v2  }
0x241: {  	v28 =	vunpack.i.u.bf16.f32 v31;
	v20 =	vsel vm8, $0x0, v23;
	v6 =	vadd.f32 v8, v6  }
0x242: {  	v20 =	vadd.f32 v21, v20;
	v21 =	vsel vm8, $0x0, v28;
	v8 =	vadd.f32 v9, v7  }
0x243: {  	v9 =	vnsel vm10, $0x0, v27;
	v21 =	vadd.f32 v24, v21;
	v7 =	vperm.xlane v6, v3  }
0x244: {  	v25 =	vnsel vm10, $0x0, v25;
	v22 =	vld [tilespmem:s24+$0xFFFFFF10];
	v24 =	vadd.f32 v9, v20;
	v9 =	vperm.xlane v8, v3  }
.Ltmp2:
0x245: {  	v23 =	vnsel vm8, $0x0, v23;
	v20 =	vunpack.i.u.bf16.f32 v15;
	v27 =	vadd.f32 v25, v21;
	(pc) =	sbr.rel @p1 .LBB2_6-.Ltmp2, $4  }
0x246: {  	v21 =	vunpack.i.l.bf16.f32 v15;
	v15 =	vsel vm6, $0x0, v20;
	v25 =	vperm.xlane v24, v0  }
0x247: {  	v29 =	vsel vm6, $0x0, v21;
	v30 =	vadd.f32 v26, v15;
	v31 =	vperm.xlane v27, v0  }
0x248: {  	v26 =	vadd.f32 v16, v29;
	v16 =	vnsel vm8, $0x0, v28;
	v15 =	vadd.f32 v25, v24  }
0x249: {  	s26 =	sadd.s32 $0x40, s26;
	v24 =	vunpack.i.l.bf16.f32 v22;
	v25 =	vadd.f32 v16, v30;
	v16 =	vadd.f32 v31, v27  }
0x24a: {  	v27 =	vld [tilespmem:s24+$0xFFFFFEE0];
	v22 =	vunpack.i.u.bf16.f32 v22  }
0x24b: {  	v28 =	vsel vm4, $0x0, v24;
	v23 =	vadd.f32 v23, v26;
	v29 =	vld [tilespmem:s24+$0xFFFFFEB0];
	v21 =	vnsel vm6, $0x0, v21  }
0x24c: {  	v14 =	vadd.f32 v14, v28;
	v26 =	vsel vm4, $0x0, v22;
	v28 =	vperm.xlane v25, v0  }
0x24d: {  	v20 =	vnsel vm6, $0x0, v20;
	v24 =	vnsel vm4, $0x0, v24;
	v13 =	vadd.f32 v13, v26  }
0x24e: {  	v22 =	vnsel vm4, $0x0, v22;
	v14 =	vadd.f32 v21, v14;
	v25 =	vadd.f32 v28, v25  }
0x24f: {  	v13 =	vadd.f32 v20, v13;
	v20 =	vunpack.i.u.bf16.f32 v27;
	v26 =	vunpack.i.l.bf16.f32 v27  }
0x250: {  	v31 =	vunpack.i.u.bf16.f32 v29;
	v28 =	vnsel vm2, $0x0, v26;
	v26 =	vsel vm2, $0x0, v26  }
0x251: {  	v30 =	vnsel vm2, $0x0, v20;
	v20 =	vsel vm2, $0x0, v20;
	v12 =	vadd.f32 v12, v26  }
0x252: {  	v26 =	vunpack.i.l.bf16.f32 v29;
	v29 =	vnsel vm0, $0x0, v31;
	v31 =	vsel vm0, $0x0, v31  }
0x253: {  	v10 =	vadd.f32 v10, v20;
	v19 =	vadd.f32 v29, v19;
	v29 =	vsel vm0, $0x0, v26  }
0x254: {  	v18 =	vadd.f32 v18, v31;
	v26 =	vnsel vm0, $0x0, v26;
	v11 =	vadd.f32 v11, v29  }
0x255: {  	v27 =	vperm.xlane v14, v0;
	v17 =	vadd.f32 v26, v17;
	v10 =	vadd.f32 v22, v10  }
0x256: {  	v12 =	vadd.f32 v24, v12;
	v20 =	vperm.xlane v19, v0;
	v18 =	vadd.f32 v30, v18  }
0x257: {  	v11 =	vadd.f32 v28, v11;
	v26 =	vperm.xlane v17, v0;
	v24 =	vperm.xlane v10, v0  }
0x258: {  	v22 =	vperm.xlane v13, v0;
	v19 =	vadd.f32 v20, v19;
	v20 =	vperm.xlane v18, v0  }
0x259: {  	v28 =	vperm.xlane v11, v0;
	v17 =	vadd.f32 v26, v17;
	v10 =	vadd.f32 v24, v10  }
0x25a: {  	v19 =	vperm.xlane v19, v1;
	v18 =	vadd.f32 v20, v18;
	v20 =	vperm.xlane v12, v0  }
0x25b: {  	v13 =	vadd.f32 v22, v13;
	v11 =	vadd.f32 v28, v11;
	v10 =	vperm.xlane v10, v1  }
0x25c: {  	v17 =	vsel vm1, v17, v19;
	v18 =	vperm.xlane v18, v1;
	v12 =	vadd.f32 v20, v12  }
0x25d: {  	v14 =	vadd.f32 v27, v14;
	v13 =	vperm.xlane v13, v1;
	v19 =	vperm.xlane v17, v2  }
0x25e: {  	v21 =	vperm.xlane v23, v0;
	v11 =	vsel vm1, v11, v18;
	v10 =	vsel vm1, v12, v10  }
0x25f: {  	v12 =	vsel vm1, v14, v13;
	v17 =	vadd.f32 v19, v17;
	v18 =	vperm.xlane v11, v2  }
0x260: {  	v13 =	vperm.xlane v25, v1;
	v19 =	vadd.f32 v21, v23;
	v20 =	vperm.xlane v12, v2  }
0x261: {  	v14 =	vperm.xlane v17, v3;
	v11 =	vadd.f32 v18, v11;
	v18 =	vperm.xlane v10, v2  }
0x262: {  	v16 =	vperm.xlane v16, v1;
	v13 =	vsel vm1, v19, v13;
	v12 =	vadd.f32 v20, v12  }
0x263: {  	v14 =	vadd.f32 v14, v17;
	v17 =	vperm.xlane v11, v3;
	v10 =	vadd.f32 v18, v10  }
0x264: {  	v15 =	vsel vm1, v15, v16;
	v18 =	vperm.xlane v13, v2;
	v19 =	vperm.xlane v12, v3  }
0x265: {  	v16 =	vperm.xlane v14, v4;
	v11 =	vadd.f32 v17, v11;
	v17 =	vperm.xlane v10, v3  }
0x266: {  	v13 =	vadd.f32 v18, v13;
	v18 =	vperm.xlane v15, v2;
	v12 =	vadd.f32 v19, v12  }
0x267: {  	v14 =	vadd.f32 v16, v14;
	v16 =	vperm.xlane v11, v4;
	v10 =	vadd.f32 v17, v10  }
0x268: {  	v17 =	vperm.xlane v13, v3;
	v15 =	vadd.f32 v18, v15;
	v18 =	vperm.xlane v12, v4  }
0x269: {  	v14 =	vmul.f32 $1.999999960e-02, v14;
	v11 =	vadd.f32 v16, v11;
	v16 =	vperm.xlane v10, v4  }
0x26a: {  	v13 =	vadd.f32 v17, v13;
	v17 =	vperm.xlane v15, v3;
	v12 =	vadd.f32 v18, v12  }
0x26b: {  	v14 =	vnsel vm0, $0x0, v14;
	v11 =	vmul.f32 $1.999999960e-02, v11;
	v10 =	vadd.f32 v16, v10  }
0x26c: {  	v15 =	vadd.f32 v17, v15;
	v14 =	vadd.f32 v14, v5  }
0x26d: {  	v16 =	vperm.xlane v13, v4;
	v11 =	vsel vm3, $0x0, v11;
	v10 =	vmul.f32 $1.999999960e-02, v10  }
0x26e: {  	v8 =	vadd.f32 v9, v8;
	v11 =	vadd.f32 v11, v14;
	v14 =	vperm.xlane v15, v4  }
0x26f: {  	v9 =	vsel vm5, $0x0, v10;
	v10 =	vmul.f32 $1.999999960e-02, v12;
	v12 =	vadd.f32 v16, v13  }
0x270: {  	v6 =	vadd.f32 v7, v6;
	v9 =	vadd.f32 v9, v11;
	v11 =	vperm.xlane v8, v4  }
0x271: {  	v7 =	vsel vm7, $0x0, v10;
	v10 =	vmul.f32 $1.999999960e-02, v12;
	v12 =	vadd.f32 v14, v15  }
0x272: {  	v7 =	vadd.f32 v7, v9;
	v9 =	vperm.xlane v6, v4  }
0x273: {  	v8 =	vadd.f32 v11, v8;
	v10 =	vsel vm9, $0x0, v10;
	v12 =	vmul.f32 $1.999999960e-02, v12  }
0x274: {  	v7 =	vadd.f32 v10, v7  }
0x275: {  	v8 =	vmul.f32 $1.999999960e-02, v8;
	v6 =	vadd.f32 v9, v6;
	v10 =	vsel vm11, $0x0, v12  }
0x276: {  	v7 =	vadd.f32 v10, v7  }
0x277: {  	v8 =	vsel vm13, $0x0, v8;
	v6 =	vmul.f32 $1.999999960e-02, v6  }
0x278: {  	v7 =	vadd.f32 v8, v7  }
0x279: {  	v6 =	vsel vm12, $0x0, v6  }
0x27a: {  	v6 =	vadd.f32 v6, v7  }
0x27b: {  	s30 =	sshra.s32 s25, $0x2  }
0x27c: {  	[tilespmem:s30+$0xCA10] =	vst v6  }
0x27d: {  	_ =	swait.ge [sflag:s13], $0x1900  }
0x27e: {  	[sflag:s13] =	ssyncset.done $0x0  }
0x27f: {  	s31 =	simm.s32 $0x0;
	[sflag:s13] =	ssyncadd.s32 $0xFFFFE700  }
0x280: {  	v6 =	vld [tilespmem:s31+$0xB080]  }
0x281: {  	v7 =	vld [tilespmem:s31+$0xB060]  }
0x282: {  	v8 =	vld [tilespmem:s31+$0xB070]  }
0x283: {  	v9 =	vld [tilespmem:s31+$0xB030]  }
0x284: {  	v11 =	vld [tilespmem:s31+$0xB000]  }
0x285: {  	v13 =	vld [tilespmem:s31+$0xAFD0]  }
0x286: {  	v10 =	vld [tilespmem:s31+$0xB040]  }
0x287: {  	v18 =	vld [tilespmem:s31+$0xAFA0];
	v14 =	vunpack.i.l.bf16.f32 v7;
	v15 =	vunpack.i.u.bf16.f32 v6;
	v6 =	vunpack.i.l.bf16.f32 v6  }
0x288: {  	v12 =	vld [tilespmem:s31+$0xB010];
	v7 =	vunpack.i.u.bf16.f32 v7;
	v17 =	vunpack.i.u.bf16.f32 v8;
	v8 =	vunpack.i.l.bf16.f32 v8  }
0x289: {  	v20 =	vld [tilespmem:s31+$0xAF00];
	v19 =	vunpack.i.l.bf16.f32 v9;
	v9 =	vunpack.i.u.bf16.f32 v9;
	v21 =	vunpack.i.l.bf16.f32 v11  }
0x28a: {  	v16 =	vld [tilespmem:s31+$0xAFE0];
	v11 =	vunpack.i.u.bf16.f32 v11;
	v23 =	vunpack.i.l.bf16.f32 v13;
	v13 =	vunpack.i.u.bf16.f32 v13  }
0x28b: {  	v24 =	vld [tilespmem:s31+$0xAF50];
	v7 =	vadd.f32 v17, v7;
	v17 =	vunpack.i.u.bf16.f32 v10;
	v10 =	vunpack.i.l.bf16.f32 v10  }
0x28c: {  	v25 =	vunpack.i.l.bf16.f32 v18;
	v8 =	vadd.f32 v8, v14;
	v14 =	vld [tilespmem:s31+$0xAFB0];
	v10 =	vadd.f32 v10, v19  }
0x28d: {  	v9 =	vadd.f32 v17, v9;
	v17 =	vld [tilespmem:s31+$0xAF70];
	v19 =	vunpack.i.u.bf16.f32 v12;
	v12 =	vunpack.i.l.bf16.f32 v12  }
0x28e: {  	v22 =	vld [tilespmem:s31+$0xAF80];
	v18 =	vunpack.i.u.bf16.f32 v18;
	v26 =	vunpack.i.l.bf16.f32 v20;
	v12 =	vadd.f32 v12, v21  }
0x28f: {  	v11 =	vadd.f32 v19, v11;
	v19 =	vld [tilespmem:s31+$0xAF40];
	v21 =	vunpack.i.u.bf16.f32 v16;
	v16 =	vunpack.i.l.bf16.f32 v16  }
0x290: {  	v20 =	vunpack.i.u.bf16.f32 v20;
	v28 =	vunpack.i.l.bf16.f32 v24;
	v16 =	vadd.f32 v16, v23;
	v23 =	vld [tilespmem:s31+$0xB050]  }
0x291: {  	v27 =	vld [tilespmem:s31+$0xB020];
	v13 =	vadd.f32 v21, v13;
	v21 =	vunpack.i.u.bf16.f32 v14;
	v14 =	vunpack.i.l.bf16.f32 v14  }
0x292: {  	v14 =	vadd.f32 v14, v25;
	v18 =	vadd.f32 v21, v18;
	v21 =	vunpack.i.l.bf16.f32 v17  }
0x293: {  	v25 =	vunpack.i.l.bf16.f32 v22;
	v17 =	vunpack.i.u.bf16.f32 v17;
	v22 =	vunpack.i.u.bf16.f32 v22  }
0x294: {  	v21 =	vadd.f32 v25, v21;
	v25 =	vunpack.i.l.bf16.f32 v19;
	v17 =	vadd.f32 v22, v17  }
0x295: {  	v19 =	vunpack.i.u.bf16.f32 v19;
	v22 =	vunpack.i.u.bf16.f32 v23;
	v25 =	vadd.f32 v28, v25  }
0x296: {  	v48 =	vld [tilespmem:s31+$0xAF10];
	v28 =	vunpack.i.u.bf16.f32 v27;
	v23 =	vunpack.i.l.bf16.f32 v23;
	v27 =	vunpack.i.l.bf16.f32 v27  }
0x297: {  	v29 =	vsel vm12, $0x0, v22;
	v49 =	vsel vm10, $0x0, v28;
	v32 =	vsel vm12, $0x0, v23  }
0x298: {  	v50 =	vsel vm10, $0x0, v27;
	v7 =	vadd.f32 v7, v29;
	v9 =	vadd.f32 v9, v49  }
0x299: {  	v22 =	vnsel vm12, $0x0, v22;
	v29 =	vld [tilespmem:s31+$0xAF20];
	v8 =	vadd.f32 v8, v32;
	v10 =	vadd.f32 v10, v50  }
0x29a: {  	v7 =	vadd.f32 v15, v7;
	v15 =	vunpack.i.u.bf16.f32 v24;
	v9 =	vadd.f32 v22, v9  }
0x29b: {  	v22 =	vnsel vm12, $0x0, v23;
	v6 =	vadd.f32 v6, v8;
	v23 =	vunpack.i.l.bf16.f32 v48  }
0x29c: {  	v52 =	vld [tilespmem:s31+$0xAFF0];
	v24 =	vunpack.i.u.bf16.f32 v48;
	v10 =	vadd.f32 v22, v10;
	v8 =	vperm.xlane v7, v0  }
0x29d: {  	v15 =	vadd.f32 v15, v19;
	v22 =	vperm.xlane v9, v0;
	v51 =	vperm.xlane v6, v0  }
0x29e: {  	v53 =	vperm.xlane v10, v0;
	v7 =	vadd.f32 v8, v7;
	v8 =	vunpack.i.l.bf16.f32 v29  }
0x29f: {  	v9 =	vadd.f32 v22, v9;
	v22 =	vunpack.i.u.bf16.f32 v29;
	v6 =	vadd.f32 v51, v6  }
0x2a0: {  	v8 =	vadd.f32 v8, v23;
	v22 =	vadd.f32 v22, v24;
	v7 =	vperm.xlane v7, v1  }
0x2a1: {  	v10 =	vadd.f32 v53, v10;
	v23 =	vunpack.i.u.bf16.f32 v52;
	v9 =	vperm.xlane v9, v1  }
0x2a2: {  	v19 =	vadd.f32 v8, v26;
	v20 =	vadd.f32 v22, v20;
	v6 =	vsel vm1, v6, v7  }
0x2a3: {  	v7 =	vsel vm1, v10, v9;
	v9 =	vld [tilespmem:s31+$0xAFC0];
	v10 =	vunpack.i.l.bf16.f32 v52;
	v8 =	vperm.xlane v6, v2  }
0x2a4: {  	v22 =	vperm.xlane v7, v2;
	v24 =	vsel vm8, $0x0, v10;
	v10 =	vnsel vm8, $0x0, v10  }
0x2a5: {  	v12 =	vadd.f32 v12, v24;
	v24 =	vsel vm8, $0x0, v23;
	v23 =	vnsel vm8, $0x0, v23  }
0x2a6: {  	v6 =	vadd.f32 v8, v6;
	v8 =	vadd.f32 v22, v7;
	v22 =	vnsel vm10, $0x0, v27  }
0x2a7: {  	v11 =	vadd.f32 v11, v24;
	v24 =	vld [tilespmem:s31+$0xAF90];
	v12 =	vadd.f32 v22, v12;
	v22 =	vnsel vm10, $0x0, v28  }
0x2a8: {  	v7 =	vperm.xlane v6, v3;
	v26 =	vperm.xlane v8, v3;
	v27 =	vunpack.i.u.bf16.f32 v9  }
0x2a9: {  	v11 =	vadd.f32 v22, v11;
	v9 =	vunpack.i.l.bf16.f32 v9;
	v22 =	vsel vm6, $0x0, v27  }
0x2aa: {  	v28 =	vperm.xlane v12, v0;
	v29 =	vsel vm6, $0x0, v9;
	v13 =	vadd.f32 v13, v22  }
0x2ab: {  	v9 =	vnsel vm6, $0x0, v9;
	v22 =	vperm.xlane v11, v0;
	v16 =	vadd.f32 v16, v29  }
0x2ac: {  	v29 =	vld [tilespmem:s31+$0xAF30];
	v12 =	vadd.f32 v28, v12;
	v28 =	vunpack.i.l.bf16.f32 v24;
	v13 =	vadd.f32 v23, v13  }
0x2ad: {  	v11 =	vadd.f32 v22, v11;
	v22 =	vld [tilespmem:s31+$0xAF60];
	v23 =	vunpack.i.u.bf16.f32 v24;
	v24 =	vsel vm4, $0x0, v28  }
0x2ae: {  	v10 =	vadd.f32 v10, v16;
	v14 =	vadd.f32 v14, v24;
	v16 =	vsel vm4, $0x0, v23  }
0x2af: {  	v23 =	vnsel vm4, $0x0, v23;
	v24 =	vperm.xlane v13, v0;
	v16 =	vadd.f32 v18, v16  }
0x2b0: {  	v18 =	vnsel vm6, $0x0, v27;
	v9 =	vadd.f32 v9, v14;
	v14 =	vperm.xlane v10, v0  }
0x2b1: {  	v55 =	vunpack.i.u.bf16.f32 v29;
	v13 =	vadd.f32 v24, v13;
	v24 =	vnsel vm4, $0x0, v28  }
0x2b2: {  	v16 =	vadd.f32 v18, v16;
	v31 =	vsel vm0, $0x0, v55;
	v18 =	vunpack.i.u.bf16.f32 v22  }
0x2b3: {  	v22 =	vunpack.i.l.bf16.f32 v22;
	v27 =	vperm.xlane v9, v0;
	v15 =	vadd.f32 v15, v31  }
0x2b4: {  	v28 =	vnsel vm2, $0x0, v22;
	v54 =	vnsel vm2, $0x0, v18;
	v22 =	vsel vm2, $0x0, v22  }
0x2b5: {  	v21 =	vadd.f32 v21, v22;
	v22 =	vunpack.i.l.bf16.f32 v29;
	v29 =	vnsel vm0, $0x0, v55  }
0x2b6: {  	v18 =	vsel vm2, $0x0, v18;
	v20 =	vadd.f32 v29, v20;
	v29 =	vsel vm0, $0x0, v22  }
0x2b7: {  	v17 =	vadd.f32 v17, v18;
	v22 =	vnsel vm0, $0x0, v22;
	v25 =	vadd.f32 v25, v29  }
0x2b8: {  	v15 =	vadd.f32 v54, v15;
	v18 =	vadd.f32 v22, v19;
	v19 =	vperm.xlane v20, v0  }
0x2b9: {  	v17 =	vadd.f32 v23, v17;
	v23 =	vperm.xlane v16, v0;
	v22 =	vadd.f32 v28, v25  }
0x2ba: {  	v25 =	vperm.xlane v18, v0;
	v19 =	vadd.f32 v19, v20;
	v20 =	vperm.xlane v15, v0  }
0x2bb: {  	v21 =	vadd.f32 v24, v21;
	v24 =	vperm.xlane v17, v0;
	v28 =	vperm.xlane v22, v0  }
0x2bc: {  	v18 =	vadd.f32 v25, v18;
	v19 =	vperm.xlane v19, v1;
	v15 =	vadd.f32 v20, v15  }
0x2bd: {  	v16 =	vadd.f32 v23, v16;
	v17 =	vadd.f32 v24, v17;
	v20 =	vperm.xlane v21, v0  }
0x2be: {  	v18 =	vsel vm1, v18, v19;
	v19 =	vadd.f32 v28, v22;
	v15 =	vperm.xlane v15, v1  }
0x2bf: {  	v9 =	vadd.f32 v27, v9;
	v16 =	vperm.xlane v16, v1;
	v22 =	vperm.xlane v18, v2  }
0x2c0: {  	v17 =	vperm.xlane v17, v1;
	v15 =	vsel vm1, v19, v15;
	v19 =	vadd.f32 v20, v21  }
0x2c1: {  	v10 =	vadd.f32 v14, v10;
	v18 =	vadd.f32 v22, v18;
	v20 =	vperm.xlane v15, v2  }
0x2c2: {  	v13 =	vperm.xlane v13, v1;
	v9 =	vsel vm1, v9, v16;
	v14 =	vsel vm1, v19, v17  }
0x2c3: {  	v16 =	vperm.xlane v18, v3;
	v15 =	vadd.f32 v20, v15;
	v17 =	vperm.xlane v14, v2  }
0x2c4: {  	v11 =	vperm.xlane v11, v1;
	v10 =	vsel vm1, v10, v13;
	v19 =	vperm.xlane v9, v2  }
0x2c5: {  	v13 =	vadd.f32 v16, v18;
	v16 =	vperm.xlane v15, v3;
	v14 =	vadd.f32 v17, v14  }
0x2c6: {  	v11 =	vsel vm1, v12, v11;
	v9 =	vadd.f32 v19, v9;
	v17 =	vperm.xlane v10, v2  }
0x2c7: {  	v12 =	vperm.xlane v13, v4;
	v15 =	vadd.f32 v16, v15;
	v16 =	vperm.xlane v14, v3  }
0x2c8: {  	v18 =	vperm.xlane v9, v3;
	v10 =	vadd.f32 v17, v10;
	v17 =	vperm.xlane v11, v2  }
0x2c9: {  	v12 =	vadd.f32 v12, v13;
	v13 =	vperm.xlane v15, v4;
	v14 =	vadd.f32 v16, v14  }
0x2ca: {  	v9 =	vadd.f32 v18, v9;
	v16 =	vperm.xlane v10, v3;
	v11 =	vadd.f32 v17, v11  }
0x2cb: {  	v12 =	vmul.f32 $1.999999960e-02, v12;
	v13 =	vadd.f32 v13, v15;
	v15 =	vperm.xlane v14, v4  }
0x2cc: {  	v17 =	vperm.xlane v9, v4;
	v10 =	vadd.f32 v16, v10;
	v16 =	vperm.xlane v11, v3  }
0x2cd: {  	v12 =	vnsel vm0, $0x0, v12;
	v13 =	vmul.f32 $1.999999960e-02, v13;
	v14 =	vadd.f32 v15, v14  }
0x2ce: {  	v9 =	vadd.f32 v17, v9;
	v15 =	vperm.xlane v10, v4;
	v12 =	vadd.f32 v12, v5  }
0x2cf: {  	v11 =	vadd.f32 v16, v11;
	v13 =	vsel vm3, $0x0, v13;
	v14 =	vmul.f32 $1.999999960e-02, v14  }
0x2d0: {  	v8 =	vadd.f32 v26, v8;
	v9 =	vmul.f32 $1.999999960e-02, v9;
	v12 =	vadd.f32 v13, v12  }
0x2d1: {  	v10 =	vadd.f32 v15, v10;
	v13 =	vperm.xlane v11, v4;
	v14 =	vsel vm5, $0x0, v14  }
0x2d2: {  	v6 =	vadd.f32 v7, v6;
	v7 =	vsel vm7, $0x0, v9;
	v12 =	vadd.f32 v14, v12  }
0x2d3: {  	v9 =	vmul.f32 $1.999999960e-02, v10;
	v14 =	vperm.xlane v8, v4;
	v10 =	vadd.f32 v13, v11  }
0x2d4: {  	v11 =	vperm.xlane v6, v4;
	v7 =	vadd.f32 v7, v12  }
0x2d5: {  	v9 =	vsel vm9, $0x0, v9;
	v10 =	vmul.f32 $1.999999960e-02, v10;
	v8 =	vadd.f32 v14, v8  }
0x2d6: {  	v7 =	vadd.f32 v9, v7  }
0x2d7: {  	v6 =	vadd.f32 v11, v6;
	v9 =	vsel vm11, $0x0, v10;
	v8 =	vmul.f32 $1.999999960e-02, v8  }
0x2d8: {  	v7 =	vadd.f32 v9, v7  }
0x2d9: {  	v6 =	vmul.f32 $1.999999960e-02, v6;
	v8 =	vsel vm13, $0x0, v8  }
0x2da: {  	v7 =	vadd.f32 v8, v7  }
0x2db: {  	v6 =	vsel vm12, $0x0, v6  }
0x2dc: {  	v6 =	vadd.f32 v6, v7  }
0x2dd: {  	s24 =	simm.s32 $0xCB10  }
0x2de: {  	s26 =	simm.s32 $0x190;
	[tilespmem:s24+$0x0] =	vst v6  }
0x2df: {  	v6 =	vld [tilespmem:s26+$0xB080]  }
0x2e0: {  	v7 =	vld [tilespmem:s26+$0xB060]  }
0x2e1: {  	v8 =	vld [tilespmem:s26+$0xB070]  }
0x2e2: {  	v9 =	vld [tilespmem:s26+$0xB030]  }
0x2e3: {  	v11 =	vld [tilespmem:s26+$0xB000]  }
0x2e4: {  	v10 =	vld [tilespmem:s26+$0xB040]  }
0x2e5: {  	v12 =	vld [tilespmem:s26+$0xB010]  }
0x2e6: {  	v13 =	vld [tilespmem:s26+$0xAFD0];
	v14 =	vunpack.i.l.bf16.f32 v7;
	v15 =	vunpack.i.u.bf16.f32 v6;
	v6 =	vunpack.i.l.bf16.f32 v6  }
0x2e7: {  	v16 =	vld [tilespmem:s26+$0xAFE0];
	v7 =	vunpack.i.u.bf16.f32 v7;
	v17 =	vunpack.i.u.bf16.f32 v8;
	v8 =	vunpack.i.l.bf16.f32 v8  }
0x2e8: {  	v18 =	vld [tilespmem:s26+$0xAFA0];
	v19 =	vunpack.i.l.bf16.f32 v9;
	v9 =	vunpack.i.u.bf16.f32 v9;
	v21 =	vunpack.i.l.bf16.f32 v11  }
0x2e9: {  	v20 =	vld [tilespmem:s26+$0xAF00];
	v7 =	vadd.f32 v17, v7;
	v17 =	vunpack.i.u.bf16.f32 v10;
	v10 =	vunpack.i.l.bf16.f32 v10  }
0x2ea: {  	v11 =	vunpack.i.u.bf16.f32 v11;
	v8 =	vadd.f32 v8, v14;
	v14 =	vld [tilespmem:s26+$0xAFB0];
	v19 =	vadd.f32 v10, v19  }
0x2eb: {  	v22 =	vld [tilespmem:s26+$0xAF80];
	v9 =	vadd.f32 v17, v9;
	v17 =	vunpack.i.u.bf16.f32 v12;
	v12 =	vunpack.i.l.bf16.f32 v12  }
0x2ec: {  	v23 =	vunpack.i.l.bf16.f32 v13;
	v10 =	vld [tilespmem:s26+$0xAF70];
	v21 =	vadd.f32 v12, v21;
	v24 =	vadd.f32 v17, v11  }
0x2ed: {  	v11 =	vld [tilespmem:s26+$0xAF40];
	v12 =	vunpack.i.u.bf16.f32 v13;
	v13 =	vunpack.i.u.bf16.f32 v16;
	v16 =	vunpack.i.l.bf16.f32 v16  }
0x2ee: {  	v25 =	vunpack.i.l.bf16.f32 v18;
	v17 =	vld [tilespmem:s26+$0xAF50];
	v27 =	vadd.f32 v16, v23;
	v26 =	vadd.f32 v13, v12  }
0x2ef: {  	v12 =	vunpack.i.u.bf16.f32 v18;
	v16 =	vld [tilespmem:s26+$0xB050];
	v13 =	vunpack.i.u.bf16.f32 v14;
	v14 =	vunpack.i.l.bf16.f32 v14  }
0x2f0: {  	v18 =	vunpack.i.l.bf16.f32 v20;
	v23 =	vld [tilespmem:s26+$0xB020];
	v20 =	vunpack.i.u.bf16.f32 v20;
	v14 =	vadd.f32 v14, v25  }
0x2f1: {  	v13 =	vadd.f32 v13, v12;
	v12 =	vunpack.i.l.bf16.f32 v10;
	v25 =	vunpack.i.l.bf16.f32 v22  }
0x2f2: {  	v10 =	vunpack.i.u.bf16.f32 v10;
	v22 =	vunpack.i.u.bf16.f32 v22;
	v12 =	vadd.f32 v25, v12  }
0x2f3: {  	v25 =	vunpack.i.l.bf16.f32 v11;
	v28 =	vunpack.i.l.bf16.f32 v17;
	v10 =	vadd.f32 v22, v10  }
0x2f4: {  	v22 =	vunpack.i.u.bf16.f32 v11;
	v29 =	vunpack.i.u.bf16.f32 v16;
	v11 =	vadd.f32 v28, v25  }
0x2f5: {  	v25 =	vunpack.i.u.bf16.f32 v23;
	v16 =	vunpack.i.l.bf16.f32 v16;
	v28 =	vsel vm12, $0x0, v29  }
0x2f6: {  	v56 =	vld [tilespmem:s26+$0xAF10];
	v23 =	vunpack.i.l.bf16.f32 v23;
	v57 =	vsel vm10, $0x0, v25;
	v7 =	vadd.f32 v7, v28  }
0x2f7: {  	v58 =	vsel vm12, $0x0, v16;
	v59 =	vsel vm10, $0x0, v23;
	v9 =	vadd.f32 v9, v57  }
0x2f8: {  	v28 =	vnsel vm12, $0x0, v29;
	v29 =	vld [tilespmem:s26+$0xAF20];
	v8 =	vadd.f32 v8, v58;
	v7 =	vadd.f32 v15, v7  }
0x2f9: {  	v15 =	vunpack.i.u.bf16.f32 v17;
	v17 =	vadd.f32 v19, v59;
	v9 =	vadd.f32 v28, v9  }
0x2fa: {  	v61 =	vld [tilespmem:s26+$0xAFF0];
	v16 =	vnsel vm12, $0x0, v16;
	v6 =	vadd.f32 v6, v8;
	v8 =	vperm.xlane v7, v0  }
0x2fb: {  	v19 =	vunpack.i.l.bf16.f32 v56;
	v16 =	vadd.f32 v16, v17;
	v17 =	vperm.xlane v9, v0  }
0x2fc: {  	v28 =	vunpack.i.u.bf16.f32 v56;
	v60 =	vperm.xlane v6, v0;
	v7 =	vadd.f32 v8, v7  }
0x2fd: {  	v8 =	vunpack.i.l.bf16.f32 v29;
	v62 =	vperm.xlane v16, v0;
	v9 =	vadd.f32 v17, v9  }
0x2fe: {  	v17 =	vunpack.i.u.bf16.f32 v29;
	v6 =	vadd.f32 v60, v6;
	v8 =	vadd.f32 v8, v19  }
0x2ff: {  	v28 =	vadd.f32 v17, v28;
	v17 =	vadd.f32 v15, v22;
	v22 =	vunpack.i.l.bf16.f32 v61  }
0x300: {  	v7 =	vperm.xlane v7, v1;
	v19 =	vadd.f32 v62, v16;
	v9 =	vperm.xlane v9, v1  }
0x301: {  	v15 =	vld [tilespmem:s26+$0xAFC0];
	v16 =	vadd.f32 v8, v18;
	v18 =	vadd.f32 v28, v20;
	v28 =	vunpack.i.u.bf16.f32 v61  }
0x302: {  	v6 =	vsel vm1, v6, v7;
	v7 =	vsel vm1, v19, v9;
	v19 =	vsel vm8, $0x0, v22  }
0x303: {  	v20 =	vsel vm8, $0x0, v28;
	v8 =	vperm.xlane v6, v2;
	v9 =	vperm.xlane v7, v2  }
0x304: {  	v19 =	vadd.f32 v21, v19;
	v20 =	vadd.f32 v24, v20;
	v21 =	vnsel vm8, $0x0, v22  }
0x305: {  	v6 =	vadd.f32 v8, v6;
	v8 =	vadd.f32 v9, v7;
	v9 =	vnsel vm10, $0x0, v23  }
0x306: {  	v22 =	vld [tilespmem:s26+$0xAF90];
	v23 =	vnsel vm10, $0x0, v25;
	v29 =	vadd.f32 v9, v19;
	v19 =	vunpack.i.u.bf16.f32 v15  }
0x307: {  	v23 =	vadd.f32 v23, v20;
	v20 =	vunpack.i.l.bf16.f32 v15;
	v7 =	vperm.xlane v6, v3  }
0x308: {  	v9 =	vperm.xlane v8, v3;
	v15 =	vsel vm6, $0x0, v19;
	v63 =	vperm.xlane v29, v0  }
0x309: {  	v24 =	vsel vm6, $0x0, v20;
	v25 =	vadd.f32 v26, v15;
	v26 =	vperm.xlane v23, v0  }
0x30a: {  	s25 =	simm.s32 $0xC80;
	v24 =	vadd.f32 v27, v24;
	v27 =	vnsel vm8, $0x0, v28;
	v15 =	vadd.f32 v63, v29  }
.LBB2_8:
0x30b: {  	p1 =	sne.s32 s25, $0x5DC0;
	v28 =	vunpack.i.l.bf16.f32 v22;
	v25 =	vadd.f32 v27, v25;
	v23 =	vadd.f32 v26, v23  }
0x30c: {  	v22 =	vunpack.i.u.bf16.f32 v22;
	v26 =	vld [tilespmem:s26+$0xAF60];
	v27 =	vsel vm4, $0x0, v28;
	v21 =	vadd.f32 v21, v24  }
0x30d: {  	v24 =	vsel vm4, $0x0, v22;
	v14 =	vadd.f32 v14, v27;
	v27 =	vperm.xlane v25, v0  }
0x30e: {  	v20 =	vnsel vm6, $0x0, v20;
	v19 =	vnsel vm6, $0x0, v19;
	v13 =	vadd.f32 v13, v24;
	v29 =	vld [tilespmem:s26+$0xAF30]  }
0x30f: {  	v14 =	vadd.f32 v20, v14;
	v20 =	vperm.xlane v21, v0;
	v24 =	vadd.f32 v27, v25  }
0x310: {  	v22 =	vnsel vm4, $0x0, v22;
	v25 =	vnsel vm4, $0x0, v28;
	v13 =	vadd.f32 v19, v13  }
0x311: {  	v19 =	vunpack.i.u.bf16.f32 v26;
	v26 =	vunpack.i.l.bf16.f32 v26;
	v27 =	vperm.xlane v14, v0  }
0x312: {  	v28 =	vnsel vm2, $0x0, v26;
	v30 =	vnsel vm2, $0x0, v19;
	v26 =	vsel vm2, $0x0, v26  }
0x313: {  	v19 =	vsel vm2, $0x0, v19;
	v31 =	vunpack.i.u.bf16.f32 v29;
	v12 =	vadd.f32 v12, v26  }
0x314: {  	v26 =	vunpack.i.l.bf16.f32 v29;
	v29 =	vnsel vm0, $0x0, v31;
	v31 =	vsel vm0, $0x0, v31  }
0x315: {  	v18 =	vadd.f32 v29, v18;
	v29 =	vsel vm0, $0x0, v26;
	v17 =	vadd.f32 v17, v31  }
0x316: {  	v10 =	vadd.f32 v10, v19;
	v26 =	vnsel vm0, $0x0, v26;
	v11 =	vadd.f32 v11, v29  }
0x317: {  	v16 =	vadd.f32 v26, v16;
	v19 =	vperm.xlane v18, v0;
	v17 =	vadd.f32 v30, v17  }
0x318: {  	v10 =	vadd.f32 v22, v10;
	v22 =	vperm.xlane v13, v0;
	v11 =	vadd.f32 v28, v11  }
0x319: {  	v26 =	vperm.xlane v16, v0;
	v18 =	vadd.f32 v19, v18;
	v19 =	vperm.xlane v17, v0  }
0x31a: {  	v12 =	vadd.f32 v25, v12;
	v25 =	vperm.xlane v10, v0;
	v28 =	vperm.xlane v11, v0  }
0x31b: {  	v16 =	vadd.f32 v26, v16;
	v18 =	vperm.xlane v18, v1;
	v17 =	vadd.f32 v19, v17  }
0x31c: {  	v13 =	vadd.f32 v22, v13;
	v10 =	vadd.f32 v25, v10;
	v19 =	vperm.xlane v12, v0  }
0x31d: {  	v11 =	vadd.f32 v28, v11;
	v16 =	vsel vm1, v16, v18;
	v17 =	vperm.xlane v17, v1  }
0x31e: {  	v14 =	vadd.f32 v27, v14;
	v13 =	vperm.xlane v13, v1;
	v18 =	vperm.xlane v16, v2  }
0x31f: {  	v10 =	vperm.xlane v10, v1;
	v12 =	vadd.f32 v19, v12;
	v11 =	vsel vm1, v11, v17  }
0x320: {  	v16 =	vadd.f32 v18, v16;
	v17 =	vperm.xlane v11, v2;
	v18 =	vadd.f32 v20, v21  }
0x321: {  	v10 =	vsel vm1, v12, v10;
	v12 =	vsel vm1, v14, v13;
	v13 =	vperm.xlane v24, v1  }
0x322: {  	v14 =	vperm.xlane v16, v3;
	v11 =	vadd.f32 v17, v11;
	v17 =	vperm.xlane v10, v2  }
0x323: {  	v19 =	vperm.xlane v12, v2;
	v13 =	vsel vm1, v18, v13;
	v18 =	vperm.xlane v23, v1  }
0x324: {  	v14 =	vadd.f32 v14, v16;
	v16 =	vperm.xlane v11, v3;
	v10 =	vadd.f32 v17, v10  }
0x325: {  	v12 =	vadd.f32 v19, v12;
	v17 =	vperm.xlane v13, v2;
	v15 =	vsel vm1, v15, v18  }
0x326: {  	v18 =	vperm.xlane v14, v4;
	v11 =	vadd.f32 v16, v11;
	v16 =	vperm.xlane v10, v3  }
0x327: {  	v19 =	vperm.xlane v12, v3;
	v13 =	vadd.f32 v17, v13;
	v17 =	vperm.xlane v15, v2  }
0x328: {  	v14 =	vadd.f32 v18, v14;
	v18 =	vperm.xlane v11, v4;
	v10 =	vadd.f32 v16, v10  }
0x329: {  	v12 =	vadd.f32 v19, v12;
	v16 =	vperm.xlane v13, v3;
	v15 =	vadd.f32 v17, v15  }
0x32a: {  	v14 =	vmul.f32 $1.999999960e-02, v14;
	v11 =	vadd.f32 v18, v11;
	v17 =	vperm.xlane v10, v4  }
0x32b: {  	v18 =	vperm.xlane v12, v4;
	v13 =	vadd.f32 v16, v13;
	v16 =	vperm.xlane v15, v3  }
0x32c: {  	v14 =	vnsel vm0, $0x0, v14;
	v11 =	vmul.f32 $1.999999960e-02, v11;
	v10 =	vadd.f32 v17, v10  }
0x32d: {  	v17 =	vperm.xlane v13, v4;
	v15 =	vadd.f32 v16, v15;
	v14 =	vadd.f32 v14, v5  }
0x32e: {  	v12 =	vadd.f32 v18, v12;
	v11 =	vsel vm3, $0x0, v11;
	v10 =	vmul.f32 $1.999999960e-02, v10  }
0x32f: {  	v8 =	vadd.f32 v9, v8;
	v11 =	vadd.f32 v11, v14;
	v14 =	vperm.xlane v15, v4  }
0x330: {  	v9 =	vsel vm5, $0x0, v10;
	v10 =	vmul.f32 $1.999999960e-02, v12;
	v12 =	vadd.f32 v17, v13  }
0x331: {  	v6 =	vadd.f32 v7, v6;
	v9 =	vadd.f32 v9, v11;
	v11 =	vperm.xlane v8, v4  }
0x332: {  	v7 =	vsel vm7, $0x0, v10;
	v10 =	vmul.f32 $1.999999960e-02, v12;
	v12 =	vadd.f32 v14, v15  }
0x333: {  	v7 =	vadd.f32 v7, v9;
	v9 =	vperm.xlane v6, v4  }
0x334: {  	v8 =	vadd.f32 v11, v8;
	v10 =	vsel vm9, $0x0, v10;
	v12 =	vmul.f32 $1.999999960e-02, v12  }
0x335: {  	v7 =	vadd.f32 v10, v7  }
0x336: {  	v8 =	vmul.f32 $1.999999960e-02, v8;
	v6 =	vadd.f32 v9, v6;
	v10 =	vsel vm11, $0x0, v12  }
0x337: {  	v7 =	vadd.f32 v10, v7  }
0x338: {  	v8 =	vsel vm13, $0x0, v8;
	v6 =	vmul.f32 $1.999999960e-02, v6  }
0x339: {  	v7 =	vadd.f32 v8, v7  }
0x33a: {  	v6 =	vsel vm12, $0x0, v6  }
0x33b: {  	v6 =	vadd.f32 v6, v7  }
0x33c: {  	s24 =	sadd.s32 $0x10, s24  }
0x33d: {  	s26 =	sshra.s32 s25, $0x2;
	[tilespmem:s24+$0x0] =	vst v6  }
0x33e: {  	v6 =	vld [tilespmem:s26+$0xB080]  }
0x33f: {  	v7 =	vld [tilespmem:s26+$0xB060]  }
0x340: {  	v8 =	vld [tilespmem:s26+$0xB070]  }
0x341: {  	v9 =	vld [tilespmem:s26+$0xB030]  }
0x342: {  	v10 =	vld [tilespmem:s26+$0xB040]  }
0x343: {  	v11 =	vld [tilespmem:s26+$0xB000]  }
0x344: {  	v12 =	vld [tilespmem:s26+$0xB010]  }
0x345: {  	v15 =	vunpack.i.u.bf16.f32 v6;
	v6 =	vunpack.i.l.bf16.f32 v6;
	v14 =	vunpack.i.l.bf16.f32 v7;
	v13 =	vld [tilespmem:s26+$0xAFD0]  }
0x346: {  	v7 =	vunpack.i.u.bf16.f32 v7;
	v17 =	vunpack.i.u.bf16.f32 v8;
	v8 =	vunpack.i.l.bf16.f32 v8;
	v16 =	vld [tilespmem:s26+$0xAFE0]  }
0x347: {  	v19 =	vunpack.i.l.bf16.f32 v9;
	v8 =	vadd.f32 v8, v14;
	v7 =	vadd.f32 v17, v7;
	v18 =	vld [tilespmem:s26+$0xAFA0]  }
0x348: {  	v9 =	vunpack.i.u.bf16.f32 v9;
	v17 =	vunpack.i.u.bf16.f32 v10;
	v10 =	vunpack.i.l.bf16.f32 v10;
	v14 =	vld [tilespmem:s26+$0xAFB0]  }
0x349: {  	v21 =	vunpack.i.l.bf16.f32 v11;
	v19 =	vadd.f32 v10, v19;
	v9 =	vadd.f32 v17, v9;
	v20 =	vld [tilespmem:s26+$0xAF00]  }
0x34a: {  	v11 =	vunpack.i.u.bf16.f32 v11;
	v17 =	vunpack.i.u.bf16.f32 v12;
	v12 =	vunpack.i.l.bf16.f32 v12;
	v10 =	vld [tilespmem:s26+$0xAF70]  }
0x34b: {  	v23 =	vunpack.i.l.bf16.f32 v13;
	v21 =	vadd.f32 v12, v21;
	v24 =	vadd.f32 v17, v11;
	v22 =	vld [tilespmem:s26+$0xAF80]  }
0x34c: {  	v12 =	vunpack.i.u.bf16.f32 v13;
	v13 =	vunpack.i.u.bf16.f32 v16;
	v16 =	vunpack.i.l.bf16.f32 v16;
	v11 =	vld [tilespmem:s26+$0xAF40]  }
0x34d: {  	v25 =	vunpack.i.l.bf16.f32 v18;
	v27 =	vadd.f32 v16, v23;
	v26 =	vadd.f32 v13, v12;
	v17 =	vld [tilespmem:s26+$0xAF50]  }
0x34e: {  	v12 =	vunpack.i.u.bf16.f32 v18;
	v13 =	vunpack.i.u.bf16.f32 v14;
	v14 =	vunpack.i.l.bf16.f32 v14;
	v16 =	vld [tilespmem:s26+$0xB050]  }
0x34f: {  	v18 =	vunpack.i.l.bf16.f32 v20;
	v14 =	vadd.f32 v14, v25;
	v13 =	vadd.f32 v13, v12;
	v23 =	vld [tilespmem:s26+$0xB020]  }
0x350: {  	v20 =	vunpack.i.u.bf16.f32 v20;
	v12 =	vunpack.i.l.bf16.f32 v10;
	v25 =	vunpack.i.l.bf16.f32 v22  }
0x351: {  	v10 =	vunpack.i.u.bf16.f32 v10;
	v22 =	vunpack.i.u.bf16.f32 v22;
	v12 =	vadd.f32 v25, v12  }
0x352: {  	v25 =	vunpack.i.l.bf16.f32 v11;
	v10 =	vadd.f32 v22, v10;
	v28 =	vunpack.i.l.bf16.f32 v17  }
0x353: {  	v22 =	vunpack.i.u.bf16.f32 v11;
	v29 =	vunpack.i.u.bf16.f32 v16;
	v11 =	vadd.f32 v28, v25  }
0x354: {  	v16 =	vunpack.i.l.bf16.f32 v16;
	v25 =	vunpack.i.u.bf16.f32 v23;
	v28 =	vsel vm12, $0x0, v29  }
0x355: {  	v32 =	vsel vm12, $0x0, v16;
	v30 =	vld [tilespmem:s26+$0xAF10];
	v31 =	vsel vm10, $0x0, v25;
	v7 =	vadd.f32 v7, v28  }
0x356: {  	v23 =	vunpack.i.l.bf16.f32 v23;
	v28 =	vnsel vm12, $0x0, v29;
	v9 =	vadd.f32 v9, v31  }
0x357: {  	v8 =	vadd.f32 v8, v32;
	v31 =	vsel vm10, $0x0, v23;
	v29 =	vld [tilespmem:s26+$0xAF20];
	v7 =	vadd.f32 v15, v7  }
0x358: {  	v15 =	vunpack.i.u.bf16.f32 v17;
	v17 =	vadd.f32 v19, v31;
	v9 =	vadd.f32 v28, v9  }
0x359: {  	v16 =	vnsel vm12, $0x0, v16;
	v6 =	vadd.f32 v6, v8;
	v8 =	vperm.xlane v7, v0  }
0x35a: {  	v16 =	vadd.f32 v16, v17;
	v19 =	vunpack.i.l.bf16.f32 v30;
	v17 =	vperm.xlane v9, v0  }
0x35b: {  	v28 =	vunpack.i.u.bf16.f32 v30;
	v30 =	vperm.xlane v6, v0;
	v7 =	vadd.f32 v8, v7  }
0x35c: {  	v32 =	vperm.xlane v16, v0;
	v8 =	vunpack.i.l.bf16.f32 v29;
	v31 =	vld [tilespmem:s26+$0xAFF0];
	v9 =	vadd.f32 v17, v9  }
0x35d: {  	v17 =	vunpack.i.u.bf16.f32 v29;
	v6 =	vadd.f32 v30, v6;
	v7 =	vperm.xlane v7, v1  }
0x35e: {  	v8 =	vadd.f32 v8, v19;
	v19 =	vadd.f32 v32, v16;
	v9 =	vperm.xlane v9, v1  }
0x35f: {  	v28 =	vadd.f32 v17, v28;
	v17 =	vadd.f32 v15, v22;
	v6 =	vsel vm1, v6, v7  }
0x360: {  	v16 =	vadd.f32 v8, v18;
	v7 =	vsel vm1, v19, v9;
	v8 =	vperm.xlane v6, v2  }
0x361: {  	v18 =	vadd.f32 v28, v20;
	v15 =	vld [tilespmem:s26+$0xAFC0];
	v29 =	vunpack.i.l.bf16.f32 v31;
	v9 =	vperm.xlane v7, v2  }
0x362: {  	v28 =	vunpack.i.u.bf16.f32 v31;
	v19 =	vsel vm8, $0x0, v29;
	v6 =	vadd.f32 v8, v6  }
0x363: {  	v20 =	vsel vm8, $0x0, v28;
	v19 =	vadd.f32 v21, v19;
	v8 =	vadd.f32 v9, v7  }
0x364: {  	v20 =	vadd.f32 v24, v20;
	v9 =	vnsel vm10, $0x0, v23;
	v7 =	vperm.xlane v6, v3  }
.Ltmp3:
0x365: {  	v23 =	vnsel vm10, $0x0, v25;
	v22 =	vld [tilespmem:s26+$0xAF90];
	v30 =	vadd.f32 v9, v19;
	v9 =	vperm.xlane v8, v3;
	(pc) =	sbr.rel @p1 .LBB2_8-.Ltmp3, $4  }
0x366: {  	v21 =	vnsel vm8, $0x0, v29;
	v23 =	vadd.f32 v23, v20;
	v19 =	vunpack.i.u.bf16.f32 v15  }
0x367: {  	v20 =	vunpack.i.l.bf16.f32 v15;
	v15 =	vsel vm6, $0x0, v19;
	v29 =	vperm.xlane v30, v0  }
0x368: {  	v24 =	vsel vm6, $0x0, v20;
	v25 =	vadd.f32 v26, v15;
	v26 =	vperm.xlane v23, v0  }
0x369: {  	s25 =	sadd.s32 $0x640, s25;
	v24 =	vadd.f32 v27, v24;
	v27 =	vnsel vm8, $0x0, v28;
	v15 =	vadd.f32 v29, v30  }
0x36a: {  	v28 =	vunpack.i.l.bf16.f32 v22;
	v25 =	vadd.f32 v27, v25;
	v23 =	vadd.f32 v26, v23;
	v51 =	vld [tilespmem:s26+$0xAF60]  }
0x36b: {  	v52 =	vunpack.i.u.bf16.f32 v22;
	v29 =	vld [tilespmem:s26+$0xAF30];
	v20 =	vnsel vm6, $0x0, v20;
	v53 =	vsel vm4, $0x0, v28  }
0x36c: {  	v19 =	vnsel vm6, $0x0, v19;
	v54 =	vsel vm4, $0x0, v52;
	v14 =	vadd.f32 v14, v53  }
0x36d: {  	v21 =	vadd.f32 v21, v24;
	v55 =	vperm.xlane v25, v0;
	v13 =	vadd.f32 v13, v54  }
0x36e: {  	v58 =	vnsel vm4, $0x0, v28;
	v22 =	vnsel vm4, $0x0, v52;
	v14 =	vadd.f32 v20, v14  }
0x36f: {  	v56 =	vperm.xlane v21, v0;
	v57 =	vadd.f32 v55, v25;
	v13 =	vadd.f32 v19, v13  }
0x370: {  	v59 =	vunpack.i.u.bf16.f32 v51;
	v26 =	vunpack.i.l.bf16.f32 v51;
	v31 =	vunpack.i.u.bf16.f32 v29  }
0x371: {  	v62 =	vunpack.i.l.bf16.f32 v29;
	v60 =	vperm.xlane v14, v0;
	v61 =	vnsel vm2, $0x0, v26  }
0x372: {  	v30 =	vnsel vm2, $0x0, v59;
	v26 =	vsel vm2, $0x0, v26;
	v19 =	vsel vm2, $0x0, v59  }
0x373: {  	v63 =	vnsel vm0, $0x0, v31;
	v31 =	vsel vm0, $0x0, v31;
	v12 =	vadd.f32 v12, v26  }
0x374: {  	v33 =	vsel vm0, $0x0, v62;
	v18 =	vadd.f32 v63, v18;
	v17 =	vadd.f32 v17, v31  }
0x375: {  	v26 =	vnsel vm0, $0x0, v62;
	v11 =	vadd.f32 v11, v33;
	v10 =	vadd.f32 v10, v19  }
0x376: {  	v16 =	vadd.f32 v26, v16;
	v34 =	vperm.xlane v18, v0;
	v17 =	vadd.f32 v30, v17  }
0x377: {  	v35 =	vperm.xlane v13, v0;
	v11 =	vadd.f32 v61, v11;
	v10 =	vadd.f32 v22, v10  }
0x378: {  	v26 =	vperm.xlane v16, v0;
	v18 =	vadd.f32 v34, v18;
	v36 =	vperm.xlane v17, v0  }
0x379: {  	v12 =	vadd.f32 v58, v12;
	v28 =	vperm.xlane v11, v0;
	v37 =	vperm.xlane v10, v0  }
0x37a: {  	v16 =	vadd.f32 v26, v16;
	v18 =	vperm.xlane v18, v1;
	v17 =	vadd.f32 v36, v17  }
0x37b: {  	v13 =	vadd.f32 v35, v13;
	v38 =	vperm.xlane v12, v0;
	v10 =	vadd.f32 v37, v10  }
0x37c: {  	v11 =	vadd.f32 v28, v11;
	v16 =	vsel vm1, v16, v18;
	v17 =	vperm.xlane v17, v1  }
0x37d: {  	v14 =	vadd.f32 v60, v14;
	v13 =	vperm.xlane v13, v1;
	v18 =	vperm.xlane v16, v2  }
0x37e: {  	v12 =	vadd.f32 v38, v12;
	v10 =	vperm.xlane v10, v1;
	v11 =	vsel vm1, v11, v17  }
0x37f: {  	v39 =	vadd.f32 v56, v21;
	v16 =	vadd.f32 v18, v16;
	v17 =	vperm.xlane v11, v2  }
0x380: {  	v41 =	vperm.xlane v57, v1;
	v40 =	vsel vm1, v14, v13;
	v10 =	vsel vm1, v12, v10  }
0x381: {  	v43 =	vperm.xlane v10, v2;
	v42 =	vperm.xlane v16, v3;
	v11 =	vadd.f32 v17, v11  }
0x382: {  	v45 =	vperm.xlane v23, v1;
	v13 =	vsel vm1, v39, v41;
	v44 =	vperm.xlane v40, v2  }
0x383: {  	v10 =	vadd.f32 v43, v10;
	v14 =	vadd.f32 v42, v16;
	v46 =	vperm.xlane v11, v3  }
0x384: {  	v15 =	vsel vm1, v15, v45;
	v47 =	vperm.xlane v13, v2;
	v12 =	vadd.f32 v44, v40  }
0x385: {  	v49 =	vperm.xlane v10, v3;
	v48 =	vperm.xlane v14, v4;
	v11 =	vadd.f32 v46, v11  }
0x386: {  	v50 =	vperm.xlane v15, v2;
	v13 =	vadd.f32 v47, v13;
	v19 =	vperm.xlane v12, v3  }
0x387: {  	v10 =	vadd.f32 v49, v10;
	v14 =	vadd.f32 v48, v14;
	v51 =	vperm.xlane v11, v4  }
0x388: {  	v15 =	vadd.f32 v50, v15;
	v52 =	vperm.xlane v13, v3;
	v12 =	vadd.f32 v19, v12  }
0x389: {  	v53 =	vperm.xlane v10, v4;
	v14 =	vmul.f32 $1.999999960e-02, v14;
	v11 =	vadd.f32 v51, v11  }
0x38a: {  	v55 =	vperm.xlane v15, v3;
	v13 =	vadd.f32 v52, v13;
	v54 =	vperm.xlane v12, v4  }
0x38b: {  	v10 =	vadd.f32 v53, v10;
	v14 =	vnsel vm0, $0x0, v14;
	v11 =	vmul.f32 $1.999999960e-02, v11  }
0x38c: {  	v15 =	vadd.f32 v55, v15;
	v56 =	vperm.xlane v13, v4;
	v5 =	vadd.f32 v14, v5  }
0x38d: {  	v12 =	vadd.f32 v54, v12;
	v10 =	vmul.f32 $1.999999960e-02, v10;
	v11 =	vsel vm3, $0x0, v11  }
0x38e: {  	v8 =	vadd.f32 v9, v8;
	v57 =	vperm.xlane v15, v4;
	v5 =	vadd.f32 v11, v5  }
0x38f: {  	v60 =	vadd.f32 v56, v13;
	v59 =	vmul.f32 $1.999999960e-02, v12;
	v58 =	vsel vm5, $0x0, v10  }
0x390: {  	v6 =	vadd.f32 v7, v6;
	v61 =	vperm.xlane v8, v4;
	v5 =	vadd.f32 v58, v5  }
0x391: {  	v62 =	vmul.f32 $1.999999960e-02, v60;
	v7 =	vsel vm7, $0x0, v59;
	v11 =	vadd.f32 v57, v15  }
0x392: {  	v8 =	vadd.f32 v61, v8;
	v5 =	vadd.f32 v7, v5  }
0x393: {  	v10 =	vsel vm9, $0x0, v62;
	v11 =	vmul.f32 $1.999999960e-02, v11;
	v7 =	vperm.xlane v6, v4  }
0x394: {  	v5 =	vadd.f32 v10, v5  }
0x395: {  	v8 =	vmul.f32 $1.999999960e-02, v8;
	v63 =	vsel vm11, $0x0, v11;
	v6 =	vadd.f32 v7, v6  }
0x396: {  	v5 =	vadd.f32 v63, v5  }
0x397: {  	v7 =	vsel vm13, $0x0, v8;
	v6 =	vmul.f32 $1.999999960e-02, v6  }
0x398: {  	v5 =	vadd.f32 v7, v5  }
0x399: {  	v6 =	vsel vm12, $0x0, v6  }
0x39a: {  	s23 =	sadd.s32 $0x1, s23;
	v5 =	vadd.f32 v6, v5  }
0x39b: {  	s24 =	sadd.s32 $0x10, s24;
	p1 =	sne.s32 s23, s9  }
.Ltmp4:
0x39c: {  	[tilespmem:s24+$0x0] =	vst v5;
	(pc) =	sbr.rel @p1 .LBB2_1-.Ltmp4, $4  }
0x39d: {  	[hbm4b:s8+s2] =	stream.linear.scatter [tilespmem:s21], [sflag:$0x2], $0x400, $0x38;
	[tilespmem:$0x1C038] =	vst v63  }
0x39e: {  	_ =	swait.ge [sflag:s22], $0x400  }
0x39f: {  	[sflag:s22] =	ssyncset.done $0x0  }
0x3a0: {  	[sflag:s22] =	ssyncadd.s32 $0xFFFFFC00  }
0x3a1: {  	_ =	sfence.sel $0x180000  }
0x3a2: {  	[bflag:$0x0] =	sbarrier.arrive $0xFFFF  }
0x3a3: {  	_ =	strace $0x90000047  }
0x3a4: {  	s0 =	sadd.s32 @!p0 $0x100000, s1;
	[bflag:$0x2] =	sbarrier.arrive $0xFFFF  }
0x3a5: {  	[sflag:s0] =	ssyncadd.tile.s32 @!p0 $0x1;
	_ =	shalt  }
.Lfunc_end2:
_tile_overlayer_lowered:
.L_overlay_start_2:
0x3a6: {  	(tag) =	ssettag $0x2  }
0x3a7: {  	s0 =	rddreg [dreg:$0x0];
	s2 =	stileid.u32  }
0x3a8: {  	s1 =	rddreg [dreg:$0x1];
	p0 =	sne.s32 s2, $0x0  }
0x3a9: {  	s3 =	rddreg [dreg:$0x2];
	[bflag:$0x3] =	sbarrier.arrive $0xFFFF;
	s2 =	simm.s32 @!p0 $0x1C02  }
0x3aa: {  	[timem:s3], [sflag:s2] =	dma.local @!p0 [hbm:s0], s1  }
0x3ab: {  	s0 =	simm.s32 @!p0 $0x2  }
0x3ac: {  	_ =	swait.ge @!p0 [sflag:s0], s1  }
0x3ad: {  	s1 =	ssub.s32 @!p0 $0x0, s1;
	[sflag:s0] =	ssyncset.done @!p0 $0x0  }
0x3ae: {  	[sflag:s0] =	ssyncadd.s32 @!p0 s1  }
0x3af: {  	[bflag:$0x3] =	sbarrier.arrive $0xFFFF  }
0x3b0: {  	_ =	shalt  }

</sc_bundles>
